<compile_context>
chip_gen: v7x
topology: tpu7x:2x2x1
jax: 0.10.2.dev20260603
libtpu: 0.0.44.dev20260713+nightly
codegen_flags: <defaults>
</compile_context>

<pallas_src>
import functools

import jax
import jax.numpy as jnp
from jax import lax
from jax.experimental import pallas as pl
from jax.experimental.pallas import tpu as pltpu
from jax.experimental.pallas import tpu_sc as plsc

B = 16384
T = 100
D = 32
NC = 2
NS = 16
NW = NC * NS
BW = B // NW
CT = BW // 128
GT = D // 8
MB = BW // 16


def _sc_gather(xt, E):
    mesh = plsc.VectorSubcoreMesh(core_axis_name="c", subcore_axis_name="s")

    @functools.partial(
        pl.kernel,
        mesh=mesh,
        out_type=jax.ShapeDtypeStruct((T, GT, (B // 128) * 1024), jnp.float32),
        compiler_params=pltpu.CompilerParams(
            use_tc_tiling_on_sc=False, needs_layout_passes=False
        ),
        scratch_types=[
            pltpu.VMEM((T, BW), jnp.int32),
            pltpu.VMEM((BW, D), jnp.float32),
            pltpu.VMEM((BW, D), jnp.float32),
            pltpu.VMEM((GT * CT * 8 * 128,), jnp.float32),
            pltpu.VMEM((GT * CT * 8 * 128,), jnp.float32),
            pltpu.VMEM((D, 16), jnp.int32),
            pltpu.VMEM((D, 16), jnp.int32),
            pltpu.SemaphoreType.DMA,
            pltpu.SemaphoreType.DMA,
            pltpu.SemaphoreType.DMA,
            pltpu.SemaphoreType.DMA,
        ],
    )
    def gather_kernel(xt_hbm, table_hbm, out_hbm, idx_v, rows_a, rows_b,
                      tr_a, tr_b, dtab, wtab, gsem_a, gsem_b, wsem_a, wsem_b):
        wid = lax.axis_index("s") * NC + lax.axis_index("c")
        b0 = wid * BW
        lane = lax.iota(jnp.int32, 16)

        def tab_body(j, carry):
            d_vec = (j + lane) & 31
            dtab[j, :] = d_vec
            wtab[j, :] = ((d_vec >> 3) * 4096 + (d_vec & 7) * 128) + lane
            return carry

        lax.fori_loop(0, D, tab_body, 0)

        pltpu.sync_copy(xt_hbm.at[:, pl.ds(b0, BW)], idx_v)

        def issue_gather(t, rows, gsem):
            pltpu.async_copy(table_hbm.at[idx_v.at[t]], rows, gsem)

        def wait_gather(t, rows, gsem):
            pltpu.make_async_copy(table_hbm.at[idx_v.at[t]], rows, gsem).wait()

        def transpose(rows, tr):
            NI = 8
            def j_body(j, carry):
                d_vecs = [dtab[j + k * (D // NI), :] for k in range(NI)]
                w_vecs = [wtab[j + k * (D // NI), :] for k in range(NI)]
                for m in range(MB):
                    b_vec = lane + m * 16
                    dst_base = (m // 8) * 1024 + (m % 8) * 16
                    vals = [
                        plsc.load_gather(rows, [b_vec, d_vecs[k]])
                        for k in range(NI)
                    ]
                    for k in range(NI):
                        plsc.store_scatter(tr, [w_vecs[k] + dst_base], vals[k])
                return carry

            lax.fori_loop(0, D // NI, j_body, 0)

        def issue_writes(t, tr, wsem):
            for g in range(GT):
                pltpu.async_copy(
                    tr.at[pl.ds(g * CT * 1024, CT * 1024)],
                    out_hbm.at[t, g, pl.ds(wid * CT * 1024, CT * 1024)],
                    wsem,
                )

        def drain_writes(t, tr, wsem):
            for g in range(GT):
                pltpu.make_async_copy(
                    tr.at[pl.ds(g * CT * 1024, CT * 1024)],
                    out_hbm.at[t, g, pl.ds(wid * CT * 1024, CT * 1024)],
                    wsem,
                ).wait()

        def step(t, rows_cur, tr_cur, rows_nxt, gsem_cur, gsem_nxt, wsem_cur):
            @pl.when(t + 1 < T)
            def _():
                issue_gather(t + 1, rows_nxt, gsem_nxt)

            wait_gather(t, rows_cur, gsem_cur)

            @pl.when(t >= 2)
            def _():
                drain_writes(t - 2, tr_cur, wsem_cur)

            transpose(rows_cur, tr_cur)
            issue_writes(t, tr_cur, wsem_cur)

        issue_gather(0, rows_a, gsem_a)

        def pair_body(i, carry):
            t0 = 2 * i
            step(t0, rows_a, tr_a, rows_b, gsem_a, gsem_b, wsem_a)
            step(t0 + 1, rows_b, tr_b, rows_a, gsem_b, gsem_a, wsem_b)
            return carry

        lax.fori_loop(0, T // 2, pair_body, 0)
        drain_writes(T - 2, tr_a, wsem_a)
        drain_writes(T - 1, tr_b, wsem_b)

    return gather_kernel(xt, E)


def kernel(x, E):
    out5 = _sc_gather(x.T, E)
    out5 = out5.reshape(T, GT, B // 128, 8, 128)
    out = jnp.transpose(out5, (2, 4, 0, 1, 3)).reshape(B, T, D)
    return out

# --- scband reference (transcript-rebuilt; emitter-appended) ---
"""Pipeline reference for scband-num-embedding-188978561267 (READ-ONLY COPY).

The authoritative reference and input builder live on the scoring server;
editing this copy changes nothing except your own understanding.
"""

import jax, jax.numpy as jnp
import numpy as np

N_MAX = 1000000
D = 32
C = 500


def _make_E(n_max=N_MAX, d=D, c=C):
    half = d // 2
    thetas = jnp.asarray(c, dtype=jnp.float32) ** (-jnp.arange(0, half, dtype=jnp.float32) / half)
    thetas = jnp.arange(0, n_max, dtype=jnp.float32)[:, None] @ thetas[None, :]
    sins = jnp.sin(thetas)
    coss = jnp.cos(thetas)
    return jnp.concatenate([sins, coss], axis=1)


def setup_inputs(seed: int = 0) -> dict:
    key = jax.random.key(seed)
    x = jax.random.randint(key, (16384, 100), 0, N_MAX, dtype=jnp.int32)
    E = _make_E()
    return {"x": x, "E": E}


def reference(x, E):
    # NumEmbedding.forward: return self.E[x]
    return jnp.take(E, x, axis=0)

if __name__ == "__main__":
    import jax
    _d = setup_inputs()
    print(jax.jit(kernel)(*tuple(_d.values())))

</pallas_src>

<mosaic_0001>
#map = affine_map<(d0, d1) -> (0, 0)>
#map1 = affine_map<(d0, d1) -> (0, 0, 0)>
module attributes {stable_mosaic.version = 14 : i64} {
  func.func @gather_kernel(%arg0: i32, %arg1: i32, %arg2: memref<100x16384xi32, #tpu.memory_space<hbm>>, %arg3: memref<1000000x32xf32, #tpu.memory_space<hbm>>, %arg4: memref<100x4x131072xf32, #tpu.memory_space<hbm>>, %arg5: memref<100x512xi32, #tpu.memory_space<vmem>>, %arg6: memref<512x32xf32, #tpu.memory_space<vmem>>, %arg7: memref<512x32xf32, #tpu.memory_space<vmem>>, %arg8: memref<16384xf32, #tpu.memory_space<vmem>>, %arg9: memref<16384xf32, #tpu.memory_space<vmem>>, %arg10: memref<32x16xi32, #tpu.memory_space<vmem>>, %arg11: memref<32x16xi32, #tpu.memory_space<vmem>>, %arg12: memref<!tpu.dma_semaphore, #tpu.memory_space<semaphore_mem>>, %arg13: memref<!tpu.dma_semaphore, #tpu.memory_space<semaphore_mem>>, %arg14: memref<!tpu.dma_semaphore, #tpu.memory_space<semaphore_mem>>, %arg15: memref<!tpu.dma_semaphore, #tpu.memory_space<semaphore_mem>>) attributes {dimension_semantics = [#tpu.dimension_semantics<core_parallel>, #tpu.dimension_semantics<subcore_parallel>], iteration_bounds = array<i64: 2, 16>, scalar_prefetch = 0 : i64, scratch_operands = 11 : i64, tpu.core_type = #tpu.core_type<sc_vector_subcore>, window_params = [{transform_indices = #map}, {transform_indices = #map}, {transform_indices = #map1}]} {
    %mul3A = arith.constant 2 : i32
    %mul3A_0 = arith.muli %arg1, %mul3A : i32
    %add3A = arith.addi %mul3A_0, %arg0 : i32
    %mul3A_1 = arith.constant 512 : i32
    %mul3A_2 = arith.muli %add3A, %mul3A_1 : i32
    %iota3A = tpu.iota {dimensions = array<i32: 0>} : vector<16xi32>
    %scan3A = arith.constant 0 : i32
    %scan3A_3 = arith.constant 0 : i32
    %scan3A_4 = arith.constant 32 : i32
    %scan3A_5 = arith.addi %scan3A_3, %scan3A_4 : i32
    %scan3A_6 = arith.constant 1 : i32
    scf.for %scan3A_131 = %scan3A_3 to %scan3A_5 step %scan3A_6  : i32 {
      %add3A_132 = vector.broadcast %scan3A_131 : i32 to vector<16xi32>
      %add3A_133 = arith.addi %add3A_132, %iota3A : vector<16xi32>
      %and3A = arith.constant 31 : i32
      %and3A_134 = vector.broadcast %and3A : i32 to vector<16xi32>
      %and3A_135 = arith.andi %add3A_133, %and3A_134 : vector<16xi32>
      %swap3A = arith.index_cast %scan3A_131 : i32 to index
      %swap3A_136 = arith.constant 0 : index
      %swap3A_137 = tpu.vector_load %arg10[%swap3A, %swap3A_136] {strides = array<i32>} : memref<32x16xi32, #tpu.memory_space<vmem>>, vector<16xi32>,
      tpu.vector_store %arg10[%swap3A, %swap3A_136], %and3A_135 {strides = array<i32>} : memref<32x16xi32, #tpu.memory_space<vmem>>, vector<16xi32>,
      %shift_right_arithmetic3A = arith.constant 3 : i32
      %shift_right_arithmetic3A_138 = vector.broadcast %shift_right_arithmetic3A : i32 to vector<16xi32>
      %shift_right_arithmetic3A_139 = arith.shrsi %and3A_135, %shift_right_arithmetic3A_138 : vector<16xi32>
      %mul3A_140 = arith.constant 4096 : i32
      %mul3A_141 = vector.broadcast %mul3A_140 : i32 to vector<16xi32>
      %mul3A_142 = arith.muli %shift_right_arithmetic3A_139, %mul3A_141 : vector<16xi32>
      %and3A_143 = arith.constant 7 : i32
      %and3A_144 = vector.broadcast %and3A_143 : i32 to vector<16xi32>
      %and3A_145 = arith.andi %and3A_135, %and3A_144 : vector<16xi32>
      %mul3A_146 = arith.constant 128 : i32
      %mul3A_147 = vector.broadcast %mul3A_146 : i32 to vector<16xi32>
      %mul3A_148 = arith.muli %and3A_145, %mul3A_147 : vector<16xi32>
      %add3A_149 = arith.addi %mul3A_142, %mul3A_148 : vector<16xi32>
      %add3A_150 = arith.addi %add3A_149, %iota3A : vector<16xi32>
      %swap3A_151 = arith.index_cast %scan3A_131 : i32 to index
      %swap3A_152 = arith.constant 0 : index
      %swap3A_153 = tpu.vector_load %arg11[%swap3A_151, %swap3A_152] {strides = array<i32>} : memref<32x16xi32, #tpu.memory_space<vmem>>, vector<16xi32>,
      tpu.vector_store %arg11[%swap3A_151, %swap3A_152], %add3A_150 {strides = array<i32>} : memref<32x16xi32, #tpu.memory_space<vmem>>, vector<16xi32>,
    }
    %scan3A_7 = arith.constant 32 : i32
    "tpu.region"() ({
      %run_scoped3A = tpu.sem_alloc : memref<!tpu.dma_semaphore, #tpu.memory_space<semaphore_mem>>
      %dma_start3A_131 = arith.constant 0 : i32
      %dma_start3A_132 = tpu.memref_slice %arg2[%dma_start3A_131, %mul3A_2] : memref<100x16384xi32, #tpu.memory_space<hbm>> -> memref<100x512xi32, #tpu.memory_space<hbm>>
      %dma_start3A_133 = arith.constant 0 : i32
      %dma_start3A_134 = tpu.memref_slice %arg2[%dma_start3A_133, %mul3A_2] : memref<100x16384xi32, #tpu.memory_space<hbm>> -> memref<100x512xi32, #tpu.memory_space<hbm>>
      tpu.enqueue_dma source(%dma_start3A_134 : memref<100x512xi32, #tpu.memory_space<hbm>>) target(%arg5 : memref<100x512xi32, #tpu.memory_space<vmem>>) target_semaphore(%run_scoped3A : memref<!tpu.dma_semaphore, #tpu.memory_space<semaphore_mem>>)
      %dma_wait3A_135 = arith.constant 0 : i32
      %dma_wait3A_136 = tpu.memref_slice %arg2[%dma_wait3A_135, %mul3A_2] : memref<100x16384xi32, #tpu.memory_space<hbm>> -> memref<100x512xi32, #tpu.memory_space<hbm>>
      %dma_wait3A_137 = arith.constant 0 : i32
      %dma_wait3A_138 = tpu.memref_slice %arg2[%dma_wait3A_137, %mul3A_2] : memref<100x16384xi32, #tpu.memory_space<hbm>> -> memref<100x512xi32, #tpu.memory_space<hbm>>
      tpu.wait_dma2 semaphore(%run_scoped3A : memref<!tpu.dma_semaphore, #tpu.memory_space<semaphore_mem>>) src(%dma_wait3A_138 : memref<100x512xi32, #tpu.memory_space<hbm>>) dst(%arg5 : memref<100x512xi32, #tpu.memory_space<vmem>>)
      tpu.yield
    }) : () -> ()
    %dma_start3A = arith.constant 0 : i32
    %dma_start3A_8 = arith.constant 0 : i32
    %dma_start3A_9 = tpu.memref_slice %arg5[%dma_start3A, %dma_start3A_8] : memref<100x512xi32, #tpu.memory_space<vmem>> -> memref<1x512xi32, #tpu.memory_space<vmem>>
    %dma_start3A_10 = tpu.memref_squeeze %dma_start3A_9 : memref<1x512xi32, #tpu.memory_space<vmem>> -> memref<512xi32, #tpu.memory_space<vmem>>
    %dma_start3A_11 = arith.constant 0 : i32
    %dma_start3A_12 = arith.constant 0 : i32
    %dma_start3A_13 = tpu.memref_slice %arg3[%dma_start3A_11, %dma_start3A_12] : memref<1000000x32xf32, #tpu.memory_space<hbm>> -> memref<1000000x32xf32, #tpu.memory_space<hbm>>
    tpu.enqueue_indirect_dma source(%dma_start3A_13 : memref<1000000x32xf32, #tpu.memory_space<hbm>>) target(%arg6 : memref<512x32xf32, #tpu.memory_space<vmem>>) offsets(%dma_start3A_10 : memref<512xi32, #tpu.memory_space<vmem>>) semaphore(%arg12 : memref<!tpu.dma_semaphore, #tpu.memory_space<semaphore_mem>>)
    %scan3A_14 = arith.constant 0 : i32
    %scan3A_15 = arith.constant 0 : i32
    %scan3A_16 = arith.constant 50 : i32
    %scan3A_17 = arith.addi %scan3A_15, %scan3A_16 : i32
    %scan3A_18 = arith.constant 1 : i32
    scf.for %scan3A_131 = %scan3A_15 to %scan3A_17 step %scan3A_18  : i32 {
      %mul3A_132 = arith.constant 2 : i32
      %mul3A_133 = arith.muli %mul3A_132, %scan3A_131 : i32
      %add3A_134 = arith.constant 1 : i32
      %add3A_135 = arith.addi %mul3A_133, %add3A_134 : i32
      %lt3A = arith.constant 100 : i32
      %lt3A_136 = arith.cmpi slt, %add3A_135, %lt3A : i32
      %convert_element_type3A = arith.extui %lt3A_136 : i1 to i32
      %cond3A = arith.constant 0 : i32
      %cond3A_137 = arith.cmpi ne, %convert_element_type3A, %cond3A : i32
      scf.if %cond3A_137 {
        %add3A_284 = arith.constant 1 : i32
        %add3A_285 = arith.addi %mul3A_133, %add3A_284 : i32
        %dma_start3A_286 = arith.constant 0 : i32
        %dma_start3A_287 = tpu.memref_slice %arg5[%add3A_285, %dma_start3A_286] : memref<100x512xi32, #tpu.memory_space<vmem>> -> memref<1x512xi32, #tpu.memory_space<vmem>>
        %dma_start3A_288 = tpu.memref_squeeze %dma_start3A_287 : memref<1x512xi32, #tpu.memory_space<vmem>> -> memref<512xi32, #tpu.memory_space<vmem>>
        %dma_start3A_289 = arith.constant 0 : i32
        %dma_start3A_290 = arith.constant 0 : i32
        %dma_start3A_291 = tpu.memref_slice %arg3[%dma_start3A_289, %dma_start3A_290] : memref<1000000x32xf32, #tpu.memory_space<hbm>> -> memref<1000000x32xf32, #tpu.memory_space<hbm>>
        tpu.enqueue_indirect_dma source(%dma_start3A_291 : memref<1000000x32xf32, #tpu.memory_space<hbm>>) target(%arg7 : memref<512x32xf32, #tpu.memory_space<vmem>>) offsets(%dma_start3A_288 : memref<512xi32, #tpu.memory_space<vmem>>) semaphore(%arg13 : memref<!tpu.dma_semaphore, #tpu.memory_space<semaphore_mem>>)
      } else {
      }
      %dma_wait3A_138 = arith.constant 0 : i32
      %dma_wait3A_139 = tpu.memref_slice %arg5[%mul3A_133, %dma_wait3A_138] : memref<100x512xi32, #tpu.memory_space<vmem>> -> memref<1x512xi32, #tpu.memory_space<vmem>>
      %dma_wait3A_140 = tpu.memref_squeeze %dma_wait3A_139 : memref<1x512xi32, #tpu.memory_space<vmem>> -> memref<512xi32, #tpu.memory_space<vmem>>
      %dma_wait3A_141 = arith.constant 0 : i32
      %dma_wait3A_142 = arith.constant 0 : i32
      %dma_wait3A_143 = tpu.memref_slice %arg3[%dma_wait3A_141, %dma_wait3A_142] : memref<1000000x32xf32, #tpu.memory_space<hbm>> -> memref<1000000x32xf32, #tpu.memory_space<hbm>>
      tpu.wait_indirect_dma semaphore(%arg12 : memref<!tpu.dma_semaphore, #tpu.memory_space<semaphore_mem>>) src(%dma_wait3A_143 : memref<1000000x32xf32, #tpu.memory_space<hbm>>) dst(%arg6 : memref<512x32xf32, #tpu.memory_space<vmem>>)
      %ge3A = arith.constant 2 : i32
      %ge3A_144 = arith.cmpi sge, %mul3A_133, %ge3A : i32
      %convert_element_type3A_145 = arith.extui %ge3A_144 : i1 to i32
      %cond3A_146 = arith.constant 0 : i32
      %cond3A_147 = arith.cmpi ne, %convert_element_type3A_145, %cond3A_146 : i32
      scf.if %cond3A_147 {
        %sub3A = arith.constant 2 : i32
        %sub3A_284 = arith.subi %mul3A_133, %sub3A : i32
        %mul3A_285 = arith.constant 4 : i32
        %mul3A_286 = arith.muli %add3A, %mul3A_285 : i32
        %mul3A_287 = arith.constant 1024 : i32
        %mul3A_288 = arith.muli %mul3A_286, %mul3A_287 : i32
        %dma_wait3A_289 = arith.constant 0 : i32
        %dma_wait3A_290 = arith.constant 0 : i32
        %dma_wait3A_291 = tpu.memref_slice %arg8[%dma_wait3A_290] : memref<16384xf32, #tpu.memory_space<vmem>> -> memref<4096xf32, #tpu.memory_space<vmem>>
        %dma_wait3A_292 = tpu.memref_slice %arg4[%sub3A_284, %dma_wait3A_289, %mul3A_288] : memref<100x4x131072xf32, #tpu.memory_space<hbm>> -> memref<1x1x4096xf32, #tpu.memory_space<hbm>>
        %dma_wait3A_293 = tpu.memref_squeeze %dma_wait3A_292 : memref<1x1x4096xf32, #tpu.memory_space<hbm>> -> memref<4096xf32, #tpu.memory_space<hbm>>
        %dma_wait3A_294 = tpu.memref_slice %arg4[%sub3A_284, %dma_wait3A_289, %mul3A_288] : memref<100x4x131072xf32, #tpu.memory_space<hbm>> -> memref<1x1x4096xf32, #tpu.memory_space<hbm>>
        %dma_wait3A_295 = tpu.memref_squeeze %dma_wait3A_294 : memref<1x1x4096xf32, #tpu.memory_space<hbm>> -> memref<4096xf32, #tpu.memory_space<hbm>>
        %dma_wait3A_296 = arith.constant 0 : i32
        %dma_wait3A_297 = tpu.memref_slice %arg8[%dma_wait3A_296] : memref<16384xf32, #tpu.memory_space<vmem>> -> memref<4096xf32, #tpu.memory_space<vmem>>
        tpu.wait_dma2 semaphore(%arg14 : memref<!tpu.dma_semaphore, #tpu.memory_space<semaphore_mem>>) src(%dma_wait3A_297 : memref<4096xf32, #tpu.memory_space<vmem>>) dst(%dma_wait3A_295 : memref<4096xf32, #tpu.memory_space<hbm>>)
        %mul3A_298 = arith.constant 4 : i32
        %mul3A_299 = arith.muli %add3A, %mul3A_298 : i32
        %mul3A_300 = arith.constant 1024 : i32
        %mul3A_301 = arith.muli %mul3A_299, %mul3A_300 : i32
        %dma_wait3A_302 = arith.constant 1 : i32
        %dma_wait3A_303 = arith.constant 4096 : i32
        %dma_wait3A_304 = tpu.memref_slice %arg8[%dma_wait3A_303] : memref<16384xf32, #tpu.memory_space<vmem>> -> memref<4096xf32, #tpu.memory_space<vmem>>
        %dma_wait3A_305 = tpu.memref_slice %arg4[%sub3A_284, %dma_wait3A_302, %mul3A_301] : memref<100x4x131072xf32, #tpu.memory_space<hbm>> -> memref<1x1x4096xf32, #tpu.memory_space<hbm>>
        %dma_wait3A_306 = tpu.memref_squeeze %dma_wait3A_305 : memref<1x1x4096xf32, #tpu.memory_space<hbm>> -> memref<4096xf32, #tpu.memory_space<hbm>>
        %dma_wait3A_307 = tpu.memref_slice %arg4[%sub3A_284, %dma_wait3A_302, %mul3A_301] : memref<100x4x131072xf32, #tpu.memory_space<hbm>> -> memref<1x1x4096xf32, #tpu.memory_space<hbm>>
        %dma_wait3A_308 = tpu.memref_squeeze %dma_wait3A_307 : memref<1x1x4096xf32, #tpu.memory_space<hbm>> -> memref<4096xf32, #tpu.memory_space<hbm>>
        %dma_wait3A_309 = arith.constant 4096 : i32
        %dma_wait3A_310 = tpu.memref_slice %arg8[%dma_wait3A_309] : memref<16384xf32, #tpu.memory_space<vmem>> -> memref<4096xf32, #tpu.memory_space<vmem>>
        tpu.wait_dma2 semaphore(%arg14 : memref<!tpu.dma_semaphore, #tpu.memory_space<semaphore_mem>>) src(%dma_wait3A_310 : memref<4096xf32, #tpu.memory_space<vmem>>) dst(%dma_wait3A_308 : memref<4096xf32, #tpu.memory_space<hbm>>)
        %mul3A_311 = arith.constant 4 : i32
        %mul3A_312 = arith.muli %add3A, %mul3A_311 : i32
        %mul3A_313 = arith.constant 1024 : i32
        %mul3A_314 = arith.muli %mul3A_312, %mul3A_313 : i32
        %dma_wait3A_315 = arith.constant 2 : i32
        %dma_wait3A_316 = arith.constant 8192 : i32
        %dma_wait3A_317 = tpu.memref_slice %arg8[%dma_wait3A_316] : memref<16384xf32, #tpu.memory_space<vmem>> -> memref<4096xf32, #tpu.memory_space<vmem>>
        %dma_wait3A_318 = tpu.memref_slice %arg4[%sub3A_284, %dma_wait3A_315, %mul3A_314] : memref<100x4x131072xf32, #tpu.memory_space<hbm>> -> memref<1x1x4096xf32, #tpu.memory_space<hbm>>
        %dma_wait3A_319 = tpu.memref_squeeze %dma_wait3A_318 : memref<1x1x4096xf32, #tpu.memory_space<hbm>> -> memref<4096xf32, #tpu.memory_space<hbm>>
        %dma_wait3A_320 = tpu.memref_slice %arg4[%sub3A_284, %dma_wait3A_315, %mul3A_314] : memref<100x4x131072xf32, #tpu.memory_space<hbm>> -> memref<1x1x4096xf32, #tpu.memory_space<hbm>>
        %dma_wait3A_321 = tpu.memref_squeeze %dma_wait3A_320 : memref<1x1x4096xf32, #tpu.memory_space<hbm>> -> memref<4096xf32, #tpu.memory_space<hbm>>
        %dma_wait3A_322 = arith.constant 8192 : i32
        %dma_wait3A_323 = tpu.memref_slice %arg8[%dma_wait3A_322] : memref<16384xf32, #tpu.memory_space<vmem>> -> memref<4096xf32, #tpu.memory_space<vmem>>
        tpu.wait_dma2 semaphore(%arg14 : memref<!tpu.dma_semaphore, #tpu.memory_space<semaphore_mem>>) src(%dma_wait3A_323 : memref<4096xf32, #tpu.memory_space<vmem>>) dst(%dma_wait3A_321 : memref<4096xf32, #tpu.memory_space<hbm>>)
        %mul3A_324 = arith.constant 4 : i32
        %mul3A_325 = arith.muli %add3A, %mul3A_324 : i32
        %mul3A_326 = arith.constant 1024 : i32
        %mul3A_327 = arith.muli %mul3A_325, %mul3A_326 : i32
        %dma_wait3A_328 = arith.constant 3 : i32
        %dma_wait3A_329 = arith.constant 12288 : i32
        %dma_wait3A_330 = tpu.memref_slice %arg8[%dma_wait3A_329] : memref<16384xf32, #tpu.memory_space<vmem>> -> memref<4096xf32, #tpu.memory_space<vmem>>
        %dma_wait3A_331 = tpu.memref_slice %arg4[%sub3A_284, %dma_wait3A_328, %mul3A_327] : memref<100x4x131072xf32, #tpu.memory_space<hbm>> -> memref<1x1x4096xf32, #tpu.memory_space<hbm>>
        %dma_wait3A_332 = tpu.memref_squeeze %dma_wait3A_331 : memref<1x1x4096xf32, #tpu.memory_space<hbm>> -> memref<4096xf32, #tpu.memory_space<hbm>>
        %dma_wait3A_333 = tpu.memref_slice %arg4[%sub3A_284, %dma_wait3A_328, %mul3A_327] : memref<100x4x131072xf32, #tpu.memory_space<hbm>> -> memref<1x1x4096xf32, #tpu.memory_space<hbm>>
        %dma_wait3A_334 = tpu.memref_squeeze %dma_wait3A_333 : memref<1x1x4096xf32, #tpu.memory_space<hbm>> -> memref<4096xf32, #tpu.memory_space<hbm>>
        %dma_wait3A_335 = arith.constant 12288 : i32
        %dma_wait3A_336 = tpu.memref_slice %arg8[%dma_wait3A_335] : memref<16384xf32, #tpu.memory_space<vmem>> -> memref<4096xf32, #tpu.memory_space<vmem>>
        tpu.wait_dma2 semaphore(%arg14 : memref<!tpu.dma_semaphore, #tpu.memory_space<semaphore_mem>>) src(%dma_wait3A_336 : memref<4096xf32, #tpu.memory_space<vmem>>) dst(%dma_wait3A_334 : memref<4096xf32, #tpu.memory_space<hbm>>)
      } else {
      }
      %scan3A_148 = arith.constant 0 : i32
      %scan3A_149 = arith.constant 0 : i32
      %scan3A_150 = arith.constant 4 : i32
      %scan3A_151 = arith.addi %scan3A_149, %scan3A_150 : i32
      %scan3A_152 = arith.constant 1 : i32
      scf.for %scan3A_284 = %scan3A_149 to %scan3A_151 step %scan3A_152  : i32 {
        %add3A_285 = arith.constant 0 : i32
        %add3A_286 = arith.addi %scan3A_284, %add3A_285 : i32
        %get3A = arith.index_cast %add3A_286 : i32 to index
        %get3A_287 = arith.constant 0 : index
        %get3A_288 = tpu.vector_load %arg10[%get3A, %get3A_287] {strides = array<i32>} : memref<32x16xi32, #tpu.memory_space<vmem>>, vector<16xi32>,
        %add3A_289 = arith.constant 4 : i32
        %add3A_290 = arith.addi %scan3A_284, %add3A_289 : i32
        %get3A_291 = arith.index_cast %add3A_290 : i32 to index
        %get3A_292 = arith.constant 0 : index
        %get3A_293 = tpu.vector_load %arg10[%get3A_291, %get3A_292] {strides = array<i32>} : memref<32x16xi32, #tpu.memory_space<vmem>>, vector<16xi32>,
        %add3A_294 = arith.constant 8 : i32
        %add3A_295 = arith.addi %scan3A_284, %add3A_294 : i32
        %get3A_296 = arith.index_cast %add3A_295 : i32 to index
        %get3A_297 = arith.constant 0 : index
        %get3A_298 = tpu.vector_load %arg10[%get3A_296, %get3A_297] {strides = array<i32>} : memref<32x16xi32, #tpu.memory_space<vmem>>, vector<16xi32>,
        %add3A_299 = arith.constant 12 : i32
        %add3A_300 = arith.addi %scan3A_284, %add3A_299 : i32
        %get3A_301 = arith.index_cast %add3A_300 : i32 to index
        %get3A_302 = arith.constant 0 : index
        %get3A_303 = tpu.vector_load %arg10[%get3A_301, %get3A_302] {strides = array<i32>} : memref<32x16xi32, #tpu.memory_space<vmem>>, vector<16xi32>,
        %add3A_304 = arith.constant 16 : i32
        %add3A_305 = arith.addi %scan3A_284, %add3A_304 : i32
        %get3A_306 = arith.index_cast %add3A_305 : i32 to index
        %get3A_307 = arith.constant 0 : index
        %get3A_308 = tpu.vector_load %arg10[%get3A_306, %get3A_307] {strides = array<i32>} : memref<32x16xi32, #tpu.memory_space<vmem>>, vector<16xi32>,
        %add3A_309 = arith.constant 20 : i32
        %add3A_310 = arith.addi %scan3A_284, %add3A_309 : i32
        %get3A_311 = arith.index_cast %add3A_310 : i32 to index
        %get3A_312 = arith.constant 0 : index
        %get3A_313 = tpu.vector_load %arg10[%get3A_311, %get3A_312] {strides = array<i32>} : memref<32x16xi32, #tpu.memory_space<vmem>>, vector<16xi32>,
        %add3A_314 = arith.constant 24 : i32
        %add3A_315 = arith.addi %scan3A_284, %add3A_314 : i32
        %get3A_316 = arith.index_cast %add3A_315 : i32 to index
        %get3A_317 = arith.constant 0 : index
        %get3A_318 = tpu.vector_load %arg10[%get3A_316, %get3A_317] {strides = array<i32>} : memref<32x16xi32, #tpu.memory_space<vmem>>, vector<16xi32>,
        %add3A_319 = arith.constant 28 : i32
        %add3A_320 = arith.addi %scan3A_284, %add3A_319 : i32
        %get3A_321 = arith.index_cast %add3A_320 : i32 to index
        %get3A_322 = arith.constant 0 : index
        %get3A_323 = tpu.vector_load %arg10[%get3A_321, %get3A_322] {strides = array<i32>} : memref<32x16xi32, #tpu.memory_space<vmem>>, vector<16xi32>,
        %add3A_324 = arith.constant 0 : i32
        %add3A_325 = arith.addi %scan3A_284, %add3A_324 : i32
        %get3A_326 = arith.index_cast %add3A_325 : i32 to index
        %get3A_327 = arith.constant 0 : index
        %get3A_328 = tpu.vector_load %arg11[%get3A_326, %get3A_327] {strides = array<i32>} : memref<32x16xi32, #tpu.memory_space<vmem>>, vector<16xi32>,
        %add3A_329 = arith.constant 4 : i32
        %add3A_330 = arith.addi %scan3A_284, %add3A_329 : i32
        %get3A_331 = arith.index_cast %add3A_330 : i32 to index
        %get3A_332 = arith.constant 0 : index
        %get3A_333 = tpu.vector_load %arg11[%get3A_331, %get3A_332] {strides = array<i32>} : memref<32x16xi32, #tpu.memory_space<vmem>>, vector<16xi32>,
        %add3A_334 = arith.constant 8 : i32
        %add3A_335 = arith.addi %scan3A_284, %add3A_334 : i32
        %get3A_336 = arith.index_cast %add3A_335 : i32 to index
        %get3A_337 = arith.constant 0 : index
        %get3A_338 = tpu.vector_load %arg11[%get3A_336, %get3A_337] {strides = array<i32>} : memref<32x16xi32, #tpu.memory_space<vmem>>, vector<16xi32>,
        %add3A_339 = arith.constant 12 : i32
        %add3A_340 = arith.addi %scan3A_284, %add3A_339 : i32
        %get3A_341 = arith.index_cast %add3A_340 : i32 to index
        %get3A_342 = arith.constant 0 : index
        %get3A_343 = tpu.vector_load %arg11[%get3A_341, %get3A_342] {strides = array<i32>} : memref<32x16xi32, #tpu.memory_space<vmem>>, vector<16xi32>,
        %add3A_344 = arith.constant 16 : i32
        %add3A_345 = arith.addi %scan3A_284, %add3A_344 : i32
        %get3A_346 = arith.index_cast %add3A_345 : i32 to index
        %get3A_347 = arith.constant 0 : index
        %get3A_348 = tpu.vector_load %arg11[%get3A_346, %get3A_347] {strides = array<i32>} : memref<32x16xi32, #tpu.memory_space<vmem>>, vector<16xi32>,
        %add3A_349 = arith.constant 20 : i32
        %add3A_350 = arith.addi %scan3A_284, %add3A_349 : i32
        %get3A_351 = arith.index_cast %add3A_350 : i32 to index
        %get3A_352 = arith.constant 0 : index
        %get3A_353 = tpu.vector_load %arg11[%get3A_351, %get3A_352] {strides = array<i32>} : memref<32x16xi32, #tpu.memory_space<vmem>>, vector<16xi32>,
        %add3A_354 = arith.constant 24 : i32
        %add3A_355 = arith.addi %scan3A_284, %add3A_354 : i32
        %get3A_356 = arith.index_cast %add3A_355 : i32 to index
        %get3A_357 = arith.constant 0 : index
        %get3A_358 = tpu.vector_load %arg11[%get3A_356, %get3A_357] {strides = array<i32>} : memref<32x16xi32, #tpu.memory_space<vmem>>, vector<16xi32>,
        %add3A_359 = arith.constant 28 : i32
        %add3A_360 = arith.addi %scan3A_284, %add3A_359 : i32
        %get3A_361 = arith.index_cast %add3A_360 : i32 to index
        %get3A_362 = arith.constant 0 : index
        %get3A_363 = tpu.vector_load %arg11[%get3A_361, %get3A_362] {strides = array<i32>} : memref<32x16xi32, #tpu.memory_space<vmem>>, vector<16xi32>,
        %add3A_364 = arith.constant 0 : i32
        %add3A_365 = vector.broadcast %add3A_364 : i32 to vector<16xi32>
        %add3A_366 = arith.addi %iota3A, %add3A_365 : vector<16xi32>
        %gather3A = tpu.vector_load_idx %arg6[%add3A_366, %get3A_288] : memref<512x32xf32, #tpu.memory_space<vmem>>[vector<16xi32>, vector<16xi32>], vector<16xf32>,
        %gather3A_367 = tpu.vector_load_idx %arg6[%add3A_366, %get3A_293] : memref<512x32xf32, #tpu.memory_space<vmem>>[vector<16xi32>, vector<16xi32>], vector<16xf32>,
        %gather3A_368 = tpu.vector_load_idx %arg6[%add3A_366, %get3A_298] : memref<512x32xf32, #tpu.memory_space<vmem>>[vector<16xi32>, vector<16xi32>], vector<16xf32>,
        %gather3A_369 = tpu.vector_load_idx %arg6[%add3A_366, %get3A_303] : memref<512x32xf32, #tpu.memory_space<vmem>>[vector<16xi32>, vector<16xi32>], vector<16xf32>,
        %gather3A_370 = tpu.vector_load_idx %arg6[%add3A_366, %get3A_308] : memref<512x32xf32, #tpu.memory_space<vmem>>[vector<16xi32>, vector<16xi32>], vector<16xf32>,
        %gather3A_371 = tpu.vector_load_idx %arg6[%add3A_366, %get3A_313] : memref<512x32xf32, #tpu.memory_space<vmem>>[vector<16xi32>, vector<16xi32>], vector<16xf32>,
        %gather3A_372 = tpu.vector_load_idx %arg6[%add3A_366, %get3A_318] : memref<512x32xf32, #tpu.memory_space<vmem>>[vector<16xi32>, vector<16xi32>], vector<16xf32>,
        %gather3A_373 = tpu.vector_load_idx %arg6[%add3A_366, %get3A_323] : memref<512x32xf32, #tpu.memory_space<vmem>>[vector<16xi32>, vector<16xi32>], vector<16xf32>,
        %add3A_374 = arith.constant 0 : i32
        %add3A_375 = vector.broadcast %add3A_374 : i32 to vector<16xi32>
        %add3A_376 = arith.addi %get3A_328, %add3A_375 : vector<16xi32>
        tpu.vector_store_idx %arg8[%add3A_376], %gather3A : memref<16384xf32, #tpu.memory_space<vmem>>[vector<16xi32>], vector<16xf32>,
        %add3A_377 = arith.constant 0 : i32
        %add3A_378 = vector.broadcast %add3A_377 : i32 to vector<16xi32>
        %add3A_379 = arith.addi %get3A_333, %add3A_378 : vector<16xi32>
        tpu.vector_store_idx %arg8[%add3A_379], %gather3A_367 : memref<16384xf32, #tpu.memory_space<vmem>>[vector<16xi32>], vector<16xf32>,
        %add3A_380 = arith.constant 0 : i32
        %add3A_381 = vector.broadcast %add3A_380 : i32 to vector<16xi32>
        %add3A_382 = arith.addi %get3A_338, %add3A_381 : vector<16xi32>
        tpu.vector_store_idx %arg8[%add3A_382], %gather3A_368 : memref<16384xf32, #tpu.memory_space<vmem>>[vector<16xi32>], vector<16xf32>,
        %add3A_383 = arith.constant 0 : i32
        %add3A_384 = vector.broadcast %add3A_383 : i32 to vector<16xi32>
        %add3A_385 = arith.addi %get3A_343, %add3A_384 : vector<16xi32>
        tpu.vector_store_idx %arg8[%add3A_385], %gather3A_369 : memref<16384xf32, #tpu.memory_space<vmem>>[vector<16xi32>], vector<16xf32>,
        %add3A_386 = arith.constant 0 : i32
        %add3A_387 = vector.broadcast %add3A_386 : i32 to vector<16xi32>
        %add3A_388 = arith.addi %get3A_348, %add3A_387 : vector<16xi32>
        tpu.vector_store_idx %arg8[%add3A_388], %gather3A_370 : memref<16384xf32, #tpu.memory_space<vmem>>[vector<16xi32>], vector<16xf32>,
        %add3A_389 = arith.constant 0 : i32
        %add3A_390 = vector.broadcast %add3A_389 : i32 to vector<16xi32>
        %add3A_391 = arith.addi %get3A_353, %add3A_390 : vector<16xi32>
        tpu.vector_store_idx %arg8[%add3A_391], %gather3A_371 : memref<16384xf32, #tpu.memory_space<vmem>>[vector<16xi32>], vector<16xf32>,
        %add3A_392 = arith.constant 0 : i32
        %add3A_393 = vector.broadcast %add3A_392 : i32 to vector<16xi32>
        %add3A_394 = arith.addi %get3A_358, %add3A_393 : vector<16xi32>
        tpu.vector_store_idx %arg8[%add3A_394], %gather3A_372 : memref<16384xf32, #tpu.memory_space<vmem>>[vector<16xi32>], vector<16xf32>,
        %add3A_395 = arith.constant 0 : i32
        %add3A_396 = vector.broadcast %add3A_395 : i32 to vector<16xi32>
        %add3A_397 = arith.addi %get3A_363, %add3A_396 : vector<16xi32>
        tpu.vector_store_idx %arg8[%add3A_397], %gather3A_373 : memref<16384xf32, #tpu.memory_space<vmem>>[vector<16xi32>], vector<16xf32>,
        %add3A_398 = arith.constant 16 : i32
        %add3A_399 = vector.broadcast %add3A_398 : i32 to vector<16xi32>
        %add3A_400 = arith.addi %iota3A, %add3A_399 : vector<16xi32>
        %gather3A_401 = tpu.vector_load_idx %arg6[%add3A_400, %get3A_288] : memref<512x32xf32, #tpu.memory_space<vmem>>[vector<16xi32>, vector<16xi32>], vector<16xf32>,
        %gather3A_402 = tpu.vector_load_idx %arg6[%add3A_400, %get3A_293] : memref<512x32xf32, #tpu.memory_space<vmem>>[vector<16xi32>, vector<16xi32>], vector<16xf32>,
        %gather3A_403 = tpu.vector_load_idx %arg6[%add3A_400, %get3A_298] : memref<512x32xf32, #tpu.memory_space<vmem>>[vector<16xi32>, vector<16xi32>], vector<16xf32>,
        %gather3A_404 = tpu.vector_load_idx %arg6[%add3A_400, %get3A_303] : memref<512x32xf32, #tpu.memory_space<vmem>>[vector<16xi32>, vector<16xi32>], vector<16xf32>,
        %gather3A_405 = tpu.vector_load_idx %arg6[%add3A_400, %get3A_308] : memref<512x32xf32, #tpu.memory_space<vmem>>[vector<16xi32>, vector<16xi32>], vector<16xf32>,
        %gather3A_406 = tpu.vector_load_idx %arg6[%add3A_400, %get3A_313] : memref<512x32xf32, #tpu.memory_space<vmem>>[vector<16xi32>, vector<16xi32>], vector<16xf32>,
        %gather3A_407 = tpu.vector_load_idx %arg6[%add3A_400, %get3A_318] : memref<512x32xf32, #tpu.memory_space<vmem>>[vector<16xi32>, vector<16xi32>], vector<16xf32>,
        %gather3A_408 = tpu.vector_load_idx %arg6[%add3A_400, %get3A_323] : memref<512x32xf32, #tpu.memory_space<vmem>>[vector<16xi32>, vector<16xi32>], vector<16xf32>,
        %add3A_409 = arith.constant 16 : i32
        %add3A_410 = vector.broadcast %add3A_409 : i32 to vector<16xi32>
        %add3A_411 = arith.addi %get3A_328, %add3A_410 : vector<16xi32>
        tpu.vector_store_idx %arg8[%add3A_411], %gather3A_401 : memref<16384xf32, #tpu.memory_space<vmem>>[vector<16xi32>], vector<16xf32>,
        %add3A_412 = arith.constant 16 : i32
        %add3A_413 = vector.broadcast %add3A_412 : i32 to vector<16xi32>
        %add3A_414 = arith.addi %get3A_333, %add3A_413 : vector<16xi32>
        tpu.vector_store_idx %arg8[%add3A_414], %gather3A_402 : memref<16384xf32, #tpu.memory_space<vmem>>[vector<16xi32>], vector<16xf32>,
        %add3A_415 = arith.constant 16 : i32
        %add3A_416 = vector.broadcast %add3A_415 : i32 to vector<16xi32>
        %add3A_417 = arith.addi %get3A_338, %add3A_416 : vector<16xi32>
        tpu.vector_store_idx %arg8[%add3A_417], %gather3A_403 : memref<16384xf32, #tpu.memory_space<vmem>>[vector<16xi32>], vector<16xf32>,
        %add3A_418 = arith.constant 16 : i32
        %add3A_419 = vector.broadcast %add3A_418 : i32 to vector<16xi32>
        %add3A_420 = arith.addi %get3A_343, %add3A_419 : vector<16xi32>
        tpu.vector_store_idx %arg8[%add3A_420], %gather3A_404 : memref<16384xf32, #tpu.memory_space<vmem>>[vector<16xi32>], vector<16xf32>,
        %add3A_421 = arith.constant 16 : i32
        %add3A_422 = vector.broadcast %add3A_421 : i32 to vector<16xi32>
        %add3A_423 = arith.addi %get3A_348, %add3A_422 : vector<16xi32>
        tpu.vector_store_idx %arg8[%add3A_423], %gather3A_405 : memref<16384xf32, #tpu.memory_space<vmem>>[vector<16xi32>], vector<16xf32>,
        %add3A_424 = arith.constant 16 : i32
        %add3A_425 = vector.broadcast %add3A_424 : i32 to vector<16xi32>
        %add3A_426 = arith.addi %get3A_353, %add3A_425 : vector<16xi32>
        tpu.vector_store_idx %arg8[%add3A_426], %gather3A_406 : memref<16384xf32, #tpu.memory_space<vmem>>[vector<16xi32>], vector<16xf32>,
        %add3A_427 = arith.constant 16 : i32
        %add3A_428 = vector.broadcast %add3A_427 : i32 to vector<16xi32>
        %add3A_429 = arith.addi %get3A_358, %add3A_428 : vector<16xi32>
        tpu.vector_store_idx %arg8[%add3A_429], %gather3A_407 : memref<16384xf32, #tpu.memory_space<vmem>>[vector<16xi32>], vector<16xf32>,
        %add3A_430 = arith.constant 16 : i32
        %add3A_431 = vector.broadcast %add3A_430 : i32 to vector<16xi32>
        %add3A_432 = arith.addi %get3A_363, %add3A_431 : vector<16xi32>
        tpu.vector_store_idx %arg8[%add3A_432], %gather3A_408 : memref<16384xf32, #tpu.memory_space<vmem>>[vector<16xi32>], vector<16xf32>,
        %add3A_433 = arith.constant 32 : i32
        %add3A_434 = vector.broadcast %add3A_433 : i32 to vector<16xi32>
        %add3A_435 = arith.addi %iota3A, %add3A_434 : vector<16xi32>
        %gather3A_436 = tpu.vector_load_idx %arg6[%add3A_435, %get3A_288] : memref<512x32xf32, #tpu.memory_space<vmem>>[vector<16xi32>, vector<16xi32>], vector<16xf32>,
        %gather3A_437 = tpu.vector_load_idx %arg6[%add3A_435, %get3A_293] : memref<512x32xf32, #tpu.memory_space<vmem>>[vector<16xi32>, vector<16xi32>], vector<16xf32>,
        %gather3A_438 = tpu.vector_load_idx %arg6[%add3A_435, %get3A_298] : memref<512x32xf32, #tpu.memory_space<vmem>>[vector<16xi32>, vector<16xi32>], vector<16xf32>,
        %gather3A_439 = tpu.vector_load_idx %arg6[%add3A_435, %get3A_303] : memref<512x32xf32, #tpu.memory_space<vmem>>[vector<16xi32>, vector<16xi32>], vector<16xf32>,
        %gather3A_440 = tpu.vector_load_idx %arg6[%add3A_435, %get3A_308] : memref<512x32xf32, #tpu.memory_space<vmem>>[vector<16xi32>, vector<16xi32>], vector<16xf32>,
        %gather3A_441 = tpu.vector_load_idx %arg6[%add3A_435, %get3A_313] : memref<512x32xf32, #tpu.memory_space<vmem>>[vector<16xi32>, vector<16xi32>], vector<16xf32>,
        %gather3A_442 = tpu.vector_load_idx %arg6[%add3A_435, %get3A_318] : memref<512x32xf32, #tpu.memory_space<vmem>>[vector<16xi32>, vector<16xi32>], vector<16xf32>,
        %gather3A_443 = tpu.vector_load_idx %arg6[%add3A_435, %get3A_323] : memref<512x32xf32, #tpu.memory_space<vmem>>[vector<16xi32>, vector<16xi32>], vector<16xf32>,
        %add3A_444 = arith.constant 32 : i32
        %add3A_445 = vector.broadcast %add3A_444 : i32 to vector<16xi32>
        %add3A_446 = arith.addi %get3A_328, %add3A_445 : vector<16xi32>
        tpu.vector_store_idx %arg8[%add3A_446], %gather3A_436 : memref<16384xf32, #tpu.memory_space<vmem>>[vector<16xi32>], vector<16xf32>,
        %add3A_447 = arith.constant 32 : i32
        %add3A_448 = vector.broadcast %add3A_447 : i32 to vector<16xi32>
        %add3A_449 = arith.addi %get3A_333, %add3A_448 : vector<16xi32>
        tpu.vector_store_idx %arg8[%add3A_449], %gather3A_437 : memref<16384xf32, #tpu.memory_space<vmem>>[vector<16xi32>], vector<16xf32>,
        %add3A_450 = arith.constant 32 : i32
        %add3A_451 = vector.broadcast %add3A_450 : i32 to vector<16xi32>
        %add3A_452 = arith.addi %get3A_338, %add3A_451 : vector<16xi32>
        tpu.vector_store_idx %arg8[%add3A_452], %gather3A_438 : memref<16384xf32, #tpu.memory_space<vmem>>[vector<16xi32>], vector<16xf32>,
        %add3A_453 = arith.constant 32 : i32
        %add3A_454 = vector.broadcast %add3A_453 : i32 to vector<16xi32>
        %add3A_455 = arith.addi %get3A_343, %add3A_454 : vector<16xi32>
        tpu.vector_store_idx %arg8[%add3A_455], %gather3A_439 : memref<16384xf32, #tpu.memory_space<vmem>>[vector<16xi32>], vector<16xf32>,
        %add3A_456 = arith.constant 32 : i32
        %add3A_457 = vector.broadcast %add3A_456 : i32 to vector<16xi32>
        %add3A_458 = arith.addi %get3A_348, %add3A_457 : vector<16xi32>
        tpu.vector_store_idx %arg8[%add3A_458], %gather3A_440 : memref<16384xf32, #tpu.memory_space<vmem>>[vector<16xi32>], vector<16xf32>,
        %add3A_459 = arith.constant 32 : i32
        %add3A_460 = vector.broadcast %add3A_459 : i32 to vector<16xi32>
        %add3A_461 = arith.addi %get3A_353, %add3A_460 : vector<16xi32>
        tpu.vector_store_idx %arg8[%add3A_461], %gather3A_441 : memref<16384xf32, #tpu.memory_space<vmem>>[vector<16xi32>], vector<16xf32>,
        %add3A_462 = arith.constant 32 : i32
        %add3A_463 = vector.broadcast %add3A_462 : i32 to vector<16xi32>
        %add3A_464 = arith.addi %get3A_358, %add3A_463 : vector<16xi32>
        tpu.vector_store_idx %arg8[%add3A_464], %gather3A_442 : memref<16384xf32, #tpu.memory_space<vmem>>[vector<16xi32>], vector<16xf32>,
        %add3A_465 = arith.constant 32 : i32
        %add3A_466 = vector.broadcast %add3A_465 : i32 to vector<16xi32>
        %add3A_467 = arith.addi %get3A_363, %add3A_466 : vector<16xi32>
        tpu.vector_store_idx %arg8[%add3A_467], %gather3A_443 : memref<16384xf32, #tpu.memory_space<vmem>>[vector<16xi32>], vector<16xf32>,
        %add3A_468 = arith.constant 48 : i32
        %add3A_469 = vector.broadcast %add3A_468 : i32 to vector<16xi32>
        %add3A_470 = arith.addi %iota3A, %add3A_469 : vector<16xi32>
        %gather3A_471 = tpu.vector_load_idx %arg6[%add3A_470, %get3A_288] : memref<512x32xf32, #tpu.memory_space<vmem>>[vector<16xi32>, vector<16xi32>], vector<16xf32>,
        %gather3A_472 = tpu.vector_load_idx %arg6[%add3A_470, %get3A_293] : memref<512x32xf32, #tpu.memory_space<vmem>>[vector<16xi32>, vector<16xi32>], vector<16xf32>,
        %gather3A_473 = tpu.vector_load_idx %arg6[%add3A_470, %get3A_298] : memref<512x32xf32, #tpu.memory_space<vmem>>[vector<16xi32>, vector<16xi32>], vector<16xf32>,
        %gather3A_474 = tpu.vector_load_idx %arg6[%add3A_470, %get3A_303] : memref<512x32xf32, #tpu.memory_space<vmem>>[vector<16xi32>, vector<16xi32>], vector<16xf32>,
        %gather3A_475 = tpu.vector_load_idx %arg6[%add3A_470, %get3A_308] : memref<512x32xf32, #tpu.memory_space<vmem>>[vector<16xi32>, vector<16xi32>], vector<16xf32>,
        %gather3A_476 = tpu.vector_load_idx %arg6[%add3A_470, %get3A_313] : memref<512x32xf32, #tpu.memory_space<vmem>>[vector<16xi32>, vector<16xi32>], vector<16xf32>,
        %gather3A_477 = tpu.vector_load_idx %arg6[%add3A_470, %get3A_318] : memref<512x32xf32, #tpu.memory_space<vmem>>[vector<16xi32>, vector<16xi32>], vector<16xf32>,
        %gather3A_478 = tpu.vector_load_idx %arg6[%add3A_470, %get3A_323] : memref<512x32xf32, #tpu.memory_space<vmem>>[vector<16xi32>, vector<16xi32>], vector<16xf32>,
        %add3A_479 = arith.constant 48 : i32
        %add3A_480 = vector.broadcast %add3A_479 : i32 to vector<16xi32>
        %add3A_481 = arith.addi %get3A_328, %add3A_480 : vector<16xi32>
        tpu.vector_store_idx %arg8[%add3A_481], %gather3A_471 : memref<16384xf32, #tpu.memory_space<vmem>>[vector<16xi32>], vector<16xf32>,
        %add3A_482 = arith.constant 48 : i32
        %add3A_483 = vector.broadcast %add3A_482 : i32 to vector<16xi32>
        %add3A_484 = arith.addi %get3A_333, %add3A_483 : vector<16xi32>
        tpu.vector_store_idx %arg8[%add3A_484], %gather3A_472 : memref<16384xf32, #tpu.memory_space<vmem>>[vector<16xi32>], vector<16xf32>,
        %add3A_485 = arith.constant 48 : i32
        %add3A_486 = vector.broadcast %add3A_485 : i32 to vector<16xi32>
        %add3A_487 = arith.addi %get3A_338, %add3A_486 : vector<16xi32>
        tpu.vector_store_idx %arg8[%add3A_487], %gather3A_473 : memref<16384xf32, #tpu.memory_space<vmem>>[vector<16xi32>], vector<16xf32>,
        %add3A_488 = arith.constant 48 : i32
        %add3A_489 = vector.broadcast %add3A_488 : i32 to vector<16xi32>
        %add3A_490 = arith.addi %get3A_343, %add3A_489 : vector<16xi32>
        tpu.vector_store_idx %arg8[%add3A_490], %gather3A_474 : memref<16384xf32, #tpu.memory_space<vmem>>[vector<16xi32>], vector<16xf32>,
        %add3A_491 = arith.constant 48 : i32
        %add3A_492 = vector.broadcast %add3A_491 : i32 to vector<16xi32>
        %add3A_493 = arith.addi %get3A_348, %add3A_492 : vector<16xi32>
        tpu.vector_store_idx %arg8[%add3A_493], %gather3A_475 : memref<16384xf32, #tpu.memory_space<vmem>>[vector<16xi32>], vector<16xf32>,
        %add3A_494 = arith.constant 48 : i32
        %add3A_495 = vector.broadcast %add3A_494 : i32 to vector<16xi32>
        %add3A_496 = arith.addi %get3A_353, %add3A_495 : vector<16xi32>
        tpu.vector_store_idx %arg8[%add3A_496], %gather3A_476 : memref<16384xf32, #tpu.memory_space<vmem>>[vector<16xi32>], vector<16xf32>,
        %add3A_497 = arith.constant 48 : i32
        %add3A_498 = vector.broadcast %add3A_497 : i32 to vector<16xi32>
        %add3A_499 = arith.addi %get3A_358, %add3A_498 : vector<16xi32>
        tpu.vector_store_idx %arg8[%add3A_499], %gather3A_477 : memref<16384xf32, #tpu.memory_space<vmem>>[vector<16xi32>], vector<16xf32>,
        %add3A_500 = arith.constant 48 : i32
        %add3A_501 = vector.broadcast %add3A_500 : i32 to vector<16xi32>
        %add3A_502 = arith.addi %get3A_363, %add3A_501 : vector<16xi32>
        tpu.vector_store_idx %arg8[%add3A_502], %gather3A_478 : memref<16384xf32, #tpu.memory_space<vmem>>[vector<16xi32>], vector<16xf32>,
        %add3A_503 = arith.constant 64 : i32
        %add3A_504 = vector.broadcast %add3A_503 : i32 to vector<16xi32>
        %add3A_505 = arith.addi %iota3A, %add3A_504 : vector<16xi32>
        %gather3A_506 = tpu.vector_load_idx %arg6[%add3A_505, %get3A_288] : memref<512x32xf32, #tpu.memory_space<vmem>>[vector<16xi32>, vector<16xi32>], vector<16xf32>,
        %gather3A_507 = tpu.vector_load_idx %arg6[%add3A_505, %get3A_293] : memref<512x32xf32, #tpu.memory_space<vmem>>[vector<16xi32>, vector<16xi32>], vector<16xf32>,
        %gather3A_508 = tpu.vector_load_idx %arg6[%add3A_505, %get3A_298] : memref<512x32xf32, #tpu.memory_space<vmem>>[vector<16xi32>, vector<16xi32>], vector<16xf32>,
        %gather3A_509 = tpu.vector_load_idx %arg6[%add3A_505, %get3A_303] : memref<512x32xf32, #tpu.memory_space<vmem>>[vector<16xi32>, vector<16xi32>], vector<16xf32>,
        %gather3A_510 = tpu.vector_load_idx %arg6[%add3A_505, %get3A_308] : memref<512x32xf32, #tpu.memory_space<vmem>>[vector<16xi32>, vector<16xi32>], vector<16xf32>,
        %gather3A_511 = tpu.vector_load_idx %arg6[%add3A_505, %get3A_313] : memref<512x32xf32, #tpu.memory_space<vmem>>[vector<16xi32>, vector<16xi32>], vector<16xf32>,
        %gather3A_512 = tpu.vector_load_idx %arg6[%add3A_505, %get3A_318] : memref<512x32xf32, #tpu.memory_space<vmem>>[vector<16xi32>, vector<16xi32>], vector<16xf32>,
        %gather3A_513 = tpu.vector_load_idx %arg6[%add3A_505, %get3A_323] : memref<512x32xf32, #tpu.memory_space<vmem>>[vector<16xi32>, vector<16xi32>], vector<16xf32>,
        %add3A_514 = arith.constant 64 : i32
        %add3A_515 = vector.broadcast %add3A_514 : i32 to vector<16xi32>
        %add3A_516 = arith.addi %get3A_328, %add3A_515 : vector<16xi32>
        tpu.vector_store_idx %arg8[%add3A_516], %gather3A_506 : memref<16384xf32, #tpu.memory_space<vmem>>[vector<16xi32>], vector<16xf32>,
        %add3A_517 = arith.constant 64 : i32
        %add3A_518 = vector.broadcast %add3A_517 : i32 to vector<16xi32>
        %add3A_519 = arith.addi %get3A_333, %add3A_518 : vector<16xi32>
        tpu.vector_store_idx %arg8[%add3A_519], %gather3A_507 : memref<16384xf32, #tpu.memory_space<vmem>>[vector<16xi32>], vector<16xf32>,
        %add3A_520 = arith.constant 64 : i32
        %add3A_521 = vector.broadcast %add3A_520 : i32 to vector<16xi32>
        %add3A_522 = arith.addi %get3A_338, %add3A_521 : vector<16xi32>
        tpu.vector_store_idx %arg8[%add3A_522], %gather3A_508 : memref<16384xf32, #tpu.memory_space<vmem>>[vector<16xi32>], vector<16xf32>,
        %add3A_523 = arith.constant 64 : i32
        %add3A_524 = vector.broadcast %add3A_523 : i32 to vector<16xi32>
        %add3A_525 = arith.addi %get3A_343, %add3A_524 : vector<16xi32>
        tpu.vector_store_idx %arg8[%add3A_525], %gather3A_509 : memref<16384xf32, #tpu.memory_space<vmem>>[vector<16xi32>], vector<16xf32>,
        %add3A_526 = arith.constant 64 : i32
        %add3A_527 = vector.broadcast %add3A_526 : i32 to vector<16xi32>
        %add3A_528 = arith.addi %get3A_348, %add3A_527 : vector<16xi32>
        tpu.vector_store_idx %arg8[%add3A_528], %gather3A_510 : memref<16384xf32, #tpu.memory_space<vmem>>[vector<16xi32>], vector<16xf32>,
        %add3A_529 = arith.constant 64 : i32
        %add3A_530 = vector.broadcast %add3A_529 : i32 to vector<16xi32>
        %add3A_531 = arith.addi %get3A_353, %add3A_530 : vector<16xi32>
        tpu.vector_store_idx %arg8[%add3A_531], %gather3A_511 : memref<16384xf32, #tpu.memory_space<vmem>>[vector<16xi32>], vector<16xf32>,
        %add3A_532 = arith.constant 64 : i32
        %add3A_533 = vector.broadcast %add3A_532 : i32 to vector<16xi32>
        %add3A_534 = arith.addi %get3A_358, %add3A_533 : vector<16xi32>
        tpu.vector_store_idx %arg8[%add3A_534], %gather3A_512 : memref<16384xf32, #tpu.memory_space<vmem>>[vector<16xi32>], vector<16xf32>,
        %add3A_535 = arith.constant 64 : i32
        %add3A_536 = vector.broadcast %add3A_535 : i32 to vector<16xi32>
        %add3A_537 = arith.addi %get3A_363, %add3A_536 : vector<16xi32>
        tpu.vector_store_idx %arg8[%add3A_537], %gather3A_513 : memref<16384xf32, #tpu.memory_space<vmem>>[vector<16xi32>], vector<16xf32>,
        %add3A_538 = arith.constant 80 : i32
        %add3A_539 = vector.broadcast %add3A_538 : i32 to vector<16xi32>
        %add3A_540 = arith.addi %iota3A, %add3A_539 : vector<16xi32>
        %gather3A_541 = tpu.vector_load_idx %arg6[%add3A_540, %get3A_288] : memref<512x32xf32, #tpu.memory_space<vmem>>[vector<16xi32>, vector<16xi32>], vector<16xf32>,
        %gather3A_542 = tpu.vector_load_idx %arg6[%add3A_540, %get3A_293] : memref<512x32xf32, #tpu.memory_space<vmem>>[vector<16xi32>, vector<16xi32>], vector<16xf32>,
        %gather3A_543 = tpu.vector_load_idx %arg6[%add3A_540, %get3A_298] : memref<512x32xf32, #tpu.memory_space<vmem>>[vector<16xi32>, vector<16xi32>], vector<16xf32>,
        %gather3A_544 = tpu.vector_load_idx %arg6[%add3A_540, %get3A_303] : memref<512x32xf32, #tpu.memory_space<vmem>>[vector<16xi32>, vector<16xi32>], vector<16xf32>,
        %gather3A_545 = tpu.vector_load_idx %arg6[%add3A_540, %get3A_308] : memref<512x32xf32, #tpu.memory_space<vmem>>[vector<16xi32>, vector<16xi32>], vector<16xf32>,
        %gather3A_546 = tpu.vector_load_idx %arg6[%add3A_540, %get3A_313] : memref<512x32xf32, #tpu.memory_space<vmem>>[vector<16xi32>, vector<16xi32>], vector<16xf32>,
        %gather3A_547 = tpu.vector_load_idx %arg6[%add3A_540, %get3A_318] : memref<512x32xf32, #tpu.memory_space<vmem>>[vector<16xi32>, vector<16xi32>], vector<16xf32>,
        %gather3A_548 = tpu.vector_load_idx %arg6[%add3A_540, %get3A_323] : memref<512x32xf32, #tpu.memory_space<vmem>>[vector<16xi32>, vector<16xi32>], vector<16xf32>,
        %add3A_549 = arith.constant 80 : i32
        %add3A_550 = vector.broadcast %add3A_549 : i32 to vector<16xi32>
        %add3A_551 = arith.addi %get3A_328, %add3A_550 : vector<16xi32>
        tpu.vector_store_idx %arg8[%add3A_551], %gather3A_541 : memref<16384xf32, #tpu.memory_space<vmem>>[vector<16xi32>], vector<16xf32>,
        %add3A_552 = arith.constant 80 : i32
        %add3A_553 = vector.broadcast %add3A_552 : i32 to vector<16xi32>
        %add3A_554 = arith.addi %get3A_333, %add3A_553 : vector<16xi32>
        tpu.vector_store_idx %arg8[%add3A_554], %gather3A_542 : memref<16384xf32, #tpu.memory_space<vmem>>[vector<16xi32>], vector<16xf32>,
        %add3A_555 = arith.constant 80 : i32
        %add3A_556 = vector.broadcast %add3A_555 : i32 to vector<16xi32>
        %add3A_557 = arith.addi %get3A_338, %add3A_556 : vector<16xi32>
        tpu.vector_store_idx %arg8[%add3A_557], %gather3A_543 : memref<16384xf32, #tpu.memory_space<vmem>>[vector<16xi32>], vector<16xf32>,
        %add3A_558 = arith.constant 80 : i32
        %add3A_559 = vector.broadcast %add3A_558 : i32 to vector<16xi32>
        %add3A_560 = arith.addi %get3A_343, %add3A_559 : vector<16xi32>
        tpu.vector_store_idx %arg8[%add3A_560], %gather3A_544 : memref<16384xf32, #tpu.memory_space<vmem>>[vector<16xi32>], vector<16xf32>,
        %add3A_561 = arith.constant 80 : i32
        %add3A_562 = vector.broadcast %add3A_561 : i32 to vector<16xi32>
        %add3A_563 = arith.addi %get3A_348, %add3A_562 : vector<16xi32>
        tpu.vector_store_idx %arg8[%add3A_563], %gather3A_545 : memref<16384xf32, #tpu.memory_space<vmem>>[vector<16xi32>], vector<16xf32>,
        %add3A_564 = arith.constant 80 : i32
        %add3A_565 = vector.broadcast %add3A_564 : i32 to vector<16xi32>
        %add3A_566 = arith.addi %get3A_353, %add3A_565 : vector<16xi32>
        tpu.vector_store_idx %arg8[%add3A_566], %gather3A_546 : memref<16384xf32, #tpu.memory_space<vmem>>[vector<16xi32>], vector<16xf32>,
        %add3A_567 = arith.constant 80 : i32
        %add3A_568 = vector.broadcast %add3A_567 : i32 to vector<16xi32>
        %add3A_569 = arith.addi %get3A_358, %add3A_568 : vector<16xi32>
        tpu.vector_store_idx %arg8[%add3A_569], %gather3A_547 : memref<16384xf32, #tpu.memory_space<vmem>>[vector<16xi32>], vector<16xf32>,
        %add3A_570 = arith.constant 80 : i32
        %add3A_571 = vector.broadcast %add3A_570 : i32 to vector<16xi32>
        %add3A_572 = arith.addi %get3A_363, %add3A_571 : vector<16xi32>
        tpu.vector_store_idx %arg8[%add3A_572], %gather3A_548 : memref<16384xf32, #tpu.memory_space<vmem>>[vector<16xi32>], vector<16xf32>,
        %add3A_573 = arith.constant 96 : i32
        %add3A_574 = vector.broadcast %add3A_573 : i32 to vector<16xi32>
        %add3A_575 = arith.addi %iota3A, %add3A_574 : vector<16xi32>
        %gather3A_576 = tpu.vector_load_idx %arg6[%add3A_575, %get3A_288] : memref<512x32xf32, #tpu.memory_space<vmem>>[vector<16xi32>, vector<16xi32>], vector<16xf32>,
        %gather3A_577 = tpu.vector_load_idx %arg6[%add3A_575, %get3A_293] : memref<512x32xf32, #tpu.memory_space<vmem>>[vector<16xi32>, vector<16xi32>], vector<16xf32>,
        %gather3A_578 = tpu.vector_load_idx %arg6[%add3A_575, %get3A_298] : memref<512x32xf32, #tpu.memory_space<vmem>>[vector<16xi32>, vector<16xi32>], vector<16xf32>,
        %gather3A_579 = tpu.vector_load_idx %arg6[%add3A_575, %get3A_303] : memref<512x32xf32, #tpu.memory_space<vmem>>[vector<16xi32>, vector<16xi32>], vector<16xf32>,
        %gather3A_580 = tpu.vector_load_idx %arg6[%add3A_575, %get3A_308] : memref<512x32xf32, #tpu.memory_space<vmem>>[vector<16xi32>, vector<16xi32>], vector<16xf32>,
        %gather3A_581 = tpu.vector_load_idx %arg6[%add3A_575, %get3A_313] : memref<512x32xf32, #tpu.memory_space<vmem>>[vector<16xi32>, vector<16xi32>], vector<16xf32>,
        %gather3A_582 = tpu.vector_load_idx %arg6[%add3A_575, %get3A_318] : memref<512x32xf32, #tpu.memory_space<vmem>>[vector<16xi32>, vector<16xi32>], vector<16xf32>,
        %gather3A_583 = tpu.vector_load_idx %arg6[%add3A_575, %get3A_323] : memref<512x32xf32, #tpu.memory_space<vmem>>[vector<16xi32>, vector<16xi32>], vector<16xf32>,
        %add3A_584 = arith.constant 96 : i32
        %add3A_585 = vector.broadcast %add3A_584 : i32 to vector<16xi32>
        %add3A_586 = arith.addi %get3A_328, %add3A_585 : vector<16xi32>
        tpu.vector_store_idx %arg8[%add3A_586], %gather3A_576 : memref<16384xf32, #tpu.memory_space<vmem>>[vector<16xi32>], vector<16xf32>,
        %add3A_587 = arith.constant 96 : i32
        %add3A_588 = vector.broadcast %add3A_587 : i32 to vector<16xi32>
        %add3A_589 = arith.addi %get3A_333, %add3A_588 : vector<16xi32>
        tpu.vector_store_idx %arg8[%add3A_589], %gather3A_577 : memref<16384xf32, #tpu.memory_space<vmem>>[vector<16xi32>], vector<16xf32>,
        %add3A_590 = arith.constant 96 : i32
        %add3A_591 = vector.broadcast %add3A_590 : i32 to vector<16xi32>
        %add3A_592 = arith.addi %get3A_338, %add3A_591 : vector<16xi32>
        tpu.vector_store_idx %arg8[%add3A_592], %gather3A_578 : memref<16384xf32, #tpu.memory_space<vmem>>[vector<16xi32>], vector<16xf32>,
        %add3A_593 = arith.constant 96 : i32
        %add3A_594 = vector.broadcast %add3A_593 : i32 to vector<16xi32>
        %add3A_595 = arith.addi %get3A_343, %add3A_594 : vector<16xi32>
        tpu.vector_store_idx %arg8[%add3A_595], %gather3A_579 : memref<16384xf32, #tpu.memory_space<vmem>>[vector<16xi32>], vector<16xf32>,
        %add3A_596 = arith.constant 96 : i32
        %add3A_597 = vector.broadcast %add3A_596 : i32 to vector<16xi32>
        %add3A_598 = arith.addi %get3A_348, %add3A_597 : vector<16xi32>
        tpu.vector_store_idx %arg8[%add3A_598], %gather3A_580 : memref<16384xf32, #tpu.memory_space<vmem>>[vector<16xi32>], vector<16xf32>,
        %add3A_599 = arith.constant 96 : i32
        %add3A_600 = vector.broadcast %add3A_599 : i32 to vector<16xi32>
        %add3A_601 = arith.addi %get3A_353, %add3A_600 : vector<16xi32>
        tpu.vector_store_idx %arg8[%add3A_601], %gather3A_581 : memref<16384xf32, #tpu.memory_space<vmem>>[vector<16xi32>], vector<16xf32>,
        %add3A_602 = arith.constant 96 : i32
        %add3A_603 = vector.broadcast %add3A_602 : i32 to vector<16xi32>
        %add3A_604 = arith.addi %get3A_358, %add3A_603 : vector<16xi32>
        tpu.vector_store_idx %arg8[%add3A_604], %gather3A_582 : memref<16384xf32, #tpu.memory_space<vmem>>[vector<16xi32>], vector<16xf32>,
        %add3A_605 = arith.constant 96 : i32
        %add3A_606 = vector.broadcast %add3A_605 : i32 to vector<16xi32>
        %add3A_607 = arith.addi %get3A_363, %add3A_606 : vector<16xi32>
        tpu.vector_store_idx %arg8[%add3A_607], %gather3A_583 : memref<16384xf32, #tpu.memory_space<vmem>>[vector<16xi32>], vector<16xf32>,
        %add3A_608 = arith.constant 112 : i32
        %add3A_609 = vector.broadcast %add3A_608 : i32 to vector<16xi32>
        %add3A_610 = arith.addi %iota3A, %add3A_609 : vector<16xi32>
        %gather3A_611 = tpu.vector_load_idx %arg6[%add3A_610, %get3A_288] : memref<512x32xf32, #tpu.memory_space<vmem>>[vector<16xi32>, vector<16xi32>], vector<16xf32>,
        %gather3A_612 = tpu.vector_load_idx %arg6[%add3A_610, %get3A_293] : memref<512x32xf32, #tpu.memory_space<vmem>>[vector<16xi32>, vector<16xi32>], vector<16xf32>,
        %gather3A_613 = tpu.vector_load_idx %arg6[%add3A_610, %get3A_298] : memref<512x32xf32, #tpu.memory_space<vmem>>[vector<16xi32>, vector<16xi32>], vector<16xf32>,
        %gather3A_614 = tpu.vector_load_idx %arg6[%add3A_610, %get3A_303] : memref<512x32xf32, #tpu.memory_space<vmem>>[vector<16xi32>, vector<16xi32>], vector<16xf32>,
        %gather3A_615 = tpu.vector_load_idx %arg6[%add3A_610, %get3A_308] : memref<512x32xf32, #tpu.memory_space<vmem>>[vector<16xi32>, vector<16xi32>], vector<16xf32>,
        %gather3A_616 = tpu.vector_load_idx %arg6[%add3A_610, %get3A_313] : memref<512x32xf32, #tpu.memory_space<vmem>>[vector<16xi32>, vector<16xi32>], vector<16xf32>,
        %gather3A_617 = tpu.vector_load_idx %arg6[%add3A_610, %get3A_318] : memref<512x32xf32, #tpu.memory_space<vmem>>[vector<16xi32>, vector<16xi32>], vector<16xf32>,
        %gather3A_618 = tpu.vector_load_idx %arg6[%add3A_610, %get3A_323] : memref<512x32xf32, #tpu.memory_space<vmem>>[vector<16xi32>, vector<16xi32>], vector<16xf32>,
        %add3A_619 = arith.constant 112 : i32
        %add3A_620 = vector.broadcast %add3A_619 : i32 to vector<16xi32>
        %add3A_621 = arith.addi %get3A_328, %add3A_620 : vector<16xi32>
        tpu.vector_store_idx %arg8[%add3A_621], %gather3A_611 : memref<16384xf32, #tpu.memory_space<vmem>>[vector<16xi32>], vector<16xf32>,
        %add3A_622 = arith.constant 112 : i32
        %add3A_623 = vector.broadcast %add3A_622 : i32 to vector<16xi32>
        %add3A_624 = arith.addi %get3A_333, %add3A_623 : vector<16xi32>
        tpu.vector_store_idx %arg8[%add3A_624], %gather3A_612 : memref<16384xf32, #tpu.memory_space<vmem>>[vector<16xi32>], vector<16xf32>,
        %add3A_625 = arith.constant 112 : i32
        %add3A_626 = vector.broadcast %add3A_625 : i32 to vector<16xi32>
        %add3A_627 = arith.addi %get3A_338, %add3A_626 : vector<16xi32>
        tpu.vector_store_idx %arg8[%add3A_627], %gather3A_613 : memref<16384xf32, #tpu.memory_space<vmem>>[vector<16xi32>], vector<16xf32>,
        %add3A_628 = arith.constant 112 : i32
        %add3A_629 = vector.broadcast %add3A_628 : i32 to vector<16xi32>
        %add3A_630 = arith.addi %get3A_343, %add3A_629 : vector<16xi32>
        tpu.vector_store_idx %arg8[%add3A_630], %gather3A_614 : memref<16384xf32, #tpu.memory_space<vmem>>[vector<16xi32>], vector<16xf32>,
        %add3A_631 = arith.constant 112 : i32
        %add3A_632 = vector.broadcast %add3A_631 : i32 to vector<16xi32>
        %add3A_633 = arith.addi %get3A_348, %add3A_632 : vector<16xi32>
        tpu.vector_store_idx %arg8[%add3A_633], %gather3A_615 : memref<16384xf32, #tpu.memory_space<vmem>>[vector<16xi32>], vector<16xf32>,
        %add3A_634 = arith.constant 112 : i32
        %add3A_635 = vector.broadcast %add3A_634 : i32 to vector<16xi32>
        %add3A_636 = arith.addi %get3A_353, %add3A_635 : vector<16xi32>
        tpu.vector_store_idx %arg8[%add3A_636], %gather3A_616 : memref<16384xf32, #tpu.memory_space<vmem>>[vector<16xi32>], vector<16xf32>,
        %add3A_637 = arith.constant 112 : i32
        %add3A_638 = vector.broadcast %add3A_637 : i32 to vector<16xi32>
        %add3A_639 = arith.addi %get3A_358, %add3A_638 : vector<16xi32>
        tpu.vector_store_idx %arg8[%add3A_639], %gather3A_617 : memref<16384xf32, #tpu.memory_space<vmem>>[vector<16xi32>], vector<16xf32>,
        %add3A_640 = arith.constant 112 : i32
        %add3A_641 = vector.broadcast %add3A_640 : i32 to vector<16xi32>
        %add3A_642 = arith.addi %get3A_363, %add3A_641 : vector<16xi32>
        tpu.vector_store_idx %arg8[%add3A_642], %gather3A_618 : memref<16384xf32, #tpu.memory_space<vmem>>[vector<16xi32>], vector<16xf32>,
        %add3A_643 = arith.constant 128 : i32
        %add3A_644 = vector.broadcast %add3A_643 : i32 to vector<16xi32>
        %add3A_645 = arith.addi %iota3A, %add3A_644 : vector<16xi32>
        %gather3A_646 = tpu.vector_load_idx %arg6[%add3A_645, %get3A_288] : memref<512x32xf32, #tpu.memory_space<vmem>>[vector<16xi32>, vector<16xi32>], vector<16xf32>,
        %gather3A_647 = tpu.vector_load_idx %arg6[%add3A_645, %get3A_293] : memref<512x32xf32, #tpu.memory_space<vmem>>[vector<16xi32>, vector<16xi32>], vector<16xf32>,
        %gather3A_648 = tpu.vector_load_idx %arg6[%add3A_645, %get3A_298] : memref<512x32xf32, #tpu.memory_space<vmem>>[vector<16xi32>, vector<16xi32>], vector<16xf32>,
        %gather3A_649 = tpu.vector_load_idx %arg6[%add3A_645, %get3A_303] : memref<512x32xf32, #tpu.memory_space<vmem>>[vector<16xi32>, vector<16xi32>], vector<16xf32>,
        %gather3A_650 = tpu.vector_load_idx %arg6[%add3A_645, %get3A_308] : memref<512x32xf32, #tpu.memory_space<vmem>>[vector<16xi32>, vector<16xi32>], vector<16xf32>,
        %gather3A_651 = tpu.vector_load_idx %arg6[%add3A_645, %get3A_313] : memref<512x32xf32, #tpu.memory_space<vmem>>[vector<16xi32>, vector<16xi32>], vector<16xf32>,
        %gather3A_652 = tpu.vector_load_idx %arg6[%add3A_645, %get3A_318] : memref<512x32xf32, #tpu.memory_space<vmem>>[vector<16xi32>, vector<16xi32>], vector<16xf32>,
        %gather3A_653 = tpu.vector_load_idx %arg6[%add3A_645, %get3A_323] : memref<512x32xf32, #tpu.memory_space<vmem>>[vector<16xi32>, vector<16xi32>], vector<16xf32>,
        %add3A_654 = arith.constant 1024 : i32
        %add3A_655 = vector.broadcast %add3A_654 : i32 to vector<16xi32>
        %add3A_656 = arith.addi %get3A_328, %add3A_655 : vector<16xi32>
        tpu.vector_store_idx %arg8[%add3A_656], %gather3A_646 : memref<16384xf32, #tpu.memory_space<vmem>>[vector<16xi32>], vector<16xf32>,
        %add3A_657 = arith.constant 1024 : i32
        %add3A_658 = vector.broadcast %add3A_657 : i32 to vector<16xi32>
        %add3A_659 = arith.addi %get3A_333, %add3A_658 : vector<16xi32>
        tpu.vector_store_idx %arg8[%add3A_659], %gather3A_647 : memref<16384xf32, #tpu.memory_space<vmem>>[vector<16xi32>], vector<16xf32>,
        %add3A_660 = arith.constant 1024 : i32
        %add3A_661 = vector.broadcast %add3A_660 : i32 to vector<16xi32>
        %add3A_662 = arith.addi %get3A_338, %add3A_661 : vector<16xi32>
        tpu.vector_store_idx %arg8[%add3A_662], %gather3A_648 : memref<16384xf32, #tpu.memory_space<vmem>>[vector<16xi32>], vector<16xf32>,
        %add3A_663 = arith.constant 1024 : i32
        %add3A_664 = vector.broadcast %add3A_663 : i32 to vector<16xi32>
        %add3A_665 = arith.addi %get3A_343, %add3A_664 : vector<16xi32>
        tpu.vector_store_idx %arg8[%add3A_665], %gather3A_649 : memref<16384xf32, #tpu.memory_space<vmem>>[vector<16xi32>], vector<16xf32>,
        %add3A_666 = arith.constant 1024 : i32
        %add3A_667 = vector.broadcast %add3A_666 : i32 to vector<16xi32>
        %add3A_668 = arith.addi %get3A_348, %add3A_667 : vector<16xi32>
        tpu.vector_store_idx %arg8[%add3A_668], %gather3A_650 : memref<16384xf32, #tpu.memory_space<vmem>>[vector<16xi32>], vector<16xf32>,
        %add3A_669 = arith.constant 1024 : i32
        %add3A_670 = vector.broadcast %add3A_669 : i32 to vector<16xi32>
        %add3A_671 = arith.addi %get3A_353, %add3A_670 : vector<16xi32>
        tpu.vector_store_idx %arg8[%add3A_671], %gather3A_651 : memref<16384xf32, #tpu.memory_space<vmem>>[vector<16xi32>], vector<16xf32>,
        %add3A_672 = arith.constant 1024 : i32
        %add3A_673 = vector.broadcast %add3A_672 : i32 to vector<16xi32>
        %add3A_674 = arith.addi %get3A_358, %add3A_673 : vector<16xi32>
        tpu.vector_store_idx %arg8[%add3A_674], %gather3A_652 : memref<16384xf32, #tpu.memory_space<vmem>>[vector<16xi32>], vector<16xf32>,
        %add3A_675 = arith.constant 1024 : i32
        %add3A_676 = vector.broadcast %add3A_675 : i32 to vector<16xi32>
        %add3A_677 = arith.addi %get3A_363, %add3A_676 : vector<16xi32>
        tpu.vector_store_idx %arg8[%add3A_677], %gather3A_653 : memref<16384xf32, #tpu.memory_space<vmem>>[vector<16xi32>], vector<16xf32>,
        %add3A_678 = arith.constant 144 : i32
        %add3A_679 = vector.broadcast %add3A_678 : i32 to vector<16xi32>
        %add3A_680 = arith.addi %iota3A, %add3A_679 : vector<16xi32>
        %gather3A_681 = tpu.vector_load_idx %arg6[%add3A_680, %get3A_288] : memref<512x32xf32, #tpu.memory_space<vmem>>[vector<16xi32>, vector<16xi32>], vector<16xf32>,
        %gather3A_682 = tpu.vector_load_idx %arg6[%add3A_680, %get3A_293] : memref<512x32xf32, #tpu.memory_space<vmem>>[vector<16xi32>, vector<16xi32>], vector<16xf32>,
        %gather3A_683 = tpu.vector_load_idx %arg6[%add3A_680, %get3A_298] : memref<512x32xf32, #tpu.memory_space<vmem>>[vector<16xi32>, vector<16xi32>], vector<16xf32>,
        %gather3A_684 = tpu.vector_load_idx %arg6[%add3A_680, %get3A_303] : memref<512x32xf32, #tpu.memory_space<vmem>>[vector<16xi32>, vector<16xi32>], vector<16xf32>,
        %gather3A_685 = tpu.vector_load_idx %arg6[%add3A_680, %get3A_308] : memref<512x32xf32, #tpu.memory_space<vmem>>[vector<16xi32>, vector<16xi32>], vector<16xf32>,
        %gather3A_686 = tpu.vector_load_idx %arg6[%add3A_680, %get3A_313] : memref<512x32xf32, #tpu.memory_space<vmem>>[vector<16xi32>, vector<16xi32>], vector<16xf32>,
        %gather3A_687 = tpu.vector_load_idx %arg6[%add3A_680, %get3A_318] : memref<512x32xf32, #tpu.memory_space<vmem>>[vector<16xi32>, vector<16xi32>], vector<16xf32>,
        %gather3A_688 = tpu.vector_load_idx %arg6[%add3A_680, %get3A_323] : memref<512x32xf32, #tpu.memory_space<vmem>>[vector<16xi32>, vector<16xi32>], vector<16xf32>,
        %add3A_689 = arith.constant 1040 : i32
        %add3A_690 = vector.broadcast %add3A_689 : i32 to vector<16xi32>
        %add3A_691 = arith.addi %get3A_328, %add3A_690 : vector<16xi32>
        tpu.vector_store_idx %arg8[%add3A_691], %gather3A_681 : memref<16384xf32, #tpu.memory_space<vmem>>[vector<16xi32>], vector<16xf32>,
        %add3A_692 = arith.constant 1040 : i32
        %add3A_693 = vector.broadcast %add3A_692 : i32 to vector<16xi32>
        %add3A_694 = arith.addi %get3A_333, %add3A_693 : vector<16xi32>
        tpu.vector_store_idx %arg8[%add3A_694], %gather3A_682 : memref<16384xf32, #tpu.memory_space<vmem>>[vector<16xi32>], vector<16xf32>,
        %add3A_695 = arith.constant 1040 : i32
        %add3A_696 = vector.broadcast %add3A_695 : i32 to vector<16xi32>
        %add3A_697 = arith.addi %get3A_338, %add3A_696 : vector<16xi32>
        tpu.vector_store_idx %arg8[%add3A_697], %gather3A_683 : memref<16384xf32, #tpu.memory_space<vmem>>[vector<16xi32>], vector<16xf32>,
        %add3A_698 = arith.constant 1040 : i32
        %add3A_699 = vector.broadcast %add3A_698 : i32 to vector<16xi32>
        %add3A_700 = arith.addi %get3A_343, %add3A_699 : vector<16xi32>
        tpu.vector_store_idx %arg8[%add3A_700], %gather3A_684 : memref<16384xf32, #tpu.memory_space<vmem>>[vector<16xi32>], vector<16xf32>,
        %add3A_701 = arith.constant 1040 : i32
        %add3A_702 = vector.broadcast %add3A_701 : i32 to vector<16xi32>
        %add3A_703 = arith.addi %get3A_348, %add3A_702 : vector<16xi32>
        tpu.vector_store_idx %arg8[%add3A_703], %gather3A_685 : memref<16384xf32, #tpu.memory_space<vmem>>[vector<16xi32>], vector<16xf32>,
        %add3A_704 = arith.constant 1040 : i32
        %add3A_705 = vector.broadcast %add3A_704 : i32 to vector<16xi32>
        %add3A_706 = arith.addi %get3A_353, %add3A_705 : vector<16xi32>
        tpu.vector_store_idx %arg8[%add3A_706], %gather3A_686 : memref<16384xf32, #tpu.memory_space<vmem>>[vector<16xi32>], vector<16xf32>,
        %add3A_707 = arith.constant 1040 : i32
        %add3A_708 = vector.broadcast %add3A_707 : i32 to vector<16xi32>
        %add3A_709 = arith.addi %get3A_358, %add3A_708 : vector<16xi32>
        tpu.vector_store_idx %arg8[%add3A_709], %gather3A_687 : memref<16384xf32, #tpu.memory_space<vmem>>[vector<16xi32>], vector<16xf32>,
        %add3A_710 = arith.constant 1040 : i32
        %add3A_711 = vector.broadcast %add3A_710 : i32 to vector<16xi32>
        %add3A_712 = arith.addi %get3A_363, %add3A_711 : vector<16xi32>
        tpu.vector_store_idx %arg8[%add3A_712], %gather3A_688 : memref<16384xf32, #tpu.memory_space<vmem>>[vector<16xi32>], vector<16xf32>,
        %add3A_713 = arith.constant 160 : i32
        %add3A_714 = vector.broadcast %add3A_713 : i32 to vector<16xi32>
        %add3A_715 = arith.addi %iota3A, %add3A_714 : vector<16xi32>
        %gather3A_716 = tpu.vector_load_idx %arg6[%add3A_715, %get3A_288] : memref<512x32xf32, #tpu.memory_space<vmem>>[vector<16xi32>, vector<16xi32>], vector<16xf32>,
        %gather3A_717 = tpu.vector_load_idx %arg6[%add3A_715, %get3A_293] : memref<512x32xf32, #tpu.memory_space<vmem>>[vector<16xi32>, vector<16xi32>], vector<16xf32>,
        %gather3A_718 = tpu.vector_load_idx %arg6[%add3A_715, %get3A_298] : memref<512x32xf32, #tpu.memory_space<vmem>>[vector<16xi32>, vector<16xi32>], vector<16xf32>,
        %gather3A_719 = tpu.vector_load_idx %arg6[%add3A_715, %get3A_303] : memref<512x32xf32, #tpu.memory_space<vmem>>[vector<16xi32>, vector<16xi32>], vector<16xf32>,
        %gather3A_720 = tpu.vector_load_idx %arg6[%add3A_715, %get3A_308] : memref<512x32xf32, #tpu.memory_space<vmem>>[vector<16xi32>, vector<16xi32>], vector<16xf32>,
        %gather3A_721 = tpu.vector_load_idx %arg6[%add3A_715, %get3A_313] : memref<512x32xf32, #tpu.memory_space<vmem>>[vector<16xi32>, vector<16xi32>], vector<16xf32>,
        %gather3A_722 = tpu.vector_load_idx %arg6[%add3A_715, %get3A_318] : memref<512x32xf32, #tpu.memory_space<vmem>>[vector<16xi32>, vector<16xi32>], vector<16xf32>,
        %gather3A_723 = tpu.vector_load_idx %arg6[%add3A_715, %get3A_323] : memref<512x32xf32, #tpu.memory_space<vmem>>[vector<16xi32>, vector<16xi32>], vector<16xf32>,
        %add3A_724 = arith.constant 1056 : i32
        %add3A_725 = vector.broadcast %add3A_724 : i32 to vector<16xi32>
        %add3A_726 = arith.addi %get3A_328, %add3A_725 : vector<16xi32>
        tpu.vector_store_idx %arg8[%add3A_726], %gather3A_716 : memref<16384xf32, #tpu.memory_space<vmem>>[vector<16xi32>], vector<16xf32>,
        %add3A_727 = arith.constant 1056 : i32
        %add3A_728 = vector.broadcast %add3A_727 : i32 to vector<16xi32>
        %add3A_729 = arith.addi %get3A_333, %add3A_728 : vector<16xi32>
        tpu.vector_store_idx %arg8[%add3A_729], %gather3A_717 : memref<16384xf32, #tpu.memory_space<vmem>>[vector<16xi32>], vector<16xf32>,
        %add3A_730 = arith.constant 1056 : i32
        %add3A_731 = vector.broadcast %add3A_730 : i32 to vector<16xi32>
        %add3A_732 = arith.addi %get3A_338, %add3A_731 : vector<16xi32>
        tpu.vector_store_idx %arg8[%add3A_732], %gather3A_718 : memref<16384xf32, #tpu.memory_space<vmem>>[vector<16xi32>], vector<16xf32>,
        %add3A_733 = arith.constant 1056 : i32
        %add3A_734 = vector.broadcast %add3A_733 : i32 to vector<16xi32>
        %add3A_735 = arith.addi %get3A_343, %add3A_734 : vector<16xi32>
        tpu.vector_store_idx %arg8[%add3A_735], %gather3A_719 : memref<16384xf32, #tpu.memory_space<vmem>>[vector<16xi32>], vector<16xf32>,
        %add3A_736 = arith.constant 1056 : i32
        %add3A_737 = vector.broadcast %add3A_736 : i32 to vector<16xi32>
        %add3A_738 = arith.addi %get3A_348, %add3A_737 : vector<16xi32>
        tpu.vector_store_idx %arg8[%add3A_738], %gather3A_720 : memref<16384xf32, #tpu.memory_space<vmem>>[vector<16xi32>], vector<16xf32>,
        %add3A_739 = arith.constant 1056 : i32
        %add3A_740 = vector.broadcast %add3A_739 : i32 to vector<16xi32>
        %add3A_741 = arith.addi %get3A_353, %add3A_740 : vector<16xi32>
        tpu.vector_store_idx %arg8[%add3A_741], %gather3A_721 : memref<16384xf32, #tpu.memory_space<vmem>>[vector<16xi32>], vector<16xf32>,
        %add3A_742 = arith.constant 1056 : i32
        %add3A_743 = vector.broadcast %add3A_742 : i32 to vector<16xi32>
        %add3A_744 = arith.addi %get3A_358, %add3A_743 : vector<16xi32>
        tpu.vector_store_idx %arg8[%add3A_744], %gather3A_722 : memref<16384xf32, #tpu.memory_space<vmem>>[vector<16xi32>], vector<16xf32>,
        %add3A_745 = arith.constant 1056 : i32
        %add3A_746 = vector.broadcast %add3A_745 : i32 to vector<16xi32>
        %add3A_747 = arith.addi %get3A_363, %add3A_746 : vector<16xi32>
        tpu.vector_store_idx %arg8[%add3A_747], %gather3A_723 : memref<16384xf32, #tpu.memory_space<vmem>>[vector<16xi32>], vector<16xf32>,
        %add3A_748 = arith.constant 176 : i32
        %add3A_749 = vector.broadcast %add3A_748 : i32 to vector<16xi32>
        %add3A_750 = arith.addi %iota3A, %add3A_749 : vector<16xi32>
        %gather3A_751 = tpu.vector_load_idx %arg6[%add3A_750, %get3A_288] : memref<512x32xf32, #tpu.memory_space<vmem>>[vector<16xi32>, vector<16xi32>], vector<16xf32>,
        %gather3A_752 = tpu.vector_load_idx %arg6[%add3A_750, %get3A_293] : memref<512x32xf32, #tpu.memory_space<vmem>>[vector<16xi32>, vector<16xi32>], vector<16xf32>,
        %gather3A_753 = tpu.vector_load_idx %arg6[%add3A_750, %get3A_298] : memref<512x32xf32, #tpu.memory_space<vmem>>[vector<16xi32>, vector<16xi32>], vector<16xf32>,
        %gather3A_754 = tpu.vector_load_idx %arg6[%add3A_750, %get3A_303] : memref<512x32xf32, #tpu.memory_space<vmem>>[vector<16xi32>, vector<16xi32>], vector<16xf32>,
        %gather3A_755 = tpu.vector_load_idx %arg6[%add3A_750, %get3A_308] : memref<512x32xf32, #tpu.memory_space<vmem>>[vector<16xi32>, vector<16xi32>], vector<16xf32>,
        %gather3A_756 = tpu.vector_load_idx %arg6[%add3A_750, %get3A_313] : memref<512x32xf32, #tpu.memory_space<vmem>>[vector<16xi32>, vector<16xi32>], vector<16xf32>,
        %gather3A_757 = tpu.vector_load_idx %arg6[%add3A_750, %get3A_318] : memref<512x32xf32, #tpu.memory_space<vmem>>[vector<16xi32>, vector<16xi32>], vector<16xf32>,
        %gather3A_758 = tpu.vector_load_idx %arg6[%add3A_750, %get3A_323] : memref<512x32xf32, #tpu.memory_space<vmem>>[vector<16xi32>, vector<16xi32>], vector<16xf32>,
        %add3A_759 = arith.constant 1072 : i32
        %add3A_760 = vector.broadcast %add3A_759 : i32 to vector<16xi32>
        %add3A_761 = arith.addi %get3A_328, %add3A_760 : vector<16xi32>
        tpu.vector_store_idx %arg8[%add3A_761], %gather3A_751 : memref<16384xf32, #tpu.memory_space<vmem>>[vector<16xi32>], vector<16xf32>,
        %add3A_762 = arith.constant 1072 : i32
        %add3A_763 = vector.broadcast %add3A_762 : i32 to vector<16xi32>
        %add3A_764 = arith.addi %get3A_333, %add3A_763 : vector<16xi32>
        tpu.vector_store_idx %arg8[%add3A_764], %gather3A_752 : memref<16384xf32, #tpu.memory_space<vmem>>[vector<16xi32>], vector<16xf32>,
        %add3A_765 = arith.constant 1072 : i32
        %add3A_766 = vector.broadcast %add3A_765 : i32 to vector<16xi32>
        %add3A_767 = arith.addi %get3A_338, %add3A_766 : vector<16xi32>
        tpu.vector_store_idx %arg8[%add3A_767], %gather3A_753 : memref<16384xf32, #tpu.memory_space<vmem>>[vector<16xi32>], vector<16xf32>,
        %add3A_768 = arith.constant 1072 : i32
        %add3A_769 = vector.broadcast %add3A_768 : i32 to vector<16xi32>
        %add3A_770 = arith.addi %get3A_343, %add3A_769 : vector<16xi32>
        tpu.vector_store_idx %arg8[%add3A_770], %gather3A_754 : memref<16384xf32, #tpu.memory_space<vmem>>[vector<16xi32>], vector<16xf32>,
        %add3A_771 = arith.constant 1072 : i32
        %add3A_772 = vector.broadcast %add3A_771 : i32 to vector<16xi32>
        %add3A_773 = arith.addi %get3A_348, %add3A_772 : vector<16xi32>
        tpu.vector_store_idx %arg8[%add3A_773], %gather3A_755 : memref<16384xf32, #tpu.memory_space<vmem>>[vector<16xi32>], vector<16xf32>,
        %add3A_774 = arith.constant 1072 : i32
        %add3A_775 = vector.broadcast %add3A_774 : i32 to vector<16xi32>
        %add3A_776 = arith.addi %get3A_353, %add3A_775 : vector<16xi32>
        tpu.vector_store_idx %arg8[%add3A_776], %gather3A_756 : memref<16384xf32, #tpu.memory_space<vmem>>[vector<16xi32>], vector<16xf32>,
        %add3A_777 = arith.constant 1072 : i32
        %add3A_778 = vector.broadcast %add3A_777 : i32 to vector<16xi32>
        %add3A_779 = arith.addi %get3A_358, %add3A_778 : vector<16xi32>
        tpu.vector_store_idx %arg8[%add3A_779], %gather3A_757 : memref<16384xf32, #tpu.memory_space<vmem>>[vector<16xi32>], vector<16xf32>,
        %add3A_780 = arith.constant 1072 : i32
        %add3A_781 = vector.broadcast %add3A_780 : i32 to vector<16xi32>
        %add3A_782 = arith.addi %get3A_363, %add3A_781 : vector<16xi32>
        tpu.vector_store_idx %arg8[%add3A_782], %gather3A_758 : memref<16384xf32, #tpu.memory_space<vmem>>[vector<16xi32>], vector<16xf32>,
        %add3A_783 = arith.constant 192 : i32
        %add3A_784 = vector.broadcast %add3A_783 : i32 to vector<16xi32>
        %add3A_785 = arith.addi %iota3A, %add3A_784 : vector<16xi32>
        %gather3A_786 = tpu.vector_load_idx %arg6[%add3A_785, %get3A_288] : memref<512x32xf32, #tpu.memory_space<vmem>>[vector<16xi32>, vector<16xi32>], vector<16xf32>,
        %gather3A_787 = tpu.vector_load_idx %arg6[%add3A_785, %get3A_293] : memref<512x32xf32, #tpu.memory_space<vmem>>[vector<16xi32>, vector<16xi32>], vector<16xf32>,
        %gather3A_788 = tpu.vector_load_idx %arg6[%add3A_785, %get3A_298] : memref<512x32xf32, #tpu.memory_space<vmem>>[vector<16xi32>, vector<16xi32>], vector<16xf32>,
        %gather3A_789 = tpu.vector_load_idx %arg6[%add3A_785, %get3A_303] : memref<512x32xf32, #tpu.memory_space<vmem>>[vector<16xi32>, vector<16xi32>], vector<16xf32>,
        %gather3A_790 = tpu.vector_load_idx %arg6[%add3A_785, %get3A_308] : memref<512x32xf32, #tpu.memory_space<vmem>>[vector<16xi32>, vector<16xi32>], vector<16xf32>,
        %gather3A_791 = tpu.vector_load_idx %arg6[%add3A_785, %get3A_313] : memref<512x32xf32, #tpu.memory_space<vmem>>[vector<16xi32>, vector<16xi32>], vector<16xf32>,
        %gather3A_792 = tpu.vector_load_idx %arg6[%add3A_785, %get3A_318] : memref<512x32xf32, #tpu.memory_space<vmem>>[vector<16xi32>, vector<16xi32>], vector<16xf32>,
        %gather3A_793 = tpu.vector_load_idx %arg6[%add3A_785, %get3A_323] : memref<512x32xf32, #tpu.memory_space<vmem>>[vector<16xi32>, vector<16xi32>], vector<16xf32>,
        %add3A_794 = arith.constant 1088 : i32
        %add3A_795 = vector.broadcast %add3A_794 : i32 to vector<16xi32>
        %add3A_796 = arith.addi %get3A_328, %add3A_795 : vector<16xi32>
        tpu.vector_store_idx %arg8[%add3A_796], %gather3A_786 : memref<16384xf32, #tpu.memory_space<vmem>>[vector<16xi32>], vector<16xf32>,
        %add3A_797 = arith.constant 1088 : i32
        %add3A_798 = vector.broadcast %add3A_797 : i32 to vector<16xi32>
        %add3A_799 = arith.addi %get3A_333, %add3A_798 : vector<16xi32>
        tpu.vector_store_idx %arg8[%add3A_799], %gather3A_787 : memref<16384xf32, #tpu.memory_space<vmem>>[vector<16xi32>], vector<16xf32>,
        %add3A_800 = arith.constant 1088 : i32
        %add3A_801 = vector.broadcast %add3A_800 : i32 to vector<16xi32>
        %add3A_802 = arith.addi %get3A_338, %add3A_801 : vector<16xi32>
        tpu.vector_store_idx %arg8[%add3A_802], %gather3A_788 : memref<16384xf32, #tpu.memory_space<vmem>>[vector<16xi32>], vector<16xf32>,
        %add3A_803 = arith.constant 1088 : i32
        %add3A_804 = vector.broadcast %add3A_803 : i32 to vector<16xi32>
        %add3A_805 = arith.addi %get3A_343, %add3A_804 : vector<16xi32>
        tpu.vector_store_idx %arg8[%add3A_805], %gather3A_789 : memref<16384xf32, #tpu.memory_space<vmem>>[vector<16xi32>], vector<16xf32>,
        %add3A_806 = arith.constant 1088 : i32
        %add3A_807 = vector.broadcast %add3A_806 : i32 to vector<16xi32>
        %add3A_808 = arith.addi %get3A_348, %add3A_807 : vector<16xi32>
        tpu.vector_store_idx %arg8[%add3A_808], %gather3A_790 : memref<16384xf32, #tpu.memory_space<vmem>>[vector<16xi32>], vector<16xf32>,
        %add3A_809 = arith.constant 1088 : i32
        %add3A_810 = vector.broadcast %add3A_809 : i32 to vector<16xi32>
        %add3A_811 = arith.addi %get3A_353, %add3A_810 : vector<16xi32>
        tpu.vector_store_idx %arg8[%add3A_811], %gather3A_791 : memref<16384xf32, #tpu.memory_space<vmem>>[vector<16xi32>], vector<16xf32>,
        %add3A_812 = arith.constant 1088 : i32
        %add3A_813 = vector.broadcast %add3A_812 : i32 to vector<16xi32>
        %add3A_814 = arith.addi %get3A_358, %add3A_813 : vector<16xi32>
        tpu.vector_store_idx %arg8[%add3A_814], %gather3A_792 : memref<16384xf32, #tpu.memory_space<vmem>>[vector<16xi32>], vector<16xf32>,
        %add3A_815 = arith.constant 1088 : i32
        %add3A_816 = vector.broadcast %add3A_815 : i32 to vector<16xi32>
        %add3A_817 = arith.addi %get3A_363, %add3A_816 : vector<16xi32>
        tpu.vector_store_idx %arg8[%add3A_817], %gather3A_793 : memref<16384xf32, #tpu.memory_space<vmem>>[vector<16xi32>], vector<16xf32>,
        %add3A_818 = arith.constant 208 : i32
        %add3A_819 = vector.broadcast %add3A_818 : i32 to vector<16xi32>
        %add3A_820 = arith.addi %iota3A, %add3A_819 : vector<16xi32>
        %gather3A_821 = tpu.vector_load_idx %arg6[%add3A_820, %get3A_288] : memref<512x32xf32, #tpu.memory_space<vmem>>[vector<16xi32>, vector<16xi32>], vector<16xf32>,
        %gather3A_822 = tpu.vector_load_idx %arg6[%add3A_820, %get3A_293] : memref<512x32xf32, #tpu.memory_space<vmem>>[vector<16xi32>, vector<16xi32>], vector<16xf32>,
        %gather3A_823 = tpu.vector_load_idx %arg6[%add3A_820, %get3A_298] : memref<512x32xf32, #tpu.memory_space<vmem>>[vector<16xi32>, vector<16xi32>], vector<16xf32>,
        %gather3A_824 = tpu.vector_load_idx %arg6[%add3A_820, %get3A_303] : memref<512x32xf32, #tpu.memory_space<vmem>>[vector<16xi32>, vector<16xi32>], vector<16xf32>,
        %gather3A_825 = tpu.vector_load_idx %arg6[%add3A_820, %get3A_308] : memref<512x32xf32, #tpu.memory_space<vmem>>[vector<16xi32>, vector<16xi32>], vector<16xf32>,
        %gather3A_826 = tpu.vector_load_idx %arg6[%add3A_820, %get3A_313] : memref<512x32xf32, #tpu.memory_space<vmem>>[vector<16xi32>, vector<16xi32>], vector<16xf32>,
        %gather3A_827 = tpu.vector_load_idx %arg6[%add3A_820, %get3A_318] : memref<512x32xf32, #tpu.memory_space<vmem>>[vector<16xi32>, vector<16xi32>], vector<16xf32>,
        %gather3A_828 = tpu.vector_load_idx %arg6[%add3A_820, %get3A_323] : memref<512x32xf32, #tpu.memory_space<vmem>>[vector<16xi32>, vector<16xi32>], vector<16xf32>,
        %add3A_829 = arith.constant 1104 : i32
        %add3A_830 = vector.broadcast %add3A_829 : i32 to vector<16xi32>
        %add3A_831 = arith.addi %get3A_328, %add3A_830 : vector<16xi32>
        tpu.vector_store_idx %arg8[%add3A_831], %gather3A_821 : memref<16384xf32, #tpu.memory_space<vmem>>[vector<16xi32>], vector<16xf32>,
        %add3A_832 = arith.constant 1104 : i32
        %add3A_833 = vector.broadcast %add3A_832 : i32 to vector<16xi32>
        %add3A_834 = arith.addi %get3A_333, %add3A_833 : vector<16xi32>
        tpu.vector_store_idx %arg8[%add3A_834], %gather3A_822 : memref<16384xf32, #tpu.memory_space<vmem>>[vector<16xi32>], vector<16xf32>,
        %add3A_835 = arith.constant 1104 : i32
        %add3A_836 = vector.broadcast %add3A_835 : i32 to vector<16xi32>
        %add3A_837 = arith.addi %get3A_338, %add3A_836 : vector<16xi32>
        tpu.vector_store_idx %arg8[%add3A_837], %gather3A_823 : memref<16384xf32, #tpu.memory_space<vmem>>[vector<16xi32>], vector<16xf32>,
        %add3A_838 = arith.constant 1104 : i32
        %add3A_839 = vector.broadcast %add3A_838 : i32 to vector<16xi32>
        %add3A_840 = arith.addi %get3A_343, %add3A_839 : vector<16xi32>
        tpu.vector_store_idx %arg8[%add3A_840], %gather3A_824 : memref<16384xf32, #tpu.memory_space<vmem>>[vector<16xi32>], vector<16xf32>,
        %add3A_841 = arith.constant 1104 : i32
        %add3A_842 = vector.broadcast %add3A_841 : i32 to vector<16xi32>
        %add3A_843 = arith.addi %get3A_348, %add3A_842 : vector<16xi32>
        tpu.vector_store_idx %arg8[%add3A_843], %gather3A_825 : memref<16384xf32, #tpu.memory_space<vmem>>[vector<16xi32>], vector<16xf32>,
        %add3A_844 = arith.constant 1104 : i32
        %add3A_845 = vector.broadcast %add3A_844 : i32 to vector<16xi32>
        %add3A_846 = arith.addi %get3A_353, %add3A_845 : vector<16xi32>
        tpu.vector_store_idx %arg8[%add3A_846], %gather3A_826 : memref<16384xf32, #tpu.memory_space<vmem>>[vector<16xi32>], vector<16xf32>,
        %add3A_847 = arith.constant 1104 : i32
        %add3A_848 = vector.broadcast %add3A_847 : i32 to vector<16xi32>
        %add3A_849 = arith.addi %get3A_358, %add3A_848 : vector<16xi32>
        tpu.vector_store_idx %arg8[%add3A_849], %gather3A_827 : memref<16384xf32, #tpu.memory_space<vmem>>[vector<16xi32>], vector<16xf32>,
        %add3A_850 = arith.constant 1104 : i32
        %add3A_851 = vector.broadcast %add3A_850 : i32 to vector<16xi32>
        %add3A_852 = arith.addi %get3A_363, %add3A_851 : vector<16xi32>
        tpu.vector_store_idx %arg8[%add3A_852], %gather3A_828 : memref<16384xf32, #tpu.memory_space<vmem>>[vector<16xi32>], vector<16xf32>,
        %add3A_853 = arith.constant 224 : i32
        %add3A_854 = vector.broadcast %add3A_853 : i32 to vector<16xi32>
        %add3A_855 = arith.addi %iota3A, %add3A_854 : vector<16xi32>
        %gather3A_856 = tpu.vector_load_idx %arg6[%add3A_855, %get3A_288] : memref<512x32xf32, #tpu.memory_space<vmem>>[vector<16xi32>, vector<16xi32>], vector<16xf32>,
        %gather3A_857 = tpu.vector_load_idx %arg6[%add3A_855, %get3A_293] : memref<512x32xf32, #tpu.memory_space<vmem>>[vector<16xi32>, vector<16xi32>], vector<16xf32>,
        %gather3A_858 = tpu.vector_load_idx %arg6[%add3A_855, %get3A_298] : memref<512x32xf32, #tpu.memory_space<vmem>>[vector<16xi32>, vector<16xi32>], vector<16xf32>,
        %gather3A_859 = tpu.vector_load_idx %arg6[%add3A_855, %get3A_303] : memref<512x32xf32, #tpu.memory_space<vmem>>[vector<16xi32>, vector<16xi32>], vector<16xf32>,
        %gather3A_860 = tpu.vector_load_idx %arg6[%add3A_855, %get3A_308] : memref<512x32xf32, #tpu.memory_space<vmem>>[vector<16xi32>, vector<16xi32>], vector<16xf32>,
        %gather3A_861 = tpu.vector_load_idx %arg6[%add3A_855, %get3A_313] : memref<512x32xf32, #tpu.memory_space<vmem>>[vector<16xi32>, vector<16xi32>], vector<16xf32>,
        %gather3A_862 = tpu.vector_load_idx %arg6[%add3A_855, %get3A_318] : memref<512x32xf32, #tpu.memory_space<vmem>>[vector<16xi32>, vector<16xi32>], vector<16xf32>,
        %gather3A_863 = tpu.vector_load_idx %arg6[%add3A_855, %get3A_323] : memref<512x32xf32, #tpu.memory_space<vmem>>[vector<16xi32>, vector<16xi32>], vector<16xf32>,
        %add3A_864 = arith.constant 1120 : i32
        %add3A_865 = vector.broadcast %add3A_864 : i32 to vector<16xi32>
        %add3A_866 = arith.addi %get3A_328, %add3A_865 : vector<16xi32>
        tpu.vector_store_idx %arg8[%add3A_866], %gather3A_856 : memref<16384xf32, #tpu.memory_space<vmem>>[vector<16xi32>], vector<16xf32>,
        %add3A_867 = arith.constant 1120 : i32
        %add3A_868 = vector.broadcast %add3A_867 : i32 to vector<16xi32>
        %add3A_869 = arith.addi %get3A_333, %add3A_868 : vector<16xi32>
        tpu.vector_store_idx %arg8[%add3A_869], %gather3A_857 : memref<16384xf32, #tpu.memory_space<vmem>>[vector<16xi32>], vector<16xf32>,
        %add3A_870 = arith.constant 1120 : i32
        %add3A_871 = vector.broadcast %add3A_870 : i32 to vector<16xi32>
        %add3A_872 = arith.addi %get3A_338, %add3A_871 : vector<16xi32>
        tpu.vector_store_idx %arg8[%add3A_872], %gather3A_858 : memref<16384xf32, #tpu.memory_space<vmem>>[vector<16xi32>], vector<16xf32>,
        %add3A_873 = arith.constant 1120 : i32
        %add3A_874 = vector.broadcast %add3A_873 : i32 to vector<16xi32>
        %add3A_875 = arith.addi %get3A_343, %add3A_874 : vector<16xi32>
        tpu.vector_store_idx %arg8[%add3A_875], %gather3A_859 : memref<16384xf32, #tpu.memory_space<vmem>>[vector<16xi32>], vector<16xf32>,
        %add3A_876 = arith.constant 1120 : i32
        %add3A_877 = vector.broadcast %add3A_876 : i32 to vector<16xi32>
        %add3A_878 = arith.addi %get3A_348, %add3A_877 : vector<16xi32>
        tpu.vector_store_idx %arg8[%add3A_878], %gather3A_860 : memref<16384xf32, #tpu.memory_space<vmem>>[vector<16xi32>], vector<16xf32>,
        %add3A_879 = arith.constant 1120 : i32
        %add3A_880 = vector.broadcast %add3A_879 : i32 to vector<16xi32>
        %add3A_881 = arith.addi %get3A_353, %add3A_880 : vector<16xi32>
        tpu.vector_store_idx %arg8[%add3A_881], %gather3A_861 : memref<16384xf32, #tpu.memory_space<vmem>>[vector<16xi32>], vector<16xf32>,
        %add3A_882 = arith.constant 1120 : i32
        %add3A_883 = vector.broadcast %add3A_882 : i32 to vector<16xi32>
        %add3A_884 = arith.addi %get3A_358, %add3A_883 : vector<16xi32>
        tpu.vector_store_idx %arg8[%add3A_884], %gather3A_862 : memref<16384xf32, #tpu.memory_space<vmem>>[vector<16xi32>], vector<16xf32>,
        %add3A_885 = arith.constant 1120 : i32
        %add3A_886 = vector.broadcast %add3A_885 : i32 to vector<16xi32>
        %add3A_887 = arith.addi %get3A_363, %add3A_886 : vector<16xi32>
        tpu.vector_store_idx %arg8[%add3A_887], %gather3A_863 : memref<16384xf32, #tpu.memory_space<vmem>>[vector<16xi32>], vector<16xf32>,
        %add3A_888 = arith.constant 240 : i32
        %add3A_889 = vector.broadcast %add3A_888 : i32 to vector<16xi32>
        %add3A_890 = arith.addi %iota3A, %add3A_889 : vector<16xi32>
        %gather3A_891 = tpu.vector_load_idx %arg6[%add3A_890, %get3A_288] : memref<512x32xf32, #tpu.memory_space<vmem>>[vector<16xi32>, vector<16xi32>], vector<16xf32>,
        %gather3A_892 = tpu.vector_load_idx %arg6[%add3A_890, %get3A_293] : memref<512x32xf32, #tpu.memory_space<vmem>>[vector<16xi32>, vector<16xi32>], vector<16xf32>,
        %gather3A_893 = tpu.vector_load_idx %arg6[%add3A_890, %get3A_298] : memref<512x32xf32, #tpu.memory_space<vmem>>[vector<16xi32>, vector<16xi32>], vector<16xf32>,
        %gather3A_894 = tpu.vector_load_idx %arg6[%add3A_890, %get3A_303] : memref<512x32xf32, #tpu.memory_space<vmem>>[vector<16xi32>, vector<16xi32>], vector<16xf32>,
        %gather3A_895 = tpu.vector_load_idx %arg6[%add3A_890, %get3A_308] : memref<512x32xf32, #tpu.memory_space<vmem>>[vector<16xi32>, vector<16xi32>], vector<16xf32>,
        %gather3A_896 = tpu.vector_load_idx %arg6[%add3A_890, %get3A_313] : memref<512x32xf32, #tpu.memory_space<vmem>>[vector<16xi32>, vector<16xi32>], vector<16xf32>,
        %gather3A_897 = tpu.vector_load_idx %arg6[%add3A_890, %get3A_318] : memref<512x32xf32, #tpu.memory_space<vmem>>[vector<16xi32>, vector<16xi32>], vector<16xf32>,
        %gather3A_898 = tpu.vector_load_idx %arg6[%add3A_890, %get3A_323] : memref<512x32xf32, #tpu.memory_space<vmem>>[vector<16xi32>, vector<16xi32>], vector<16xf32>,
        %add3A_899 = arith.constant 1136 : i32
        %add3A_900 = vector.broadcast %add3A_899 : i32 to vector<16xi32>
        %add3A_901 = arith.addi %get3A_328, %add3A_900 : vector<16xi32>
        tpu.vector_store_idx %arg8[%add3A_901], %gather3A_891 : memref<16384xf32, #tpu.memory_space<vmem>>[vector<16xi32>], vector<16xf32>,
        %add3A_902 = arith.constant 1136 : i32
        %add3A_903 = vector.broadcast %add3A_902 : i32 to vector<16xi32>
        %add3A_904 = arith.addi %get3A_333, %add3A_903 : vector<16xi32>
        tpu.vector_store_idx %arg8[%add3A_904], %gather3A_892 : memref<16384xf32, #tpu.memory_space<vmem>>[vector<16xi32>], vector<16xf32>,
        %add3A_905 = arith.constant 1136 : i32
        %add3A_906 = vector.broadcast %add3A_905 : i32 to vector<16xi32>
        %add3A_907 = arith.addi %get3A_338, %add3A_906 : vector<16xi32>
        tpu.vector_store_idx %arg8[%add3A_907], %gather3A_893 : memref<16384xf32, #tpu.memory_space<vmem>>[vector<16xi32>], vector<16xf32>,
        %add3A_908 = arith.constant 1136 : i32
        %add3A_909 = vector.broadcast %add3A_908 : i32 to vector<16xi32>
        %add3A_910 = arith.addi %get3A_343, %add3A_909 : vector<16xi32>
        tpu.vector_store_idx %arg8[%add3A_910], %gather3A_894 : memref<16384xf32, #tpu.memory_space<vmem>>[vector<16xi32>], vector<16xf32>,
        %add3A_911 = arith.constant 1136 : i32
        %add3A_912 = vector.broadcast %add3A_911 : i32 to vector<16xi32>
        %add3A_913 = arith.addi %get3A_348, %add3A_912 : vector<16xi32>
        tpu.vector_store_idx %arg8[%add3A_913], %gather3A_895 : memref<16384xf32, #tpu.memory_space<vmem>>[vector<16xi32>], vector<16xf32>,
        %add3A_914 = arith.constant 1136 : i32
        %add3A_915 = vector.broadcast %add3A_914 : i32 to vector<16xi32>
        %add3A_916 = arith.addi %get3A_353, %add3A_915 : vector<16xi32>
        tpu.vector_store_idx %arg8[%add3A_916], %gather3A_896 : memref<16384xf32, #tpu.memory_space<vmem>>[vector<16xi32>], vector<16xf32>,
        %add3A_917 = arith.constant 1136 : i32
        %add3A_918 = vector.broadcast %add3A_917 : i32 to vector<16xi32>
        %add3A_919 = arith.addi %get3A_358, %add3A_918 : vector<16xi32>
        tpu.vector_store_idx %arg8[%add3A_919], %gather3A_897 : memref<16384xf32, #tpu.memory_space<vmem>>[vector<16xi32>], vector<16xf32>,
        %add3A_920 = arith.constant 1136 : i32
        %add3A_921 = vector.broadcast %add3A_920 : i32 to vector<16xi32>
        %add3A_922 = arith.addi %get3A_363, %add3A_921 : vector<16xi32>
        tpu.vector_store_idx %arg8[%add3A_922], %gather3A_898 : memref<16384xf32, #tpu.memory_space<vmem>>[vector<16xi32>], vector<16xf32>,
        %add3A_923 = arith.constant 256 : i32
        %add3A_924 = vector.broadcast %add3A_923 : i32 to vector<16xi32>
        %add3A_925 = arith.addi %iota3A, %add3A_924 : vector<16xi32>
        %gather3A_926 = tpu.vector_load_idx %arg6[%add3A_925, %get3A_288] : memref<512x32xf32, #tpu.memory_space<vmem>>[vector<16xi32>, vector<16xi32>], vector<16xf32>,
        %gather3A_927 = tpu.vector_load_idx %arg6[%add3A_925, %get3A_293] : memref<512x32xf32, #tpu.memory_space<vmem>>[vector<16xi32>, vector<16xi32>], vector<16xf32>,
        %gather3A_928 = tpu.vector_load_idx %arg6[%add3A_925, %get3A_298] : memref<512x32xf32, #tpu.memory_space<vmem>>[vector<16xi32>, vector<16xi32>], vector<16xf32>,
        %gather3A_929 = tpu.vector_load_idx %arg6[%add3A_925, %get3A_303] : memref<512x32xf32, #tpu.memory_space<vmem>>[vector<16xi32>, vector<16xi32>], vector<16xf32>,
        %gather3A_930 = tpu.vector_load_idx %arg6[%add3A_925, %get3A_308] : memref<512x32xf32, #tpu.memory_space<vmem>>[vector<16xi32>, vector<16xi32>], vector<16xf32>,
        %gather3A_931 = tpu.vector_load_idx %arg6[%add3A_925, %get3A_313] : memref<512x32xf32, #tpu.memory_space<vmem>>[vector<16xi32>, vector<16xi32>], vector<16xf32>,
        %gather3A_932 = tpu.vector_load_idx %arg6[%add3A_925, %get3A_318] : memref<512x32xf32, #tpu.memory_space<vmem>>[vector<16xi32>, vector<16xi32>], vector<16xf32>,
        %gather3A_933 = tpu.vector_load_idx %arg6[%add3A_925, %get3A_323] : memref<512x32xf32, #tpu.memory_space<vmem>>[vector<16xi32>, vector<16xi32>], vector<16xf32>,
        %add3A_934 = arith.constant 2048 : i32
        %add3A_935 = vector.broadcast %add3A_934 : i32 to vector<16xi32>
        %add3A_936 = arith.addi %get3A_328, %add3A_935 : vector<16xi32>
        tpu.vector_store_idx %arg8[%add3A_936], %gather3A_926 : memref<16384xf32, #tpu.memory_space<vmem>>[vector<16xi32>], vector<16xf32>,
        %add3A_937 = arith.constant 2048 : i32
        %add3A_938 = vector.broadcast %add3A_937 : i32 to vector<16xi32>
        %add3A_939 = arith.addi %get3A_333, %add3A_938 : vector<16xi32>
        tpu.vector_store_idx %arg8[%add3A_939], %gather3A_927 : memref<16384xf32, #tpu.memory_space<vmem>>[vector<16xi32>], vector<16xf32>,
        %add3A_940 = arith.constant 2048 : i32
        %add3A_941 = vector.broadcast %add3A_940 : i32 to vector<16xi32>
        %add3A_942 = arith.addi %get3A_338, %add3A_941 : vector<16xi32>
        tpu.vector_store_idx %arg8[%add3A_942], %gather3A_928 : memref<16384xf32, #tpu.memory_space<vmem>>[vector<16xi32>], vector<16xf32>,
        %add3A_943 = arith.constant 2048 : i32
        %add3A_944 = vector.broadcast %add3A_943 : i32 to vector<16xi32>
        %add3A_945 = arith.addi %get3A_343, %add3A_944 : vector<16xi32>
        tpu.vector_store_idx %arg8[%add3A_945], %gather3A_929 : memref<16384xf32, #tpu.memory_space<vmem>>[vector<16xi32>], vector<16xf32>,
        %add3A_946 = arith.constant 2048 : i32
        %add3A_947 = vector.broadcast %add3A_946 : i32 to vector<16xi32>
        %add3A_948 = arith.addi %get3A_348, %add3A_947 : vector<16xi32>
        tpu.vector_store_idx %arg8[%add3A_948], %gather3A_930 : memref<16384xf32, #tpu.memory_space<vmem>>[vector<16xi32>], vector<16xf32>,
        %add3A_949 = arith.constant 2048 : i32
        %add3A_950 = vector.broadcast %add3A_949 : i32 to vector<16xi32>
        %add3A_951 = arith.addi %get3A_353, %add3A_950 : vector<16xi32>
        tpu.vector_store_idx %arg8[%add3A_951], %gather3A_931 : memref<16384xf32, #tpu.memory_space<vmem>>[vector<16xi32>], vector<16xf32>,
        %add3A_952 = arith.constant 2048 : i32
        %add3A_953 = vector.broadcast %add3A_952 : i32 to vector<16xi32>
        %add3A_954 = arith.addi %get3A_358, %add3A_953 : vector<16xi32>
        tpu.vector_store_idx %arg8[%add3A_954], %gather3A_932 : memref<16384xf32, #tpu.memory_space<vmem>>[vector<16xi32>], vector<16xf32>,
        %add3A_955 = arith.constant 2048 : i32
        %add3A_956 = vector.broadcast %add3A_955 : i32 to vector<16xi32>
        %add3A_957 = arith.addi %get3A_363, %add3A_956 : vector<16xi32>
        tpu.vector_store_idx %arg8[%add3A_957], %gather3A_933 : memref<16384xf32, #tpu.memory_space<vmem>>[vector<16xi32>], vector<16xf32>,
        %add3A_958 = arith.constant 272 : i32
        %add3A_959 = vector.broadcast %add3A_958 : i32 to vector<16xi32>
        %add3A_960 = arith.addi %iota3A, %add3A_959 : vector<16xi32>
        %gather3A_961 = tpu.vector_load_idx %arg6[%add3A_960, %get3A_288] : memref<512x32xf32, #tpu.memory_space<vmem>>[vector<16xi32>, vector<16xi32>], vector<16xf32>,
        %gather3A_962 = tpu.vector_load_idx %arg6[%add3A_960, %get3A_293] : memref<512x32xf32, #tpu.memory_space<vmem>>[vector<16xi32>, vector<16xi32>], vector<16xf32>,
        %gather3A_963 = tpu.vector_load_idx %arg6[%add3A_960, %get3A_298] : memref<512x32xf32, #tpu.memory_space<vmem>>[vector<16xi32>, vector<16xi32>], vector<16xf32>,
        %gather3A_964 = tpu.vector_load_idx %arg6[%add3A_960, %get3A_303] : memref<512x32xf32, #tpu.memory_space<vmem>>[vector<16xi32>, vector<16xi32>], vector<16xf32>,
        %gather3A_965 = tpu.vector_load_idx %arg6[%add3A_960, %get3A_308] : memref<512x32xf32, #tpu.memory_space<vmem>>[vector<16xi32>, vector<16xi32>], vector<16xf32>,
        %gather3A_966 = tpu.vector_load_idx %arg6[%add3A_960, %get3A_313] : memref<512x32xf32, #tpu.memory_space<vmem>>[vector<16xi32>, vector<16xi32>], vector<16xf32>,
        %gather3A_967 = tpu.vector_load_idx %arg6[%add3A_960, %get3A_318] : memref<512x32xf32, #tpu.memory_space<vmem>>[vector<16xi32>, vector<16xi32>], vector<16xf32>,
        %gather3A_968 = tpu.vector_load_idx %arg6[%add3A_960, %get3A_323] : memref<512x32xf32, #tpu.memory_space<vmem>>[vector<16xi32>, vector<16xi32>], vector<16xf32>,
        %add3A_969 = arith.constant 2064 : i32
        %add3A_970 = vector.broadcast %add3A_969 : i32 to vector<16xi32>
        %add3A_971 = arith.addi %get3A_328, %add3A_970 : vector<16xi32>
        tpu.vector_store_idx %arg8[%add3A_971], %gather3A_961 : memref<16384xf32, #tpu.memory_space<vmem>>[vector<16xi32>], vector<16xf32>,
        %add3A_972 = arith.constant 2064 : i32
        %add3A_973 = vector.broadcast %add3A_972 : i32 to vector<16xi32>
        %add3A_974 = arith.addi %get3A_333, %add3A_973 : vector<16xi32>
        tpu.vector_store_idx %arg8[%add3A_974], %gather3A_962 : memref<16384xf32, #tpu.memory_space<vmem>>[vector<16xi32>], vector<16xf32>,
        %add3A_975 = arith.constant 2064 : i32
        %add3A_976 = vector.broadcast %add3A_975 : i32 to vector<16xi32>
        %add3A_977 = arith.addi %get3A_338, %add3A_976 : vector<16xi32>
        tpu.vector_store_idx %arg8[%add3A_977], %gather3A_963 : memref<16384xf32, #tpu.memory_space<vmem>>[vector<16xi32>], vector<16xf32>,
        %add3A_978 = arith.constant 2064 : i32
        %add3A_979 = vector.broadcast %add3A_978 : i32 to vector<16xi32>
        %add3A_980 = arith.addi %get3A_343, %add3A_979 : vector<16xi32>
        tpu.vector_store_idx %arg8[%add3A_980], %gather3A_964 : memref<16384xf32, #tpu.memory_space<vmem>>[vector<16xi32>], vector<16xf32>,
        %add3A_981 = arith.constant 2064 : i32
        %add3A_982 = vector.broadcast %add3A_981 : i32 to vector<16xi32>
        %add3A_983 = arith.addi %get3A_348, %add3A_982 : vector<16xi32>
        tpu.vector_store_idx %arg8[%add3A_983], %gather3A_965 : memref<16384xf32, #tpu.memory_space<vmem>>[vector<16xi32>], vector<16xf32>,
        %add3A_984 = arith.constant 2064 : i32
        %add3A_985 = vector.broadcast %add3A_984 : i32 to vector<16xi32>
        %add3A_986 = arith.addi %get3A_353, %add3A_985 : vector<16xi32>
        tpu.vector_store_idx %arg8[%add3A_986], %gather3A_966 : memref<16384xf32, #tpu.memory_space<vmem>>[vector<16xi32>], vector<16xf32>,
        %add3A_987 = arith.constant 2064 : i32
        %add3A_988 = vector.broadcast %add3A_987 : i32 to vector<16xi32>
        %add3A_989 = arith.addi %get3A_358, %add3A_988 : vector<16xi32>
        tpu.vector_store_idx %arg8[%add3A_989], %gather3A_967 : memref<16384xf32, #tpu.memory_space<vmem>>[vector<16xi32>], vector<16xf32>,
        %add3A_990 = arith.constant 2064 : i32
        %add3A_991 = vector.broadcast %add3A_990 : i32 to vector<16xi32>
        %add3A_992 = arith.addi %get3A_363, %add3A_991 : vector<16xi32>
        tpu.vector_store_idx %arg8[%add3A_992], %gather3A_968 : memref<16384xf32, #tpu.memory_space<vmem>>[vector<16xi32>], vector<16xf32>,
        %add3A_993 = arith.constant 288 : i32
        %add3A_994 = vector.broadcast %add3A_993 : i32 to vector<16xi32>
        %add3A_995 = arith.addi %iota3A, %add3A_994 : vector<16xi32>
        %gather3A_996 = tpu.vector_load_idx %arg6[%add3A_995, %get3A_288] : memref<512x32xf32, #tpu.memory_space<vmem>>[vector<16xi32>, vector<16xi32>], vector<16xf32>,
        %gather3A_997 = tpu.vector_load_idx %arg6[%add3A_995, %get3A_293] : memref<512x32xf32, #tpu.memory_space<vmem>>[vector<16xi32>, vector<16xi32>], vector<16xf32>,
        %gather3A_998 = tpu.vector_load_idx %arg6[%add3A_995, %get3A_298] : memref<512x32xf32, #tpu.memory_space<vmem>>[vector<16xi32>, vector<16xi32>], vector<16xf32>,
        %gather3A_999 = tpu.vector_load_idx %arg6[%add3A_995, %get3A_303] : memref<512x32xf32, #tpu.memory_space<vmem>>[vector<16xi32>, vector<16xi32>], vector<16xf32>,
        %gather3A_1000 = tpu.vector_load_idx %arg6[%add3A_995, %get3A_308] : memref<512x32xf32, #tpu.memory_space<vmem>>[vector<16xi32>, vector<16xi32>], vector<16xf32>,
        %gather3A_1001 = tpu.vector_load_idx %arg6[%add3A_995, %get3A_313] : memref<512x32xf32, #tpu.memory_space<vmem>>[vector<16xi32>, vector<16xi32>], vector<16xf32>,
        %gather3A_1002 = tpu.vector_load_idx %arg6[%add3A_995, %get3A_318] : memref<512x32xf32, #tpu.memory_space<vmem>>[vector<16xi32>, vector<16xi32>], vector<16xf32>,
        %gather3A_1003 = tpu.vector_load_idx %arg6[%add3A_995, %get3A_323] : memref<512x32xf32, #tpu.memory_space<vmem>>[vector<16xi32>, vector<16xi32>], vector<16xf32>,
        %add3A_1004 = arith.constant 2080 : i32
        %add3A_1005 = vector.broadcast %add3A_1004 : i32 to vector<16xi32>
        %add3A_1006 = arith.addi %get3A_328, %add3A_1005 : vector<16xi32>
        tpu.vector_store_idx %arg8[%add3A_1006], %gather3A_996 : memref<16384xf32, #tpu.memory_space<vmem>>[vector<16xi32>], vector<16xf32>,
        %add3A_1007 = arith.constant 2080 : i32
        %add3A_1008 = vector.broadcast %add3A_1007 : i32 to vector<16xi32>
        %add3A_1009 = arith.addi %get3A_333, %add3A_1008 : vector<16xi32>
        tpu.vector_store_idx %arg8[%add3A_1009], %gather3A_997 : memref<16384xf32, #tpu.memory_space<vmem>>[vector<16xi32>], vector<16xf32>,
        %add3A_1010 = arith.constant 2080 : i32
        %add3A_1011 = vector.broadcast %add3A_1010 : i32 to vector<16xi32>
        %add3A_1012 = arith.addi %get3A_338, %add3A_1011 : vector<16xi32>
        tpu.vector_store_idx %arg8[%add3A_1012], %gather3A_998 : memref<16384xf32, #tpu.memory_space<vmem>>[vector<16xi32>], vector<16xf32>,
        %add3A_1013 = arith.constant 2080 : i32
        %add3A_1014 = vector.broadcast %add3A_1013 : i32 to vector<16xi32>
        %add3A_1015 = arith.addi %get3A_343, %add3A_1014 : vector<16xi32>
        tpu.vector_store_idx %arg8[%add3A_1015], %gather3A_999 : memref<16384xf32, #tpu.memory_space<vmem>>[vector<16xi32>], vector<16xf32>,
        %add3A_1016 = arith.constant 2080 : i32
        %add3A_1017 = vector.broadcast %add3A_1016 : i32 to vector<16xi32>
        %add3A_1018 = arith.addi %get3A_348, %add3A_1017 : vector<16xi32>
        tpu.vector_store_idx %arg8[%add3A_1018], %gather3A_1000 : memref<16384xf32, #tpu.memory_space<vmem>>[vector<16xi32>], vector<16xf32>,
        %add3A_1019 = arith.constant 2080 : i32
        %add3A_1020 = vector.broadcast %add3A_1019 : i32 to vector<16xi32>
        %add3A_1021 = arith.addi %get3A_353, %add3A_1020 : vector<16xi32>
        tpu.vector_store_idx %arg8[%add3A_1021], %gather3A_1001 : memref<16384xf32, #tpu.memory_space<vmem>>[vector<16xi32>], vector<16xf32>,
        %add3A_1022 = arith.constant 2080 : i32
        %add3A_1023 = vector.broadcast %add3A_1022 : i32 to vector<16xi32>
        %add3A_1024 = arith.addi %get3A_358, %add3A_1023 : vector<16xi32>
        tpu.vector_store_idx %arg8[%add3A_1024], %gather3A_1002 : memref<16384xf32, #tpu.memory_space<vmem>>[vector<16xi32>], vector<16xf32>,
        %add3A_1025 = arith.constant 2080 : i32
        %add3A_1026 = vector.broadcast %add3A_1025 : i32 to vector<16xi32>
        %add3A_1027 = arith.addi %get3A_363, %add3A_1026 : vector<16xi32>
        tpu.vector_store_idx %arg8[%add3A_1027], %gather3A_1003 : memref<16384xf32, #tpu.memory_space<vmem>>[vector<16xi32>], vector<16xf32>,
        %add3A_1028 = arith.constant 304 : i32
        %add3A_1029 = vector.broadcast %add3A_1028 : i32 to vector<16xi32>
        %add3A_1030 = arith.addi %iota3A, %add3A_1029 : vector<16xi32>
        %gather3A_1031 = tpu.vector_load_idx %arg6[%add3A_1030, %get3A_288] : memref<512x32xf32, #tpu.memory_space<vmem>>[vector<16xi32>, vector<16xi32>], vector<16xf32>,
        %gather3A_1032 = tpu.vector_load_idx %arg6[%add3A_1030, %get3A_293] : memref<512x32xf32, #tpu.memory_space<vmem>>[vector<16xi32>, vector<16xi32>], vector<16xf32>,
        %gather3A_1033 = tpu.vector_load_idx %arg6[%add3A_1030, %get3A_298] : memref<512x32xf32, #tpu.memory_space<vmem>>[vector<16xi32>, vector<16xi32>], vector<16xf32>,
        %gather3A_1034 = tpu.vector_load_idx %arg6[%add3A_1030, %get3A_303] : memref<512x32xf32, #tpu.memory_space<vmem>>[vector<16xi32>, vector<16xi32>], vector<16xf32>,
        %gather3A_1035 = tpu.vector_load_idx %arg6[%add3A_1030, %get3A_308] : memref<512x32xf32, #tpu.memory_space<vmem>>[vector<16xi32>, vector<16xi32>], vector<16xf32>,
        %gather3A_1036 = tpu.vector_load_idx %arg6[%add3A_1030, %get3A_313] : memref<512x32xf32, #tpu.memory_space<vmem>>[vector<16xi32>, vector<16xi32>], vector<16xf32>,
        %gather3A_1037 = tpu.vector_load_idx %arg6[%add3A_1030, %get3A_318] : memref<512x32xf32, #tpu.memory_space<vmem>>[vector<16xi32>, vector<16xi32>], vector<16xf32>,
        %gather3A_1038 = tpu.vector_load_idx %arg6[%add3A_1030, %get3A_323] : memref<512x32xf32, #tpu.memory_space<vmem>>[vector<16xi32>, vector<16xi32>], vector<16xf32>,
        %add3A_1039 = arith.constant 2096 : i32
        %add3A_1040 = vector.broadcast %add3A_1039 : i32 to vector<16xi32>
        %add3A_1041 = arith.addi %get3A_328, %add3A_1040 : vector<16xi32>
        tpu.vector_store_idx %arg8[%add3A_1041], %gather3A_1031 : memref<16384xf32, #tpu.memory_space<vmem>>[vector<16xi32>], vector<16xf32>,
        %add3A_1042 = arith.constant 2096 : i32
        %add3A_1043 = vector.broadcast %add3A_1042 : i32 to vector<16xi32>
        %add3A_1044 = arith.addi %get3A_333, %add3A_1043 : vector<16xi32>
        tpu.vector_store_idx %arg8[%add3A_1044], %gather3A_1032 : memref<16384xf32, #tpu.memory_space<vmem>>[vector<16xi32>], vector<16xf32>,
        %add3A_1045 = arith.constant 2096 : i32
        %add3A_1046 = vector.broadcast %add3A_1045 : i32 to vector<16xi32>
        %add3A_1047 = arith.addi %get3A_338, %add3A_1046 : vector<16xi32>
        tpu.vector_store_idx %arg8[%add3A_1047], %gather3A_1033 : memref<16384xf32, #tpu.memory_space<vmem>>[vector<16xi32>], vector<16xf32>,
        %add3A_1048 = arith.constant 2096 : i32
        %add3A_1049 = vector.broadcast %add3A_1048 : i32 to vector<16xi32>
        %add3A_1050 = arith.addi %get3A_343, %add3A_1049 : vector<16xi32>
        tpu.vector_store_idx %arg8[%add3A_1050], %gather3A_1034 : memref<16384xf32, #tpu.memory_space<vmem>>[vector<16xi32>], vector<16xf32>,
        %add3A_1051 = arith.constant 2096 : i32
        %add3A_1052 = vector.broadcast %add3A_1051 : i32 to vector<16xi32>
        %add3A_1053 = arith.addi %get3A_348, %add3A_1052 : vector<16xi32>
        tpu.vector_store_idx %arg8[%add3A_1053], %gather3A_1035 : memref<16384xf32, #tpu.memory_space<vmem>>[vector<16xi32>], vector<16xf32>,
        %add3A_1054 = arith.constant 2096 : i32
        %add3A_1055 = vector.broadcast %add3A_1054 : i32 to vector<16xi32>
        %add3A_1056 = arith.addi %get3A_353, %add3A_1055 : vector<16xi32>
        tpu.vector_store_idx %arg8[%add3A_1056], %gather3A_1036 : memref<16384xf32, #tpu.memory_space<vmem>>[vector<16xi32>], vector<16xf32>,
        %add3A_1057 = arith.constant 2096 : i32
        %add3A_1058 = vector.broadcast %add3A_1057 : i32 to vector<16xi32>
        %add3A_1059 = arith.addi %get3A_358, %add3A_1058 : vector<16xi32>
        tpu.vector_store_idx %arg8[%add3A_1059], %gather3A_1037 : memref<16384xf32, #tpu.memory_space<vmem>>[vector<16xi32>], vector<16xf32>,
        %add3A_1060 = arith.constant 2096 : i32
        %add3A_1061 = vector.broadcast %add3A_1060 : i32 to vector<16xi32>
        %add3A_1062 = arith.addi %get3A_363, %add3A_1061 : vector<16xi32>
        tpu.vector_store_idx %arg8[%add3A_1062], %gather3A_1038 : memref<16384xf32, #tpu.memory_space<vmem>>[vector<16xi32>], vector<16xf32>,
        %add3A_1063 = arith.constant 320 : i32
        %add3A_1064 = vector.broadcast %add3A_1063 : i32 to vector<16xi32>
        %add3A_1065 = arith.addi %iota3A, %add3A_1064 : vector<16xi32>
        %gather3A_1066 = tpu.vector_load_idx %arg6[%add3A_1065, %get3A_288] : memref<512x32xf32, #tpu.memory_space<vmem>>[vector<16xi32>, vector<16xi32>], vector<16xf32>,
        %gather3A_1067 = tpu.vector_load_idx %arg6[%add3A_1065, %get3A_293] : memref<512x32xf32, #tpu.memory_space<vmem>>[vector<16xi32>, vector<16xi32>], vector<16xf32>,
        %gather3A_1068 = tpu.vector_load_idx %arg6[%add3A_1065, %get3A_298] : memref<512x32xf32, #tpu.memory_space<vmem>>[vector<16xi32>, vector<16xi32>], vector<16xf32>,
        %gather3A_1069 = tpu.vector_load_idx %arg6[%add3A_1065, %get3A_303] : memref<512x32xf32, #tpu.memory_space<vmem>>[vector<16xi32>, vector<16xi32>], vector<16xf32>,
        %gather3A_1070 = tpu.vector_load_idx %arg6[%add3A_1065, %get3A_308] : memref<512x32xf32, #tpu.memory_space<vmem>>[vector<16xi32>, vector<16xi32>], vector<16xf32>,
        %gather3A_1071 = tpu.vector_load_idx %arg6[%add3A_1065, %get3A_313] : memref<512x32xf32, #tpu.memory_space<vmem>>[vector<16xi32>, vector<16xi32>], vector<16xf32>,
        %gather3A_1072 = tpu.vector_load_idx %arg6[%add3A_1065, %get3A_318] : memref<512x32xf32, #tpu.memory_space<vmem>>[vector<16xi32>, vector<16xi32>], vector<16xf32>,
        %gather3A_1073 = tpu.vector_load_idx %arg6[%add3A_1065, %get3A_323] : memref<512x32xf32, #tpu.memory_space<vmem>>[vector<16xi32>, vector<16xi32>], vector<16xf32>,
        %add3A_1074 = arith.constant 2112 : i32
        %add3A_1075 = vector.broadcast %add3A_1074 : i32 to vector<16xi32>
        %add3A_1076 = arith.addi %get3A_328, %add3A_1075 : vector<16xi32>
        tpu.vector_store_idx %arg8[%add3A_1076], %gather3A_1066 : memref<16384xf32, #tpu.memory_space<vmem>>[vector<16xi32>], vector<16xf32>,
        %add3A_1077 = arith.constant 2112 : i32
        %add3A_1078 = vector.broadcast %add3A_1077 : i32 to vector<16xi32>
        %add3A_1079 = arith.addi %get3A_333, %add3A_1078 : vector<16xi32>
        tpu.vector_store_idx %arg8[%add3A_1079], %gather3A_1067 : memref<16384xf32, #tpu.memory_space<vmem>>[vector<16xi32>], vector<16xf32>,
        %add3A_1080 = arith.constant 2112 : i32
        %add3A_1081 = vector.broadcast %add3A_1080 : i32 to vector<16xi32>
        %add3A_1082 = arith.addi %get3A_338, %add3A_1081 : vector<16xi32>
        tpu.vector_store_idx %arg8[%add3A_1082], %gather3A_1068 : memref<16384xf32, #tpu.memory_space<vmem>>[vector<16xi32>], vector<16xf32>,
        %add3A_1083 = arith.constant 2112 : i32
        %add3A_1084 = vector.broadcast %add3A_1083 : i32 to vector<16xi32>
        %add3A_1085 = arith.addi %get3A_343, %add3A_1084 : vector<16xi32>
        tpu.vector_store_idx %arg8[%add3A_1085], %gather3A_1069 : memref<16384xf32, #tpu.memory_space<vmem>>[vector<16xi32>], vector<16xf32>,
        %add3A_1086 = arith.constant 2112 : i32
        %add3A_1087 = vector.broadcast %add3A_1086 : i32 to vector<16xi32>
        %add3A_1088 = arith.addi %get3A_348, %add3A_1087 : vector<16xi32>
        tpu.vector_store_idx %arg8[%add3A_1088], %gather3A_1070 : memref<16384xf32, #tpu.memory_space<vmem>>[vector<16xi32>], vector<16xf32>,
        %add3A_1089 = arith.constant 2112 : i32
        %add3A_1090 = vector.broadcast %add3A_1089 : i32 to vector<16xi32>
        %add3A_1091 = arith.addi %get3A_353, %add3A_1090 : vector<16xi32>
        tpu.vector_store_idx %arg8[%add3A_1091], %gather3A_1071 : memref<16384xf32, #tpu.memory_space<vmem>>[vector<16xi32>], vector<16xf32>,
        %add3A_1092 = arith.constant 2112 : i32
        %add3A_1093 = vector.broadcast %add3A_1092 : i32 to vector<16xi32>
        %add3A_1094 = arith.addi %get3A_358, %add3A_1093 : vector<16xi32>
        tpu.vector_store_idx %arg8[%add3A_1094], %gather3A_1072 : memref<16384xf32, #tpu.memory_space<vmem>>[vector<16xi32>], vector<16xf32>,
        %add3A_1095 = arith.constant 2112 : i32
        %add3A_1096 = vector.broadcast %add3A_1095 : i32 to vector<16xi32>
        %add3A_1097 = arith.addi %get3A_363, %add3A_1096 : vector<16xi32>
        tpu.vector_store_idx %arg8[%add3A_1097], %gather3A_1073 : memref<16384xf32, #tpu.memory_space<vmem>>[vector<16xi32>], vector<16xf32>,
        %add3A_1098 = arith.constant 336 : i32
        %add3A_1099 = vector.broadcast %add3A_1098 : i32 to vector<16xi32>
        %add3A_1100 = arith.addi %iota3A, %add3A_1099 : vector<16xi32>
        %gather3A_1101 = tpu.vector_load_idx %arg6[%add3A_1100, %get3A_288] : memref<512x32xf32, #tpu.memory_space<vmem>>[vector<16xi32>, vector<16xi32>], vector<16xf32>,
        %gather3A_1102 = tpu.vector_load_idx %arg6[%add3A_1100, %get3A_293] : memref<512x32xf32, #tpu.memory_space<vmem>>[vector<16xi32>, vector<16xi32>], vector<16xf32>,
        %gather3A_1103 = tpu.vector_load_idx %arg6[%add3A_1100, %get3A_298] : memref<512x32xf32, #tpu.memory_space<vmem>>[vector<16xi32>, vector<16xi32>], vector<16xf32>,
        %gather3A_1104 = tpu.vector_load_idx %arg6[%add3A_1100, %get3A_303] : memref<512x32xf32, #tpu.memory_space<vmem>>[vector<16xi32>, vector<16xi32>], vector<16xf32>,
        %gather3A_1105 = tpu.vector_load_idx %arg6[%add3A_1100, %get3A_308] : memref<512x32xf32, #tpu.memory_space<vmem>>[vector<16xi32>, vector<16xi32>], vector<16xf32>,
        %gather3A_1106 = tpu.vector_load_idx %arg6[%add3A_1100, %get3A_313] : memref<512x32xf32, #tpu.memory_space<vmem>>[vector<16xi32>, vector<16xi32>], vector<16xf32>,
        %gather3A_1107 = tpu.vector_load_idx %arg6[%add3A_1100, %get3A_318] : memref<512x32xf32, #tpu.memory_space<vmem>>[vector<16xi32>, vector<16xi32>], vector<16xf32>,
        %gather3A_1108 = tpu.vector_load_idx %arg6[%add3A_1100, %get3A_323] : memref<512x32xf32, #tpu.memory_space<vmem>>[vector<16xi32>, vector<16xi32>], vector<16xf32>,
        %add3A_1109 = arith.constant 2128 : i32
        %add3A_1110 = vector.broadcast %add3A_1109 : i32 to vector<16xi32>
        %add3A_1111 = arith.addi %get3A_328, %add3A_1110 : vector<16xi32>
        tpu.vector_store_idx %arg8[%add3A_1111], %gather3A_1101 : memref<16384xf32, #tpu.memory_space<vmem>>[vector<16xi32>], vector<16xf32>,
        %add3A_1112 = arith.constant 2128 : i32
        %add3A_1113 = vector.broadcast %add3A_1112 : i32 to vector<16xi32>
        %add3A_1114 = arith.addi %get3A_333, %add3A_1113 : vector<16xi32>
        tpu.vector_store_idx %arg8[%add3A_1114], %gather3A_1102 : memref<16384xf32, #tpu.memory_space<vmem>>[vector<16xi32>], vector<16xf32>,
        %add3A_1115 = arith.constant 2128 : i32
        %add3A_1116 = vector.broadcast %add3A_1115 : i32 to vector<16xi32>
        %add3A_1117 = arith.addi %get3A_338, %add3A_1116 : vector<16xi32>
        tpu.vector_store_idx %arg8[%add3A_1117], %gather3A_1103 : memref<16384xf32, #tpu.memory_space<vmem>>[vector<16xi32>], vector<16xf32>,
        %add3A_1118 = arith.constant 2128 : i32
        %add3A_1119 = vector.broadcast %add3A_1118 : i32 to vector<16xi32>
        %add3A_1120 = arith.addi %get3A_343, %add3A_1119 : vector<16xi32>
        tpu.vector_store_idx %arg8[%add3A_1120], %gather3A_1104 : memref<16384xf32, #tpu.memory_space<vmem>>[vector<16xi32>], vector<16xf32>,
        %add3A_1121 = arith.constant 2128 : i32
        %add3A_1122 = vector.broadcast %add3A_1121 : i32 to vector<16xi32>
        %add3A_1123 = arith.addi %get3A_348, %add3A_1122 : vector<16xi32>
        tpu.vector_store_idx %arg8[%add3A_1123], %gather3A_1105 : memref<16384xf32, #tpu.memory_space<vmem>>[vector<16xi32>], vector<16xf32>,
        %add3A_1124 = arith.constant 2128 : i32
        %add3A_1125 = vector.broadcast %add3A_1124 : i32 to vector<16xi32>
        %add3A_1126 = arith.addi %get3A_353, %add3A_1125 : vector<16xi32>
        tpu.vector_store_idx %arg8[%add3A_1126], %gather3A_1106 : memref<16384xf32, #tpu.memory_space<vmem>>[vector<16xi32>], vector<16xf32>,
        %add3A_1127 = arith.constant 2128 : i32
        %add3A_1128 = vector.broadcast %add3A_1127 : i32 to vector<16xi32>
        %add3A_1129 = arith.addi %get3A_358, %add3A_1128 : vector<16xi32>
        tpu.vector_store_idx %arg8[%add3A_1129], %gather3A_1107 : memref<16384xf32, #tpu.memory_space<vmem>>[vector<16xi32>], vector<16xf32>,
        %add3A_1130 = arith.constant 2128 : i32
        %add3A_1131 = vector.broadcast %add3A_1130 : i32 to vector<16xi32>
        %add3A_1132 = arith.addi %get3A_363, %add3A_1131 : vector<16xi32>
        tpu.vector_store_idx %arg8[%add3A_1132], %gather3A_1108 : memref<16384xf32, #tpu.memory_space<vmem>>[vector<16xi32>], vector<16xf32>,
        %add3A_1133 = arith.constant 352 : i32
        %add3A_1134 = vector.broadcast %add3A_1133 : i32 to vector<16xi32>
        %add3A_1135 = arith.addi %iota3A, %add3A_1134 : vector<16xi32>
        %gather3A_1136 = tpu.vector_load_idx %arg6[%add3A_1135, %get3A_288] : memref<512x32xf32, #tpu.memory_space<vmem>>[vector<16xi32>, vector<16xi32>], vector<16xf32>,
        %gather3A_1137 = tpu.vector_load_idx %arg6[%add3A_1135, %get3A_293] : memref<512x32xf32, #tpu.memory_space<vmem>>[vector<16xi32>, vector<16xi32>], vector<16xf32>,
        %gather3A_1138 = tpu.vector_load_idx %arg6[%add3A_1135, %get3A_298] : memref<512x32xf32, #tpu.memory_space<vmem>>[vector<16xi32>, vector<16xi32>], vector<16xf32>,
        %gather3A_1139 = tpu.vector_load_idx %arg6[%add3A_1135, %get3A_303] : memref<512x32xf32, #tpu.memory_space<vmem>>[vector<16xi32>, vector<16xi32>], vector<16xf32>,
        %gather3A_1140 = tpu.vector_load_idx %arg6[%add3A_1135, %get3A_308] : memref<512x32xf32, #tpu.memory_space<vmem>>[vector<16xi32>, vector<16xi32>], vector<16xf32>,
        %gather3A_1141 = tpu.vector_load_idx %arg6[%add3A_1135, %get3A_313] : memref<512x32xf32, #tpu.memory_space<vmem>>[vector<16xi32>, vector<16xi32>], vector<16xf32>,
        %gather3A_1142 = tpu.vector_load_idx %arg6[%add3A_1135, %get3A_318] : memref<512x32xf32, #tpu.memory_space<vmem>>[vector<16xi32>, vector<16xi32>], vector<16xf32>,
        %gather3A_1143 = tpu.vector_load_idx %arg6[%add3A_1135, %get3A_323] : memref<512x32xf32, #tpu.memory_space<vmem>>[vector<16xi32>, vector<16xi32>], vector<16xf32>,
        %add3A_1144 = arith.constant 2144 : i32
        %add3A_1145 = vector.broadcast %add3A_1144 : i32 to vector<16xi32>
        %add3A_1146 = arith.addi %get3A_328, %add3A_1145 : vector<16xi32>
        tpu.vector_store_idx %arg8[%add3A_1146], %gather3A_1136 : memref<16384xf32, #tpu.memory_space<vmem>>[vector<16xi32>], vector<16xf32>,
        %add3A_1147 = arith.constant 2144 : i32
        %add3A_1148 = vector.broadcast %add3A_1147 : i32 to vector<16xi32>
        %add3A_1149 = arith.addi %get3A_333, %add3A_1148 : vector<16xi32>
        tpu.vector_store_idx %arg8[%add3A_1149], %gather3A_1137 : memref<16384xf32, #tpu.memory_space<vmem>>[vector<16xi32>], vector<16xf32>,
        %add3A_1150 = arith.constant 2144 : i32
        %add3A_1151 = vector.broadcast %add3A_1150 : i32 to vector<16xi32>
        %add3A_1152 = arith.addi %get3A_338, %add3A_1151 : vector<16xi32>
        tpu.vector_store_idx %arg8[%add3A_1152], %gather3A_1138 : memref<16384xf32, #tpu.memory_space<vmem>>[vector<16xi32>], vector<16xf32>,
        %add3A_1153 = arith.constant 2144 : i32
        %add3A_1154 = vector.broadcast %add3A_1153 : i32 to vector<16xi32>
        %add3A_1155 = arith.addi %get3A_343, %add3A_1154 : vector<16xi32>
        tpu.vector_store_idx %arg8[%add3A_1155], %gather3A_1139 : memref<16384xf32, #tpu.memory_space<vmem>>[vector<16xi32>], vector<16xf32>,
        %add3A_1156 = arith.constant 2144 : i32
        %add3A_1157 = vector.broadcast %add3A_1156 : i32 to vector<16xi32>
        %add3A_1158 = arith.addi %get3A_348, %add3A_1157 : vector<16xi32>
        tpu.vector_store_idx %arg8[%add3A_1158], %gather3A_1140 : memref<16384xf32, #tpu.memory_space<vmem>>[vector<16xi32>], vector<16xf32>,
        %add3A_1159 = arith.constant 2144 : i32
        %add3A_1160 = vector.broadcast %add3A_1159 : i32 to vector<16xi32>
        %add3A_1161 = arith.addi %get3A_353, %add3A_1160 : vector<16xi32>
        tpu.vector_store_idx %arg8[%add3A_1161], %gather3A_1141 : memref<16384xf32, #tpu.memory_space<vmem>>[vector<16xi32>], vector<16xf32>,
        %add3A_1162 = arith.constant 2144 : i32
        %add3A_1163 = vector.broadcast %add3A_1162 : i32 to vector<16xi32>
        %add3A_1164 = arith.addi %get3A_358, %add3A_1163 : vector<16xi32>
        tpu.vector_store_idx %arg8[%add3A_1164], %gather3A_1142 : memref<16384xf32, #tpu.memory_space<vmem>>[vector<16xi32>], vector<16xf32>,
        %add3A_1165 = arith.constant 2144 : i32
        %add3A_1166 = vector.broadcast %add3A_1165 : i32 to vector<16xi32>
        %add3A_1167 = arith.addi %get3A_363, %add3A_1166 : vector<16xi32>
        tpu.vector_store_idx %arg8[%add3A_1167], %gather3A_1143 : memref<16384xf32, #tpu.memory_space<vmem>>[vector<16xi32>], vector<16xf32>,
        %add3A_1168 = arith.constant 368 : i32
        %add3A_1169 = vector.broadcast %add3A_1168 : i32 to vector<16xi32>
        %add3A_1170 = arith.addi %iota3A, %add3A_1169 : vector<16xi32>
        %gather3A_1171 = tpu.vector_load_idx %arg6[%add3A_1170, %get3A_288] : memref<512x32xf32, #tpu.memory_space<vmem>>[vector<16xi32>, vector<16xi32>], vector<16xf32>,
        %gather3A_1172 = tpu.vector_load_idx %arg6[%add3A_1170, %get3A_293] : memref<512x32xf32, #tpu.memory_space<vmem>>[vector<16xi32>, vector<16xi32>], vector<16xf32>,
        %gather3A_1173 = tpu.vector_load_idx %arg6[%add3A_1170, %get3A_298] : memref<512x32xf32, #tpu.memory_space<vmem>>[vector<16xi32>, vector<16xi32>], vector<16xf32>,
        %gather3A_1174 = tpu.vector_load_idx %arg6[%add3A_1170, %get3A_303] : memref<512x32xf32, #tpu.memory_space<vmem>>[vector<16xi32>, vector<16xi32>], vector<16xf32>,
        %gather3A_1175 = tpu.vector_load_idx %arg6[%add3A_1170, %get3A_308] : memref<512x32xf32, #tpu.memory_space<vmem>>[vector<16xi32>, vector<16xi32>], vector<16xf32>,
        %gather3A_1176 = tpu.vector_load_idx %arg6[%add3A_1170, %get3A_313] : memref<512x32xf32, #tpu.memory_space<vmem>>[vector<16xi32>, vector<16xi32>], vector<16xf32>,
        %gather3A_1177 = tpu.vector_load_idx %arg6[%add3A_1170, %get3A_318] : memref<512x32xf32, #tpu.memory_space<vmem>>[vector<16xi32>, vector<16xi32>], vector<16xf32>,
        %gather3A_1178 = tpu.vector_load_idx %arg6[%add3A_1170, %get3A_323] : memref<512x32xf32, #tpu.memory_space<vmem>>[vector<16xi32>, vector<16xi32>], vector<16xf32>,
        %add3A_1179 = arith.constant 2160 : i32
        %add3A_1180 = vector.broadcast %add3A_1179 : i32 to vector<16xi32>
        %add3A_1181 = arith.addi %get3A_328, %add3A_1180 : vector<16xi32>
        tpu.vector_store_idx %arg8[%add3A_1181], %gather3A_1171 : memref<16384xf32, #tpu.memory_space<vmem>>[vector<16xi32>], vector<16xf32>,
        %add3A_1182 = arith.constant 2160 : i32
        %add3A_1183 = vector.broadcast %add3A_1182 : i32 to vector<16xi32>
        %add3A_1184 = arith.addi %get3A_333, %add3A_1183 : vector<16xi32>
        tpu.vector_store_idx %arg8[%add3A_1184], %gather3A_1172 : memref<16384xf32, #tpu.memory_space<vmem>>[vector<16xi32>], vector<16xf32>,
        %add3A_1185 = arith.constant 2160 : i32
        %add3A_1186 = vector.broadcast %add3A_1185 : i32 to vector<16xi32>
        %add3A_1187 = arith.addi %get3A_338, %add3A_1186 : vector<16xi32>
        tpu.vector_store_idx %arg8[%add3A_1187], %gather3A_1173 : memref<16384xf32, #tpu.memory_space<vmem>>[vector<16xi32>], vector<16xf32>,
        %add3A_1188 = arith.constant 2160 : i32
        %add3A_1189 = vector.broadcast %add3A_1188 : i32 to vector<16xi32>
        %add3A_1190 = arith.addi %get3A_343, %add3A_1189 : vector<16xi32>
        tpu.vector_store_idx %arg8[%add3A_1190], %gather3A_1174 : memref<16384xf32, #tpu.memory_space<vmem>>[vector<16xi32>], vector<16xf32>,
        %add3A_1191 = arith.constant 2160 : i32
        %add3A_1192 = vector.broadcast %add3A_1191 : i32 to vector<16xi32>
        %add3A_1193 = arith.addi %get3A_348, %add3A_1192 : vector<16xi32>
        tpu.vector_store_idx %arg8[%add3A_1193], %gather3A_1175 : memref<16384xf32, #tpu.memory_space<vmem>>[vector<16xi32>], vector<16xf32>,
        %add3A_1194 = arith.constant 2160 : i32
        %add3A_1195 = vector.broadcast %add3A_1194 : i32 to vector<16xi32>
        %add3A_1196 = arith.addi %get3A_353, %add3A_1195 : vector<16xi32>
        tpu.vector_store_idx %arg8[%add3A_1196], %gather3A_1176 : memref<16384xf32, #tpu.memory_space<vmem>>[vector<16xi32>], vector<16xf32>,
        %add3A_1197 = arith.constant 2160 : i32
        %add3A_1198 = vector.broadcast %add3A_1197 : i32 to vector<16xi32>
        %add3A_1199 = arith.addi %get3A_358, %add3A_1198 : vector<16xi32>
        tpu.vector_store_idx %arg8[%add3A_1199], %gather3A_1177 : memref<16384xf32, #tpu.memory_space<vmem>>[vector<16xi32>], vector<16xf32>,
        %add3A_1200 = arith.constant 2160 : i32
        %add3A_1201 = vector.broadcast %add3A_1200 : i32 to vector<16xi32>
        %add3A_1202 = arith.addi %get3A_363, %add3A_1201 : vector<16xi32>
        tpu.vector_store_idx %arg8[%add3A_1202], %gather3A_1178 : memref<16384xf32, #tpu.memory_space<vmem>>[vector<16xi32>], vector<16xf32>,
        %add3A_1203 = arith.constant 384 : i32
        %add3A_1204 = vector.broadcast %add3A_1203 : i32 to vector<16xi32>
        %add3A_1205 = arith.addi %iota3A, %add3A_1204 : vector<16xi32>
        %gather3A_1206 = tpu.vector_load_idx %arg6[%add3A_1205, %get3A_288] : memref<512x32xf32, #tpu.memory_space<vmem>>[vector<16xi32>, vector<16xi32>], vector<16xf32>,
        %gather3A_1207 = tpu.vector_load_idx %arg6[%add3A_1205, %get3A_293] : memref<512x32xf32, #tpu.memory_space<vmem>>[vector<16xi32>, vector<16xi32>], vector<16xf32>,
        %gather3A_1208 = tpu.vector_load_idx %arg6[%add3A_1205, %get3A_298] : memref<512x32xf32, #tpu.memory_space<vmem>>[vector<16xi32>, vector<16xi32>], vector<16xf32>,
        %gather3A_1209 = tpu.vector_load_idx %arg6[%add3A_1205, %get3A_303] : memref<512x32xf32, #tpu.memory_space<vmem>>[vector<16xi32>, vector<16xi32>], vector<16xf32>,
        %gather3A_1210 = tpu.vector_load_idx %arg6[%add3A_1205, %get3A_308] : memref<512x32xf32, #tpu.memory_space<vmem>>[vector<16xi32>, vector<16xi32>], vector<16xf32>,
        %gather3A_1211 = tpu.vector_load_idx %arg6[%add3A_1205, %get3A_313] : memref<512x32xf32, #tpu.memory_space<vmem>>[vector<16xi32>, vector<16xi32>], vector<16xf32>,
        %gather3A_1212 = tpu.vector_load_idx %arg6[%add3A_1205, %get3A_318] : memref<512x32xf32, #tpu.memory_space<vmem>>[vector<16xi32>, vector<16xi32>], vector<16xf32>,
        %gather3A_1213 = tpu.vector_load_idx %arg6[%add3A_1205, %get3A_323] : memref<512x32xf32, #tpu.memory_space<vmem>>[vector<16xi32>, vector<16xi32>], vector<16xf32>,
        %add3A_1214 = arith.constant 3072 : i32
        %add3A_1215 = vector.broadcast %add3A_1214 : i32 to vector<16xi32>
        %add3A_1216 = arith.addi %get3A_328, %add3A_1215 : vector<16xi32>
        tpu.vector_store_idx %arg8[%add3A_1216], %gather3A_1206 : memref<16384xf32, #tpu.memory_space<vmem>>[vector<16xi32>], vector<16xf32>,
        %add3A_1217 = arith.constant 3072 : i32
        %add3A_1218 = vector.broadcast %add3A_1217 : i32 to vector<16xi32>
        %add3A_1219 = arith.addi %get3A_333, %add3A_1218 : vector<16xi32>
        tpu.vector_store_idx %arg8[%add3A_1219], %gather3A_1207 : memref<16384xf32, #tpu.memory_space<vmem>>[vector<16xi32>], vector<16xf32>,
        %add3A_1220 = arith.constant 3072 : i32
        %add3A_1221 = vector.broadcast %add3A_1220 : i32 to vector<16xi32>
        %add3A_1222 = arith.addi %get3A_338, %add3A_1221 : vector<16xi32>
        tpu.vector_store_idx %arg8[%add3A_1222], %gather3A_1208 : memref<16384xf32, #tpu.memory_space<vmem>>[vector<16xi32>], vector<16xf32>,
        %add3A_1223 = arith.constant 3072 : i32
        %add3A_1224 = vector.broadcast %add3A_1223 : i32 to vector<16xi32>
        %add3A_1225 = arith.addi %get3A_343, %add3A_1224 : vector<16xi32>
        tpu.vector_store_idx %arg8[%add3A_1225], %gather3A_1209 : memref<16384xf32, #tpu.memory_space<vmem>>[vector<16xi32>], vector<16xf32>,
        %add3A_1226 = arith.constant 3072 : i32
        %add3A_1227 = vector.broadcast %add3A_1226 : i32 to vector<16xi32>
        %add3A_1228 = arith.addi %get3A_348, %add3A_1227 : vector<16xi32>
        tpu.vector_store_idx %arg8[%add3A_1228], %gather3A_1210 : memref<16384xf32, #tpu.memory_space<vmem>>[vector<16xi32>], vector<16xf32>,
        %add3A_1229 = arith.constant 3072 : i32
        %add3A_1230 = vector.broadcast %add3A_1229 : i32 to vector<16xi32>
        %add3A_1231 = arith.addi %get3A_353, %add3A_1230 : vector<16xi32>
        tpu.vector_store_idx %arg8[%add3A_1231], %gather3A_1211 : memref<16384xf32, #tpu.memory_space<vmem>>[vector<16xi32>], vector<16xf32>,
        %add3A_1232 = arith.constant 3072 : i32
        %add3A_1233 = vector.broadcast %add3A_1232 : i32 to vector<16xi32>
        %add3A_1234 = arith.addi %get3A_358, %add3A_1233 : vector<16xi32>
        tpu.vector_store_idx %arg8[%add3A_1234], %gather3A_1212 : memref<16384xf32, #tpu.memory_space<vmem>>[vector<16xi32>], vector<16xf32>,
        %add3A_1235 = arith.constant 3072 : i32
        %add3A_1236 = vector.broadcast %add3A_1235 : i32 to vector<16xi32>
        %add3A_1237 = arith.addi %get3A_363, %add3A_1236 : vector<16xi32>
        tpu.vector_store_idx %arg8[%add3A_1237], %gather3A_1213 : memref<16384xf32, #tpu.memory_space<vmem>>[vector<16xi32>], vector<16xf32>,
        %add3A_1238 = arith.constant 400 : i32
        %add3A_1239 = vector.broadcast %add3A_1238 : i32 to vector<16xi32>
        %add3A_1240 = arith.addi %iota3A, %add3A_1239 : vector<16xi32>
        %gather3A_1241 = tpu.vector_load_idx %arg6[%add3A_1240, %get3A_288] : memref<512x32xf32, #tpu.memory_space<vmem>>[vector<16xi32>, vector<16xi32>], vector<16xf32>,
        %gather3A_1242 = tpu.vector_load_idx %arg6[%add3A_1240, %get3A_293] : memref<512x32xf32, #tpu.memory_space<vmem>>[vector<16xi32>, vector<16xi32>], vector<16xf32>,
        %gather3A_1243 = tpu.vector_load_idx %arg6[%add3A_1240, %get3A_298] : memref<512x32xf32, #tpu.memory_space<vmem>>[vector<16xi32>, vector<16xi32>], vector<16xf32>,
        %gather3A_1244 = tpu.vector_load_idx %arg6[%add3A_1240, %get3A_303] : memref<512x32xf32, #tpu.memory_space<vmem>>[vector<16xi32>, vector<16xi32>], vector<16xf32>,
        %gather3A_1245 = tpu.vector_load_idx %arg6[%add3A_1240, %get3A_308] : memref<512x32xf32, #tpu.memory_space<vmem>>[vector<16xi32>, vector<16xi32>], vector<16xf32>,
        %gather3A_1246 = tpu.vector_load_idx %arg6[%add3A_1240, %get3A_313] : memref<512x32xf32, #tpu.memory_space<vmem>>[vector<16xi32>, vector<16xi32>], vector<16xf32>,
        %gather3A_1247 = tpu.vector_load_idx %arg6[%add3A_1240, %get3A_318] : memref<512x32xf32, #tpu.memory_space<vmem>>[vector<16xi32>, vector<16xi32>], vector<16xf32>,
        %gather3A_1248 = tpu.vector_load_idx %arg6[%add3A_1240, %get3A_323] : memref<512x32xf32, #tpu.memory_space<vmem>>[vector<16xi32>, vector<16xi32>], vector<16xf32>,
        %add3A_1249 = arith.constant 3088 : i32
        %add3A_1250 = vector.broadcast %add3A_1249 : i32 to vector<16xi32>
        %add3A_1251 = arith.addi %get3A_328, %add3A_1250 : vector<16xi32>
        tpu.vector_store_idx %arg8[%add3A_1251], %gather3A_1241 : memref<16384xf32, #tpu.memory_space<vmem>>[vector<16xi32>], vector<16xf32>,
        %add3A_1252 = arith.constant 3088 : i32
        %add3A_1253 = vector.broadcast %add3A_1252 : i32 to vector<16xi32>
        %add3A_1254 = arith.addi %get3A_333, %add3A_1253 : vector<16xi32>
        tpu.vector_store_idx %arg8[%add3A_1254], %gather3A_1242 : memref<16384xf32, #tpu.memory_space<vmem>>[vector<16xi32>], vector<16xf32>,
        %add3A_1255 = arith.constant 3088 : i32
        %add3A_1256 = vector.broadcast %add3A_1255 : i32 to vector<16xi32>
        %add3A_1257 = arith.addi %get3A_338, %add3A_1256 : vector<16xi32>
        tpu.vector_store_idx %arg8[%add3A_1257], %gather3A_1243 : memref<16384xf32, #tpu.memory_space<vmem>>[vector<16xi32>], vector<16xf32>,
        %add3A_1258 = arith.constant 3088 : i32
        %add3A_1259 = vector.broadcast %add3A_1258 : i32 to vector<16xi32>
        %add3A_1260 = arith.addi %get3A_343, %add3A_1259 : vector<16xi32>
        tpu.vector_store_idx %arg8[%add3A_1260], %gather3A_1244 : memref<16384xf32, #tpu.memory_space<vmem>>[vector<16xi32>], vector<16xf32>,
        %add3A_1261 = arith.constant 3088 : i32
        %add3A_1262 = vector.broadcast %add3A_1261 : i32 to vector<16xi32>
        %add3A_1263 = arith.addi %get3A_348, %add3A_1262 : vector<16xi32>
        tpu.vector_store_idx %arg8[%add3A_1263], %gather3A_1245 : memref<16384xf32, #tpu.memory_space<vmem>>[vector<16xi32>], vector<16xf32>,
        %add3A_1264 = arith.constant 3088 : i32
        %add3A_1265 = vector.broadcast %add3A_1264 : i32 to vector<16xi32>
        %add3A_1266 = arith.addi %get3A_353, %add3A_1265 : vector<16xi32>
        tpu.vector_store_idx %arg8[%add3A_1266], %gather3A_1246 : memref<16384xf32, #tpu.memory_space<vmem>>[vector<16xi32>], vector<16xf32>,
        %add3A_1267 = arith.constant 3088 : i32
        %add3A_1268 = vector.broadcast %add3A_1267 : i32 to vector<16xi32>
        %add3A_1269 = arith.addi %get3A_358, %add3A_1268 : vector<16xi32>
        tpu.vector_store_idx %arg8[%add3A_1269], %gather3A_1247 : memref<16384xf32, #tpu.memory_space<vmem>>[vector<16xi32>], vector<16xf32>,
        %add3A_1270 = arith.constant 3088 : i32
        %add3A_1271 = vector.broadcast %add3A_1270 : i32 to vector<16xi32>
        %add3A_1272 = arith.addi %get3A_363, %add3A_1271 : vector<16xi32>
        tpu.vector_store_idx %arg8[%add3A_1272], %gather3A_1248 : memref<16384xf32, #tpu.memory_space<vmem>>[vector<16xi32>], vector<16xf32>,
        %add3A_1273 = arith.constant 416 : i32
        %add3A_1274 = vector.broadcast %add3A_1273 : i32 to vector<16xi32>
        %add3A_1275 = arith.addi %iota3A, %add3A_1274 : vector<16xi32>
        %gather3A_1276 = tpu.vector_load_idx %arg6[%add3A_1275, %get3A_288] : memref<512x32xf32, #tpu.memory_space<vmem>>[vector<16xi32>, vector<16xi32>], vector<16xf32>,
        %gather3A_1277 = tpu.vector_load_idx %arg6[%add3A_1275, %get3A_293] : memref<512x32xf32, #tpu.memory_space<vmem>>[vector<16xi32>, vector<16xi32>], vector<16xf32>,
        %gather3A_1278 = tpu.vector_load_idx %arg6[%add3A_1275, %get3A_298] : memref<512x32xf32, #tpu.memory_space<vmem>>[vector<16xi32>, vector<16xi32>], vector<16xf32>,
        %gather3A_1279 = tpu.vector_load_idx %arg6[%add3A_1275, %get3A_303] : memref<512x32xf32, #tpu.memory_space<vmem>>[vector<16xi32>, vector<16xi32>], vector<16xf32>,
        %gather3A_1280 = tpu.vector_load_idx %arg6[%add3A_1275, %get3A_308] : memref<512x32xf32, #tpu.memory_space<vmem>>[vector<16xi32>, vector<16xi32>], vector<16xf32>,
        %gather3A_1281 = tpu.vector_load_idx %arg6[%add3A_1275, %get3A_313] : memref<512x32xf32, #tpu.memory_space<vmem>>[vector<16xi32>, vector<16xi32>], vector<16xf32>,
        %gather3A_1282 = tpu.vector_load_idx %arg6[%add3A_1275, %get3A_318] : memref<512x32xf32, #tpu.memory_space<vmem>>[vector<16xi32>, vector<16xi32>], vector<16xf32>,
        %gather3A_1283 = tpu.vector_load_idx %arg6[%add3A_1275, %get3A_323] : memref<512x32xf32, #tpu.memory_space<vmem>>[vector<16xi32>, vector<16xi32>], vector<16xf32>,
        %add3A_1284 = arith.constant 3104 : i32
        %add3A_1285 = vector.broadcast %add3A_1284 : i32 to vector<16xi32>
        %add3A_1286 = arith.addi %get3A_328, %add3A_1285 : vector<16xi32>
        tpu.vector_store_idx %arg8[%add3A_1286], %gather3A_1276 : memref<16384xf32, #tpu.memory_space<vmem>>[vector<16xi32>], vector<16xf32>,
        %add3A_1287 = arith.constant 3104 : i32
        %add3A_1288 = vector.broadcast %add3A_1287 : i32 to vector<16xi32>
        %add3A_1289 = arith.addi %get3A_333, %add3A_1288 : vector<16xi32>
        tpu.vector_store_idx %arg8[%add3A_1289], %gather3A_1277 : memref<16384xf32, #tpu.memory_space<vmem>>[vector<16xi32>], vector<16xf32>,
        %add3A_1290 = arith.constant 3104 : i32
        %add3A_1291 = vector.broadcast %add3A_1290 : i32 to vector<16xi32>
        %add3A_1292 = arith.addi %get3A_338, %add3A_1291 : vector<16xi32>
        tpu.vector_store_idx %arg8[%add3A_1292], %gather3A_1278 : memref<16384xf32, #tpu.memory_space<vmem>>[vector<16xi32>], vector<16xf32>,
        %add3A_1293 = arith.constant 3104 : i32
        %add3A_1294 = vector.broadcast %add3A_1293 : i32 to vector<16xi32>
        %add3A_1295 = arith.addi %get3A_343, %add3A_1294 : vector<16xi32>
        tpu.vector_store_idx %arg8[%add3A_1295], %gather3A_1279 : memref<16384xf32, #tpu.memory_space<vmem>>[vector<16xi32>], vector<16xf32>,
        %add3A_1296 = arith.constant 3104 : i32
        %add3A_1297 = vector.broadcast %add3A_1296 : i32 to vector<16xi32>
        %add3A_1298 = arith.addi %get3A_348, %add3A_1297 : vector<16xi32>
        tpu.vector_store_idx %arg8[%add3A_1298], %gather3A_1280 : memref<16384xf32, #tpu.memory_space<vmem>>[vector<16xi32>], vector<16xf32>,
        %add3A_1299 = arith.constant 3104 : i32
        %add3A_1300 = vector.broadcast %add3A_1299 : i32 to vector<16xi32>
        %add3A_1301 = arith.addi %get3A_353, %add3A_1300 : vector<16xi32>
        tpu.vector_store_idx %arg8[%add3A_1301], %gather3A_1281 : memref<16384xf32, #tpu.memory_space<vmem>>[vector<16xi32>], vector<16xf32>,
        %add3A_1302 = arith.constant 3104 : i32
        %add3A_1303 = vector.broadcast %add3A_1302 : i32 to vector<16xi32>
        %add3A_1304 = arith.addi %get3A_358, %add3A_1303 : vector<16xi32>
        tpu.vector_store_idx %arg8[%add3A_1304], %gather3A_1282 : memref<16384xf32, #tpu.memory_space<vmem>>[vector<16xi32>], vector<16xf32>,
        %add3A_1305 = arith.constant 3104 : i32
        %add3A_1306 = vector.broadcast %add3A_1305 : i32 to vector<16xi32>
        %add3A_1307 = arith.addi %get3A_363, %add3A_1306 : vector<16xi32>
        tpu.vector_store_idx %arg8[%add3A_1307], %gather3A_1283 : memref<16384xf32, #tpu.memory_space<vmem>>[vector<16xi32>], vector<16xf32>,
        %add3A_1308 = arith.constant 432 : i32
        %add3A_1309 = vector.broadcast %add3A_1308 : i32 to vector<16xi32>
        %add3A_1310 = arith.addi %iota3A, %add3A_1309 : vector<16xi32>
        %gather3A_1311 = tpu.vector_load_idx %arg6[%add3A_1310, %get3A_288] : memref<512x32xf32, #tpu.memory_space<vmem>>[vector<16xi32>, vector<16xi32>], vector<16xf32>,
        %gather3A_1312 = tpu.vector_load_idx %arg6[%add3A_1310, %get3A_293] : memref<512x32xf32, #tpu.memory_space<vmem>>[vector<16xi32>, vector<16xi32>], vector<16xf32>,
        %gather3A_1313 = tpu.vector_load_idx %arg6[%add3A_1310, %get3A_298] : memref<512x32xf32, #tpu.memory_space<vmem>>[vector<16xi32>, vector<16xi32>], vector<16xf32>,
        %gather3A_1314 = tpu.vector_load_idx %arg6[%add3A_1310, %get3A_303] : memref<512x32xf32, #tpu.memory_space<vmem>>[vector<16xi32>, vector<16xi32>], vector<16xf32>,
        %gather3A_1315 = tpu.vector_load_idx %arg6[%add3A_1310, %get3A_308] : memref<512x32xf32, #tpu.memory_space<vmem>>[vector<16xi32>, vector<16xi32>], vector<16xf32>,
        %gather3A_1316 = tpu.vector_load_idx %arg6[%add3A_1310, %get3A_313] : memref<512x32xf32, #tpu.memory_space<vmem>>[vector<16xi32>, vector<16xi32>], vector<16xf32>,
        %gather3A_1317 = tpu.vector_load_idx %arg6[%add3A_1310, %get3A_318] : memref<512x32xf32, #tpu.memory_space<vmem>>[vector<16xi32>, vector<16xi32>], vector<16xf32>,
        %gather3A_1318 = tpu.vector_load_idx %arg6[%add3A_1310, %get3A_323] : memref<512x32xf32, #tpu.memory_space<vmem>>[vector<16xi32>, vector<16xi32>], vector<16xf32>,
        %add3A_1319 = arith.constant 3120 : i32
        %add3A_1320 = vector.broadcast %add3A_1319 : i32 to vector<16xi32>
        %add3A_1321 = arith.addi %get3A_328, %add3A_1320 : vector<16xi32>
        tpu.vector_store_idx %arg8[%add3A_1321], %gather3A_1311 : memref<16384xf32, #tpu.memory_space<vmem>>[vector<16xi32>], vector<16xf32>,
        %add3A_1322 = arith.constant 3120 : i32
        %add3A_1323 = vector.broadcast %add3A_1322 : i32 to vector<16xi32>
        %add3A_1324 = arith.addi %get3A_333, %add3A_1323 : vector<16xi32>
        tpu.vector_store_idx %arg8[%add3A_1324], %gather3A_1312 : memref<16384xf32, #tpu.memory_space<vmem>>[vector<16xi32>], vector<16xf32>,
        %add3A_1325 = arith.constant 3120 : i32
        %add3A_1326 = vector.broadcast %add3A_1325 : i32 to vector<16xi32>
        %add3A_1327 = arith.addi %get3A_338, %add3A_1326 : vector<16xi32>
        tpu.vector_store_idx %arg8[%add3A_1327], %gather3A_1313 : memref<16384xf32, #tpu.memory_space<vmem>>[vector<16xi32>], vector<16xf32>,
        %add3A_1328 = arith.constant 3120 : i32
        %add3A_1329 = vector.broadcast %add3A_1328 : i32 to vector<16xi32>
        %add3A_1330 = arith.addi %get3A_343, %add3A_1329 : vector<16xi32>
        tpu.vector_store_idx %arg8[%add3A_1330], %gather3A_1314 : memref<16384xf32, #tpu.memory_space<vmem>>[vector<16xi32>], vector<16xf32>,
        %add3A_1331 = arith.constant 3120 : i32
        %add3A_1332 = vector.broadcast %add3A_1331 : i32 to vector<16xi32>
        %add3A_1333 = arith.addi %get3A_348, %add3A_1332 : vector<16xi32>
        tpu.vector_store_idx %arg8[%add3A_1333], %gather3A_1315 : memref<16384xf32, #tpu.memory_space<vmem>>[vector<16xi32>], vector<16xf32>,
        %add3A_1334 = arith.constant 3120 : i32
        %add3A_1335 = vector.broadcast %add3A_1334 : i32 to vector<16xi32>
        %add3A_1336 = arith.addi %get3A_353, %add3A_1335 : vector<16xi32>
        tpu.vector_store_idx %arg8[%add3A_1336], %gather3A_1316 : memref<16384xf32, #tpu.memory_space<vmem>>[vector<16xi32>], vector<16xf32>,
        %add3A_1337 = arith.constant 3120 : i32
        %add3A_1338 = vector.broadcast %add3A_1337 : i32 to vector<16xi32>
        %add3A_1339 = arith.addi %get3A_358, %add3A_1338 : vector<16xi32>
        tpu.vector_store_idx %arg8[%add3A_1339], %gather3A_1317 : memref<16384xf32, #tpu.memory_space<vmem>>[vector<16xi32>], vector<16xf32>,
        %add3A_1340 = arith.constant 3120 : i32
        %add3A_1341 = vector.broadcast %add3A_1340 : i32 to vector<16xi32>
        %add3A_1342 = arith.addi %get3A_363, %add3A_1341 : vector<16xi32>
        tpu.vector_store_idx %arg8[%add3A_1342], %gather3A_1318 : memref<16384xf32, #tpu.memory_space<vmem>>[vector<16xi32>], vector<16xf32>,
        %add3A_1343 = arith.constant 448 : i32
        %add3A_1344 = vector.broadcast %add3A_1343 : i32 to vector<16xi32>
        %add3A_1345 = arith.addi %iota3A, %add3A_1344 : vector<16xi32>
        %gather3A_1346 = tpu.vector_load_idx %arg6[%add3A_1345, %get3A_288] : memref<512x32xf32, #tpu.memory_space<vmem>>[vector<16xi32>, vector<16xi32>], vector<16xf32>,
        %gather3A_1347 = tpu.vector_load_idx %arg6[%add3A_1345, %get3A_293] : memref<512x32xf32, #tpu.memory_space<vmem>>[vector<16xi32>, vector<16xi32>], vector<16xf32>,
        %gather3A_1348 = tpu.vector_load_idx %arg6[%add3A_1345, %get3A_298] : memref<512x32xf32, #tpu.memory_space<vmem>>[vector<16xi32>, vector<16xi32>], vector<16xf32>,
        %gather3A_1349 = tpu.vector_load_idx %arg6[%add3A_1345, %get3A_303] : memref<512x32xf32, #tpu.memory_space<vmem>>[vector<16xi32>, vector<16xi32>], vector<16xf32>,
        %gather3A_1350 = tpu.vector_load_idx %arg6[%add3A_1345, %get3A_308] : memref<512x32xf32, #tpu.memory_space<vmem>>[vector<16xi32>, vector<16xi32>], vector<16xf32>,
        %gather3A_1351 = tpu.vector_load_idx %arg6[%add3A_1345, %get3A_313] : memref<512x32xf32, #tpu.memory_space<vmem>>[vector<16xi32>, vector<16xi32>], vector<16xf32>,
        %gather3A_1352 = tpu.vector_load_idx %arg6[%add3A_1345, %get3A_318] : memref<512x32xf32, #tpu.memory_space<vmem>>[vector<16xi32>, vector<16xi32>], vector<16xf32>,
        %gather3A_1353 = tpu.vector_load_idx %arg6[%add3A_1345, %get3A_323] : memref<512x32xf32, #tpu.memory_space<vmem>>[vector<16xi32>, vector<16xi32>], vector<16xf32>,
        %add3A_1354 = arith.constant 3136 : i32
        %add3A_1355 = vector.broadcast %add3A_1354 : i32 to vector<16xi32>
        %add3A_1356 = arith.addi %get3A_328, %add3A_1355 : vector<16xi32>
        tpu.vector_store_idx %arg8[%add3A_1356], %gather3A_1346 : memref<16384xf32, #tpu.memory_space<vmem>>[vector<16xi32>], vector<16xf32>,
        %add3A_1357 = arith.constant 3136 : i32
        %add3A_1358 = vector.broadcast %add3A_1357 : i32 to vector<16xi32>
        %add3A_1359 = arith.addi %get3A_333, %add3A_1358 : vector<16xi32>
        tpu.vector_store_idx %arg8[%add3A_1359], %gather3A_1347 : memref<16384xf32, #tpu.memory_space<vmem>>[vector<16xi32>], vector<16xf32>,
        %add3A_1360 = arith.constant 3136 : i32
        %add3A_1361 = vector.broadcast %add3A_1360 : i32 to vector<16xi32>
        %add3A_1362 = arith.addi %get3A_338, %add3A_1361 : vector<16xi32>
        tpu.vector_store_idx %arg8[%add3A_1362], %gather3A_1348 : memref<16384xf32, #tpu.memory_space<vmem>>[vector<16xi32>], vector<16xf32>,
        %add3A_1363 = arith.constant 3136 : i32
        %add3A_1364 = vector.broadcast %add3A_1363 : i32 to vector<16xi32>
        %add3A_1365 = arith.addi %get3A_343, %add3A_1364 : vector<16xi32>
        tpu.vector_store_idx %arg8[%add3A_1365], %gather3A_1349 : memref<16384xf32, #tpu.memory_space<vmem>>[vector<16xi32>], vector<16xf32>,
        %add3A_1366 = arith.constant 3136 : i32
        %add3A_1367 = vector.broadcast %add3A_1366 : i32 to vector<16xi32>
        %add3A_1368 = arith.addi %get3A_348, %add3A_1367 : vector<16xi32>
        tpu.vector_store_idx %arg8[%add3A_1368], %gather3A_1350 : memref<16384xf32, #tpu.memory_space<vmem>>[vector<16xi32>], vector<16xf32>,
        %add3A_1369 = arith.constant 3136 : i32
        %add3A_1370 = vector.broadcast %add3A_1369 : i32 to vector<16xi32>
        %add3A_1371 = arith.addi %get3A_353, %add3A_1370 : vector<16xi32>
        tpu.vector_store_idx %arg8[%add3A_1371], %gather3A_1351 : memref<16384xf32, #tpu.memory_space<vmem>>[vector<16xi32>], vector<16xf32>,
        %add3A_1372 = arith.constant 3136 : i32
        %add3A_1373 = vector.broadcast %add3A_1372 : i32 to vector<16xi32>
        %add3A_1374 = arith.addi %get3A_358, %add3A_1373 : vector<16xi32>
        tpu.vector_store_idx %arg8[%add3A_1374], %gather3A_1352 : memref<16384xf32, #tpu.memory_space<vmem>>[vector<16xi32>], vector<16xf32>,
        %add3A_1375 = arith.constant 3136 : i32
        %add3A_1376 = vector.broadcast %add3A_1375 : i32 to vector<16xi32>
        %add3A_1377 = arith.addi %get3A_363, %add3A_1376 : vector<16xi32>
        tpu.vector_store_idx %arg8[%add3A_1377], %gather3A_1353 : memref<16384xf32, #tpu.memory_space<vmem>>[vector<16xi32>], vector<16xf32>,
        %add3A_1378 = arith.constant 464 : i32
        %add3A_1379 = vector.broadcast %add3A_1378 : i32 to vector<16xi32>
        %add3A_1380 = arith.addi %iota3A, %add3A_1379 : vector<16xi32>
        %gather3A_1381 = tpu.vector_load_idx %arg6[%add3A_1380, %get3A_288] : memref<512x32xf32, #tpu.memory_space<vmem>>[vector<16xi32>, vector<16xi32>], vector<16xf32>,
        %gather3A_1382 = tpu.vector_load_idx %arg6[%add3A_1380, %get3A_293] : memref<512x32xf32, #tpu.memory_space<vmem>>[vector<16xi32>, vector<16xi32>], vector<16xf32>,
        %gather3A_1383 = tpu.vector_load_idx %arg6[%add3A_1380, %get3A_298] : memref<512x32xf32, #tpu.memory_space<vmem>>[vector<16xi32>, vector<16xi32>], vector<16xf32>,
        %gather3A_1384 = tpu.vector_load_idx %arg6[%add3A_1380, %get3A_303] : memref<512x32xf32, #tpu.memory_space<vmem>>[vector<16xi32>, vector<16xi32>], vector<16xf32>,
        %gather3A_1385 = tpu.vector_load_idx %arg6[%add3A_1380, %get3A_308] : memref<512x32xf32, #tpu.memory_space<vmem>>[vector<16xi32>, vector<16xi32>], vector<16xf32>,
        %gather3A_1386 = tpu.vector_load_idx %arg6[%add3A_1380, %get3A_313] : memref<512x32xf32, #tpu.memory_space<vmem>>[vector<16xi32>, vector<16xi32>], vector<16xf32>,
        %gather3A_1387 = tpu.vector_load_idx %arg6[%add3A_1380, %get3A_318] : memref<512x32xf32, #tpu.memory_space<vmem>>[vector<16xi32>, vector<16xi32>], vector<16xf32>,
        %gather3A_1388 = tpu.vector_load_idx %arg6[%add3A_1380, %get3A_323] : memref<512x32xf32, #tpu.memory_space<vmem>>[vector<16xi32>, vector<16xi32>], vector<16xf32>,
        %add3A_1389 = arith.constant 3152 : i32
        %add3A_1390 = vector.broadcast %add3A_1389 : i32 to vector<16xi32>
        %add3A_1391 = arith.addi %get3A_328, %add3A_1390 : vector<16xi32>
        tpu.vector_store_idx %arg8[%add3A_1391], %gather3A_1381 : memref<16384xf32, #tpu.memory_space<vmem>>[vector<16xi32>], vector<16xf32>,
        %add3A_1392 = arith.constant 3152 : i32
        %add3A_1393 = vector.broadcast %add3A_1392 : i32 to vector<16xi32>
        %add3A_1394 = arith.addi %get3A_333, %add3A_1393 : vector<16xi32>
        tpu.vector_store_idx %arg8[%add3A_1394], %gather3A_1382 : memref<16384xf32, #tpu.memory_space<vmem>>[vector<16xi32>], vector<16xf32>,
        %add3A_1395 = arith.constant 3152 : i32
        %add3A_1396 = vector.broadcast %add3A_1395 : i32 to vector<16xi32>
        %add3A_1397 = arith.addi %get3A_338, %add3A_1396 : vector<16xi32>
        tpu.vector_store_idx %arg8[%add3A_1397], %gather3A_1383 : memref<16384xf32, #tpu.memory_space<vmem>>[vector<16xi32>], vector<16xf32>,
        %add3A_1398 = arith.constant 3152 : i32
        %add3A_1399 = vector.broadcast %add3A_1398 : i32 to vector<16xi32>
        %add3A_1400 = arith.addi %get3A_343, %add3A_1399 : vector<16xi32>
        tpu.vector_store_idx %arg8[%add3A_1400], %gather3A_1384 : memref<16384xf32, #tpu.memory_space<vmem>>[vector<16xi32>], vector<16xf32>,
        %add3A_1401 = arith.constant 3152 : i32
        %add3A_1402 = vector.broadcast %add3A_1401 : i32 to vector<16xi32>
        %add3A_1403 = arith.addi %get3A_348, %add3A_1402 : vector<16xi32>
        tpu.vector_store_idx %arg8[%add3A_1403], %gather3A_1385 : memref<16384xf32, #tpu.memory_space<vmem>>[vector<16xi32>], vector<16xf32>,
        %add3A_1404 = arith.constant 3152 : i32
        %add3A_1405 = vector.broadcast %add3A_1404 : i32 to vector<16xi32>
        %add3A_1406 = arith.addi %get3A_353, %add3A_1405 : vector<16xi32>
        tpu.vector_store_idx %arg8[%add3A_1406], %gather3A_1386 : memref<16384xf32, #tpu.memory_space<vmem>>[vector<16xi32>], vector<16xf32>,
        %add3A_1407 = arith.constant 3152 : i32
        %add3A_1408 = vector.broadcast %add3A_1407 : i32 to vector<16xi32>
        %add3A_1409 = arith.addi %get3A_358, %add3A_1408 : vector<16xi32>
        tpu.vector_store_idx %arg8[%add3A_1409], %gather3A_1387 : memref<16384xf32, #tpu.memory_space<vmem>>[vector<16xi32>], vector<16xf32>,
        %add3A_1410 = arith.constant 3152 : i32
        %add3A_1411 = vector.broadcast %add3A_1410 : i32 to vector<16xi32>
        %add3A_1412 = arith.addi %get3A_363, %add3A_1411 : vector<16xi32>
        tpu.vector_store_idx %arg8[%add3A_1412], %gather3A_1388 : memref<16384xf32, #tpu.memory_space<vmem>>[vector<16xi32>], vector<16xf32>,
        %add3A_1413 = arith.constant 480 : i32
        %add3A_1414 = vector.broadcast %add3A_1413 : i32 to vector<16xi32>
        %add3A_1415 = arith.addi %iota3A, %add3A_1414 : vector<16xi32>
        %gather3A_1416 = tpu.vector_load_idx %arg6[%add3A_1415, %get3A_288] : memref<512x32xf32, #tpu.memory_space<vmem>>[vector<16xi32>, vector<16xi32>], vector<16xf32>,
        %gather3A_1417 = tpu.vector_load_idx %arg6[%add3A_1415, %get3A_293] : memref<512x32xf32, #tpu.memory_space<vmem>>[vector<16xi32>, vector<16xi32>], vector<16xf32>,
        %gather3A_1418 = tpu.vector_load_idx %arg6[%add3A_1415, %get3A_298] : memref<512x32xf32, #tpu.memory_space<vmem>>[vector<16xi32>, vector<16xi32>], vector<16xf32>,
        %gather3A_1419 = tpu.vector_load_idx %arg6[%add3A_1415, %get3A_303] : memref<512x32xf32, #tpu.memory_space<vmem>>[vector<16xi32>, vector<16xi32>], vector<16xf32>,
        %gather3A_1420 = tpu.vector_load_idx %arg6[%add3A_1415, %get3A_308] : memref<512x32xf32, #tpu.memory_space<vmem>>[vector<16xi32>, vector<16xi32>], vector<16xf32>,
        %gather3A_1421 = tpu.vector_load_idx %arg6[%add3A_1415, %get3A_313] : memref<512x32xf32, #tpu.memory_space<vmem>>[vector<16xi32>, vector<16xi32>], vector<16xf32>,
        %gather3A_1422 = tpu.vector_load_idx %arg6[%add3A_1415, %get3A_318] : memref<512x32xf32, #tpu.memory_space<vmem>>[vector<16xi32>, vector<16xi32>], vector<16xf32>,
        %gather3A_1423 = tpu.vector_load_idx %arg6[%add3A_1415, %get3A_323] : memref<512x32xf32, #tpu.memory_space<vmem>>[vector<16xi32>, vector<16xi32>], vector<16xf32>,
        %add3A_1424 = arith.constant 3168 : i32
        %add3A_1425 = vector.broadcast %add3A_1424 : i32 to vector<16xi32>
        %add3A_1426 = arith.addi %get3A_328, %add3A_1425 : vector<16xi32>
        tpu.vector_store_idx %arg8[%add3A_1426], %gather3A_1416 : memref<16384xf32, #tpu.memory_space<vmem>>[vector<16xi32>], vector<16xf32>,
        %add3A_1427 = arith.constant 3168 : i32
        %add3A_1428 = vector.broadcast %add3A_1427 : i32 to vector<16xi32>
        %add3A_1429 = arith.addi %get3A_333, %add3A_1428 : vector<16xi32>
        tpu.vector_store_idx %arg8[%add3A_1429], %gather3A_1417 : memref<16384xf32, #tpu.memory_space<vmem>>[vector<16xi32>], vector<16xf32>,
        %add3A_1430 = arith.constant 3168 : i32
        %add3A_1431 = vector.broadcast %add3A_1430 : i32 to vector<16xi32>
        %add3A_1432 = arith.addi %get3A_338, %add3A_1431 : vector<16xi32>
        tpu.vector_store_idx %arg8[%add3A_1432], %gather3A_1418 : memref<16384xf32, #tpu.memory_space<vmem>>[vector<16xi32>], vector<16xf32>,
        %add3A_1433 = arith.constant 3168 : i32
        %add3A_1434 = vector.broadcast %add3A_1433 : i32 to vector<16xi32>
        %add3A_1435 = arith.addi %get3A_343, %add3A_1434 : vector<16xi32>
        tpu.vector_store_idx %arg8[%add3A_1435], %gather3A_1419 : memref<16384xf32, #tpu.memory_space<vmem>>[vector<16xi32>], vector<16xf32>,
        %add3A_1436 = arith.constant 3168 : i32
        %add3A_1437 = vector.broadcast %add3A_1436 : i32 to vector<16xi32>
        %add3A_1438 = arith.addi %get3A_348, %add3A_1437 : vector<16xi32>
        tpu.vector_store_idx %arg8[%add3A_1438], %gather3A_1420 : memref<16384xf32, #tpu.memory_space<vmem>>[vector<16xi32>], vector<16xf32>,
        %add3A_1439 = arith.constant 3168 : i32
        %add3A_1440 = vector.broadcast %add3A_1439 : i32 to vector<16xi32>
        %add3A_1441 = arith.addi %get3A_353, %add3A_1440 : vector<16xi32>
        tpu.vector_store_idx %arg8[%add3A_1441], %gather3A_1421 : memref<16384xf32, #tpu.memory_space<vmem>>[vector<16xi32>], vector<16xf32>,
        %add3A_1442 = arith.constant 3168 : i32
        %add3A_1443 = vector.broadcast %add3A_1442 : i32 to vector<16xi32>
        %add3A_1444 = arith.addi %get3A_358, %add3A_1443 : vector<16xi32>
        tpu.vector_store_idx %arg8[%add3A_1444], %gather3A_1422 : memref<16384xf32, #tpu.memory_space<vmem>>[vector<16xi32>], vector<16xf32>,
        %add3A_1445 = arith.constant 3168 : i32
        %add3A_1446 = vector.broadcast %add3A_1445 : i32 to vector<16xi32>
        %add3A_1447 = arith.addi %get3A_363, %add3A_1446 : vector<16xi32>
        tpu.vector_store_idx %arg8[%add3A_1447], %gather3A_1423 : memref<16384xf32, #tpu.memory_space<vmem>>[vector<16xi32>], vector<16xf32>,
        %add3A_1448 = arith.constant 496 : i32
        %add3A_1449 = vector.broadcast %add3A_1448 : i32 to vector<16xi32>
        %add3A_1450 = arith.addi %iota3A, %add3A_1449 : vector<16xi32>
        %gather3A_1451 = tpu.vector_load_idx %arg6[%add3A_1450, %get3A_288] : memref<512x32xf32, #tpu.memory_space<vmem>>[vector<16xi32>, vector<16xi32>], vector<16xf32>,
        %gather3A_1452 = tpu.vector_load_idx %arg6[%add3A_1450, %get3A_293] : memref<512x32xf32, #tpu.memory_space<vmem>>[vector<16xi32>, vector<16xi32>], vector<16xf32>,
        %gather3A_1453 = tpu.vector_load_idx %arg6[%add3A_1450, %get3A_298] : memref<512x32xf32, #tpu.memory_space<vmem>>[vector<16xi32>, vector<16xi32>], vector<16xf32>,
        %gather3A_1454 = tpu.vector_load_idx %arg6[%add3A_1450, %get3A_303] : memref<512x32xf32, #tpu.memory_space<vmem>>[vector<16xi32>, vector<16xi32>], vector<16xf32>,
        %gather3A_1455 = tpu.vector_load_idx %arg6[%add3A_1450, %get3A_308] : memref<512x32xf32, #tpu.memory_space<vmem>>[vector<16xi32>, vector<16xi32>], vector<16xf32>,
        %gather3A_1456 = tpu.vector_load_idx %arg6[%add3A_1450, %get3A_313] : memref<512x32xf32, #tpu.memory_space<vmem>>[vector<16xi32>, vector<16xi32>], vector<16xf32>,
        %gather3A_1457 = tpu.vector_load_idx %arg6[%add3A_1450, %get3A_318] : memref<512x32xf32, #tpu.memory_space<vmem>>[vector<16xi32>, vector<16xi32>], vector<16xf32>,
        %gather3A_1458 = tpu.vector_load_idx %arg6[%add3A_1450, %get3A_323] : memref<512x32xf32, #tpu.memory_space<vmem>>[vector<16xi32>, vector<16xi32>], vector<16xf32>,
        %add3A_1459 = arith.constant 3184 : i32
        %add3A_1460 = vector.broadcast %add3A_1459 : i32 to vector<16xi32>
        %add3A_1461 = arith.addi %get3A_328, %add3A_1460 : vector<16xi32>
        tpu.vector_store_idx %arg8[%add3A_1461], %gather3A_1451 : memref<16384xf32, #tpu.memory_space<vmem>>[vector<16xi32>], vector<16xf32>,
        %add3A_1462 = arith.constant 3184 : i32
        %add3A_1463 = vector.broadcast %add3A_1462 : i32 to vector<16xi32>
        %add3A_1464 = arith.addi %get3A_333, %add3A_1463 : vector<16xi32>
        tpu.vector_store_idx %arg8[%add3A_1464], %gather3A_1452 : memref<16384xf32, #tpu.memory_space<vmem>>[vector<16xi32>], vector<16xf32>,
        %add3A_1465 = arith.constant 3184 : i32
        %add3A_1466 = vector.broadcast %add3A_1465 : i32 to vector<16xi32>
        %add3A_1467 = arith.addi %get3A_338, %add3A_1466 : vector<16xi32>
        tpu.vector_store_idx %arg8[%add3A_1467], %gather3A_1453 : memref<16384xf32, #tpu.memory_space<vmem>>[vector<16xi32>], vector<16xf32>,
        %add3A_1468 = arith.constant 3184 : i32
        %add3A_1469 = vector.broadcast %add3A_1468 : i32 to vector<16xi32>
        %add3A_1470 = arith.addi %get3A_343, %add3A_1469 : vector<16xi32>
        tpu.vector_store_idx %arg8[%add3A_1470], %gather3A_1454 : memref<16384xf32, #tpu.memory_space<vmem>>[vector<16xi32>], vector<16xf32>,
        %add3A_1471 = arith.constant 3184 : i32
        %add3A_1472 = vector.broadcast %add3A_1471 : i32 to vector<16xi32>
        %add3A_1473 = arith.addi %get3A_348, %add3A_1472 : vector<16xi32>
        tpu.vector_store_idx %arg8[%add3A_1473], %gather3A_1455 : memref<16384xf32, #tpu.memory_space<vmem>>[vector<16xi32>], vector<16xf32>,
        %add3A_1474 = arith.constant 3184 : i32
        %add3A_1475 = vector.broadcast %add3A_1474 : i32 to vector<16xi32>
        %add3A_1476 = arith.addi %get3A_353, %add3A_1475 : vector<16xi32>
        tpu.vector_store_idx %arg8[%add3A_1476], %gather3A_1456 : memref<16384xf32, #tpu.memory_space<vmem>>[vector<16xi32>], vector<16xf32>,
        %add3A_1477 = arith.constant 3184 : i32
        %add3A_1478 = vector.broadcast %add3A_1477 : i32 to vector<16xi32>
        %add3A_1479 = arith.addi %get3A_358, %add3A_1478 : vector<16xi32>
        tpu.vector_store_idx %arg8[%add3A_1479], %gather3A_1457 : memref<16384xf32, #tpu.memory_space<vmem>>[vector<16xi32>], vector<16xf32>,
        %add3A_1480 = arith.constant 3184 : i32
        %add3A_1481 = vector.broadcast %add3A_1480 : i32 to vector<16xi32>
        %add3A_1482 = arith.addi %get3A_363, %add3A_1481 : vector<16xi32>
        tpu.vector_store_idx %arg8[%add3A_1482], %gather3A_1458 : memref<16384xf32, #tpu.memory_space<vmem>>[vector<16xi32>], vector<16xf32>,
      }
      %scan3A_153 = arith.constant 4 : i32
      %mul3A_154 = arith.constant 4 : i32
      %mul3A_155 = arith.muli %add3A, %mul3A_154 : i32
      %mul3A_156 = arith.constant 1024 : i32
      %mul3A_157 = arith.muli %mul3A_155, %mul3A_156 : i32
      %dma_start3A_158 = arith.constant 0 : i32
      %dma_start3A_159 = arith.constant 0 : i32
      %dma_start3A_160 = tpu.memref_slice %arg8[%dma_start3A_159] : memref<16384xf32, #tpu.memory_space<vmem>> -> memref<4096xf32, #tpu.memory_space<vmem>>
      %dma_start3A_161 = tpu.memref_slice %arg4[%mul3A_133, %dma_start3A_158, %mul3A_157] : memref<100x4x131072xf32, #tpu.memory_space<hbm>> -> memref<1x1x4096xf32, #tpu.memory_space<hbm>>
      %dma_start3A_162 = tpu.memref_squeeze %dma_start3A_161 : memref<1x1x4096xf32, #tpu.memory_space<hbm>> -> memref<4096xf32, #tpu.memory_space<hbm>>
      %dma_start3A_163 = tpu.memref_slice %arg4[%mul3A_133, %dma_start3A_158, %mul3A_157] : memref<100x4x131072xf32, #tpu.memory_space<hbm>> -> memref<1x1x4096xf32, #tpu.memory_space<hbm>>
      %dma_start3A_164 = tpu.memref_squeeze %dma_start3A_163 : memref<1x1x4096xf32, #tpu.memory_space<hbm>> -> memref<4096xf32, #tpu.memory_space<hbm>>
      %dma_start3A_165 = arith.constant 0 : i32
      %dma_start3A_166 = tpu.memref_slice %arg8[%dma_start3A_165] : memref<16384xf32, #tpu.memory_space<vmem>> -> memref<4096xf32, #tpu.memory_space<vmem>>
      tpu.enqueue_dma source(%dma_start3A_166 : memref<4096xf32, #tpu.memory_space<vmem>>) target(%dma_start3A_164 : memref<4096xf32, #tpu.memory_space<hbm>>) target_semaphore(%arg14 : memref<!tpu.dma_semaphore, #tpu.memory_space<semaphore_mem>>)
      %mul3A_167 = arith.constant 4 : i32
      %mul3A_168 = arith.muli %add3A, %mul3A_167 : i32
      %mul3A_169 = arith.constant 1024 : i32
      %mul3A_170 = arith.muli %mul3A_168, %mul3A_169 : i32
      %dma_start3A_171 = arith.constant 1 : i32
      %dma_start3A_172 = arith.constant 4096 : i32
      %dma_start3A_173 = tpu.memref_slice %arg8[%dma_start3A_172] : memref<16384xf32, #tpu.memory_space<vmem>> -> memref<4096xf32, #tpu.memory_space<vmem>>
      %dma_start3A_174 = tpu.memref_slice %arg4[%mul3A_133, %dma_start3A_171, %mul3A_170] : memref<100x4x131072xf32, #tpu.memory_space<hbm>> -> memref<1x1x4096xf32, #tpu.memory_space<hbm>>
      %dma_start3A_175 = tpu.memref_squeeze %dma_start3A_174 : memref<1x1x4096xf32, #tpu.memory_space<hbm>> -> memref<4096xf32, #tpu.memory_space<hbm>>
      %dma_start3A_176 = tpu.memref_slice %arg4[%mul3A_133, %dma_start3A_171, %mul3A_170] : memref<100x4x131072xf32, #tpu.memory_space<hbm>> -> memref<1x1x4096xf32, #tpu.memory_space<hbm>>
      %dma_start3A_177 = tpu.memref_squeeze %dma_start3A_176 : memref<1x1x4096xf32, #tpu.memory_space<hbm>> -> memref<4096xf32, #tpu.memory_space<hbm>>
      %dma_start3A_178 = arith.constant 4096 : i32
      %dma_start3A_179 = tpu.memref_slice %arg8[%dma_start3A_178] : memref<16384xf32, #tpu.memory_space<vmem>> -> memref<4096xf32, #tpu.memory_space<vmem>>
      tpu.enqueue_dma source(%dma_start3A_179 : memref<4096xf32, #tpu.memory_space<vmem>>) target(%dma_start3A_177 : memref<4096xf32, #tpu.memory_space<hbm>>) target_semaphore(%arg14 : memref<!tpu.dma_semaphore, #tpu.memory_space<semaphore_mem>>)
      %mul3A_180 = arith.constant 4 : i32
      %mul3A_181 = arith.muli %add3A, %mul3A_180 : i32
      %mul3A_182 = arith.constant 1024 : i32
      %mul3A_183 = arith.muli %mul3A_181, %mul3A_182 : i32
      %dma_start3A_184 = arith.constant 2 : i32
      %dma_start3A_185 = arith.constant 8192 : i32
      %dma_start3A_186 = tpu.memref_slice %arg8[%dma_start3A_185] : memref<16384xf32, #tpu.memory_space<vmem>> -> memref<4096xf32, #tpu.memory_space<vmem>>
      %dma_start3A_187 = tpu.memref_slice %arg4[%mul3A_133, %dma_start3A_184, %mul3A_183] : memref<100x4x131072xf32, #tpu.memory_space<hbm>> -> memref<1x1x4096xf32, #tpu.memory_space<hbm>>
      %dma_start3A_188 = tpu.memref_squeeze %dma_start3A_187 : memref<1x1x4096xf32, #tpu.memory_space<hbm>> -> memref<4096xf32, #tpu.memory_space<hbm>>
      %dma_start3A_189 = tpu.memref_slice %arg4[%mul3A_133, %dma_start3A_184, %mul3A_183] : memref<100x4x131072xf32, #tpu.memory_space<hbm>> -> memref<1x1x4096xf32, #tpu.memory_space<hbm>>
      %dma_start3A_190 = tpu.memref_squeeze %dma_start3A_189 : memref<1x1x4096xf32, #tpu.memory_space<hbm>> -> memref<4096xf32, #tpu.memory_space<hbm>>
      %dma_start3A_191 = arith.constant 8192 : i32
      %dma_start3A_192 = tpu.memref_slice %arg8[%dma_start3A_191] : memref<16384xf32, #tpu.memory_space<vmem>> -> memref<4096xf32, #tpu.memory_space<vmem>>
      tpu.enqueue_dma source(%dma_start3A_192 : memref<4096xf32, #tpu.memory_space<vmem>>) target(%dma_start3A_190 : memref<4096xf32, #tpu.memory_space<hbm>>) target_semaphore(%arg14 : memref<!tpu.dma_semaphore, #tpu.memory_space<semaphore_mem>>)
      %mul3A_193 = arith.constant 4 : i32
      %mul3A_194 = arith.muli %add3A, %mul3A_193 : i32
      %mul3A_195 = arith.constant 1024 : i32
      %mul3A_196 = arith.muli %mul3A_194, %mul3A_195 : i32
      %dma_start3A_197 = arith.constant 3 : i32
      %dma_start3A_198 = arith.constant 12288 : i32
      %dma_start3A_199 = tpu.memref_slice %arg8[%dma_start3A_198] : memref<16384xf32, #tpu.memory_space<vmem>> -> memref<4096xf32, #tpu.memory_space<vmem>>
      %dma_start3A_200 = tpu.memref_slice %arg4[%mul3A_133, %dma_start3A_197, %mul3A_196] : memref<100x4x131072xf32, #tpu.memory_space<hbm>> -> memref<1x1x4096xf32, #tpu.memory_space<hbm>>
      %dma_start3A_201 = tpu.memref_squeeze %dma_start3A_200 : memref<1x1x4096xf32, #tpu.memory_space<hbm>> -> memref<4096xf32, #tpu.memory_space<hbm>>
      %dma_start3A_202 = tpu.memref_slice %arg4[%mul3A_133, %dma_start3A_197, %mul3A_196] : memref<100x4x131072xf32, #tpu.memory_space<hbm>> -> memref<1x1x4096xf32, #tpu.memory_space<hbm>>
      %dma_start3A_203 = tpu.memref_squeeze %dma_start3A_202 : memref<1x1x4096xf32, #tpu.memory_space<hbm>> -> memref<4096xf32, #tpu.memory_space<hbm>>
      %dma_start3A_204 = arith.constant 12288 : i32
      %dma_start3A_205 = tpu.memref_slice %arg8[%dma_start3A_204] : memref<16384xf32, #tpu.memory_space<vmem>> -> memref<4096xf32, #tpu.memory_space<vmem>>
      tpu.enqueue_dma source(%dma_start3A_205 : memref<4096xf32, #tpu.memory_space<vmem>>) target(%dma_start3A_203 : memref<4096xf32, #tpu.memory_space<hbm>>) target_semaphore(%arg14 : memref<!tpu.dma_semaphore, #tpu.memory_space<semaphore_mem>>)
      %add3A_206 = arith.constant 1 : i32
      %add3A_207 = arith.addi %mul3A_133, %add3A_206 : i32
      %add3A_208 = arith.constant 1 : i32
      %add3A_209 = arith.addi %add3A_207, %add3A_208 : i32
      %lt3A_210 = arith.constant 100 : i32
      %lt3A_211 = arith.cmpi slt, %add3A_209, %lt3A_210 : i32
      %convert_element_type3A_212 = arith.extui %lt3A_211 : i1 to i32
      %cond3A_213 = arith.constant 0 : i32
      %cond3A_214 = arith.cmpi ne, %convert_element_type3A_212, %cond3A_213 : i32
      scf.if %cond3A_214 {
        %add3A_284 = arith.constant 1 : i32
        %add3A_285 = arith.addi %add3A_207, %add3A_284 : i32
        %dma_start3A_286 = arith.constant 0 : i32
        %dma_start3A_287 = tpu.memref_slice %arg5[%add3A_285, %dma_start3A_286] : memref<100x512xi32, #tpu.memory_space<vmem>> -> memref<1x512xi32, #tpu.memory_space<vmem>>
        %dma_start3A_288 = tpu.memref_squeeze %dma_start3A_287 : memref<1x512xi32, #tpu.memory_space<vmem>> -> memref<512xi32, #tpu.memory_space<vmem>>
        %dma_start3A_289 = arith.constant 0 : i32
        %dma_start3A_290 = arith.constant 0 : i32
        %dma_start3A_291 = tpu.memref_slice %arg3[%dma_start3A_289, %dma_start3A_290] : memref<1000000x32xf32, #tpu.memory_space<hbm>> -> memref<1000000x32xf32, #tpu.memory_space<hbm>>
        tpu.enqueue_indirect_dma source(%dma_start3A_291 : memref<1000000x32xf32, #tpu.memory_space<hbm>>) target(%arg6 : memref<512x32xf32, #tpu.memory_space<vmem>>) offsets(%dma_start3A_288 : memref<512xi32, #tpu.memory_space<vmem>>) semaphore(%arg12 : memref<!tpu.dma_semaphore, #tpu.memory_space<semaphore_mem>>)
      } else {
      }
      %dma_wait3A_215 = arith.constant 0 : i32
      %dma_wait3A_216 = tpu.memref_slice %arg5[%add3A_207, %dma_wait3A_215] : memref<100x512xi32, #tpu.memory_space<vmem>> -> memref<1x512xi32, #tpu.memory_space<vmem>>
      %dma_wait3A_217 = tpu.memref_squeeze %dma_wait3A_216 : memref<1x512xi32, #tpu.memory_space<vmem>> -> memref<512xi32, #tpu.memory_space<vmem>>
      %dma_wait3A_218 = arith.constant 0 : i32
      %dma_wait3A_219 = arith.constant 0 : i32
      %dma_wait3A_220 = tpu.memref_slice %arg3[%dma_wait3A_218, %dma_wait3A_219] : memref<1000000x32xf32, #tpu.memory_space<hbm>> -> memref<1000000x32xf32, #tpu.memory_space<hbm>>
      tpu.wait_indirect_dma semaphore(%arg13 : memref<!tpu.dma_semaphore, #tpu.memory_space<semaphore_mem>>) src(%dma_wait3A_220 : memref<1000000x32xf32, #tpu.memory_space<hbm>>) dst(%arg7 : memref<512x32xf32, #tpu.memory_space<vmem>>)
      %ge3A_221 = arith.constant 2 : i32
      %ge3A_222 = arith.cmpi sge, %add3A_207, %ge3A_221 : i32
      %convert_element_type3A_223 = arith.extui %ge3A_222 : i1 to i32
      %cond3A_224 = arith.constant 0 : i32
      %cond3A_225 = arith.cmpi ne, %convert_element_type3A_223, %cond3A_224 : i32
      scf.if %cond3A_225 {
        %sub3A = arith.constant 2 : i32
        %sub3A_284 = arith.subi %add3A_207, %sub3A : i32
        %mul3A_285 = arith.constant 4 : i32
        %mul3A_286 = arith.muli %add3A, %mul3A_285 : i32
        %mul3A_287 = arith.constant 1024 : i32
        %mul3A_288 = arith.muli %mul3A_286, %mul3A_287 : i32
        %dma_wait3A_289 = arith.constant 0 : i32
        %dma_wait3A_290 = arith.constant 0 : i32
        %dma_wait3A_291 = tpu.memref_slice %arg9[%dma_wait3A_290] : memref<16384xf32, #tpu.memory_space<vmem>> -> memref<4096xf32, #tpu.memory_space<vmem>>
        %dma_wait3A_292 = tpu.memref_slice %arg4[%sub3A_284, %dma_wait3A_289, %mul3A_288] : memref<100x4x131072xf32, #tpu.memory_space<hbm>> -> memref<1x1x4096xf32, #tpu.memory_space<hbm>>
        %dma_wait3A_293 = tpu.memref_squeeze %dma_wait3A_292 : memref<1x1x4096xf32, #tpu.memory_space<hbm>> -> memref<4096xf32, #tpu.memory_space<hbm>>
        %dma_wait3A_294 = tpu.memref_slice %arg4[%sub3A_284, %dma_wait3A_289, %mul3A_288] : memref<100x4x131072xf32, #tpu.memory_space<hbm>> -> memref<1x1x4096xf32, #tpu.memory_space<hbm>>
        %dma_wait3A_295 = tpu.memref_squeeze %dma_wait3A_294 : memref<1x1x4096xf32, #tpu.memory_space<hbm>> -> memref<4096xf32, #tpu.memory_space<hbm>>
        %dma_wait3A_296 = arith.constant 0 : i32
        %dma_wait3A_297 = tpu.memref_slice %arg9[%dma_wait3A_296] : memref<16384xf32, #tpu.memory_space<vmem>> -> memref<4096xf32, #tpu.memory_space<vmem>>
        tpu.wait_dma2 semaphore(%arg15 : memref<!tpu.dma_semaphore, #tpu.memory_space<semaphore_mem>>) src(%dma_wait3A_297 : memref<4096xf32, #tpu.memory_space<vmem>>) dst(%dma_wait3A_295 : memref<4096xf32, #tpu.memory_space<hbm>>)
        %mul3A_298 = arith.constant 4 : i32
        %mul3A_299 = arith.muli %add3A, %mul3A_298 : i32
        %mul3A_300 = arith.constant 1024 : i32
        %mul3A_301 = arith.muli %mul3A_299, %mul3A_300 : i32
        %dma_wait3A_302 = arith.constant 1 : i32
        %dma_wait3A_303 = arith.constant 4096 : i32
        %dma_wait3A_304 = tpu.memref_slice %arg9[%dma_wait3A_303] : memref<16384xf32, #tpu.memory_space<vmem>> -> memref<4096xf32, #tpu.memory_space<vmem>>
        %dma_wait3A_305 = tpu.memref_slice %arg4[%sub3A_284, %dma_wait3A_302, %mul3A_301] : memref<100x4x131072xf32, #tpu.memory_space<hbm>> -> memref<1x1x4096xf32, #tpu.memory_space<hbm>>
        %dma_wait3A_306 = tpu.memref_squeeze %dma_wait3A_305 : memref<1x1x4096xf32, #tpu.memory_space<hbm>> -> memref<4096xf32, #tpu.memory_space<hbm>>
        %dma_wait3A_307 = tpu.memref_slice %arg4[%sub3A_284, %dma_wait3A_302, %mul3A_301] : memref<100x4x131072xf32, #tpu.memory_space<hbm>> -> memref<1x1x4096xf32, #tpu.memory_space<hbm>>
        %dma_wait3A_308 = tpu.memref_squeeze %dma_wait3A_307 : memref<1x1x4096xf32, #tpu.memory_space<hbm>> -> memref<4096xf32, #tpu.memory_space<hbm>>
        %dma_wait3A_309 = arith.constant 4096 : i32
        %dma_wait3A_310 = tpu.memref_slice %arg9[%dma_wait3A_309] : memref<16384xf32, #tpu.memory_space<vmem>> -> memref<4096xf32, #tpu.memory_space<vmem>>
        tpu.wait_dma2 semaphore(%arg15 : memref<!tpu.dma_semaphore, #tpu.memory_space<semaphore_mem>>) src(%dma_wait3A_310 : memref<4096xf32, #tpu.memory_space<vmem>>) dst(%dma_wait3A_308 : memref<4096xf32, #tpu.memory_space<hbm>>)
        %mul3A_311 = arith.constant 4 : i32
        %mul3A_312 = arith.muli %add3A, %mul3A_311 : i32
        %mul3A_313 = arith.constant 1024 : i32
        %mul3A_314 = arith.muli %mul3A_312, %mul3A_313 : i32
        %dma_wait3A_315 = arith.constant 2 : i32
        %dma_wait3A_316 = arith.constant 8192 : i32
        %dma_wait3A_317 = tpu.memref_slice %arg9[%dma_wait3A_316] : memref<16384xf32, #tpu.memory_space<vmem>> -> memref<4096xf32, #tpu.memory_space<vmem>>
        %dma_wait3A_318 = tpu.memref_slice %arg4[%sub3A_284, %dma_wait3A_315, %mul3A_314] : memref<100x4x131072xf32, #tpu.memory_space<hbm>> -> memref<1x1x4096xf32, #tpu.memory_space<hbm>>
        %dma_wait3A_319 = tpu.memref_squeeze %dma_wait3A_318 : memref<1x1x4096xf32, #tpu.memory_space<hbm>> -> memref<4096xf32, #tpu.memory_space<hbm>>
        %dma_wait3A_320 = tpu.memref_slice %arg4[%sub3A_284, %dma_wait3A_315, %mul3A_314] : memref<100x4x131072xf32, #tpu.memory_space<hbm>> -> memref<1x1x4096xf32, #tpu.memory_space<hbm>>
        %dma_wait3A_321 = tpu.memref_squeeze %dma_wait3A_320 : memref<1x1x4096xf32, #tpu.memory_space<hbm>> -> memref<4096xf32, #tpu.memory_space<hbm>>
        %dma_wait3A_322 = arith.constant 8192 : i32
        %dma_wait3A_323 = tpu.memref_slice %arg9[%dma_wait3A_322] : memref<16384xf32, #tpu.memory_space<vmem>> -> memref<4096xf32, #tpu.memory_space<vmem>>
        tpu.wait_dma2 semaphore(%arg15 : memref<!tpu.dma_semaphore, #tpu.memory_space<semaphore_mem>>) src(%dma_wait3A_323 : memref<4096xf32, #tpu.memory_space<vmem>>) dst(%dma_wait3A_321 : memref<4096xf32, #tpu.memory_space<hbm>>)
        %mul3A_324 = arith.constant 4 : i32
        %mul3A_325 = arith.muli %add3A, %mul3A_324 : i32
        %mul3A_326 = arith.constant 1024 : i32
        %mul3A_327 = arith.muli %mul3A_325, %mul3A_326 : i32
        %dma_wait3A_328 = arith.constant 3 : i32
        %dma_wait3A_329 = arith.constant 12288 : i32
        %dma_wait3A_330 = tpu.memref_slice %arg9[%dma_wait3A_329] : memref<16384xf32, #tpu.memory_space<vmem>> -> memref<4096xf32, #tpu.memory_space<vmem>>
        %dma_wait3A_331 = tpu.memref_slice %arg4[%sub3A_284, %dma_wait3A_328, %mul3A_327] : memref<100x4x131072xf32, #tpu.memory_space<hbm>> -> memref<1x1x4096xf32, #tpu.memory_space<hbm>>
        %dma_wait3A_332 = tpu.memref_squeeze %dma_wait3A_331 : memref<1x1x4096xf32, #tpu.memory_space<hbm>> -> memref<4096xf32, #tpu.memory_space<hbm>>
        %dma_wait3A_333 = tpu.memref_slice %arg4[%sub3A_284, %dma_wait3A_328, %mul3A_327] : memref<100x4x131072xf32, #tpu.memory_space<hbm>> -> memref<1x1x4096xf32, #tpu.memory_space<hbm>>
        %dma_wait3A_334 = tpu.memref_squeeze %dma_wait3A_333 : memref<1x1x4096xf32, #tpu.memory_space<hbm>> -> memref<4096xf32, #tpu.memory_space<hbm>>
        %dma_wait3A_335 = arith.constant 12288 : i32
        %dma_wait3A_336 = tpu.memref_slice %arg9[%dma_wait3A_335] : memref<16384xf32, #tpu.memory_space<vmem>> -> memref<4096xf32, #tpu.memory_space<vmem>>
        tpu.wait_dma2 semaphore(%arg15 : memref<!tpu.dma_semaphore, #tpu.memory_space<semaphore_mem>>) src(%dma_wait3A_336 : memref<4096xf32, #tpu.memory_space<vmem>>) dst(%dma_wait3A_334 : memref<4096xf32, #tpu.memory_space<hbm>>)
      } else {
      }
      %scan3A_226 = arith.constant 0 : i32
      %scan3A_227 = arith.constant 0 : i32
      %scan3A_228 = arith.constant 4 : i32
      %scan3A_229 = arith.addi %scan3A_227, %scan3A_228 : i32
      %scan3A_230 = arith.constant 1 : i32
      scf.for %scan3A_284 = %scan3A_227 to %scan3A_229 step %scan3A_230  : i32 {
        %add3A_285 = arith.constant 0 : i32
        %add3A_286 = arith.addi %scan3A_284, %add3A_285 : i32
        %get3A = arith.index_cast %add3A_286 : i32 to index
        %get3A_287 = arith.constant 0 : index
        %get3A_288 = tpu.vector_load %arg10[%get3A, %get3A_287] {strides = array<i32>} : memref<32x16xi32, #tpu.memory_space<vmem>>, vector<16xi32>,
        %add3A_289 = arith.constant 4 : i32
        %add3A_290 = arith.addi %scan3A_284, %add3A_289 : i32
        %get3A_291 = arith.index_cast %add3A_290 : i32 to index
        %get3A_292 = arith.constant 0 : index
        %get3A_293 = tpu.vector_load %arg10[%get3A_291, %get3A_292] {strides = array<i32>} : memref<32x16xi32, #tpu.memory_space<vmem>>, vector<16xi32>,
        %add3A_294 = arith.constant 8 : i32
        %add3A_295 = arith.addi %scan3A_284, %add3A_294 : i32
        %get3A_296 = arith.index_cast %add3A_295 : i32 to index
        %get3A_297 = arith.constant 0 : index
        %get3A_298 = tpu.vector_load %arg10[%get3A_296, %get3A_297] {strides = array<i32>} : memref<32x16xi32, #tpu.memory_space<vmem>>, vector<16xi32>,
        %add3A_299 = arith.constant 12 : i32
        %add3A_300 = arith.addi %scan3A_284, %add3A_299 : i32
        %get3A_301 = arith.index_cast %add3A_300 : i32 to index
        %get3A_302 = arith.constant 0 : index
        %get3A_303 = tpu.vector_load %arg10[%get3A_301, %get3A_302] {strides = array<i32>} : memref<32x16xi32, #tpu.memory_space<vmem>>, vector<16xi32>,
        %add3A_304 = arith.constant 16 : i32
        %add3A_305 = arith.addi %scan3A_284, %add3A_304 : i32
        %get3A_306 = arith.index_cast %add3A_305 : i32 to index
        %get3A_307 = arith.constant 0 : index
        %get3A_308 = tpu.vector_load %arg10[%get3A_306, %get3A_307] {strides = array<i32>} : memref<32x16xi32, #tpu.memory_space<vmem>>, vector<16xi32>,
        %add3A_309 = arith.constant 20 : i32
        %add3A_310 = arith.addi %scan3A_284, %add3A_309 : i32
        %get3A_311 = arith.index_cast %add3A_310 : i32 to index
        %get3A_312 = arith.constant 0 : index
        %get3A_313 = tpu.vector_load %arg10[%get3A_311, %get3A_312] {strides = array<i32>} : memref<32x16xi32, #tpu.memory_space<vmem>>, vector<16xi32>,
        %add3A_314 = arith.constant 24 : i32
        %add3A_315 = arith.addi %scan3A_284, %add3A_314 : i32
        %get3A_316 = arith.index_cast %add3A_315 : i32 to index
        %get3A_317 = arith.constant 0 : index
        %get3A_318 = tpu.vector_load %arg10[%get3A_316, %get3A_317] {strides = array<i32>} : memref<32x16xi32, #tpu.memory_space<vmem>>, vector<16xi32>,
        %add3A_319 = arith.constant 28 : i32
        %add3A_320 = arith.addi %scan3A_284, %add3A_319 : i32
        %get3A_321 = arith.index_cast %add3A_320 : i32 to index
        %get3A_322 = arith.constant 0 : index
        %get3A_323 = tpu.vector_load %arg10[%get3A_321, %get3A_322] {strides = array<i32>} : memref<32x16xi32, #tpu.memory_space<vmem>>, vector<16xi32>,
        %add3A_324 = arith.constant 0 : i32
        %add3A_325 = arith.addi %scan3A_284, %add3A_324 : i32
        %get3A_326 = arith.index_cast %add3A_325 : i32 to index
        %get3A_327 = arith.constant 0 : index
        %get3A_328 = tpu.vector_load %arg11[%get3A_326, %get3A_327] {strides = array<i32>} : memref<32x16xi32, #tpu.memory_space<vmem>>, vector<16xi32>,
        %add3A_329 = arith.constant 4 : i32
        %add3A_330 = arith.addi %scan3A_284, %add3A_329 : i32
        %get3A_331 = arith.index_cast %add3A_330 : i32 to index
        %get3A_332 = arith.constant 0 : index
        %get3A_333 = tpu.vector_load %arg11[%get3A_331, %get3A_332] {strides = array<i32>} : memref<32x16xi32, #tpu.memory_space<vmem>>, vector<16xi32>,
        %add3A_334 = arith.constant 8 : i32
        %add3A_335 = arith.addi %scan3A_284, %add3A_334 : i32
        %get3A_336 = arith.index_cast %add3A_335 : i32 to index
        %get3A_337 = arith.constant 0 : index
        %get3A_338 = tpu.vector_load %arg11[%get3A_336, %get3A_337] {strides = array<i32>} : memref<32x16xi32, #tpu.memory_space<vmem>>, vector<16xi32>,
        %add3A_339 = arith.constant 12 : i32
        %add3A_340 = arith.addi %scan3A_284, %add3A_339 : i32
        %get3A_341 = arith.index_cast %add3A_340 : i32 to index
        %get3A_342 = arith.constant 0 : index
        %get3A_343 = tpu.vector_load %arg11[%get3A_341, %get3A_342] {strides = array<i32>} : memref<32x16xi32, #tpu.memory_space<vmem>>, vector<16xi32>,
        %add3A_344 = arith.constant 16 : i32
        %add3A_345 = arith.addi %scan3A_284, %add3A_344 : i32
        %get3A_346 = arith.index_cast %add3A_345 : i32 to index
        %get3A_347 = arith.constant 0 : index
        %get3A_348 = tpu.vector_load %arg11[%get3A_346, %get3A_347] {strides = array<i32>} : memref<32x16xi32, #tpu.memory_space<vmem>>, vector<16xi32>,
        %add3A_349 = arith.constant 20 : i32
        %add3A_350 = arith.addi %scan3A_284, %add3A_349 : i32
        %get3A_351 = arith.index_cast %add3A_350 : i32 to index
        %get3A_352 = arith.constant 0 : index
        %get3A_353 = tpu.vector_load %arg11[%get3A_351, %get3A_352] {strides = array<i32>} : memref<32x16xi32, #tpu.memory_space<vmem>>, vector<16xi32>,
        %add3A_354 = arith.constant 24 : i32
        %add3A_355 = arith.addi %scan3A_284, %add3A_354 : i32
        %get3A_356 = arith.index_cast %add3A_355 : i32 to index
        %get3A_357 = arith.constant 0 : index
        %get3A_358 = tpu.vector_load %arg11[%get3A_356, %get3A_357] {strides = array<i32>} : memref<32x16xi32, #tpu.memory_space<vmem>>, vector<16xi32>,
        %add3A_359 = arith.constant 28 : i32
        %add3A_360 = arith.addi %scan3A_284, %add3A_359 : i32
        %get3A_361 = arith.index_cast %add3A_360 : i32 to index
        %get3A_362 = arith.constant 0 : index
        %get3A_363 = tpu.vector_load %arg11[%get3A_361, %get3A_362] {strides = array<i32>} : memref<32x16xi32, #tpu.memory_space<vmem>>, vector<16xi32>,
        %add3A_364 = arith.constant 0 : i32
        %add3A_365 = vector.broadcast %add3A_364 : i32 to vector<16xi32>
        %add3A_366 = arith.addi %iota3A, %add3A_365 : vector<16xi32>
        %gather3A = tpu.vector_load_idx %arg7[%add3A_366, %get3A_288] : memref<512x32xf32, #tpu.memory_space<vmem>>[vector<16xi32>, vector<16xi32>], vector<16xf32>,
        %gather3A_367 = tpu.vector_load_idx %arg7[%add3A_366, %get3A_293] : memref<512x32xf32, #tpu.memory_space<vmem>>[vector<16xi32>, vector<16xi32>], vector<16xf32>,
        %gather3A_368 = tpu.vector_load_idx %arg7[%add3A_366, %get3A_298] : memref<512x32xf32, #tpu.memory_space<vmem>>[vector<16xi32>, vector<16xi32>], vector<16xf32>,
        %gather3A_369 = tpu.vector_load_idx %arg7[%add3A_366, %get3A_303] : memref<512x32xf32, #tpu.memory_space<vmem>>[vector<16xi32>, vector<16xi32>], vector<16xf32>,
        %gather3A_370 = tpu.vector_load_idx %arg7[%add3A_366, %get3A_308] : memref<512x32xf32, #tpu.memory_space<vmem>>[vector<16xi32>, vector<16xi32>], vector<16xf32>,
        %gather3A_371 = tpu.vector_load_idx %arg7[%add3A_366, %get3A_313] : memref<512x32xf32, #tpu.memory_space<vmem>>[vector<16xi32>, vector<16xi32>], vector<16xf32>,
        %gather3A_372 = tpu.vector_load_idx %arg7[%add3A_366, %get3A_318] : memref<512x32xf32, #tpu.memory_space<vmem>>[vector<16xi32>, vector<16xi32>], vector<16xf32>,
        %gather3A_373 = tpu.vector_load_idx %arg7[%add3A_366, %get3A_323] : memref<512x32xf32, #tpu.memory_space<vmem>>[vector<16xi32>, vector<16xi32>], vector<16xf32>,
        %add3A_374 = arith.constant 0 : i32
        %add3A_375 = vector.broadcast %add3A_374 : i32 to vector<16xi32>
        %add3A_376 = arith.addi %get3A_328, %add3A_375 : vector<16xi32>
        tpu.vector_store_idx %arg9[%add3A_376], %gather3A : memref<16384xf32, #tpu.memory_space<vmem>>[vector<16xi32>], vector<16xf32>,
        %add3A_377 = arith.constant 0 : i32
        %add3A_378 = vector.broadcast %add3A_377 : i32 to vector<16xi32>
        %add3A_379 = arith.addi %get3A_333, %add3A_378 : vector<16xi32>
        tpu.vector_store_idx %arg9[%add3A_379], %gather3A_367 : memref<16384xf32, #tpu.memory_space<vmem>>[vector<16xi32>], vector<16xf32>,
        %add3A_380 = arith.constant 0 : i32
        %add3A_381 = vector.broadcast %add3A_380 : i32 to vector<16xi32>
        %add3A_382 = arith.addi %get3A_338, %add3A_381 : vector<16xi32>
        tpu.vector_store_idx %arg9[%add3A_382], %gather3A_368 : memref<16384xf32, #tpu.memory_space<vmem>>[vector<16xi32>], vector<16xf32>,
        %add3A_383 = arith.constant 0 : i32
        %add3A_384 = vector.broadcast %add3A_383 : i32 to vector<16xi32>
        %add3A_385 = arith.addi %get3A_343, %add3A_384 : vector<16xi32>
        tpu.vector_store_idx %arg9[%add3A_385], %gather3A_369 : memref<16384xf32, #tpu.memory_space<vmem>>[vector<16xi32>], vector<16xf32>,
        %add3A_386 = arith.constant 0 : i32
        %add3A_387 = vector.broadcast %add3A_386 : i32 to vector<16xi32>
        %add3A_388 = arith.addi %get3A_348, %add3A_387 : vector<16xi32>
        tpu.vector_store_idx %arg9[%add3A_388], %gather3A_370 : memref<16384xf32, #tpu.memory_space<vmem>>[vector<16xi32>], vector<16xf32>,
        %add3A_389 = arith.constant 0 : i32
        %add3A_390 = vector.broadcast %add3A_389 : i32 to vector<16xi32>
        %add3A_391 = arith.addi %get3A_353, %add3A_390 : vector<16xi32>
        tpu.vector_store_idx %arg9[%add3A_391], %gather3A_371 : memref<16384xf32, #tpu.memory_space<vmem>>[vector<16xi32>], vector<16xf32>,
        %add3A_392 = arith.constant 0 : i32
        %add3A_393 = vector.broadcast %add3A_392 : i32 to vector<16xi32>
        %add3A_394 = arith.addi %get3A_358, %add3A_393 : vector<16xi32>
        tpu.vector_store_idx %arg9[%add3A_394], %gather3A_372 : memref<16384xf32, #tpu.memory_space<vmem>>[vector<16xi32>], vector<16xf32>,
        %add3A_395 = arith.constant 0 : i32
        %add3A_396 = vector.broadcast %add3A_395 : i32 to vector<16xi32>
        %add3A_397 = arith.addi %get3A_363, %add3A_396 : vector<16xi32>
        tpu.vector_store_idx %arg9[%add3A_397], %gather3A_373 : memref<16384xf32, #tpu.memory_space<vmem>>[vector<16xi32>], vector<16xf32>,
        %add3A_398 = arith.constant 16 : i32
        %add3A_399 = vector.broadcast %add3A_398 : i32 to vector<16xi32>
        %add3A_400 = arith.addi %iota3A, %add3A_399 : vector<16xi32>
        %gather3A_401 = tpu.vector_load_idx %arg7[%add3A_400, %get3A_288] : memref<512x32xf32, #tpu.memory_space<vmem>>[vector<16xi32>, vector<16xi32>], vector<16xf32>,
        %gather3A_402 = tpu.vector_load_idx %arg7[%add3A_400, %get3A_293] : memref<512x32xf32, #tpu.memory_space<vmem>>[vector<16xi32>, vector<16xi32>], vector<16xf32>,
        %gather3A_403 = tpu.vector_load_idx %arg7[%add3A_400, %get3A_298] : memref<512x32xf32, #tpu.memory_space<vmem>>[vector<16xi32>, vector<16xi32>], vector<16xf32>,
        %gather3A_404 = tpu.vector_load_idx %arg7[%add3A_400, %get3A_303] : memref<512x32xf32, #tpu.memory_space<vmem>>[vector<16xi32>, vector<16xi32>], vector<16xf32>,
        %gather3A_405 = tpu.vector_load_idx %arg7[%add3A_400, %get3A_308] : memref<512x32xf32, #tpu.memory_space<vmem>>[vector<16xi32>, vector<16xi32>], vector<16xf32>,
        %gather3A_406 = tpu.vector_load_idx %arg7[%add3A_400, %get3A_313] : memref<512x32xf32, #tpu.memory_space<vmem>>[vector<16xi32>, vector<16xi32>], vector<16xf32>,
        %gather3A_407 = tpu.vector_load_idx %arg7[%add3A_400, %get3A_318] : memref<512x32xf32, #tpu.memory_space<vmem>>[vector<16xi32>, vector<16xi32>], vector<16xf32>,
        %gather3A_408 = tpu.vector_load_idx %arg7[%add3A_400, %get3A_323] : memref<512x32xf32, #tpu.memory_space<vmem>>[vector<16xi32>, vector<16xi32>], vector<16xf32>,
        %add3A_409 = arith.constant 16 : i32
        %add3A_410 = vector.broadcast %add3A_409 : i32 to vector<16xi32>
        %add3A_411 = arith.addi %get3A_328, %add3A_410 : vector<16xi32>
        tpu.vector_store_idx %arg9[%add3A_411], %gather3A_401 : memref<16384xf32, #tpu.memory_space<vmem>>[vector<16xi32>], vector<16xf32>,
        %add3A_412 = arith.constant 16 : i32
        %add3A_413 = vector.broadcast %add3A_412 : i32 to vector<16xi32>
        %add3A_414 = arith.addi %get3A_333, %add3A_413 : vector<16xi32>
        tpu.vector_store_idx %arg9[%add3A_414], %gather3A_402 : memref<16384xf32, #tpu.memory_space<vmem>>[vector<16xi32>], vector<16xf32>,
        %add3A_415 = arith.constant 16 : i32
        %add3A_416 = vector.broadcast %add3A_415 : i32 to vector<16xi32>
        %add3A_417 = arith.addi %get3A_338, %add3A_416 : vector<16xi32>
        tpu.vector_store_idx %arg9[%add3A_417], %gather3A_403 : memref<16384xf32, #tpu.memory_space<vmem>>[vector<16xi32>], vector<16xf32>,
        %add3A_418 = arith.constant 16 : i32
        %add3A_419 = vector.broadcast %add3A_418 : i32 to vector<16xi32>
        %add3A_420 = arith.addi %get3A_343, %add3A_419 : vector<16xi32>
        tpu.vector_store_idx %arg9[%add3A_420], %gather3A_404 : memref<16384xf32, #tpu.memory_space<vmem>>[vector<16xi32>], vector<16xf32>,
        %add3A_421 = arith.constant 16 : i32
        %add3A_422 = vector.broadcast %add3A_421 : i32 to vector<16xi32>
        %add3A_423 = arith.addi %get3A_348, %add3A_422 : vector<16xi32>
        tpu.vector_store_idx %arg9[%add3A_423], %gather3A_405 : memref<16384xf32, #tpu.memory_space<vmem>>[vector<16xi32>], vector<16xf32>,
        %add3A_424 = arith.constant 16 : i32
        %add3A_425 = vector.broadcast %add3A_424 : i32 to vector<16xi32>
        %add3A_426 = arith.addi %get3A_353, %add3A_425 : vector<16xi32>
        tpu.vector_store_idx %arg9[%add3A_426], %gather3A_406 : memref<16384xf32, #tpu.memory_space<vmem>>[vector<16xi32>], vector<16xf32>,
        %add3A_427 = arith.constant 16 : i32
        %add3A_428 = vector.broadcast %add3A_427 : i32 to vector<16xi32>
        %add3A_429 = arith.addi %get3A_358, %add3A_428 : vector<16xi32>
        tpu.vector_store_idx %arg9[%add3A_429], %gather3A_407 : memref<16384xf32, #tpu.memory_space<vmem>>[vector<16xi32>], vector<16xf32>,
        %add3A_430 = arith.constant 16 : i32
        %add3A_431 = vector.broadcast %add3A_430 : i32 to vector<16xi32>
        %add3A_432 = arith.addi %get3A_363, %add3A_431 : vector<16xi32>
        tpu.vector_store_idx %arg9[%add3A_432], %gather3A_408 : memref<16384xf32, #tpu.memory_space<vmem>>[vector<16xi32>], vector<16xf32>,
        %add3A_433 = arith.constant 32 : i32
        %add3A_434 = vector.broadcast %add3A_433 : i32 to vector<16xi32>
        %add3A_435 = arith.addi %iota3A, %add3A_434 : vector<16xi32>
        %gather3A_436 = tpu.vector_load_idx %arg7[%add3A_435, %get3A_288] : memref<512x32xf32, #tpu.memory_space<vmem>>[vector<16xi32>, vector<16xi32>], vector<16xf32>,
        %gather3A_437 = tpu.vector_load_idx %arg7[%add3A_435, %get3A_293] : memref<512x32xf32, #tpu.memory_space<vmem>>[vector<16xi32>, vector<16xi32>], vector<16xf32>,
        %gather3A_438 = tpu.vector_load_idx %arg7[%add3A_435, %get3A_298] : memref<512x32xf32, #tpu.memory_space<vmem>>[vector<16xi32>, vector<16xi32>], vector<16xf32>,
        %gather3A_439 = tpu.vector_load_idx %arg7[%add3A_435, %get3A_303] : memref<512x32xf32, #tpu.memory_space<vmem>>[vector<16xi32>, vector<16xi32>], vector<16xf32>,
        %gather3A_440 = tpu.vector_load_idx %arg7[%add3A_435, %get3A_308] : memref<512x32xf32, #tpu.memory_space<vmem>>[vector<16xi32>, vector<16xi32>], vector<16xf32>,
        %gather3A_441 = tpu.vector_load_idx %arg7[%add3A_435, %get3A_313] : memref<512x32xf32, #tpu.memory_space<vmem>>[vector<16xi32>, vector<16xi32>], vector<16xf32>,
        %gather3A_442 = tpu.vector_load_idx %arg7[%add3A_435, %get3A_318] : memref<512x32xf32, #tpu.memory_space<vmem>>[vector<16xi32>, vector<16xi32>], vector<16xf32>,
        %gather3A_443 = tpu.vector_load_idx %arg7[%add3A_435, %get3A_323] : memref<512x32xf32, #tpu.memory_space<vmem>>[vector<16xi32>, vector<16xi32>], vector<16xf32>,
        %add3A_444 = arith.constant 32 : i32
        %add3A_445 = vector.broadcast %add3A_444 : i32 to vector<16xi32>
        %add3A_446 = arith.addi %get3A_328, %add3A_445 : vector<16xi32>
        tpu.vector_store_idx %arg9[%add3A_446], %gather3A_436 : memref<16384xf32, #tpu.memory_space<vmem>>[vector<16xi32>], vector<16xf32>,
        %add3A_447 = arith.constant 32 : i32
        %add3A_448 = vector.broadcast %add3A_447 : i32 to vector<16xi32>
        %add3A_449 = arith.addi %get3A_333, %add3A_448 : vector<16xi32>
        tpu.vector_store_idx %arg9[%add3A_449], %gather3A_437 : memref<16384xf32, #tpu.memory_space<vmem>>[vector<16xi32>], vector<16xf32>,
        %add3A_450 = arith.constant 32 : i32
        %add3A_451 = vector.broadcast %add3A_450 : i32 to vector<16xi32>
        %add3A_452 = arith.addi %get3A_338, %add3A_451 : vector<16xi32>
        tpu.vector_store_idx %arg9[%add3A_452], %gather3A_438 : memref<16384xf32, #tpu.memory_space<vmem>>[vector<16xi32>], vector<16xf32>,
        %add3A_453 = arith.constant 32 : i32
        %add3A_454 = vector.broadcast %add3A_453 : i32 to vector<16xi32>
        %add3A_455 = arith.addi %get3A_343, %add3A_454 : vector<16xi32>
        tpu.vector_store_idx %arg9[%add3A_455], %gather3A_439 : memref<16384xf32, #tpu.memory_space<vmem>>[vector<16xi32>], vector<16xf32>,
        %add3A_456 = arith.constant 32 : i32
        %add3A_457 = vector.broadcast %add3A_456 : i32 to vector<16xi32>
        %add3A_458 = arith.addi %get3A_348, %add3A_457 : vector<16xi32>
        tpu.vector_store_idx %arg9[%add3A_458], %gather3A_440 : memref<16384xf32, #tpu.memory_space<vmem>>[vector<16xi32>], vector<16xf32>,
        %add3A_459 = arith.constant 32 : i32
        %add3A_460 = vector.broadcast %add3A_459 : i32 to vector<16xi32>
        %add3A_461 = arith.addi %get3A_353, %add3A_460 : vector<16xi32>
        tpu.vector_store_idx %arg9[%add3A_461], %gather3A_441 : memref<16384xf32, #tpu.memory_space<vmem>>[vector<16xi32>], vector<16xf32>,
        %add3A_462 = arith.constant 32 : i32
        %add3A_463 = vector.broadcast %add3A_462 : i32 to vector<16xi32>
        %add3A_464 = arith.addi %get3A_358, %add3A_463 : vector<16xi32>
        tpu.vector_store_idx %arg9[%add3A_464], %gather3A_442 : memref<16384xf32, #tpu.memory_space<vmem>>[vector<16xi32>], vector<16xf32>,
        %add3A_465 = arith.constant 32 : i32
        %add3A_466 = vector.broadcast %add3A_465 : i32 to vector<16xi32>
        %add3A_467 = arith.addi %get3A_363, %add3A_466 : vector<16xi32>
        tpu.vector_store_idx %arg9[%add3A_467], %gather3A_443 : memref<16384xf32, #tpu.memory_space<vmem>>[vector<16xi32>], vector<16xf32>,
        %add3A_468 = arith.constant 48 : i32
        %add3A_469 = vector.broadcast %add3A_468 : i32 to vector<16xi32>
        %add3A_470 = arith.addi %iota3A, %add3A_469 : vector<16xi32>
        %gather3A_471 = tpu.vector_load_idx %arg7[%add3A_470, %get3A_288] : memref<512x32xf32, #tpu.memory_space<vmem>>[vector<16xi32>, vector<16xi32>], vector<16xf32>,
        %gather3A_472 = tpu.vector_load_idx %arg7[%add3A_470, %get3A_293] : memref<512x32xf32, #tpu.memory_space<vmem>>[vector<16xi32>, vector<16xi32>], vector<16xf32>,
        %gather3A_473 = tpu.vector_load_idx %arg7[%add3A_470, %get3A_298] : memref<512x32xf32, #tpu.memory_space<vmem>>[vector<16xi32>, vector<16xi32>], vector<16xf32>,
        %gather3A_474 = tpu.vector_load_idx %arg7[%add3A_470, %get3A_303] : memref<512x32xf32, #tpu.memory_space<vmem>>[vector<16xi32>, vector<16xi32>], vector<16xf32>,
        %gather3A_475 = tpu.vector_load_idx %arg7[%add3A_470, %get3A_308] : memref<512x32xf32, #tpu.memory_space<vmem>>[vector<16xi32>, vector<16xi32>], vector<16xf32>,
        %gather3A_476 = tpu.vector_load_idx %arg7[%add3A_470, %get3A_313] : memref<512x32xf32, #tpu.memory_space<vmem>>[vector<16xi32>, vector<16xi32>], vector<16xf32>,
        %gather3A_477 = tpu.vector_load_idx %arg7[%add3A_470, %get3A_318] : memref<512x32xf32, #tpu.memory_space<vmem>>[vector<16xi32>, vector<16xi32>], vector<16xf32>,
        %gather3A_478 = tpu.vector_load_idx %arg7[%add3A_470, %get3A_323] : memref<512x32xf32, #tpu.memory_space<vmem>>[vector<16xi32>, vector<16xi32>], vector<16xf32>,
        %add3A_479 = arith.constant 48 : i32
        %add3A_480 = vector.broadcast %add3A_479 : i32 to vector<16xi32>
        %add3A_481 = arith.addi %get3A_328, %add3A_480 : vector<16xi32>
        tpu.vector_store_idx %arg9[%add3A_481], %gather3A_471 : memref<16384xf32, #tpu.memory_space<vmem>>[vector<16xi32>], vector<16xf32>,
        %add3A_482 = arith.constant 48 : i32
        %add3A_483 = vector.broadcast %add3A_482 : i32 to vector<16xi32>
        %add3A_484 = arith.addi %get3A_333, %add3A_483 : vector<16xi32>
        tpu.vector_store_idx %arg9[%add3A_484], %gather3A_472 : memref<16384xf32, #tpu.memory_space<vmem>>[vector<16xi32>], vector<16xf32>,
        %add3A_485 = arith.constant 48 : i32
        %add3A_486 = vector.broadcast %add3A_485 : i32 to vector<16xi32>
        %add3A_487 = arith.addi %get3A_338, %add3A_486 : vector<16xi32>
        tpu.vector_store_idx %arg9[%add3A_487], %gather3A_473 : memref<16384xf32, #tpu.memory_space<vmem>>[vector<16xi32>], vector<16xf32>,
        %add3A_488 = arith.constant 48 : i32
        %add3A_489 = vector.broadcast %add3A_488 : i32 to vector<16xi32>
        %add3A_490 = arith.addi %get3A_343, %add3A_489 : vector<16xi32>
        tpu.vector_store_idx %arg9[%add3A_490], %gather3A_474 : memref<16384xf32, #tpu.memory_space<vmem>>[vector<16xi32>], vector<16xf32>,
        %add3A_491 = arith.constant 48 : i32
        %add3A_492 = vector.broadcast %add3A_491 : i32 to vector<16xi32>
        %add3A_493 = arith.addi %get3A_348, %add3A_492 : vector<16xi32>
        tpu.vector_store_idx %arg9[%add3A_493], %gather3A_475 : memref<16384xf32, #tpu.memory_space<vmem>>[vector<16xi32>], vector<16xf32>,
        %add3A_494 = arith.constant 48 : i32
        %add3A_495 = vector.broadcast %add3A_494 : i32 to vector<16xi32>
        %add3A_496 = arith.addi %get3A_353, %add3A_495 : vector<16xi32>
        tpu.vector_store_idx %arg9[%add3A_496], %gather3A_476 : memref<16384xf32, #tpu.memory_space<vmem>>[vector<16xi32>], vector<16xf32>,
        %add3A_497 = arith.constant 48 : i32
        %add3A_498 = vector.broadcast %add3A_497 : i32 to vector<16xi32>
        %add3A_499 = arith.addi %get3A_358, %add3A_498 : vector<16xi32>
        tpu.vector_store_idx %arg9[%add3A_499], %gather3A_477 : memref<16384xf32, #tpu.memory_space<vmem>>[vector<16xi32>], vector<16xf32>,
        %add3A_500 = arith.constant 48 : i32
        %add3A_501 = vector.broadcast %add3A_500 : i32 to vector<16xi32>
        %add3A_502 = arith.addi %get3A_363, %add3A_501 : vector<16xi32>
        tpu.vector_store_idx %arg9[%add3A_502], %gather3A_478 : memref<16384xf32, #tpu.memory_space<vmem>>[vector<16xi32>], vector<16xf32>,
        %add3A_503 = arith.constant 64 : i32
        %add3A_504 = vector.broadcast %add3A_503 : i32 to vector<16xi32>
        %add3A_505 = arith.addi %iota3A, %add3A_504 : vector<16xi32>
        %gather3A_506 = tpu.vector_load_idx %arg7[%add3A_505, %get3A_288] : memref<512x32xf32, #tpu.memory_space<vmem>>[vector<16xi32>, vector<16xi32>], vector<16xf32>,
        %gather3A_507 = tpu.vector_load_idx %arg7[%add3A_505, %get3A_293] : memref<512x32xf32, #tpu.memory_space<vmem>>[vector<16xi32>, vector<16xi32>], vector<16xf32>,
        %gather3A_508 = tpu.vector_load_idx %arg7[%add3A_505, %get3A_298] : memref<512x32xf32, #tpu.memory_space<vmem>>[vector<16xi32>, vector<16xi32>], vector<16xf32>,
        %gather3A_509 = tpu.vector_load_idx %arg7[%add3A_505, %get3A_303] : memref<512x32xf32, #tpu.memory_space<vmem>>[vector<16xi32>, vector<16xi32>], vector<16xf32>,
        %gather3A_510 = tpu.vector_load_idx %arg7[%add3A_505, %get3A_308] : memref<512x32xf32, #tpu.memory_space<vmem>>[vector<16xi32>, vector<16xi32>], vector<16xf32>,
        %gather3A_511 = tpu.vector_load_idx %arg7[%add3A_505, %get3A_313] : memref<512x32xf32, #tpu.memory_space<vmem>>[vector<16xi32>, vector<16xi32>], vector<16xf32>,
        %gather3A_512 = tpu.vector_load_idx %arg7[%add3A_505, %get3A_318] : memref<512x32xf32, #tpu.memory_space<vmem>>[vector<16xi32>, vector<16xi32>], vector<16xf32>,
        %gather3A_513 = tpu.vector_load_idx %arg7[%add3A_505, %get3A_323] : memref<512x32xf32, #tpu.memory_space<vmem>>[vector<16xi32>, vector<16xi32>], vector<16xf32>,
        %add3A_514 = arith.constant 64 : i32
        %add3A_515 = vector.broadcast %add3A_514 : i32 to vector<16xi32>
        %add3A_516 = arith.addi %get3A_328, %add3A_515 : vector<16xi32>
        tpu.vector_store_idx %arg9[%add3A_516], %gather3A_506 : memref<16384xf32, #tpu.memory_space<vmem>>[vector<16xi32>], vector<16xf32>,
        %add3A_517 = arith.constant 64 : i32
        %add3A_518 = vector.broadcast %add3A_517 : i32 to vector<16xi32>
        %add3A_519 = arith.addi %get3A_333, %add3A_518 : vector<16xi32>
        tpu.vector_store_idx %arg9[%add3A_519], %gather3A_507 : memref<16384xf32, #tpu.memory_space<vmem>>[vector<16xi32>], vector<16xf32>,
        %add3A_520 = arith.constant 64 : i32
        %add3A_521 = vector.broadcast %add3A_520 : i32 to vector<16xi32>
        %add3A_522 = arith.addi %get3A_338, %add3A_521 : vector<16xi32>
        tpu.vector_store_idx %arg9[%add3A_522], %gather3A_508 : memref<16384xf32, #tpu.memory_space<vmem>>[vector<16xi32>], vector<16xf32>,
        %add3A_523 = arith.constant 64 : i32
        %add3A_524 = vector.broadcast %add3A_523 : i32 to vector<16xi32>
        %add3A_525 = arith.addi %get3A_343, %add3A_524 : vector<16xi32>
        tpu.vector_store_idx %arg9[%add3A_525], %gather3A_509 : memref<16384xf32, #tpu.memory_space<vmem>>[vector<16xi32>], vector<16xf32>,
        %add3A_526 = arith.constant 64 : i32
        %add3A_527 = vector.broadcast %add3A_526 : i32 to vector<16xi32>
        %add3A_528 = arith.addi %get3A_348, %add3A_527 : vector<16xi32>
        tpu.vector_store_idx %arg9[%add3A_528], %gather3A_510 : memref<16384xf32, #tpu.memory_space<vmem>>[vector<16xi32>], vector<16xf32>,
        %add3A_529 = arith.constant 64 : i32
        %add3A_530 = vector.broadcast %add3A_529 : i32 to vector<16xi32>
        %add3A_531 = arith.addi %get3A_353, %add3A_530 : vector<16xi32>
        tpu.vector_store_idx %arg9[%add3A_531], %gather3A_511 : memref<16384xf32, #tpu.memory_space<vmem>>[vector<16xi32>], vector<16xf32>,
        %add3A_532 = arith.constant 64 : i32
        %add3A_533 = vector.broadcast %add3A_532 : i32 to vector<16xi32>
        %add3A_534 = arith.addi %get3A_358, %add3A_533 : vector<16xi32>
        tpu.vector_store_idx %arg9[%add3A_534], %gather3A_512 : memref<16384xf32, #tpu.memory_space<vmem>>[vector<16xi32>], vector<16xf32>,
        %add3A_535 = arith.constant 64 : i32
        %add3A_536 = vector.broadcast %add3A_535 : i32 to vector<16xi32>
        %add3A_537 = arith.addi %get3A_363, %add3A_536 : vector<16xi32>
        tpu.vector_store_idx %arg9[%add3A_537], %gather3A_513 : memref<16384xf32, #tpu.memory_space<vmem>>[vector<16xi32>], vector<16xf32>,
        %add3A_538 = arith.constant 80 : i32
        %add3A_539 = vector.broadcast %add3A_538 : i32 to vector<16xi32>
        %add3A_540 = arith.addi %iota3A, %add3A_539 : vector<16xi32>
        %gather3A_541 = tpu.vector_load_idx %arg7[%add3A_540, %get3A_288] : memref<512x32xf32, #tpu.memory_space<vmem>>[vector<16xi32>, vector<16xi32>], vector<16xf32>,
        %gather3A_542 = tpu.vector_load_idx %arg7[%add3A_540, %get3A_293] : memref<512x32xf32, #tpu.memory_space<vmem>>[vector<16xi32>, vector<16xi32>], vector<16xf32>,
        %gather3A_543 = tpu.vector_load_idx %arg7[%add3A_540, %get3A_298] : memref<512x32xf32, #tpu.memory_space<vmem>>[vector<16xi32>, vector<16xi32>], vector<16xf32>,
        %gather3A_544 = tpu.vector_load_idx %arg7[%add3A_540, %get3A_303] : memref<512x32xf32, #tpu.memory_space<vmem>>[vector<16xi32>, vector<16xi32>], vector<16xf32>,
        %gather3A_545 = tpu.vector_load_idx %arg7[%add3A_540, %get3A_308] : memref<512x32xf32, #tpu.memory_space<vmem>>[vector<16xi32>, vector<16xi32>], vector<16xf32>,
        %gather3A_546 = tpu.vector_load_idx %arg7[%add3A_540, %get3A_313] : memref<512x32xf32, #tpu.memory_space<vmem>>[vector<16xi32>, vector<16xi32>], vector<16xf32>,
        %gather3A_547 = tpu.vector_load_idx %arg7[%add3A_540, %get3A_318] : memref<512x32xf32, #tpu.memory_space<vmem>>[vector<16xi32>, vector<16xi32>], vector<16xf32>,
        %gather3A_548 = tpu.vector_load_idx %arg7[%add3A_540, %get3A_323] : memref<512x32xf32, #tpu.memory_space<vmem>>[vector<16xi32>, vector<16xi32>], vector<16xf32>,
        %add3A_549 = arith.constant 80 : i32
        %add3A_550 = vector.broadcast %add3A_549 : i32 to vector<16xi32>
        %add3A_551 = arith.addi %get3A_328, %add3A_550 : vector<16xi32>
        tpu.vector_store_idx %arg9[%add3A_551], %gather3A_541 : memref<16384xf32, #tpu.memory_space<vmem>>[vector<16xi32>], vector<16xf32>,
        %add3A_552 = arith.constant 80 : i32
        %add3A_553 = vector.broadcast %add3A_552 : i32 to vector<16xi32>
        %add3A_554 = arith.addi %get3A_333, %add3A_553 : vector<16xi32>
        tpu.vector_store_idx %arg9[%add3A_554], %gather3A_542 : memref<16384xf32, #tpu.memory_space<vmem>>[vector<16xi32>], vector<16xf32>,
        %add3A_555 = arith.constant 80 : i32
        %add3A_556 = vector.broadcast %add3A_555 : i32 to vector<16xi32>
        %add3A_557 = arith.addi %get3A_338, %add3A_556 : vector<16xi32>
        tpu.vector_store_idx %arg9[%add3A_557], %gather3A_543 : memref<16384xf32, #tpu.memory_space<vmem>>[vector<16xi32>], vector<16xf32>,
        %add3A_558 = arith.constant 80 : i32
        %add3A_559 = vector.broadcast %add3A_558 : i32 to vector<16xi32>
        %add3A_560 = arith.addi %get3A_343, %add3A_559 : vector<16xi32>
        tpu.vector_store_idx %arg9[%add3A_560], %gather3A_544 : memref<16384xf32, #tpu.memory_space<vmem>>[vector<16xi32>], vector<16xf32>,
        %add3A_561 = arith.constant 80 : i32
        %add3A_562 = vector.broadcast %add3A_561 : i32 to vector<16xi32>
        %add3A_563 = arith.addi %get3A_348, %add3A_562 : vector<16xi32>
        tpu.vector_store_idx %arg9[%add3A_563], %gather3A_545 : memref<16384xf32, #tpu.memory_space<vmem>>[vector<16xi32>], vector<16xf32>,
        %add3A_564 = arith.constant 80 : i32
        %add3A_565 = vector.broadcast %add3A_564 : i32 to vector<16xi32>
        %add3A_566 = arith.addi %get3A_353, %add3A_565 : vector<16xi32>
        tpu.vector_store_idx %arg9[%add3A_566], %gather3A_546 : memref<16384xf32, #tpu.memory_space<vmem>>[vector<16xi32>], vector<16xf32>,
        %add3A_567 = arith.constant 80 : i32
        %add3A_568 = vector.broadcast %add3A_567 : i32 to vector<16xi32>
        %add3A_569 = arith.addi %get3A_358, %add3A_568 : vector<16xi32>
        tpu.vector_store_idx %arg9[%add3A_569], %gather3A_547 : memref<16384xf32, #tpu.memory_space<vmem>>[vector<16xi32>], vector<16xf32>,
        %add3A_570 = arith.constant 80 : i32
        %add3A_571 = vector.broadcast %add3A_570 : i32 to vector<16xi32>
        %add3A_572 = arith.addi %get3A_363, %add3A_571 : vector<16xi32>
        tpu.vector_store_idx %arg9[%add3A_572], %gather3A_548 : memref<16384xf32, #tpu.memory_space<vmem>>[vector<16xi32>], vector<16xf32>,
        %add3A_573 = arith.constant 96 : i32
        %add3A_574 = vector.broadcast %add3A_573 : i32 to vector<16xi32>
        %add3A_575 = arith.addi %iota3A, %add3A_574 : vector<16xi32>
        %gather3A_576 = tpu.vector_load_idx %arg7[%add3A_575, %get3A_288] : memref<512x32xf32, #tpu.memory_space<vmem>>[vector<16xi32>, vector<16xi32>], vector<16xf32>,
        %gather3A_577 = tpu.vector_load_idx %arg7[%add3A_575, %get3A_293] : memref<512x32xf32, #tpu.memory_space<vmem>>[vector<16xi32>, vector<16xi32>], vector<16xf32>,
        %gather3A_578 = tpu.vector_load_idx %arg7[%add3A_575, %get3A_298] : memref<512x32xf32, #tpu.memory_space<vmem>>[vector<16xi32>, vector<16xi32>], vector<16xf32>,
        %gather3A_579 = tpu.vector_load_idx %arg7[%add3A_575, %get3A_303] : memref<512x32xf32, #tpu.memory_space<vmem>>[vector<16xi32>, vector<16xi32>], vector<16xf32>,
        %gather3A_580 = tpu.vector_load_idx %arg7[%add3A_575, %get3A_308] : memref<512x32xf32, #tpu.memory_space<vmem>>[vector<16xi32>, vector<16xi32>], vector<16xf32>,
        %gather3A_581 = tpu.vector_load_idx %arg7[%add3A_575, %get3A_313] : memref<512x32xf32, #tpu.memory_space<vmem>>[vector<16xi32>, vector<16xi32>], vector<16xf32>,
        %gather3A_582 = tpu.vector_load_idx %arg7[%add3A_575, %get3A_318] : memref<512x32xf32, #tpu.memory_space<vmem>>[vector<16xi32>, vector<16xi32>], vector<16xf32>,
        %gather3A_583 = tpu.vector_load_idx %arg7[%add3A_575, %get3A_323] : memref<512x32xf32, #tpu.memory_space<vmem>>[vector<16xi32>, vector<16xi32>], vector<16xf32>,
        %add3A_584 = arith.constant 96 : i32
        %add3A_585 = vector.broadcast %add3A_584 : i32 to vector<16xi32>
        %add3A_586 = arith.addi %get3A_328, %add3A_585 : vector<16xi32>
        tpu.vector_store_idx %arg9[%add3A_586], %gather3A_576 : memref<16384xf32, #tpu.memory_space<vmem>>[vector<16xi32>], vector<16xf32>,
        %add3A_587 = arith.constant 96 : i32
        %add3A_588 = vector.broadcast %add3A_587 : i32 to vector<16xi32>
        %add3A_589 = arith.addi %get3A_333, %add3A_588 : vector<16xi32>
        tpu.vector_store_idx %arg9[%add3A_589], %gather3A_577 : memref<16384xf32, #tpu.memory_space<vmem>>[vector<16xi32>], vector<16xf32>,
        %add3A_590 = arith.constant 96 : i32
        %add3A_591 = vector.broadcast %add3A_590 : i32 to vector<16xi32>
        %add3A_592 = arith.addi %get3A_338, %add3A_591 : vector<16xi32>
        tpu.vector_store_idx %arg9[%add3A_592], %gather3A_578 : memref<16384xf32, #tpu.memory_space<vmem>>[vector<16xi32>], vector<16xf32>,
        %add3A_593 = arith.constant 96 : i32
        %add3A_594 = vector.broadcast %add3A_593 : i32 to vector<16xi32>
        %add3A_595 = arith.addi %get3A_343, %add3A_594 : vector<16xi32>
        tpu.vector_store_idx %arg9[%add3A_595], %gather3A_579 : memref<16384xf32, #tpu.memory_space<vmem>>[vector<16xi32>], vector<16xf32>,
        %add3A_596 = arith.constant 96 : i32
        %add3A_597 = vector.broadcast %add3A_596 : i32 to vector<16xi32>
        %add3A_598 = arith.addi %get3A_348, %add3A_597 : vector<16xi32>
        tpu.vector_store_idx %arg9[%add3A_598], %gather3A_580 : memref<16384xf32, #tpu.memory_space<vmem>>[vector<16xi32>], vector<16xf32>,
        %add3A_599 = arith.constant 96 : i32
        %add3A_600 = vector.broadcast %add3A_599 : i32 to vector<16xi32>
        %add3A_601 = arith.addi %get3A_353, %add3A_600 : vector<16xi32>
        tpu.vector_store_idx %arg9[%add3A_601], %gather3A_581 : memref<16384xf32, #tpu.memory_space<vmem>>[vector<16xi32>], vector<16xf32>,
        %add3A_602 = arith.constant 96 : i32
        %add3A_603 = vector.broadcast %add3A_602 : i32 to vector<16xi32>
        %add3A_604 = arith.addi %get3A_358, %add3A_603 : vector<16xi32>
        tpu.vector_store_idx %arg9[%add3A_604], %gather3A_582 : memref<16384xf32, #tpu.memory_space<vmem>>[vector<16xi32>], vector<16xf32>,
        %add3A_605 = arith.constant 96 : i32
        %add3A_606 = vector.broadcast %add3A_605 : i32 to vector<16xi32>
        %add3A_607 = arith.addi %get3A_363, %add3A_606 : vector<16xi32>
        tpu.vector_store_idx %arg9[%add3A_607], %gather3A_583 : memref<16384xf32, #tpu.memory_space<vmem>>[vector<16xi32>], vector<16xf32>,
        %add3A_608 = arith.constant 112 : i32
        %add3A_609 = vector.broadcast %add3A_608 : i32 to vector<16xi32>
        %add3A_610 = arith.addi %iota3A, %add3A_609 : vector<16xi32>
        %gather3A_611 = tpu.vector_load_idx %arg7[%add3A_610, %get3A_288] : memref<512x32xf32, #tpu.memory_space<vmem>>[vector<16xi32>, vector<16xi32>], vector<16xf32>,
        %gather3A_612 = tpu.vector_load_idx %arg7[%add3A_610, %get3A_293] : memref<512x32xf32, #tpu.memory_space<vmem>>[vector<16xi32>, vector<16xi32>], vector<16xf32>,
        %gather3A_613 = tpu.vector_load_idx %arg7[%add3A_610, %get3A_298] : memref<512x32xf32, #tpu.memory_space<vmem>>[vector<16xi32>, vector<16xi32>], vector<16xf32>,
        %gather3A_614 = tpu.vector_load_idx %arg7[%add3A_610, %get3A_303] : memref<512x32xf32, #tpu.memory_space<vmem>>[vector<16xi32>, vector<16xi32>], vector<16xf32>,
        %gather3A_615 = tpu.vector_load_idx %arg7[%add3A_610, %get3A_308] : memref<512x32xf32, #tpu.memory_space<vmem>>[vector<16xi32>, vector<16xi32>], vector<16xf32>,
        %gather3A_616 = tpu.vector_load_idx %arg7[%add3A_610, %get3A_313] : memref<512x32xf32, #tpu.memory_space<vmem>>[vector<16xi32>, vector<16xi32>], vector<16xf32>,
        %gather3A_617 = tpu.vector_load_idx %arg7[%add3A_610, %get3A_318] : memref<512x32xf32, #tpu.memory_space<vmem>>[vector<16xi32>, vector<16xi32>], vector<16xf32>,
        %gather3A_618 = tpu.vector_load_idx %arg7[%add3A_610, %get3A_323] : memref<512x32xf32, #tpu.memory_space<vmem>>[vector<16xi32>, vector<16xi32>], vector<16xf32>,
        %add3A_619 = arith.constant 112 : i32
        %add3A_620 = vector.broadcast %add3A_619 : i32 to vector<16xi32>
        %add3A_621 = arith.addi %get3A_328, %add3A_620 : vector<16xi32>
        tpu.vector_store_idx %arg9[%add3A_621], %gather3A_611 : memref<16384xf32, #tpu.memory_space<vmem>>[vector<16xi32>], vector<16xf32>,
        %add3A_622 = arith.constant 112 : i32
        %add3A_623 = vector.broadcast %add3A_622 : i32 to vector<16xi32>
        %add3A_624 = arith.addi %get3A_333, %add3A_623 : vector<16xi32>
        tpu.vector_store_idx %arg9[%add3A_624], %gather3A_612 : memref<16384xf32, #tpu.memory_space<vmem>>[vector<16xi32>], vector<16xf32>,
        %add3A_625 = arith.constant 112 : i32
        %add3A_626 = vector.broadcast %add3A_625 : i32 to vector<16xi32>
        %add3A_627 = arith.addi %get3A_338, %add3A_626 : vector<16xi32>
        tpu.vector_store_idx %arg9[%add3A_627], %gather3A_613 : memref<16384xf32, #tpu.memory_space<vmem>>[vector<16xi32>], vector<16xf32>,
        %add3A_628 = arith.constant 112 : i32
        %add3A_629 = vector.broadcast %add3A_628 : i32 to vector<16xi32>
        %add3A_630 = arith.addi %get3A_343, %add3A_629 : vector<16xi32>
        tpu.vector_store_idx %arg9[%add3A_630], %gather3A_614 : memref<16384xf32, #tpu.memory_space<vmem>>[vector<16xi32>], vector<16xf32>,
        %add3A_631 = arith.constant 112 : i32
        %add3A_632 = vector.broadcast %add3A_631 : i32 to vector<16xi32>
        %add3A_633 = arith.addi %get3A_348, %add3A_632 : vector<16xi32>
        tpu.vector_store_idx %arg9[%add3A_633], %gather3A_615 : memref<16384xf32, #tpu.memory_space<vmem>>[vector<16xi32>], vector<16xf32>,
        %add3A_634 = arith.constant 112 : i32
        %add3A_635 = vector.broadcast %add3A_634 : i32 to vector<16xi32>
        %add3A_636 = arith.addi %get3A_353, %add3A_635 : vector<16xi32>
        tpu.vector_store_idx %arg9[%add3A_636], %gather3A_616 : memref<16384xf32, #tpu.memory_space<vmem>>[vector<16xi32>], vector<16xf32>,
        %add3A_637 = arith.constant 112 : i32
        %add3A_638 = vector.broadcast %add3A_637 : i32 to vector<16xi32>
        %add3A_639 = arith.addi %get3A_358, %add3A_638 : vector<16xi32>
        tpu.vector_store_idx %arg9[%add3A_639], %gather3A_617 : memref<16384xf32, #tpu.memory_space<vmem>>[vector<16xi32>], vector<16xf32>,
        %add3A_640 = arith.constant 112 : i32
        %add3A_641 = vector.broadcast %add3A_640 : i32 to vector<16xi32>
        %add3A_642 = arith.addi %get3A_363, %add3A_641 : vector<16xi32>
        tpu.vector_store_idx %arg9[%add3A_642], %gather3A_618 : memref<16384xf32, #tpu.memory_space<vmem>>[vector<16xi32>], vector<16xf32>,
        %add3A_643 = arith.constant 128 : i32
        %add3A_644 = vector.broadcast %add3A_643 : i32 to vector<16xi32>
        %add3A_645 = arith.addi %iota3A, %add3A_644 : vector<16xi32>
        %gather3A_646 = tpu.vector_load_idx %arg7[%add3A_645, %get3A_288] : memref<512x32xf32, #tpu.memory_space<vmem>>[vector<16xi32>, vector<16xi32>], vector<16xf32>,
        %gather3A_647 = tpu.vector_load_idx %arg7[%add3A_645, %get3A_293] : memref<512x32xf32, #tpu.memory_space<vmem>>[vector<16xi32>, vector<16xi32>], vector<16xf32>,
        %gather3A_648 = tpu.vector_load_idx %arg7[%add3A_645, %get3A_298] : memref<512x32xf32, #tpu.memory_space<vmem>>[vector<16xi32>, vector<16xi32>], vector<16xf32>,
        %gather3A_649 = tpu.vector_load_idx %arg7[%add3A_645, %get3A_303] : memref<512x32xf32, #tpu.memory_space<vmem>>[vector<16xi32>, vector<16xi32>], vector<16xf32>,
        %gather3A_650 = tpu.vector_load_idx %arg7[%add3A_645, %get3A_308] : memref<512x32xf32, #tpu.memory_space<vmem>>[vector<16xi32>, vector<16xi32>], vector<16xf32>,
        %gather3A_651 = tpu.vector_load_idx %arg7[%add3A_645, %get3A_313] : memref<512x32xf32, #tpu.memory_space<vmem>>[vector<16xi32>, vector<16xi32>], vector<16xf32>,
        %gather3A_652 = tpu.vector_load_idx %arg7[%add3A_645, %get3A_318] : memref<512x32xf32, #tpu.memory_space<vmem>>[vector<16xi32>, vector<16xi32>], vector<16xf32>,
        %gather3A_653 = tpu.vector_load_idx %arg7[%add3A_645, %get3A_323] : memref<512x32xf32, #tpu.memory_space<vmem>>[vector<16xi32>, vector<16xi32>], vector<16xf32>,
        %add3A_654 = arith.constant 1024 : i32
        %add3A_655 = vector.broadcast %add3A_654 : i32 to vector<16xi32>
        %add3A_656 = arith.addi %get3A_328, %add3A_655 : vector<16xi32>
        tpu.vector_store_idx %arg9[%add3A_656], %gather3A_646 : memref<16384xf32, #tpu.memory_space<vmem>>[vector<16xi32>], vector<16xf32>,
        %add3A_657 = arith.constant 1024 : i32
        %add3A_658 = vector.broadcast %add3A_657 : i32 to vector<16xi32>
        %add3A_659 = arith.addi %get3A_333, %add3A_658 : vector<16xi32>
        tpu.vector_store_idx %arg9[%add3A_659], %gather3A_647 : memref<16384xf32, #tpu.memory_space<vmem>>[vector<16xi32>], vector<16xf32>,
        %add3A_660 = arith.constant 1024 : i32
        %add3A_661 = vector.broadcast %add3A_660 : i32 to vector<16xi32>
        %add3A_662 = arith.addi %get3A_338, %add3A_661 : vector<16xi32>
        tpu.vector_store_idx %arg9[%add3A_662], %gather3A_648 : memref<16384xf32, #tpu.memory_space<vmem>>[vector<16xi32>], vector<16xf32>,
        %add3A_663 = arith.constant 1024 : i32
        %add3A_664 = vector.broadcast %add3A_663 : i32 to vector<16xi32>
        %add3A_665 = arith.addi %get3A_343, %add3A_664 : vector<16xi32>
        tpu.vector_store_idx %arg9[%add3A_665], %gather3A_649 : memref<16384xf32, #tpu.memory_space<vmem>>[vector<16xi32>], vector<16xf32>,
        %add3A_666 = arith.constant 1024 : i32
        %add3A_667 = vector.broadcast %add3A_666 : i32 to vector<16xi32>
        %add3A_668 = arith.addi %get3A_348, %add3A_667 : vector<16xi32>
        tpu.vector_store_idx %arg9[%add3A_668], %gather3A_650 : memref<16384xf32, #tpu.memory_space<vmem>>[vector<16xi32>], vector<16xf32>,
        %add3A_669 = arith.constant 1024 : i32
        %add3A_670 = vector.broadcast %add3A_669 : i32 to vector<16xi32>
        %add3A_671 = arith.addi %get3A_353, %add3A_670 : vector<16xi32>
        tpu.vector_store_idx %arg9[%add3A_671], %gather3A_651 : memref<16384xf32, #tpu.memory_space<vmem>>[vector<16xi32>], vector<16xf32>,
        %add3A_672 = arith.constant 1024 : i32
        %add3A_673 = vector.broadcast %add3A_672 : i32 to vector<16xi32>
        %add3A_674 = arith.addi %get3A_358, %add3A_673 : vector<16xi32>
        tpu.vector_store_idx %arg9[%add3A_674], %gather3A_652 : memref<16384xf32, #tpu.memory_space<vmem>>[vector<16xi32>], vector<16xf32>,
        %add3A_675 = arith.constant 1024 : i32
        %add3A_676 = vector.broadcast %add3A_675 : i32 to vector<16xi32>
        %add3A_677 = arith.addi %get3A_363, %add3A_676 : vector<16xi32>
        tpu.vector_store_idx %arg9[%add3A_677], %gather3A_653 : memref<16384xf32, #tpu.memory_space<vmem>>[vector<16xi32>], vector<16xf32>,
        %add3A_678 = arith.constant 144 : i32
        %add3A_679 = vector.broadcast %add3A_678 : i32 to vector<16xi32>
        %add3A_680 = arith.addi %iota3A, %add3A_679 : vector<16xi32>
        %gather3A_681 = tpu.vector_load_idx %arg7[%add3A_680, %get3A_288] : memref<512x32xf32, #tpu.memory_space<vmem>>[vector<16xi32>, vector<16xi32>], vector<16xf32>,
        %gather3A_682 = tpu.vector_load_idx %arg7[%add3A_680, %get3A_293] : memref<512x32xf32, #tpu.memory_space<vmem>>[vector<16xi32>, vector<16xi32>], vector<16xf32>,
        %gather3A_683 = tpu.vector_load_idx %arg7[%add3A_680, %get3A_298] : memref<512x32xf32, #tpu.memory_space<vmem>>[vector<16xi32>, vector<16xi32>], vector<16xf32>,
        %gather3A_684 = tpu.vector_load_idx %arg7[%add3A_680, %get3A_303] : memref<512x32xf32, #tpu.memory_space<vmem>>[vector<16xi32>, vector<16xi32>], vector<16xf32>,
        %gather3A_685 = tpu.vector_load_idx %arg7[%add3A_680, %get3A_308] : memref<512x32xf32, #tpu.memory_space<vmem>>[vector<16xi32>, vector<16xi32>], vector<16xf32>,
        %gather3A_686 = tpu.vector_load_idx %arg7[%add3A_680, %get3A_313] : memref<512x32xf32, #tpu.memory_space<vmem>>[vector<16xi32>, vector<16xi32>], vector<16xf32>,
        %gather3A_687 = tpu.vector_load_idx %arg7[%add3A_680, %get3A_318] : memref<512x32xf32, #tpu.memory_space<vmem>>[vector<16xi32>, vector<16xi32>], vector<16xf32>,
        %gather3A_688 = tpu.vector_load_idx %arg7[%add3A_680, %get3A_323] : memref<512x32xf32, #tpu.memory_space<vmem>>[vector<16xi32>, vector<16xi32>], vector<16xf32>,
        %add3A_689 = arith.constant 1040 : i32
        %add3A_690 = vector.broadcast %add3A_689 : i32 to vector<16xi32>
        %add3A_691 = arith.addi %get3A_328, %add3A_690 : vector<16xi32>
        tpu.vector_store_idx %arg9[%add3A_691], %gather3A_681 : memref<16384xf32, #tpu.memory_space<vmem>>[vector<16xi32>], vector<16xf32>,
        %add3A_692 = arith.constant 1040 : i32
        %add3A_693 = vector.broadcast %add3A_692 : i32 to vector<16xi32>
        %add3A_694 = arith.addi %get3A_333, %add3A_693 : vector<16xi32>
        tpu.vector_store_idx %arg9[%add3A_694], %gather3A_682 : memref<16384xf32, #tpu.memory_space<vmem>>[vector<16xi32>], vector<16xf32>,
        %add3A_695 = arith.constant 1040 : i32
        %add3A_696 = vector.broadcast %add3A_695 : i32 to vector<16xi32>
        %add3A_697 = arith.addi %get3A_338, %add3A_696 : vector<16xi32>
        tpu.vector_store_idx %arg9[%add3A_697], %gather3A_683 : memref<16384xf32, #tpu.memory_space<vmem>>[vector<16xi32>], vector<16xf32>,
        %add3A_698 = arith.constant 1040 : i32
        %add3A_699 = vector.broadcast %add3A_698 : i32 to vector<16xi32>
        %add3A_700 = arith.addi %get3A_343, %add3A_699 : vector<16xi32>
        tpu.vector_store_idx %arg9[%add3A_700], %gather3A_684 : memref<16384xf32, #tpu.memory_space<vmem>>[vector<16xi32>], vector<16xf32>,
        %add3A_701 = arith.constant 1040 : i32
        %add3A_702 = vector.broadcast %add3A_701 : i32 to vector<16xi32>
        %add3A_703 = arith.addi %get3A_348, %add3A_702 : vector<16xi32>
        tpu.vector_store_idx %arg9[%add3A_703], %gather3A_685 : memref<16384xf32, #tpu.memory_space<vmem>>[vector<16xi32>], vector<16xf32>,
        %add3A_704 = arith.constant 1040 : i32
        %add3A_705 = vector.broadcast %add3A_704 : i32 to vector<16xi32>
        %add3A_706 = arith.addi %get3A_353, %add3A_705 : vector<16xi32>
        tpu.vector_store_idx %arg9[%add3A_706], %gather3A_686 : memref<16384xf32, #tpu.memory_space<vmem>>[vector<16xi32>], vector<16xf32>,
        %add3A_707 = arith.constant 1040 : i32
        %add3A_708 = vector.broadcast %add3A_707 : i32 to vector<16xi32>
        %add3A_709 = arith.addi %get3A_358, %add3A_708 : vector<16xi32>
        tpu.vector_store_idx %arg9[%add3A_709], %gather3A_687 : memref<16384xf32, #tpu.memory_space<vmem>>[vector<16xi32>], vector<16xf32>,
        %add3A_710 = arith.constant 1040 : i32
        %add3A_711 = vector.broadcast %add3A_710 : i32 to vector<16xi32>
        %add3A_712 = arith.addi %get3A_363, %add3A_711 : vector<16xi32>
        tpu.vector_store_idx %arg9[%add3A_712], %gather3A_688 : memref<16384xf32, #tpu.memory_space<vmem>>[vector<16xi32>], vector<16xf32>,
        %add3A_713 = arith.constant 160 : i32
        %add3A_714 = vector.broadcast %add3A_713 : i32 to vector<16xi32>
        %add3A_715 = arith.addi %iota3A, %add3A_714 : vector<16xi32>
        %gather3A_716 = tpu.vector_load_idx %arg7[%add3A_715, %get3A_288] : memref<512x32xf32, #tpu.memory_space<vmem>>[vector<16xi32>, vector<16xi32>], vector<16xf32>,
        %gather3A_717 = tpu.vector_load_idx %arg7[%add3A_715, %get3A_293] : memref<512x32xf32, #tpu.memory_space<vmem>>[vector<16xi32>, vector<16xi32>], vector<16xf32>,
        %gather3A_718 = tpu.vector_load_idx %arg7[%add3A_715, %get3A_298] : memref<512x32xf32, #tpu.memory_space<vmem>>[vector<16xi32>, vector<16xi32>], vector<16xf32>,
        %gather3A_719 = tpu.vector_load_idx %arg7[%add3A_715, %get3A_303] : memref<512x32xf32, #tpu.memory_space<vmem>>[vector<16xi32>, vector<16xi32>], vector<16xf32>,
        %gather3A_720 = tpu.vector_load_idx %arg7[%add3A_715, %get3A_308] : memref<512x32xf32, #tpu.memory_space<vmem>>[vector<16xi32>, vector<16xi32>], vector<16xf32>,
        %gather3A_721 = tpu.vector_load_idx %arg7[%add3A_715, %get3A_313] : memref<512x32xf32, #tpu.memory_space<vmem>>[vector<16xi32>, vector<16xi32>], vector<16xf32>,
        %gather3A_722 = tpu.vector_load_idx %arg7[%add3A_715, %get3A_318] : memref<512x32xf32, #tpu.memory_space<vmem>>[vector<16xi32>, vector<16xi32>], vector<16xf32>,
        %gather3A_723 = tpu.vector_load_idx %arg7[%add3A_715, %get3A_323] : memref<512x32xf32, #tpu.memory_space<vmem>>[vector<16xi32>, vector<16xi32>], vector<16xf32>,
        %add3A_724 = arith.constant 1056 : i32
        %add3A_725 = vector.broadcast %add3A_724 : i32 to vector<16xi32>
        %add3A_726 = arith.addi %get3A_328, %add3A_725 : vector<16xi32>
        tpu.vector_store_idx %arg9[%add3A_726], %gather3A_716 : memref<16384xf32, #tpu.memory_space<vmem>>[vector<16xi32>], vector<16xf32>,
        %add3A_727 = arith.constant 1056 : i32
        %add3A_728 = vector.broadcast %add3A_727 : i32 to vector<16xi32>
        %add3A_729 = arith.addi %get3A_333, %add3A_728 : vector<16xi32>
        tpu.vector_store_idx %arg9[%add3A_729], %gather3A_717 : memref<16384xf32, #tpu.memory_space<vmem>>[vector<16xi32>], vector<16xf32>,
        %add3A_730 = arith.constant 1056 : i32
        %add3A_731 = vector.broadcast %add3A_730 : i32 to vector<16xi32>
        %add3A_732 = arith.addi %get3A_338, %add3A_731 : vector<16xi32>
        tpu.vector_store_idx %arg9[%add3A_732], %gather3A_718 : memref<16384xf32, #tpu.memory_space<vmem>>[vector<16xi32>], vector<16xf32>,
        %add3A_733 = arith.constant 1056 : i32
        %add3A_734 = vector.broadcast %add3A_733 : i32 to vector<16xi32>
        %add3A_735 = arith.addi %get3A_343, %add3A_734 : vector<16xi32>
        tpu.vector_store_idx %arg9[%add3A_735], %gather3A_719 : memref<16384xf32, #tpu.memory_space<vmem>>[vector<16xi32>], vector<16xf32>,
        %add3A_736 = arith.constant 1056 : i32
        %add3A_737 = vector.broadcast %add3A_736 : i32 to vector<16xi32>
        %add3A_738 = arith.addi %get3A_348, %add3A_737 : vector<16xi32>
        tpu.vector_store_idx %arg9[%add3A_738], %gather3A_720 : memref<16384xf32, #tpu.memory_space<vmem>>[vector<16xi32>], vector<16xf32>,
        %add3A_739 = arith.constant 1056 : i32
        %add3A_740 = vector.broadcast %add3A_739 : i32 to vector<16xi32>
        %add3A_741 = arith.addi %get3A_353, %add3A_740 : vector<16xi32>
        tpu.vector_store_idx %arg9[%add3A_741], %gather3A_721 : memref<16384xf32, #tpu.memory_space<vmem>>[vector<16xi32>], vector<16xf32>,
        %add3A_742 = arith.constant 1056 : i32
        %add3A_743 = vector.broadcast %add3A_742 : i32 to vector<16xi32>
        %add3A_744 = arith.addi %get3A_358, %add3A_743 : vector<16xi32>
        tpu.vector_store_idx %arg9[%add3A_744], %gather3A_722 : memref<16384xf32, #tpu.memory_space<vmem>>[vector<16xi32>], vector<16xf32>,
        %add3A_745 = arith.constant 1056 : i32
        %add3A_746 = vector.broadcast %add3A_745 : i32 to vector<16xi32>
        %add3A_747 = arith.addi %get3A_363, %add3A_746 : vector<16xi32>
        tpu.vector_store_idx %arg9[%add3A_747], %gather3A_723 : memref<16384xf32, #tpu.memory_space<vmem>>[vector<16xi32>], vector<16xf32>,
        %add3A_748 = arith.constant 176 : i32
        %add3A_749 = vector.broadcast %add3A_748 : i32 to vector<16xi32>
        %add3A_750 = arith.addi %iota3A, %add3A_749 : vector<16xi32>
        %gather3A_751 = tpu.vector_load_idx %arg7[%add3A_750, %get3A_288] : memref<512x32xf32, #tpu.memory_space<vmem>>[vector<16xi32>, vector<16xi32>], vector<16xf32>,
        %gather3A_752 = tpu.vector_load_idx %arg7[%add3A_750, %get3A_293] : memref<512x32xf32, #tpu.memory_space<vmem>>[vector<16xi32>, vector<16xi32>], vector<16xf32>,
        %gather3A_753 = tpu.vector_load_idx %arg7[%add3A_750, %get3A_298] : memref<512x32xf32, #tpu.memory_space<vmem>>[vector<16xi32>, vector<16xi32>], vector<16xf32>,
        %gather3A_754 = tpu.vector_load_idx %arg7[%add3A_750, %get3A_303] : memref<512x32xf32, #tpu.memory_space<vmem>>[vector<16xi32>, vector<16xi32>], vector<16xf32>,
        %gather3A_755 = tpu.vector_load_idx %arg7[%add3A_750, %get3A_308] : memref<512x32xf32, #tpu.memory_space<vmem>>[vector<16xi32>, vector<16xi32>], vector<16xf32>,
        %gather3A_756 = tpu.vector_load_idx %arg7[%add3A_750, %get3A_313] : memref<512x32xf32, #tpu.memory_space<vmem>>[vector<16xi32>, vector<16xi32>], vector<16xf32>,
        %gather3A_757 = tpu.vector_load_idx %arg7[%add3A_750, %get3A_318] : memref<512x32xf32, #tpu.memory_space<vmem>>[vector<16xi32>, vector<16xi32>], vector<16xf32>,
        %gather3A_758 = tpu.vector_load_idx %arg7[%add3A_750, %get3A_323] : memref<512x32xf32, #tpu.memory_space<vmem>>[vector<16xi32>, vector<16xi32>], vector<16xf32>,
        %add3A_759 = arith.constant 1072 : i32
        %add3A_760 = vector.broadcast %add3A_759 : i32 to vector<16xi32>
        %add3A_761 = arith.addi %get3A_328, %add3A_760 : vector<16xi32>
        tpu.vector_store_idx %arg9[%add3A_761], %gather3A_751 : memref<16384xf32, #tpu.memory_space<vmem>>[vector<16xi32>], vector<16xf32>,
        %add3A_762 = arith.constant 1072 : i32
        %add3A_763 = vector.broadcast %add3A_762 : i32 to vector<16xi32>
        %add3A_764 = arith.addi %get3A_333, %add3A_763 : vector<16xi32>
        tpu.vector_store_idx %arg9[%add3A_764], %gather3A_752 : memref<16384xf32, #tpu.memory_space<vmem>>[vector<16xi32>], vector<16xf32>,
        %add3A_765 = arith.constant 1072 : i32
        %add3A_766 = vector.broadcast %add3A_765 : i32 to vector<16xi32>
        %add3A_767 = arith.addi %get3A_338, %add3A_766 : vector<16xi32>
        tpu.vector_store_idx %arg9[%add3A_767], %gather3A_753 : memref<16384xf32, #tpu.memory_space<vmem>>[vector<16xi32>], vector<16xf32>,
        %add3A_768 = arith.constant 1072 : i32
        %add3A_769 = vector.broadcast %add3A_768 : i32 to vector<16xi32>
        %add3A_770 = arith.addi %get3A_343, %add3A_769 : vector<16xi32>
        tpu.vector_store_idx %arg9[%add3A_770], %gather3A_754 : memref<16384xf32, #tpu.memory_space<vmem>>[vector<16xi32>], vector<16xf32>,
        %add3A_771 = arith.constant 1072 : i32
        %add3A_772 = vector.broadcast %add3A_771 : i32 to vector<16xi32>
        %add3A_773 = arith.addi %get3A_348, %add3A_772 : vector<16xi32>
        tpu.vector_store_idx %arg9[%add3A_773], %gather3A_755 : memref<16384xf32, #tpu.memory_space<vmem>>[vector<16xi32>], vector<16xf32>,
        %add3A_774 = arith.constant 1072 : i32
        %add3A_775 = vector.broadcast %add3A_774 : i32 to vector<16xi32>
        %add3A_776 = arith.addi %get3A_353, %add3A_775 : vector<16xi32>
        tpu.vector_store_idx %arg9[%add3A_776], %gather3A_756 : memref<16384xf32, #tpu.memory_space<vmem>>[vector<16xi32>], vector<16xf32>,
        %add3A_777 = arith.constant 1072 : i32
        %add3A_778 = vector.broadcast %add3A_777 : i32 to vector<16xi32>
        %add3A_779 = arith.addi %get3A_358, %add3A_778 : vector<16xi32>
        tpu.vector_store_idx %arg9[%add3A_779], %gather3A_757 : memref<16384xf32, #tpu.memory_space<vmem>>[vector<16xi32>], vector<16xf32>,
        %add3A_780 = arith.constant 1072 : i32
        %add3A_781 = vector.broadcast %add3A_780 : i32 to vector<16xi32>
        %add3A_782 = arith.addi %get3A_363, %add3A_781 : vector<16xi32>
        tpu.vector_store_idx %arg9[%add3A_782], %gather3A_758 : memref<16384xf32, #tpu.memory_space<vmem>>[vector<16xi32>], vector<16xf32>,
        %add3A_783 = arith.constant 192 : i32
        %add3A_784 = vector.broadcast %add3A_783 : i32 to vector<16xi32>
        %add3A_785 = arith.addi %iota3A, %add3A_784 : vector<16xi32>
        %gather3A_786 = tpu.vector_load_idx %arg7[%add3A_785, %get3A_288] : memref<512x32xf32, #tpu.memory_space<vmem>>[vector<16xi32>, vector<16xi32>], vector<16xf32>,
        %gather3A_787 = tpu.vector_load_idx %arg7[%add3A_785, %get3A_293] : memref<512x32xf32, #tpu.memory_space<vmem>>[vector<16xi32>, vector<16xi32>], vector<16xf32>,
        %gather3A_788 = tpu.vector_load_idx %arg7[%add3A_785, %get3A_298] : memref<512x32xf32, #tpu.memory_space<vmem>>[vector<16xi32>, vector<16xi32>], vector<16xf32>,
        %gather3A_789 = tpu.vector_load_idx %arg7[%add3A_785, %get3A_303] : memref<512x32xf32, #tpu.memory_space<vmem>>[vector<16xi32>, vector<16xi32>], vector<16xf32>,
        %gather3A_790 = tpu.vector_load_idx %arg7[%add3A_785, %get3A_308] : memref<512x32xf32, #tpu.memory_space<vmem>>[vector<16xi32>, vector<16xi32>], vector<16xf32>,
        %gather3A_791 = tpu.vector_load_idx %arg7[%add3A_785, %get3A_313] : memref<512x32xf32, #tpu.memory_space<vmem>>[vector<16xi32>, vector<16xi32>], vector<16xf32>,
        %gather3A_792 = tpu.vector_load_idx %arg7[%add3A_785, %get3A_318] : memref<512x32xf32, #tpu.memory_space<vmem>>[vector<16xi32>, vector<16xi32>], vector<16xf32>,
        %gather3A_793 = tpu.vector_load_idx %arg7[%add3A_785, %get3A_323] : memref<512x32xf32, #tpu.memory_space<vmem>>[vector<16xi32>, vector<16xi32>], vector<16xf32>,
        %add3A_794 = arith.constant 1088 : i32
        %add3A_795 = vector.broadcast %add3A_794 : i32 to vector<16xi32>
        %add3A_796 = arith.addi %get3A_328, %add3A_795 : vector<16xi32>
        tpu.vector_store_idx %arg9[%add3A_796], %gather3A_786 : memref<16384xf32, #tpu.memory_space<vmem>>[vector<16xi32>], vector<16xf32>,
        %add3A_797 = arith.constant 1088 : i32
        %add3A_798 = vector.broadcast %add3A_797 : i32 to vector<16xi32>
        %add3A_799 = arith.addi %get3A_333, %add3A_798 : vector<16xi32>
        tpu.vector_store_idx %arg9[%add3A_799], %gather3A_787 : memref<16384xf32, #tpu.memory_space<vmem>>[vector<16xi32>], vector<16xf32>,
        %add3A_800 = arith.constant 1088 : i32
        %add3A_801 = vector.broadcast %add3A_800 : i32 to vector<16xi32>
        %add3A_802 = arith.addi %get3A_338, %add3A_801 : vector<16xi32>
        tpu.vector_store_idx %arg9[%add3A_802], %gather3A_788 : memref<16384xf32, #tpu.memory_space<vmem>>[vector<16xi32>], vector<16xf32>,
        %add3A_803 = arith.constant 1088 : i32
        %add3A_804 = vector.broadcast %add3A_803 : i32 to vector<16xi32>
        %add3A_805 = arith.addi %get3A_343, %add3A_804 : vector<16xi32>
        tpu.vector_store_idx %arg9[%add3A_805], %gather3A_789 : memref<16384xf32, #tpu.memory_space<vmem>>[vector<16xi32>], vector<16xf32>,
        %add3A_806 = arith.constant 1088 : i32
        %add3A_807 = vector.broadcast %add3A_806 : i32 to vector<16xi32>
        %add3A_808 = arith.addi %get3A_348, %add3A_807 : vector<16xi32>
        tpu.vector_store_idx %arg9[%add3A_808], %gather3A_790 : memref<16384xf32, #tpu.memory_space<vmem>>[vector<16xi32>], vector<16xf32>,
        %add3A_809 = arith.constant 1088 : i32
        %add3A_810 = vector.broadcast %add3A_809 : i32 to vector<16xi32>
        %add3A_811 = arith.addi %get3A_353, %add3A_810 : vector<16xi32>
        tpu.vector_store_idx %arg9[%add3A_811], %gather3A_791 : memref<16384xf32, #tpu.memory_space<vmem>>[vector<16xi32>], vector<16xf32>,
        %add3A_812 = arith.constant 1088 : i32
        %add3A_813 = vector.broadcast %add3A_812 : i32 to vector<16xi32>
        %add3A_814 = arith.addi %get3A_358, %add3A_813 : vector<16xi32>
        tpu.vector_store_idx %arg9[%add3A_814], %gather3A_792 : memref<16384xf32, #tpu.memory_space<vmem>>[vector<16xi32>], vector<16xf32>,
        %add3A_815 = arith.constant 1088 : i32
        %add3A_816 = vector.broadcast %add3A_815 : i32 to vector<16xi32>
        %add3A_817 = arith.addi %get3A_363, %add3A_816 : vector<16xi32>
        tpu.vector_store_idx %arg9[%add3A_817], %gather3A_793 : memref<16384xf32, #tpu.memory_space<vmem>>[vector<16xi32>], vector<16xf32>,
        %add3A_818 = arith.constant 208 : i32
        %add3A_819 = vector.broadcast %add3A_818 : i32 to vector<16xi32>
        %add3A_820 = arith.addi %iota3A, %add3A_819 : vector<16xi32>
        %gather3A_821 = tpu.vector_load_idx %arg7[%add3A_820, %get3A_288] : memref<512x32xf32, #tpu.memory_space<vmem>>[vector<16xi32>, vector<16xi32>], vector<16xf32>,
        %gather3A_822 = tpu.vector_load_idx %arg7[%add3A_820, %get3A_293] : memref<512x32xf32, #tpu.memory_space<vmem>>[vector<16xi32>, vector<16xi32>], vector<16xf32>,
        %gather3A_823 = tpu.vector_load_idx %arg7[%add3A_820, %get3A_298] : memref<512x32xf32, #tpu.memory_space<vmem>>[vector<16xi32>, vector<16xi32>], vector<16xf32>,
        %gather3A_824 = tpu.vector_load_idx %arg7[%add3A_820, %get3A_303] : memref<512x32xf32, #tpu.memory_space<vmem>>[vector<16xi32>, vector<16xi32>], vector<16xf32>,
        %gather3A_825 = tpu.vector_load_idx %arg7[%add3A_820, %get3A_308] : memref<512x32xf32, #tpu.memory_space<vmem>>[vector<16xi32>, vector<16xi32>], vector<16xf32>,
        %gather3A_826 = tpu.vector_load_idx %arg7[%add3A_820, %get3A_313] : memref<512x32xf32, #tpu.memory_space<vmem>>[vector<16xi32>, vector<16xi32>], vector<16xf32>,
        %gather3A_827 = tpu.vector_load_idx %arg7[%add3A_820, %get3A_318] : memref<512x32xf32, #tpu.memory_space<vmem>>[vector<16xi32>, vector<16xi32>], vector<16xf32>,
        %gather3A_828 = tpu.vector_load_idx %arg7[%add3A_820, %get3A_323] : memref<512x32xf32, #tpu.memory_space<vmem>>[vector<16xi32>, vector<16xi32>], vector<16xf32>,
        %add3A_829 = arith.constant 1104 : i32
        %add3A_830 = vector.broadcast %add3A_829 : i32 to vector<16xi32>
        %add3A_831 = arith.addi %get3A_328, %add3A_830 : vector<16xi32>
        tpu.vector_store_idx %arg9[%add3A_831], %gather3A_821 : memref<16384xf32, #tpu.memory_space<vmem>>[vector<16xi32>], vector<16xf32>,
        %add3A_832 = arith.constant 1104 : i32
        %add3A_833 = vector.broadcast %add3A_832 : i32 to vector<16xi32>
        %add3A_834 = arith.addi %get3A_333, %add3A_833 : vector<16xi32>
        tpu.vector_store_idx %arg9[%add3A_834], %gather3A_822 : memref<16384xf32, #tpu.memory_space<vmem>>[vector<16xi32>], vector<16xf32>,
        %add3A_835 = arith.constant 1104 : i32
        %add3A_836 = vector.broadcast %add3A_835 : i32 to vector<16xi32>
        %add3A_837 = arith.addi %get3A_338, %add3A_836 : vector<16xi32>
        tpu.vector_store_idx %arg9[%add3A_837], %gather3A_823 : memref<16384xf32, #tpu.memory_space<vmem>>[vector<16xi32>], vector<16xf32>,
        %add3A_838 = arith.constant 1104 : i32
        %add3A_839 = vector.broadcast %add3A_838 : i32 to vector<16xi32>
        %add3A_840 = arith.addi %get3A_343, %add3A_839 : vector<16xi32>
        tpu.vector_store_idx %arg9[%add3A_840], %gather3A_824 : memref<16384xf32, #tpu.memory_space<vmem>>[vector<16xi32>], vector<16xf32>,
        %add3A_841 = arith.constant 1104 : i32
        %add3A_842 = vector.broadcast %add3A_841 : i32 to vector<16xi32>
        %add3A_843 = arith.addi %get3A_348, %add3A_842 : vector<16xi32>
        tpu.vector_store_idx %arg9[%add3A_843], %gather3A_825 : memref<16384xf32, #tpu.memory_space<vmem>>[vector<16xi32>], vector<16xf32>,
        %add3A_844 = arith.constant 1104 : i32
        %add3A_845 = vector.broadcast %add3A_844 : i32 to vector<16xi32>
        %add3A_846 = arith.addi %get3A_353, %add3A_845 : vector<16xi32>
        tpu.vector_store_idx %arg9[%add3A_846], %gather3A_826 : memref<16384xf32, #tpu.memory_space<vmem>>[vector<16xi32>], vector<16xf32>,
        %add3A_847 = arith.constant 1104 : i32
        %add3A_848 = vector.broadcast %add3A_847 : i32 to vector<16xi32>
        %add3A_849 = arith.addi %get3A_358, %add3A_848 : vector<16xi32>
        tpu.vector_store_idx %arg9[%add3A_849], %gather3A_827 : memref<16384xf32, #tpu.memory_space<vmem>>[vector<16xi32>], vector<16xf32>,
        %add3A_850 = arith.constant 1104 : i32
        %add3A_851 = vector.broadcast %add3A_850 : i32 to vector<16xi32>
        %add3A_852 = arith.addi %get3A_363, %add3A_851 : vector<16xi32>
        tpu.vector_store_idx %arg9[%add3A_852], %gather3A_828 : memref<16384xf32, #tpu.memory_space<vmem>>[vector<16xi32>], vector<16xf32>,
        %add3A_853 = arith.constant 224 : i32
        %add3A_854 = vector.broadcast %add3A_853 : i32 to vector<16xi32>
        %add3A_855 = arith.addi %iota3A, %add3A_854 : vector<16xi32>
        %gather3A_856 = tpu.vector_load_idx %arg7[%add3A_855, %get3A_288] : memref<512x32xf32, #tpu.memory_space<vmem>>[vector<16xi32>, vector<16xi32>], vector<16xf32>,
        %gather3A_857 = tpu.vector_load_idx %arg7[%add3A_855, %get3A_293] : memref<512x32xf32, #tpu.memory_space<vmem>>[vector<16xi32>, vector<16xi32>], vector<16xf32>,
        %gather3A_858 = tpu.vector_load_idx %arg7[%add3A_855, %get3A_298] : memref<512x32xf32, #tpu.memory_space<vmem>>[vector<16xi32>, vector<16xi32>], vector<16xf32>,
        %gather3A_859 = tpu.vector_load_idx %arg7[%add3A_855, %get3A_303] : memref<512x32xf32, #tpu.memory_space<vmem>>[vector<16xi32>, vector<16xi32>], vector<16xf32>,
        %gather3A_860 = tpu.vector_load_idx %arg7[%add3A_855, %get3A_308] : memref<512x32xf32, #tpu.memory_space<vmem>>[vector<16xi32>, vector<16xi32>], vector<16xf32>,
        %gather3A_861 = tpu.vector_load_idx %arg7[%add3A_855, %get3A_313] : memref<512x32xf32, #tpu.memory_space<vmem>>[vector<16xi32>, vector<16xi32>], vector<16xf32>,
        %gather3A_862 = tpu.vector_load_idx %arg7[%add3A_855, %get3A_318] : memref<512x32xf32, #tpu.memory_space<vmem>>[vector<16xi32>, vector<16xi32>], vector<16xf32>,
        %gather3A_863 = tpu.vector_load_idx %arg7[%add3A_855, %get3A_323] : memref<512x32xf32, #tpu.memory_space<vmem>>[vector<16xi32>, vector<16xi32>], vector<16xf32>,
        %add3A_864 = arith.constant 1120 : i32
        %add3A_865 = vector.broadcast %add3A_864 : i32 to vector<16xi32>
        %add3A_866 = arith.addi %get3A_328, %add3A_865 : vector<16xi32>
        tpu.vector_store_idx %arg9[%add3A_866], %gather3A_856 : memref<16384xf32, #tpu.memory_space<vmem>>[vector<16xi32>], vector<16xf32>,
        %add3A_867 = arith.constant 1120 : i32
        %add3A_868 = vector.broadcast %add3A_867 : i32 to vector<16xi32>
        %add3A_869 = arith.addi %get3A_333, %add3A_868 : vector<16xi32>
        tpu.vector_store_idx %arg9[%add3A_869], %gather3A_857 : memref<16384xf32, #tpu.memory_space<vmem>>[vector<16xi32>], vector<16xf32>,
        %add3A_870 = arith.constant 1120 : i32
        %add3A_871 = vector.broadcast %add3A_870 : i32 to vector<16xi32>
        %add3A_872 = arith.addi %get3A_338, %add3A_871 : vector<16xi32>
        tpu.vector_store_idx %arg9[%add3A_872], %gather3A_858 : memref<16384xf32, #tpu.memory_space<vmem>>[vector<16xi32>], vector<16xf32>,
        %add3A_873 = arith.constant 1120 : i32
        %add3A_874 = vector.broadcast %add3A_873 : i32 to vector<16xi32>
        %add3A_875 = arith.addi %get3A_343, %add3A_874 : vector<16xi32>
        tpu.vector_store_idx %arg9[%add3A_875], %gather3A_859 : memref<16384xf32, #tpu.memory_space<vmem>>[vector<16xi32>], vector<16xf32>,
        %add3A_876 = arith.constant 1120 : i32
        %add3A_877 = vector.broadcast %add3A_876 : i32 to vector<16xi32>
        %add3A_878 = arith.addi %get3A_348, %add3A_877 : vector<16xi32>
        tpu.vector_store_idx %arg9[%add3A_878], %gather3A_860 : memref<16384xf32, #tpu.memory_space<vmem>>[vector<16xi32>], vector<16xf32>,
        %add3A_879 = arith.constant 1120 : i32
        %add3A_880 = vector.broadcast %add3A_879 : i32 to vector<16xi32>
        %add3A_881 = arith.addi %get3A_353, %add3A_880 : vector<16xi32>
        tpu.vector_store_idx %arg9[%add3A_881], %gather3A_861 : memref<16384xf32, #tpu.memory_space<vmem>>[vector<16xi32>], vector<16xf32>,
        %add3A_882 = arith.constant 1120 : i32
        %add3A_883 = vector.broadcast %add3A_882 : i32 to vector<16xi32>
        %add3A_884 = arith.addi %get3A_358, %add3A_883 : vector<16xi32>
        tpu.vector_store_idx %arg9[%add3A_884], %gather3A_862 : memref<16384xf32, #tpu.memory_space<vmem>>[vector<16xi32>], vector<16xf32>,
        %add3A_885 = arith.constant 1120 : i32
        %add3A_886 = vector.broadcast %add3A_885 : i32 to vector<16xi32>
        %add3A_887 = arith.addi %get3A_363, %add3A_886 : vector<16xi32>
        tpu.vector_store_idx %arg9[%add3A_887], %gather3A_863 : memref<16384xf32, #tpu.memory_space<vmem>>[vector<16xi32>], vector<16xf32>,
        %add3A_888 = arith.constant 240 : i32
        %add3A_889 = vector.broadcast %add3A_888 : i32 to vector<16xi32>
        %add3A_890 = arith.addi %iota3A, %add3A_889 : vector<16xi32>
        %gather3A_891 = tpu.vector_load_idx %arg7[%add3A_890, %get3A_288] : memref<512x32xf32, #tpu.memory_space<vmem>>[vector<16xi32>, vector<16xi32>], vector<16xf32>,
        %gather3A_892 = tpu.vector_load_idx %arg7[%add3A_890, %get3A_293] : memref<512x32xf32, #tpu.memory_space<vmem>>[vector<16xi32>, vector<16xi32>], vector<16xf32>,
        %gather3A_893 = tpu.vector_load_idx %arg7[%add3A_890, %get3A_298] : memref<512x32xf32, #tpu.memory_space<vmem>>[vector<16xi32>, vector<16xi32>], vector<16xf32>,
        %gather3A_894 = tpu.vector_load_idx %arg7[%add3A_890, %get3A_303] : memref<512x32xf32, #tpu.memory_space<vmem>>[vector<16xi32>, vector<16xi32>], vector<16xf32>,
        %gather3A_895 = tpu.vector_load_idx %arg7[%add3A_890, %get3A_308] : memref<512x32xf32, #tpu.memory_space<vmem>>[vector<16xi32>, vector<16xi32>], vector<16xf32>,
        %gather3A_896 = tpu.vector_load_idx %arg7[%add3A_890, %get3A_313] : memref<512x32xf32, #tpu.memory_space<vmem>>[vector<16xi32>, vector<16xi32>], vector<16xf32>,
        %gather3A_897 = tpu.vector_load_idx %arg7[%add3A_890, %get3A_318] : memref<512x32xf32, #tpu.memory_space<vmem>>[vector<16xi32>, vector<16xi32>], vector<16xf32>,
        %gather3A_898 = tpu.vector_load_idx %arg7[%add3A_890, %get3A_323] : memref<512x32xf32, #tpu.memory_space<vmem>>[vector<16xi32>, vector<16xi32>], vector<16xf32>,
        %add3A_899 = arith.constant 1136 : i32
        %add3A_900 = vector.broadcast %add3A_899 : i32 to vector<16xi32>
        %add3A_901 = arith.addi %get3A_328, %add3A_900 : vector<16xi32>
        tpu.vector_store_idx %arg9[%add3A_901], %gather3A_891 : memref<16384xf32, #tpu.memory_space<vmem>>[vector<16xi32>], vector<16xf32>,
        %add3A_902 = arith.constant 1136 : i32
        %add3A_903 = vector.broadcast %add3A_902 : i32 to vector<16xi32>
        %add3A_904 = arith.addi %get3A_333, %add3A_903 : vector<16xi32>
        tpu.vector_store_idx %arg9[%add3A_904], %gather3A_892 : memref<16384xf32, #tpu.memory_space<vmem>>[vector<16xi32>], vector<16xf32>,
        %add3A_905 = arith.constant 1136 : i32
        %add3A_906 = vector.broadcast %add3A_905 : i32 to vector<16xi32>
        %add3A_907 = arith.addi %get3A_338, %add3A_906 : vector<16xi32>
        tpu.vector_store_idx %arg9[%add3A_907], %gather3A_893 : memref<16384xf32, #tpu.memory_space<vmem>>[vector<16xi32>], vector<16xf32>,
        %add3A_908 = arith.constant 1136 : i32
        %add3A_909 = vector.broadcast %add3A_908 : i32 to vector<16xi32>
        %add3A_910 = arith.addi %get3A_343, %add3A_909 : vector<16xi32>
        tpu.vector_store_idx %arg9[%add3A_910], %gather3A_894 : memref<16384xf32, #tpu.memory_space<vmem>>[vector<16xi32>], vector<16xf32>,
        %add3A_911 = arith.constant 1136 : i32
        %add3A_912 = vector.broadcast %add3A_911 : i32 to vector<16xi32>
        %add3A_913 = arith.addi %get3A_348, %add3A_912 : vector<16xi32>
        tpu.vector_store_idx %arg9[%add3A_913], %gather3A_895 : memref<16384xf32, #tpu.memory_space<vmem>>[vector<16xi32>], vector<16xf32>,
        %add3A_914 = arith.constant 1136 : i32
        %add3A_915 = vector.broadcast %add3A_914 : i32 to vector<16xi32>
        %add3A_916 = arith.addi %get3A_353, %add3A_915 : vector<16xi32>
        tpu.vector_store_idx %arg9[%add3A_916], %gather3A_896 : memref<16384xf32, #tpu.memory_space<vmem>>[vector<16xi32>], vector<16xf32>,
        %add3A_917 = arith.constant 1136 : i32
        %add3A_918 = vector.broadcast %add3A_917 : i32 to vector<16xi32>
        %add3A_919 = arith.addi %get3A_358, %add3A_918 : vector<16xi32>
        tpu.vector_store_idx %arg9[%add3A_919], %gather3A_897 : memref<16384xf32, #tpu.memory_space<vmem>>[vector<16xi32>], vector<16xf32>,
        %add3A_920 = arith.constant 1136 : i32
        %add3A_921 = vector.broadcast %add3A_920 : i32 to vector<16xi32>
        %add3A_922 = arith.addi %get3A_363, %add3A_921 : vector<16xi32>
        tpu.vector_store_idx %arg9[%add3A_922], %gather3A_898 : memref<16384xf32, #tpu.memory_space<vmem>>[vector<16xi32>], vector<16xf32>,
        %add3A_923 = arith.constant 256 : i32
        %add3A_924 = vector.broadcast %add3A_923 : i32 to vector<16xi32>
        %add3A_925 = arith.addi %iota3A, %add3A_924 : vector<16xi32>
        %gather3A_926 = tpu.vector_load_idx %arg7[%add3A_925, %get3A_288] : memref<512x32xf32, #tpu.memory_space<vmem>>[vector<16xi32>, vector<16xi32>], vector<16xf32>,
        %gather3A_927 = tpu.vector_load_idx %arg7[%add3A_925, %get3A_293] : memref<512x32xf32, #tpu.memory_space<vmem>>[vector<16xi32>, vector<16xi32>], vector<16xf32>,
        %gather3A_928 = tpu.vector_load_idx %arg7[%add3A_925, %get3A_298] : memref<512x32xf32, #tpu.memory_space<vmem>>[vector<16xi32>, vector<16xi32>], vector<16xf32>,
        %gather3A_929 = tpu.vector_load_idx %arg7[%add3A_925, %get3A_303] : memref<512x32xf32, #tpu.memory_space<vmem>>[vector<16xi32>, vector<16xi32>], vector<16xf32>,
        %gather3A_930 = tpu.vector_load_idx %arg7[%add3A_925, %get3A_308] : memref<512x32xf32, #tpu.memory_space<vmem>>[vector<16xi32>, vector<16xi32>], vector<16xf32>,
        %gather3A_931 = tpu.vector_load_idx %arg7[%add3A_925, %get3A_313] : memref<512x32xf32, #tpu.memory_space<vmem>>[vector<16xi32>, vector<16xi32>], vector<16xf32>,
        %gather3A_932 = tpu.vector_load_idx %arg7[%add3A_925, %get3A_318] : memref<512x32xf32, #tpu.memory_space<vmem>>[vector<16xi32>, vector<16xi32>], vector<16xf32>,
        %gather3A_933 = tpu.vector_load_idx %arg7[%add3A_925, %get3A_323] : memref<512x32xf32, #tpu.memory_space<vmem>>[vector<16xi32>, vector<16xi32>], vector<16xf32>,
        %add3A_934 = arith.constant 2048 : i32
        %add3A_935 = vector.broadcast %add3A_934 : i32 to vector<16xi32>
        %add3A_936 = arith.addi %get3A_328, %add3A_935 : vector<16xi32>
        tpu.vector_store_idx %arg9[%add3A_936], %gather3A_926 : memref<16384xf32, #tpu.memory_space<vmem>>[vector<16xi32>], vector<16xf32>,
        %add3A_937 = arith.constant 2048 : i32
        %add3A_938 = vector.broadcast %add3A_937 : i32 to vector<16xi32>
        %add3A_939 = arith.addi %get3A_333, %add3A_938 : vector<16xi32>
        tpu.vector_store_idx %arg9[%add3A_939], %gather3A_927 : memref<16384xf32, #tpu.memory_space<vmem>>[vector<16xi32>], vector<16xf32>,
        %add3A_940 = arith.constant 2048 : i32
        %add3A_941 = vector.broadcast %add3A_940 : i32 to vector<16xi32>
        %add3A_942 = arith.addi %get3A_338, %add3A_941 : vector<16xi32>
        tpu.vector_store_idx %arg9[%add3A_942], %gather3A_928 : memref<16384xf32, #tpu.memory_space<vmem>>[vector<16xi32>], vector<16xf32>,
        %add3A_943 = arith.constant 2048 : i32
        %add3A_944 = vector.broadcast %add3A_943 : i32 to vector<16xi32>
        %add3A_945 = arith.addi %get3A_343, %add3A_944 : vector<16xi32>
        tpu.vector_store_idx %arg9[%add3A_945], %gather3A_929 : memref<16384xf32, #tpu.memory_space<vmem>>[vector<16xi32>], vector<16xf32>,
        %add3A_946 = arith.constant 2048 : i32
        %add3A_947 = vector.broadcast %add3A_946 : i32 to vector<16xi32>
        %add3A_948 = arith.addi %get3A_348, %add3A_947 : vector<16xi32>
        tpu.vector_store_idx %arg9[%add3A_948], %gather3A_930 : memref<16384xf32, #tpu.memory_space<vmem>>[vector<16xi32>], vector<16xf32>,
        %add3A_949 = arith.constant 2048 : i32
        %add3A_950 = vector.broadcast %add3A_949 : i32 to vector<16xi32>
        %add3A_951 = arith.addi %get3A_353, %add3A_950 : vector<16xi32>
        tpu.vector_store_idx %arg9[%add3A_951], %gather3A_931 : memref<16384xf32, #tpu.memory_space<vmem>>[vector<16xi32>], vector<16xf32>,
        %add3A_952 = arith.constant 2048 : i32
        %add3A_953 = vector.broadcast %add3A_952 : i32 to vector<16xi32>
        %add3A_954 = arith.addi %get3A_358, %add3A_953 : vector<16xi32>
        tpu.vector_store_idx %arg9[%add3A_954], %gather3A_932 : memref<16384xf32, #tpu.memory_space<vmem>>[vector<16xi32>], vector<16xf32>,
        %add3A_955 = arith.constant 2048 : i32
        %add3A_956 = vector.broadcast %add3A_955 : i32 to vector<16xi32>
        %add3A_957 = arith.addi %get3A_363, %add3A_956 : vector<16xi32>
        tpu.vector_store_idx %arg9[%add3A_957], %gather3A_933 : memref<16384xf32, #tpu.memory_space<vmem>>[vector<16xi32>], vector<16xf32>,
        %add3A_958 = arith.constant 272 : i32
        %add3A_959 = vector.broadcast %add3A_958 : i32 to vector<16xi32>
        %add3A_960 = arith.addi %iota3A, %add3A_959 : vector<16xi32>
        %gather3A_961 = tpu.vector_load_idx %arg7[%add3A_960, %get3A_288] : memref<512x32xf32, #tpu.memory_space<vmem>>[vector<16xi32>, vector<16xi32>], vector<16xf32>,
        %gather3A_962 = tpu.vector_load_idx %arg7[%add3A_960, %get3A_293] : memref<512x32xf32, #tpu.memory_space<vmem>>[vector<16xi32>, vector<16xi32>], vector<16xf32>,
        %gather3A_963 = tpu.vector_load_idx %arg7[%add3A_960, %get3A_298] : memref<512x32xf32, #tpu.memory_space<vmem>>[vector<16xi32>, vector<16xi32>], vector<16xf32>,
        %gather3A_964 = tpu.vector_load_idx %arg7[%add3A_960, %get3A_303] : memref<512x32xf32, #tpu.memory_space<vmem>>[vector<16xi32>, vector<16xi32>], vector<16xf32>,
        %gather3A_965 = tpu.vector_load_idx %arg7[%add3A_960, %get3A_308] : memref<512x32xf32, #tpu.memory_space<vmem>>[vector<16xi32>, vector<16xi32>], vector<16xf32>,
        %gather3A_966 = tpu.vector_load_idx %arg7[%add3A_960, %get3A_313] : memref<512x32xf32, #tpu.memory_space<vmem>>[vector<16xi32>, vector<16xi32>], vector<16xf32>,
        %gather3A_967 = tpu.vector_load_idx %arg7[%add3A_960, %get3A_318] : memref<512x32xf32, #tpu.memory_space<vmem>>[vector<16xi32>, vector<16xi32>], vector<16xf32>,
        %gather3A_968 = tpu.vector_load_idx %arg7[%add3A_960, %get3A_323] : memref<512x32xf32, #tpu.memory_space<vmem>>[vector<16xi32>, vector<16xi32>], vector<16xf32>,
        %add3A_969 = arith.constant 2064 : i32
        %add3A_970 = vector.broadcast %add3A_969 : i32 to vector<16xi32>
        %add3A_971 = arith.addi %get3A_328, %add3A_970 : vector<16xi32>
        tpu.vector_store_idx %arg9[%add3A_971], %gather3A_961 : memref<16384xf32, #tpu.memory_space<vmem>>[vector<16xi32>], vector<16xf32>,
        %add3A_972 = arith.constant 2064 : i32
        %add3A_973 = vector.broadcast %add3A_972 : i32 to vector<16xi32>
        %add3A_974 = arith.addi %get3A_333, %add3A_973 : vector<16xi32>
        tpu.vector_store_idx %arg9[%add3A_974], %gather3A_962 : memref<16384xf32, #tpu.memory_space<vmem>>[vector<16xi32>], vector<16xf32>,
        %add3A_975 = arith.constant 2064 : i32
        %add3A_976 = vector.broadcast %add3A_975 : i32 to vector<16xi32>
        %add3A_977 = arith.addi %get3A_338, %add3A_976 : vector<16xi32>
        tpu.vector_store_idx %arg9[%add3A_977], %gather3A_963 : memref<16384xf32, #tpu.memory_space<vmem>>[vector<16xi32>], vector<16xf32>,
        %add3A_978 = arith.constant 2064 : i32
        %add3A_979 = vector.broadcast %add3A_978 : i32 to vector<16xi32>
        %add3A_980 = arith.addi %get3A_343, %add3A_979 : vector<16xi32>
        tpu.vector_store_idx %arg9[%add3A_980], %gather3A_964 : memref<16384xf32, #tpu.memory_space<vmem>>[vector<16xi32>], vector<16xf32>,
        %add3A_981 = arith.constant 2064 : i32
        %add3A_982 = vector.broadcast %add3A_981 : i32 to vector<16xi32>
        %add3A_983 = arith.addi %get3A_348, %add3A_982 : vector<16xi32>
        tpu.vector_store_idx %arg9[%add3A_983], %gather3A_965 : memref<16384xf32, #tpu.memory_space<vmem>>[vector<16xi32>], vector<16xf32>,
        %add3A_984 = arith.constant 2064 : i32
        %add3A_985 = vector.broadcast %add3A_984 : i32 to vector<16xi32>
        %add3A_986 = arith.addi %get3A_353, %add3A_985 : vector<16xi32>
        tpu.vector_store_idx %arg9[%add3A_986], %gather3A_966 : memref<16384xf32, #tpu.memory_space<vmem>>[vector<16xi32>], vector<16xf32>,
        %add3A_987 = arith.constant 2064 : i32
        %add3A_988 = vector.broadcast %add3A_987 : i32 to vector<16xi32>
        %add3A_989 = arith.addi %get3A_358, %add3A_988 : vector<16xi32>
        tpu.vector_store_idx %arg9[%add3A_989], %gather3A_967 : memref<16384xf32, #tpu.memory_space<vmem>>[vector<16xi32>], vector<16xf32>,
        %add3A_990 = arith.constant 2064 : i32
        %add3A_991 = vector.broadcast %add3A_990 : i32 to vector<16xi32>
        %add3A_992 = arith.addi %get3A_363, %add3A_991 : vector<16xi32>
        tpu.vector_store_idx %arg9[%add3A_992], %gather3A_968 : memref<16384xf32, #tpu.memory_space<vmem>>[vector<16xi32>], vector<16xf32>,
        %add3A_993 = arith.constant 288 : i32
        %add3A_994 = vector.broadcast %add3A_993 : i32 to vector<16xi32>
        %add3A_995 = arith.addi %iota3A, %add3A_994 : vector<16xi32>
        %gather3A_996 = tpu.vector_load_idx %arg7[%add3A_995, %get3A_288] : memref<512x32xf32, #tpu.memory_space<vmem>>[vector<16xi32>, vector<16xi32>], vector<16xf32>,
        %gather3A_997 = tpu.vector_load_idx %arg7[%add3A_995, %get3A_293] : memref<512x32xf32, #tpu.memory_space<vmem>>[vector<16xi32>, vector<16xi32>], vector<16xf32>,
        %gather3A_998 = tpu.vector_load_idx %arg7[%add3A_995, %get3A_298] : memref<512x32xf32, #tpu.memory_space<vmem>>[vector<16xi32>, vector<16xi32>], vector<16xf32>,
        %gather3A_999 = tpu.vector_load_idx %arg7[%add3A_995, %get3A_303] : memref<512x32xf32, #tpu.memory_space<vmem>>[vector<16xi32>, vector<16xi32>], vector<16xf32>,
        %gather3A_1000 = tpu.vector_load_idx %arg7[%add3A_995, %get3A_308] : memref<512x32xf32, #tpu.memory_space<vmem>>[vector<16xi32>, vector<16xi32>], vector<16xf32>,
        %gather3A_1001 = tpu.vector_load_idx %arg7[%add3A_995, %get3A_313] : memref<512x32xf32, #tpu.memory_space<vmem>>[vector<16xi32>, vector<16xi32>], vector<16xf32>,
        %gather3A_1002 = tpu.vector_load_idx %arg7[%add3A_995, %get3A_318] : memref<512x32xf32, #tpu.memory_space<vmem>>[vector<16xi32>, vector<16xi32>], vector<16xf32>,
        %gather3A_1003 = tpu.vector_load_idx %arg7[%add3A_995, %get3A_323] : memref<512x32xf32, #tpu.memory_space<vmem>>[vector<16xi32>, vector<16xi32>], vector<16xf32>,
        %add3A_1004 = arith.constant 2080 : i32
        %add3A_1005 = vector.broadcast %add3A_1004 : i32 to vector<16xi32>
        %add3A_1006 = arith.addi %get3A_328, %add3A_1005 : vector<16xi32>
        tpu.vector_store_idx %arg9[%add3A_1006], %gather3A_996 : memref<16384xf32, #tpu.memory_space<vmem>>[vector<16xi32>], vector<16xf32>,
        %add3A_1007 = arith.constant 2080 : i32
        %add3A_1008 = vector.broadcast %add3A_1007 : i32 to vector<16xi32>
        %add3A_1009 = arith.addi %get3A_333, %add3A_1008 : vector<16xi32>
        tpu.vector_store_idx %arg9[%add3A_1009], %gather3A_997 : memref<16384xf32, #tpu.memory_space<vmem>>[vector<16xi32>], vector<16xf32>,
        %add3A_1010 = arith.constant 2080 : i32
        %add3A_1011 = vector.broadcast %add3A_1010 : i32 to vector<16xi32>
        %add3A_1012 = arith.addi %get3A_338, %add3A_1011 : vector<16xi32>
        tpu.vector_store_idx %arg9[%add3A_1012], %gather3A_998 : memref<16384xf32, #tpu.memory_space<vmem>>[vector<16xi32>], vector<16xf32>,
        %add3A_1013 = arith.constant 2080 : i32
        %add3A_1014 = vector.broadcast %add3A_1013 : i32 to vector<16xi32>
        %add3A_1015 = arith.addi %get3A_343, %add3A_1014 : vector<16xi32>
        tpu.vector_store_idx %arg9[%add3A_1015], %gather3A_999 : memref<16384xf32, #tpu.memory_space<vmem>>[vector<16xi32>], vector<16xf32>,
        %add3A_1016 = arith.constant 2080 : i32
        %add3A_1017 = vector.broadcast %add3A_1016 : i32 to vector<16xi32>
        %add3A_1018 = arith.addi %get3A_348, %add3A_1017 : vector<16xi32>
        tpu.vector_store_idx %arg9[%add3A_1018], %gather3A_1000 : memref<16384xf32, #tpu.memory_space<vmem>>[vector<16xi32>], vector<16xf32>,
        %add3A_1019 = arith.constant 2080 : i32
        %add3A_1020 = vector.broadcast %add3A_1019 : i32 to vector<16xi32>
        %add3A_1021 = arith.addi %get3A_353, %add3A_1020 : vector<16xi32>
        tpu.vector_store_idx %arg9[%add3A_1021], %gather3A_1001 : memref<16384xf32, #tpu.memory_space<vmem>>[vector<16xi32>], vector<16xf32>,
        %add3A_1022 = arith.constant 2080 : i32
        %add3A_1023 = vector.broadcast %add3A_1022 : i32 to vector<16xi32>
        %add3A_1024 = arith.addi %get3A_358, %add3A_1023 : vector<16xi32>
        tpu.vector_store_idx %arg9[%add3A_1024], %gather3A_1002 : memref<16384xf32, #tpu.memory_space<vmem>>[vector<16xi32>], vector<16xf32>,
        %add3A_1025 = arith.constant 2080 : i32
        %add3A_1026 = vector.broadcast %add3A_1025 : i32 to vector<16xi32>
        %add3A_1027 = arith.addi %get3A_363, %add3A_1026 : vector<16xi32>
        tpu.vector_store_idx %arg9[%add3A_1027], %gather3A_1003 : memref<16384xf32, #tpu.memory_space<vmem>>[vector<16xi32>], vector<16xf32>,
        %add3A_1028 = arith.constant 304 : i32
        %add3A_1029 = vector.broadcast %add3A_1028 : i32 to vector<16xi32>
        %add3A_1030 = arith.addi %iota3A, %add3A_1029 : vector<16xi32>
        %gather3A_1031 = tpu.vector_load_idx %arg7[%add3A_1030, %get3A_288] : memref<512x32xf32, #tpu.memory_space<vmem>>[vector<16xi32>, vector<16xi32>], vector<16xf32>,
        %gather3A_1032 = tpu.vector_load_idx %arg7[%add3A_1030, %get3A_293] : memref<512x32xf32, #tpu.memory_space<vmem>>[vector<16xi32>, vector<16xi32>], vector<16xf32>,
        %gather3A_1033 = tpu.vector_load_idx %arg7[%add3A_1030, %get3A_298] : memref<512x32xf32, #tpu.memory_space<vmem>>[vector<16xi32>, vector<16xi32>], vector<16xf32>,
        %gather3A_1034 = tpu.vector_load_idx %arg7[%add3A_1030, %get3A_303] : memref<512x32xf32, #tpu.memory_space<vmem>>[vector<16xi32>, vector<16xi32>], vector<16xf32>,
        %gather3A_1035 = tpu.vector_load_idx %arg7[%add3A_1030, %get3A_308] : memref<512x32xf32, #tpu.memory_space<vmem>>[vector<16xi32>, vector<16xi32>], vector<16xf32>,
        %gather3A_1036 = tpu.vector_load_idx %arg7[%add3A_1030, %get3A_313] : memref<512x32xf32, #tpu.memory_space<vmem>>[vector<16xi32>, vector<16xi32>], vector<16xf32>,
        %gather3A_1037 = tpu.vector_load_idx %arg7[%add3A_1030, %get3A_318] : memref<512x32xf32, #tpu.memory_space<vmem>>[vector<16xi32>, vector<16xi32>], vector<16xf32>,
        %gather3A_1038 = tpu.vector_load_idx %arg7[%add3A_1030, %get3A_323] : memref<512x32xf32, #tpu.memory_space<vmem>>[vector<16xi32>, vector<16xi32>], vector<16xf32>,
        %add3A_1039 = arith.constant 2096 : i32
        %add3A_1040 = vector.broadcast %add3A_1039 : i32 to vector<16xi32>
        %add3A_1041 = arith.addi %get3A_328, %add3A_1040 : vector<16xi32>
        tpu.vector_store_idx %arg9[%add3A_1041], %gather3A_1031 : memref<16384xf32, #tpu.memory_space<vmem>>[vector<16xi32>], vector<16xf32>,
        %add3A_1042 = arith.constant 2096 : i32
        %add3A_1043 = vector.broadcast %add3A_1042 : i32 to vector<16xi32>
        %add3A_1044 = arith.addi %get3A_333, %add3A_1043 : vector<16xi32>
        tpu.vector_store_idx %arg9[%add3A_1044], %gather3A_1032 : memref<16384xf32, #tpu.memory_space<vmem>>[vector<16xi32>], vector<16xf32>,
        %add3A_1045 = arith.constant 2096 : i32
        %add3A_1046 = vector.broadcast %add3A_1045 : i32 to vector<16xi32>
        %add3A_1047 = arith.addi %get3A_338, %add3A_1046 : vector<16xi32>
        tpu.vector_store_idx %arg9[%add3A_1047], %gather3A_1033 : memref<16384xf32, #tpu.memory_space<vmem>>[vector<16xi32>], vector<16xf32>,
        %add3A_1048 = arith.constant 2096 : i32
        %add3A_1049 = vector.broadcast %add3A_1048 : i32 to vector<16xi32>
        %add3A_1050 = arith.addi %get3A_343, %add3A_1049 : vector<16xi32>
        tpu.vector_store_idx %arg9[%add3A_1050], %gather3A_1034 : memref<16384xf32, #tpu.memory_space<vmem>>[vector<16xi32>], vector<16xf32>,
        %add3A_1051 = arith.constant 2096 : i32
        %add3A_1052 = vector.broadcast %add3A_1051 : i32 to vector<16xi32>
        %add3A_1053 = arith.addi %get3A_348, %add3A_1052 : vector<16xi32>
        tpu.vector_store_idx %arg9[%add3A_1053], %gather3A_1035 : memref<16384xf32, #tpu.memory_space<vmem>>[vector<16xi32>], vector<16xf32>,
        %add3A_1054 = arith.constant 2096 : i32
        %add3A_1055 = vector.broadcast %add3A_1054 : i32 to vector<16xi32>
        %add3A_1056 = arith.addi %get3A_353, %add3A_1055 : vector<16xi32>
        tpu.vector_store_idx %arg9[%add3A_1056], %gather3A_1036 : memref<16384xf32, #tpu.memory_space<vmem>>[vector<16xi32>], vector<16xf32>,
        %add3A_1057 = arith.constant 2096 : i32
        %add3A_1058 = vector.broadcast %add3A_1057 : i32 to vector<16xi32>
        %add3A_1059 = arith.addi %get3A_358, %add3A_1058 : vector<16xi32>
        tpu.vector_store_idx %arg9[%add3A_1059], %gather3A_1037 : memref<16384xf32, #tpu.memory_space<vmem>>[vector<16xi32>], vector<16xf32>,
        %add3A_1060 = arith.constant 2096 : i32
        %add3A_1061 = vector.broadcast %add3A_1060 : i32 to vector<16xi32>
        %add3A_1062 = arith.addi %get3A_363, %add3A_1061 : vector<16xi32>
        tpu.vector_store_idx %arg9[%add3A_1062], %gather3A_1038 : memref<16384xf32, #tpu.memory_space<vmem>>[vector<16xi32>], vector<16xf32>,
        %add3A_1063 = arith.constant 320 : i32
        %add3A_1064 = vector.broadcast %add3A_1063 : i32 to vector<16xi32>
        %add3A_1065 = arith.addi %iota3A, %add3A_1064 : vector<16xi32>
        %gather3A_1066 = tpu.vector_load_idx %arg7[%add3A_1065, %get3A_288] : memref<512x32xf32, #tpu.memory_space<vmem>>[vector<16xi32>, vector<16xi32>], vector<16xf32>,
        %gather3A_1067 = tpu.vector_load_idx %arg7[%add3A_1065, %get3A_293] : memref<512x32xf32, #tpu.memory_space<vmem>>[vector<16xi32>, vector<16xi32>], vector<16xf32>,
        %gather3A_1068 = tpu.vector_load_idx %arg7[%add3A_1065, %get3A_298] : memref<512x32xf32, #tpu.memory_space<vmem>>[vector<16xi32>, vector<16xi32>], vector<16xf32>,
        %gather3A_1069 = tpu.vector_load_idx %arg7[%add3A_1065, %get3A_303] : memref<512x32xf32, #tpu.memory_space<vmem>>[vector<16xi32>, vector<16xi32>], vector<16xf32>,
        %gather3A_1070 = tpu.vector_load_idx %arg7[%add3A_1065, %get3A_308] : memref<512x32xf32, #tpu.memory_space<vmem>>[vector<16xi32>, vector<16xi32>], vector<16xf32>,
        %gather3A_1071 = tpu.vector_load_idx %arg7[%add3A_1065, %get3A_313] : memref<512x32xf32, #tpu.memory_space<vmem>>[vector<16xi32>, vector<16xi32>], vector<16xf32>,
        %gather3A_1072 = tpu.vector_load_idx %arg7[%add3A_1065, %get3A_318] : memref<512x32xf32, #tpu.memory_space<vmem>>[vector<16xi32>, vector<16xi32>], vector<16xf32>,
        %gather3A_1073 = tpu.vector_load_idx %arg7[%add3A_1065, %get3A_323] : memref<512x32xf32, #tpu.memory_space<vmem>>[vector<16xi32>, vector<16xi32>], vector<16xf32>,
        %add3A_1074 = arith.constant 2112 : i32
        %add3A_1075 = vector.broadcast %add3A_1074 : i32 to vector<16xi32>
        %add3A_1076 = arith.addi %get3A_328, %add3A_1075 : vector<16xi32>
        tpu.vector_store_idx %arg9[%add3A_1076], %gather3A_1066 : memref<16384xf32, #tpu.memory_space<vmem>>[vector<16xi32>], vector<16xf32>,
        %add3A_1077 = arith.constant 2112 : i32
        %add3A_1078 = vector.broadcast %add3A_1077 : i32 to vector<16xi32>
        %add3A_1079 = arith.addi %get3A_333, %add3A_1078 : vector<16xi32>
        tpu.vector_store_idx %arg9[%add3A_1079], %gather3A_1067 : memref<16384xf32, #tpu.memory_space<vmem>>[vector<16xi32>], vector<16xf32>,
        %add3A_1080 = arith.constant 2112 : i32
        %add3A_1081 = vector.broadcast %add3A_1080 : i32 to vector<16xi32>
        %add3A_1082 = arith.addi %get3A_338, %add3A_1081 : vector<16xi32>
        tpu.vector_store_idx %arg9[%add3A_1082], %gather3A_1068 : memref<16384xf32, #tpu.memory_space<vmem>>[vector<16xi32>], vector<16xf32>,
        %add3A_1083 = arith.constant 2112 : i32
        %add3A_1084 = vector.broadcast %add3A_1083 : i32 to vector<16xi32>
        %add3A_1085 = arith.addi %get3A_343, %add3A_1084 : vector<16xi32>
        tpu.vector_store_idx %arg9[%add3A_1085], %gather3A_1069 : memref<16384xf32, #tpu.memory_space<vmem>>[vector<16xi32>], vector<16xf32>,
        %add3A_1086 = arith.constant 2112 : i32
        %add3A_1087 = vector.broadcast %add3A_1086 : i32 to vector<16xi32>
        %add3A_1088 = arith.addi %get3A_348, %add3A_1087 : vector<16xi32>
        tpu.vector_store_idx %arg9[%add3A_1088], %gather3A_1070 : memref<16384xf32, #tpu.memory_space<vmem>>[vector<16xi32>], vector<16xf32>,
        %add3A_1089 = arith.constant 2112 : i32
        %add3A_1090 = vector.broadcast %add3A_1089 : i32 to vector<16xi32>
        %add3A_1091 = arith.addi %get3A_353, %add3A_1090 : vector<16xi32>
        tpu.vector_store_idx %arg9[%add3A_1091], %gather3A_1071 : memref<16384xf32, #tpu.memory_space<vmem>>[vector<16xi32>], vector<16xf32>,
        %add3A_1092 = arith.constant 2112 : i32
        %add3A_1093 = vector.broadcast %add3A_1092 : i32 to vector<16xi32>
        %add3A_1094 = arith.addi %get3A_358, %add3A_1093 : vector<16xi32>
        tpu.vector_store_idx %arg9[%add3A_1094], %gather3A_1072 : memref<16384xf32, #tpu.memory_space<vmem>>[vector<16xi32>], vector<16xf32>,
        %add3A_1095 = arith.constant 2112 : i32
        %add3A_1096 = vector.broadcast %add3A_1095 : i32 to vector<16xi32>
        %add3A_1097 = arith.addi %get3A_363, %add3A_1096 : vector<16xi32>
        tpu.vector_store_idx %arg9[%add3A_1097], %gather3A_1073 : memref<16384xf32, #tpu.memory_space<vmem>>[vector<16xi32>], vector<16xf32>,
        %add3A_1098 = arith.constant 336 : i32
        %add3A_1099 = vector.broadcast %add3A_1098 : i32 to vector<16xi32>
        %add3A_1100 = arith.addi %iota3A, %add3A_1099 : vector<16xi32>
        %gather3A_1101 = tpu.vector_load_idx %arg7[%add3A_1100, %get3A_288] : memref<512x32xf32, #tpu.memory_space<vmem>>[vector<16xi32>, vector<16xi32>], vector<16xf32>,
        %gather3A_1102 = tpu.vector_load_idx %arg7[%add3A_1100, %get3A_293] : memref<512x32xf32, #tpu.memory_space<vmem>>[vector<16xi32>, vector<16xi32>], vector<16xf32>,
        %gather3A_1103 = tpu.vector_load_idx %arg7[%add3A_1100, %get3A_298] : memref<512x32xf32, #tpu.memory_space<vmem>>[vector<16xi32>, vector<16xi32>], vector<16xf32>,
        %gather3A_1104 = tpu.vector_load_idx %arg7[%add3A_1100, %get3A_303] : memref<512x32xf32, #tpu.memory_space<vmem>>[vector<16xi32>, vector<16xi32>], vector<16xf32>,
        %gather3A_1105 = tpu.vector_load_idx %arg7[%add3A_1100, %get3A_308] : memref<512x32xf32, #tpu.memory_space<vmem>>[vector<16xi32>, vector<16xi32>], vector<16xf32>,
        %gather3A_1106 = tpu.vector_load_idx %arg7[%add3A_1100, %get3A_313] : memref<512x32xf32, #tpu.memory_space<vmem>>[vector<16xi32>, vector<16xi32>], vector<16xf32>,
        %gather3A_1107 = tpu.vector_load_idx %arg7[%add3A_1100, %get3A_318] : memref<512x32xf32, #tpu.memory_space<vmem>>[vector<16xi32>, vector<16xi32>], vector<16xf32>,
        %gather3A_1108 = tpu.vector_load_idx %arg7[%add3A_1100, %get3A_323] : memref<512x32xf32, #tpu.memory_space<vmem>>[vector<16xi32>, vector<16xi32>], vector<16xf32>,
        %add3A_1109 = arith.constant 2128 : i32
        %add3A_1110 = vector.broadcast %add3A_1109 : i32 to vector<16xi32>
        %add3A_1111 = arith.addi %get3A_328, %add3A_1110 : vector<16xi32>
        tpu.vector_store_idx %arg9[%add3A_1111], %gather3A_1101 : memref<16384xf32, #tpu.memory_space<vmem>>[vector<16xi32>], vector<16xf32>,
        %add3A_1112 = arith.constant 2128 : i32
        %add3A_1113 = vector.broadcast %add3A_1112 : i32 to vector<16xi32>
        %add3A_1114 = arith.addi %get3A_333, %add3A_1113 : vector<16xi32>
        tpu.vector_store_idx %arg9[%add3A_1114], %gather3A_1102 : memref<16384xf32, #tpu.memory_space<vmem>>[vector<16xi32>], vector<16xf32>,
        %add3A_1115 = arith.constant 2128 : i32
        %add3A_1116 = vector.broadcast %add3A_1115 : i32 to vector<16xi32>
        %add3A_1117 = arith.addi %get3A_338, %add3A_1116 : vector<16xi32>
        tpu.vector_store_idx %arg9[%add3A_1117], %gather3A_1103 : memref<16384xf32, #tpu.memory_space<vmem>>[vector<16xi32>], vector<16xf32>,
        %add3A_1118 = arith.constant 2128 : i32
        %add3A_1119 = vector.broadcast %add3A_1118 : i32 to vector<16xi32>
        %add3A_1120 = arith.addi %get3A_343, %add3A_1119 : vector<16xi32>
        tpu.vector_store_idx %arg9[%add3A_1120], %gather3A_1104 : memref<16384xf32, #tpu.memory_space<vmem>>[vector<16xi32>], vector<16xf32>,
        %add3A_1121 = arith.constant 2128 : i32
        %add3A_1122 = vector.broadcast %add3A_1121 : i32 to vector<16xi32>
        %add3A_1123 = arith.addi %get3A_348, %add3A_1122 : vector<16xi32>
        tpu.vector_store_idx %arg9[%add3A_1123], %gather3A_1105 : memref<16384xf32, #tpu.memory_space<vmem>>[vector<16xi32>], vector<16xf32>,
        %add3A_1124 = arith.constant 2128 : i32
        %add3A_1125 = vector.broadcast %add3A_1124 : i32 to vector<16xi32>
        %add3A_1126 = arith.addi %get3A_353, %add3A_1125 : vector<16xi32>
        tpu.vector_store_idx %arg9[%add3A_1126], %gather3A_1106 : memref<16384xf32, #tpu.memory_space<vmem>>[vector<16xi32>], vector<16xf32>,
        %add3A_1127 = arith.constant 2128 : i32
        %add3A_1128 = vector.broadcast %add3A_1127 : i32 to vector<16xi32>
        %add3A_1129 = arith.addi %get3A_358, %add3A_1128 : vector<16xi32>
        tpu.vector_store_idx %arg9[%add3A_1129], %gather3A_1107 : memref<16384xf32, #tpu.memory_space<vmem>>[vector<16xi32>], vector<16xf32>,
        %add3A_1130 = arith.constant 2128 : i32
        %add3A_1131 = vector.broadcast %add3A_1130 : i32 to vector<16xi32>
        %add3A_1132 = arith.addi %get3A_363, %add3A_1131 : vector<16xi32>
        tpu.vector_store_idx %arg9[%add3A_1132], %gather3A_1108 : memref<16384xf32, #tpu.memory_space<vmem>>[vector<16xi32>], vector<16xf32>,
        %add3A_1133 = arith.constant 352 : i32
        %add3A_1134 = vector.broadcast %add3A_1133 : i32 to vector<16xi32>
        %add3A_1135 = arith.addi %iota3A, %add3A_1134 : vector<16xi32>
        %gather3A_1136 = tpu.vector_load_idx %arg7[%add3A_1135, %get3A_288] : memref<512x32xf32, #tpu.memory_space<vmem>>[vector<16xi32>, vector<16xi32>], vector<16xf32>,
        %gather3A_1137 = tpu.vector_load_idx %arg7[%add3A_1135, %get3A_293] : memref<512x32xf32, #tpu.memory_space<vmem>>[vector<16xi32>, vector<16xi32>], vector<16xf32>,
        %gather3A_1138 = tpu.vector_load_idx %arg7[%add3A_1135, %get3A_298] : memref<512x32xf32, #tpu.memory_space<vmem>>[vector<16xi32>, vector<16xi32>], vector<16xf32>,
        %gather3A_1139 = tpu.vector_load_idx %arg7[%add3A_1135, %get3A_303] : memref<512x32xf32, #tpu.memory_space<vmem>>[vector<16xi32>, vector<16xi32>], vector<16xf32>,
        %gather3A_1140 = tpu.vector_load_idx %arg7[%add3A_1135, %get3A_308] : memref<512x32xf32, #tpu.memory_space<vmem>>[vector<16xi32>, vector<16xi32>], vector<16xf32>,
        %gather3A_1141 = tpu.vector_load_idx %arg7[%add3A_1135, %get3A_313] : memref<512x32xf32, #tpu.memory_space<vmem>>[vector<16xi32>, vector<16xi32>], vector<16xf32>,
        %gather3A_1142 = tpu.vector_load_idx %arg7[%add3A_1135, %get3A_318] : memref<512x32xf32, #tpu.memory_space<vmem>>[vector<16xi32>, vector<16xi32>], vector<16xf32>,
        %gather3A_1143 = tpu.vector_load_idx %arg7[%add3A_1135, %get3A_323] : memref<512x32xf32, #tpu.memory_space<vmem>>[vector<16xi32>, vector<16xi32>], vector<16xf32>,
        %add3A_1144 = arith.constant 2144 : i32
        %add3A_1145 = vector.broadcast %add3A_1144 : i32 to vector<16xi32>
        %add3A_1146 = arith.addi %get3A_328, %add3A_1145 : vector<16xi32>
        tpu.vector_store_idx %arg9[%add3A_1146], %gather3A_1136 : memref<16384xf32, #tpu.memory_space<vmem>>[vector<16xi32>], vector<16xf32>,
        %add3A_1147 = arith.constant 2144 : i32
        %add3A_1148 = vector.broadcast %add3A_1147 : i32 to vector<16xi32>
        %add3A_1149 = arith.addi %get3A_333, %add3A_1148 : vector<16xi32>
        tpu.vector_store_idx %arg9[%add3A_1149], %gather3A_1137 : memref<16384xf32, #tpu.memory_space<vmem>>[vector<16xi32>], vector<16xf32>,
        %add3A_1150 = arith.constant 2144 : i32
        %add3A_1151 = vector.broadcast %add3A_1150 : i32 to vector<16xi32>
        %add3A_1152 = arith.addi %get3A_338, %add3A_1151 : vector<16xi32>
        tpu.vector_store_idx %arg9[%add3A_1152], %gather3A_1138 : memref<16384xf32, #tpu.memory_space<vmem>>[vector<16xi32>], vector<16xf32>,
        %add3A_1153 = arith.constant 2144 : i32
        %add3A_1154 = vector.broadcast %add3A_1153 : i32 to vector<16xi32>
        %add3A_1155 = arith.addi %get3A_343, %add3A_1154 : vector<16xi32>
        tpu.vector_store_idx %arg9[%add3A_1155], %gather3A_1139 : memref<16384xf32, #tpu.memory_space<vmem>>[vector<16xi32>], vector<16xf32>,
        %add3A_1156 = arith.constant 2144 : i32
        %add3A_1157 = vector.broadcast %add3A_1156 : i32 to vector<16xi32>
        %add3A_1158 = arith.addi %get3A_348, %add3A_1157 : vector<16xi32>
        tpu.vector_store_idx %arg9[%add3A_1158], %gather3A_1140 : memref<16384xf32, #tpu.memory_space<vmem>>[vector<16xi32>], vector<16xf32>,
        %add3A_1159 = arith.constant 2144 : i32
        %add3A_1160 = vector.broadcast %add3A_1159 : i32 to vector<16xi32>
        %add3A_1161 = arith.addi %get3A_353, %add3A_1160 : vector<16xi32>
        tpu.vector_store_idx %arg9[%add3A_1161], %gather3A_1141 : memref<16384xf32, #tpu.memory_space<vmem>>[vector<16xi32>], vector<16xf32>,
        %add3A_1162 = arith.constant 2144 : i32
        %add3A_1163 = vector.broadcast %add3A_1162 : i32 to vector<16xi32>
        %add3A_1164 = arith.addi %get3A_358, %add3A_1163 : vector<16xi32>
        tpu.vector_store_idx %arg9[%add3A_1164], %gather3A_1142 : memref<16384xf32, #tpu.memory_space<vmem>>[vector<16xi32>], vector<16xf32>,
        %add3A_1165 = arith.constant 2144 : i32
        %add3A_1166 = vector.broadcast %add3A_1165 : i32 to vector<16xi32>
        %add3A_1167 = arith.addi %get3A_363, %add3A_1166 : vector<16xi32>
        tpu.vector_store_idx %arg9[%add3A_1167], %gather3A_1143 : memref<16384xf32, #tpu.memory_space<vmem>>[vector<16xi32>], vector<16xf32>,
        %add3A_1168 = arith.constant 368 : i32
        %add3A_1169 = vector.broadcast %add3A_1168 : i32 to vector<16xi32>
        %add3A_1170 = arith.addi %iota3A, %add3A_1169 : vector<16xi32>
        %gather3A_1171 = tpu.vector_load_idx %arg7[%add3A_1170, %get3A_288] : memref<512x32xf32, #tpu.memory_space<vmem>>[vector<16xi32>, vector<16xi32>], vector<16xf32>,
        %gather3A_1172 = tpu.vector_load_idx %arg7[%add3A_1170, %get3A_293] : memref<512x32xf32, #tpu.memory_space<vmem>>[vector<16xi32>, vector<16xi32>], vector<16xf32>,
        %gather3A_1173 = tpu.vector_load_idx %arg7[%add3A_1170, %get3A_298] : memref<512x32xf32, #tpu.memory_space<vmem>>[vector<16xi32>, vector<16xi32>], vector<16xf32>,
        %gather3A_1174 = tpu.vector_load_idx %arg7[%add3A_1170, %get3A_303] : memref<512x32xf32, #tpu.memory_space<vmem>>[vector<16xi32>, vector<16xi32>], vector<16xf32>,
        %gather3A_1175 = tpu.vector_load_idx %arg7[%add3A_1170, %get3A_308] : memref<512x32xf32, #tpu.memory_space<vmem>>[vector<16xi32>, vector<16xi32>], vector<16xf32>,
        %gather3A_1176 = tpu.vector_load_idx %arg7[%add3A_1170, %get3A_313] : memref<512x32xf32, #tpu.memory_space<vmem>>[vector<16xi32>, vector<16xi32>], vector<16xf32>,
        %gather3A_1177 = tpu.vector_load_idx %arg7[%add3A_1170, %get3A_318] : memref<512x32xf32, #tpu.memory_space<vmem>>[vector<16xi32>, vector<16xi32>], vector<16xf32>,
        %gather3A_1178 = tpu.vector_load_idx %arg7[%add3A_1170, %get3A_323] : memref<512x32xf32, #tpu.memory_space<vmem>>[vector<16xi32>, vector<16xi32>], vector<16xf32>,
        %add3A_1179 = arith.constant 2160 : i32
        %add3A_1180 = vector.broadcast %add3A_1179 : i32 to vector<16xi32>
        %add3A_1181 = arith.addi %get3A_328, %add3A_1180 : vector<16xi32>
        tpu.vector_store_idx %arg9[%add3A_1181], %gather3A_1171 : memref<16384xf32, #tpu.memory_space<vmem>>[vector<16xi32>], vector<16xf32>,
        %add3A_1182 = arith.constant 2160 : i32
        %add3A_1183 = vector.broadcast %add3A_1182 : i32 to vector<16xi32>
        %add3A_1184 = arith.addi %get3A_333, %add3A_1183 : vector<16xi32>
        tpu.vector_store_idx %arg9[%add3A_1184], %gather3A_1172 : memref<16384xf32, #tpu.memory_space<vmem>>[vector<16xi32>], vector<16xf32>,
        %add3A_1185 = arith.constant 2160 : i32
        %add3A_1186 = vector.broadcast %add3A_1185 : i32 to vector<16xi32>
        %add3A_1187 = arith.addi %get3A_338, %add3A_1186 : vector<16xi32>
        tpu.vector_store_idx %arg9[%add3A_1187], %gather3A_1173 : memref<16384xf32, #tpu.memory_space<vmem>>[vector<16xi32>], vector<16xf32>,
        %add3A_1188 = arith.constant 2160 : i32
        %add3A_1189 = vector.broadcast %add3A_1188 : i32 to vector<16xi32>
        %add3A_1190 = arith.addi %get3A_343, %add3A_1189 : vector<16xi32>
        tpu.vector_store_idx %arg9[%add3A_1190], %gather3A_1174 : memref<16384xf32, #tpu.memory_space<vmem>>[vector<16xi32>], vector<16xf32>,
        %add3A_1191 = arith.constant 2160 : i32
        %add3A_1192 = vector.broadcast %add3A_1191 : i32 to vector<16xi32>
        %add3A_1193 = arith.addi %get3A_348, %add3A_1192 : vector<16xi32>
        tpu.vector_store_idx %arg9[%add3A_1193], %gather3A_1175 : memref<16384xf32, #tpu.memory_space<vmem>>[vector<16xi32>], vector<16xf32>,
        %add3A_1194 = arith.constant 2160 : i32
        %add3A_1195 = vector.broadcast %add3A_1194 : i32 to vector<16xi32>
        %add3A_1196 = arith.addi %get3A_353, %add3A_1195 : vector<16xi32>
        tpu.vector_store_idx %arg9[%add3A_1196], %gather3A_1176 : memref<16384xf32, #tpu.memory_space<vmem>>[vector<16xi32>], vector<16xf32>,
        %add3A_1197 = arith.constant 2160 : i32
        %add3A_1198 = vector.broadcast %add3A_1197 : i32 to vector<16xi32>
        %add3A_1199 = arith.addi %get3A_358, %add3A_1198 : vector<16xi32>
        tpu.vector_store_idx %arg9[%add3A_1199], %gather3A_1177 : memref<16384xf32, #tpu.memory_space<vmem>>[vector<16xi32>], vector<16xf32>,
        %add3A_1200 = arith.constant 2160 : i32
        %add3A_1201 = vector.broadcast %add3A_1200 : i32 to vector<16xi32>
        %add3A_1202 = arith.addi %get3A_363, %add3A_1201 : vector<16xi32>
        tpu.vector_store_idx %arg9[%add3A_1202], %gather3A_1178 : memref<16384xf32, #tpu.memory_space<vmem>>[vector<16xi32>], vector<16xf32>,
        %add3A_1203 = arith.constant 384 : i32
        %add3A_1204 = vector.broadcast %add3A_1203 : i32 to vector<16xi32>
        %add3A_1205 = arith.addi %iota3A, %add3A_1204 : vector<16xi32>
        %gather3A_1206 = tpu.vector_load_idx %arg7[%add3A_1205, %get3A_288] : memref<512x32xf32, #tpu.memory_space<vmem>>[vector<16xi32>, vector<16xi32>], vector<16xf32>,
        %gather3A_1207 = tpu.vector_load_idx %arg7[%add3A_1205, %get3A_293] : memref<512x32xf32, #tpu.memory_space<vmem>>[vector<16xi32>, vector<16xi32>], vector<16xf32>,
        %gather3A_1208 = tpu.vector_load_idx %arg7[%add3A_1205, %get3A_298] : memref<512x32xf32, #tpu.memory_space<vmem>>[vector<16xi32>, vector<16xi32>], vector<16xf32>,
        %gather3A_1209 = tpu.vector_load_idx %arg7[%add3A_1205, %get3A_303] : memref<512x32xf32, #tpu.memory_space<vmem>>[vector<16xi32>, vector<16xi32>], vector<16xf32>,
        %gather3A_1210 = tpu.vector_load_idx %arg7[%add3A_1205, %get3A_308] : memref<512x32xf32, #tpu.memory_space<vmem>>[vector<16xi32>, vector<16xi32>], vector<16xf32>,
        %gather3A_1211 = tpu.vector_load_idx %arg7[%add3A_1205, %get3A_313] : memref<512x32xf32, #tpu.memory_space<vmem>>[vector<16xi32>, vector<16xi32>], vector<16xf32>,
        %gather3A_1212 = tpu.vector_load_idx %arg7[%add3A_1205, %get3A_318] : memref<512x32xf32, #tpu.memory_space<vmem>>[vector<16xi32>, vector<16xi32>], vector<16xf32>,
        %gather3A_1213 = tpu.vector_load_idx %arg7[%add3A_1205, %get3A_323] : memref<512x32xf32, #tpu.memory_space<vmem>>[vector<16xi32>, vector<16xi32>], vector<16xf32>,
        %add3A_1214 = arith.constant 3072 : i32
        %add3A_1215 = vector.broadcast %add3A_1214 : i32 to vector<16xi32>
        %add3A_1216 = arith.addi %get3A_328, %add3A_1215 : vector<16xi32>
        tpu.vector_store_idx %arg9[%add3A_1216], %gather3A_1206 : memref<16384xf32, #tpu.memory_space<vmem>>[vector<16xi32>], vector<16xf32>,
        %add3A_1217 = arith.constant 3072 : i32
        %add3A_1218 = vector.broadcast %add3A_1217 : i32 to vector<16xi32>
        %add3A_1219 = arith.addi %get3A_333, %add3A_1218 : vector<16xi32>
        tpu.vector_store_idx %arg9[%add3A_1219], %gather3A_1207 : memref<16384xf32, #tpu.memory_space<vmem>>[vector<16xi32>], vector<16xf32>,
        %add3A_1220 = arith.constant 3072 : i32
        %add3A_1221 = vector.broadcast %add3A_1220 : i32 to vector<16xi32>
        %add3A_1222 = arith.addi %get3A_338, %add3A_1221 : vector<16xi32>
        tpu.vector_store_idx %arg9[%add3A_1222], %gather3A_1208 : memref<16384xf32, #tpu.memory_space<vmem>>[vector<16xi32>], vector<16xf32>,
        %add3A_1223 = arith.constant 3072 : i32
        %add3A_1224 = vector.broadcast %add3A_1223 : i32 to vector<16xi32>
        %add3A_1225 = arith.addi %get3A_343, %add3A_1224 : vector<16xi32>
        tpu.vector_store_idx %arg9[%add3A_1225], %gather3A_1209 : memref<16384xf32, #tpu.memory_space<vmem>>[vector<16xi32>], vector<16xf32>,
        %add3A_1226 = arith.constant 3072 : i32
        %add3A_1227 = vector.broadcast %add3A_1226 : i32 to vector<16xi32>
        %add3A_1228 = arith.addi %get3A_348, %add3A_1227 : vector<16xi32>
        tpu.vector_store_idx %arg9[%add3A_1228], %gather3A_1210 : memref<16384xf32, #tpu.memory_space<vmem>>[vector<16xi32>], vector<16xf32>,
        %add3A_1229 = arith.constant 3072 : i32
        %add3A_1230 = vector.broadcast %add3A_1229 : i32 to vector<16xi32>
        %add3A_1231 = arith.addi %get3A_353, %add3A_1230 : vector<16xi32>
        tpu.vector_store_idx %arg9[%add3A_1231], %gather3A_1211 : memref<16384xf32, #tpu.memory_space<vmem>>[vector<16xi32>], vector<16xf32>,
        %add3A_1232 = arith.constant 3072 : i32
        %add3A_1233 = vector.broadcast %add3A_1232 : i32 to vector<16xi32>
        %add3A_1234 = arith.addi %get3A_358, %add3A_1233 : vector<16xi32>
        tpu.vector_store_idx %arg9[%add3A_1234], %gather3A_1212 : memref<16384xf32, #tpu.memory_space<vmem>>[vector<16xi32>], vector<16xf32>,
        %add3A_1235 = arith.constant 3072 : i32
        %add3A_1236 = vector.broadcast %add3A_1235 : i32 to vector<16xi32>
        %add3A_1237 = arith.addi %get3A_363, %add3A_1236 : vector<16xi32>
        tpu.vector_store_idx %arg9[%add3A_1237], %gather3A_1213 : memref<16384xf32, #tpu.memory_space<vmem>>[vector<16xi32>], vector<16xf32>,
        %add3A_1238 = arith.constant 400 : i32
        %add3A_1239 = vector.broadcast %add3A_1238 : i32 to vector<16xi32>
        %add3A_1240 = arith.addi %iota3A, %add3A_1239 : vector<16xi32>
        %gather3A_1241 = tpu.vector_load_idx %arg7[%add3A_1240, %get3A_288] : memref<512x32xf32, #tpu.memory_space<vmem>>[vector<16xi32>, vector<16xi32>], vector<16xf32>,
        %gather3A_1242 = tpu.vector_load_idx %arg7[%add3A_1240, %get3A_293] : memref<512x32xf32, #tpu.memory_space<vmem>>[vector<16xi32>, vector<16xi32>], vector<16xf32>,
        %gather3A_1243 = tpu.vector_load_idx %arg7[%add3A_1240, %get3A_298] : memref<512x32xf32, #tpu.memory_space<vmem>>[vector<16xi32>, vector<16xi32>], vector<16xf32>,
        %gather3A_1244 = tpu.vector_load_idx %arg7[%add3A_1240, %get3A_303] : memref<512x32xf32, #tpu.memory_space<vmem>>[vector<16xi32>, vector<16xi32>], vector<16xf32>,
        %gather3A_1245 = tpu.vector_load_idx %arg7[%add3A_1240, %get3A_308] : memref<512x32xf32, #tpu.memory_space<vmem>>[vector<16xi32>, vector<16xi32>], vector<16xf32>,
        %gather3A_1246 = tpu.vector_load_idx %arg7[%add3A_1240, %get3A_313] : memref<512x32xf32, #tpu.memory_space<vmem>>[vector<16xi32>, vector<16xi32>], vector<16xf32>,
        %gather3A_1247 = tpu.vector_load_idx %arg7[%add3A_1240, %get3A_318] : memref<512x32xf32, #tpu.memory_space<vmem>>[vector<16xi32>, vector<16xi32>], vector<16xf32>,
        %gather3A_1248 = tpu.vector_load_idx %arg7[%add3A_1240, %get3A_323] : memref<512x32xf32, #tpu.memory_space<vmem>>[vector<16xi32>, vector<16xi32>], vector<16xf32>,
        %add3A_1249 = arith.constant 3088 : i32
        %add3A_1250 = vector.broadcast %add3A_1249 : i32 to vector<16xi32>
        %add3A_1251 = arith.addi %get3A_328, %add3A_1250 : vector<16xi32>
        tpu.vector_store_idx %arg9[%add3A_1251], %gather3A_1241 : memref<16384xf32, #tpu.memory_space<vmem>>[vector<16xi32>], vector<16xf32>,
        %add3A_1252 = arith.constant 3088 : i32
        %add3A_1253 = vector.broadcast %add3A_1252 : i32 to vector<16xi32>
        %add3A_1254 = arith.addi %get3A_333, %add3A_1253 : vector<16xi32>
        tpu.vector_store_idx %arg9[%add3A_1254], %gather3A_1242 : memref<16384xf32, #tpu.memory_space<vmem>>[vector<16xi32>], vector<16xf32>,
        %add3A_1255 = arith.constant 3088 : i32
        %add3A_1256 = vector.broadcast %add3A_1255 : i32 to vector<16xi32>
        %add3A_1257 = arith.addi %get3A_338, %add3A_1256 : vector<16xi32>
        tpu.vector_store_idx %arg9[%add3A_1257], %gather3A_1243 : memref<16384xf32, #tpu.memory_space<vmem>>[vector<16xi32>], vector<16xf32>,
        %add3A_1258 = arith.constant 3088 : i32
        %add3A_1259 = vector.broadcast %add3A_1258 : i32 to vector<16xi32>
        %add3A_1260 = arith.addi %get3A_343, %add3A_1259 : vector<16xi32>
        tpu.vector_store_idx %arg9[%add3A_1260], %gather3A_1244 : memref<16384xf32, #tpu.memory_space<vmem>>[vector<16xi32>], vector<16xf32>,
        %add3A_1261 = arith.constant 3088 : i32
        %add3A_1262 = vector.broadcast %add3A_1261 : i32 to vector<16xi32>
        %add3A_1263 = arith.addi %get3A_348, %add3A_1262 : vector<16xi32>
        tpu.vector_store_idx %arg9[%add3A_1263], %gather3A_1245 : memref<16384xf32, #tpu.memory_space<vmem>>[vector<16xi32>], vector<16xf32>,
        %add3A_1264 = arith.constant 3088 : i32
        %add3A_1265 = vector.broadcast %add3A_1264 : i32 to vector<16xi32>
        %add3A_1266 = arith.addi %get3A_353, %add3A_1265 : vector<16xi32>
        tpu.vector_store_idx %arg9[%add3A_1266], %gather3A_1246 : memref<16384xf32, #tpu.memory_space<vmem>>[vector<16xi32>], vector<16xf32>,
        %add3A_1267 = arith.constant 3088 : i32
        %add3A_1268 = vector.broadcast %add3A_1267 : i32 to vector<16xi32>
        %add3A_1269 = arith.addi %get3A_358, %add3A_1268 : vector<16xi32>
        tpu.vector_store_idx %arg9[%add3A_1269], %gather3A_1247 : memref<16384xf32, #tpu.memory_space<vmem>>[vector<16xi32>], vector<16xf32>,
        %add3A_1270 = arith.constant 3088 : i32
        %add3A_1271 = vector.broadcast %add3A_1270 : i32 to vector<16xi32>
        %add3A_1272 = arith.addi %get3A_363, %add3A_1271 : vector<16xi32>
        tpu.vector_store_idx %arg9[%add3A_1272], %gather3A_1248 : memref<16384xf32, #tpu.memory_space<vmem>>[vector<16xi32>], vector<16xf32>,
        %add3A_1273 = arith.constant 416 : i32
        %add3A_1274 = vector.broadcast %add3A_1273 : i32 to vector<16xi32>
        %add3A_1275 = arith.addi %iota3A, %add3A_1274 : vector<16xi32>
        %gather3A_1276 = tpu.vector_load_idx %arg7[%add3A_1275, %get3A_288] : memref<512x32xf32, #tpu.memory_space<vmem>>[vector<16xi32>, vector<16xi32>], vector<16xf32>,
        %gather3A_1277 = tpu.vector_load_idx %arg7[%add3A_1275, %get3A_293] : memref<512x32xf32, #tpu.memory_space<vmem>>[vector<16xi32>, vector<16xi32>], vector<16xf32>,
        %gather3A_1278 = tpu.vector_load_idx %arg7[%add3A_1275, %get3A_298] : memref<512x32xf32, #tpu.memory_space<vmem>>[vector<16xi32>, vector<16xi32>], vector<16xf32>,
        %gather3A_1279 = tpu.vector_load_idx %arg7[%add3A_1275, %get3A_303] : memref<512x32xf32, #tpu.memory_space<vmem>>[vector<16xi32>, vector<16xi32>], vector<16xf32>,
        %gather3A_1280 = tpu.vector_load_idx %arg7[%add3A_1275, %get3A_308] : memref<512x32xf32, #tpu.memory_space<vmem>>[vector<16xi32>, vector<16xi32>], vector<16xf32>,
        %gather3A_1281 = tpu.vector_load_idx %arg7[%add3A_1275, %get3A_313] : memref<512x32xf32, #tpu.memory_space<vmem>>[vector<16xi32>, vector<16xi32>], vector<16xf32>,
        %gather3A_1282 = tpu.vector_load_idx %arg7[%add3A_1275, %get3A_318] : memref<512x32xf32, #tpu.memory_space<vmem>>[vector<16xi32>, vector<16xi32>], vector<16xf32>,
        %gather3A_1283 = tpu.vector_load_idx %arg7[%add3A_1275, %get3A_323] : memref<512x32xf32, #tpu.memory_space<vmem>>[vector<16xi32>, vector<16xi32>], vector<16xf32>,
        %add3A_1284 = arith.constant 3104 : i32
        %add3A_1285 = vector.broadcast %add3A_1284 : i32 to vector<16xi32>
        %add3A_1286 = arith.addi %get3A_328, %add3A_1285 : vector<16xi32>
        tpu.vector_store_idx %arg9[%add3A_1286], %gather3A_1276 : memref<16384xf32, #tpu.memory_space<vmem>>[vector<16xi32>], vector<16xf32>,
        %add3A_1287 = arith.constant 3104 : i32
        %add3A_1288 = vector.broadcast %add3A_1287 : i32 to vector<16xi32>
        %add3A_1289 = arith.addi %get3A_333, %add3A_1288 : vector<16xi32>
        tpu.vector_store_idx %arg9[%add3A_1289], %gather3A_1277 : memref<16384xf32, #tpu.memory_space<vmem>>[vector<16xi32>], vector<16xf32>,
        %add3A_1290 = arith.constant 3104 : i32
        %add3A_1291 = vector.broadcast %add3A_1290 : i32 to vector<16xi32>
        %add3A_1292 = arith.addi %get3A_338, %add3A_1291 : vector<16xi32>
        tpu.vector_store_idx %arg9[%add3A_1292], %gather3A_1278 : memref<16384xf32, #tpu.memory_space<vmem>>[vector<16xi32>], vector<16xf32>,
        %add3A_1293 = arith.constant 3104 : i32
        %add3A_1294 = vector.broadcast %add3A_1293 : i32 to vector<16xi32>
        %add3A_1295 = arith.addi %get3A_343, %add3A_1294 : vector<16xi32>
        tpu.vector_store_idx %arg9[%add3A_1295], %gather3A_1279 : memref<16384xf32, #tpu.memory_space<vmem>>[vector<16xi32>], vector<16xf32>,
        %add3A_1296 = arith.constant 3104 : i32
        %add3A_1297 = vector.broadcast %add3A_1296 : i32 to vector<16xi32>
        %add3A_1298 = arith.addi %get3A_348, %add3A_1297 : vector<16xi32>
        tpu.vector_store_idx %arg9[%add3A_1298], %gather3A_1280 : memref<16384xf32, #tpu.memory_space<vmem>>[vector<16xi32>], vector<16xf32>,
        %add3A_1299 = arith.constant 3104 : i32
        %add3A_1300 = vector.broadcast %add3A_1299 : i32 to vector<16xi32>
        %add3A_1301 = arith.addi %get3A_353, %add3A_1300 : vector<16xi32>
        tpu.vector_store_idx %arg9[%add3A_1301], %gather3A_1281 : memref<16384xf32, #tpu.memory_space<vmem>>[vector<16xi32>], vector<16xf32>,
        %add3A_1302 = arith.constant 3104 : i32
        %add3A_1303 = vector.broadcast %add3A_1302 : i32 to vector<16xi32>
        %add3A_1304 = arith.addi %get3A_358, %add3A_1303 : vector<16xi32>
        tpu.vector_store_idx %arg9[%add3A_1304], %gather3A_1282 : memref<16384xf32, #tpu.memory_space<vmem>>[vector<16xi32>], vector<16xf32>,
        %add3A_1305 = arith.constant 3104 : i32
        %add3A_1306 = vector.broadcast %add3A_1305 : i32 to vector<16xi32>
        %add3A_1307 = arith.addi %get3A_363, %add3A_1306 : vector<16xi32>
        tpu.vector_store_idx %arg9[%add3A_1307], %gather3A_1283 : memref<16384xf32, #tpu.memory_space<vmem>>[vector<16xi32>], vector<16xf32>,
        %add3A_1308 = arith.constant 432 : i32
        %add3A_1309 = vector.broadcast %add3A_1308 : i32 to vector<16xi32>
        %add3A_1310 = arith.addi %iota3A, %add3A_1309 : vector<16xi32>
        %gather3A_1311 = tpu.vector_load_idx %arg7[%add3A_1310, %get3A_288] : memref<512x32xf32, #tpu.memory_space<vmem>>[vector<16xi32>, vector<16xi32>], vector<16xf32>,
        %gather3A_1312 = tpu.vector_load_idx %arg7[%add3A_1310, %get3A_293] : memref<512x32xf32, #tpu.memory_space<vmem>>[vector<16xi32>, vector<16xi32>], vector<16xf32>,
        %gather3A_1313 = tpu.vector_load_idx %arg7[%add3A_1310, %get3A_298] : memref<512x32xf32, #tpu.memory_space<vmem>>[vector<16xi32>, vector<16xi32>], vector<16xf32>,
        %gather3A_1314 = tpu.vector_load_idx %arg7[%add3A_1310, %get3A_303] : memref<512x32xf32, #tpu.memory_space<vmem>>[vector<16xi32>, vector<16xi32>], vector<16xf32>,
        %gather3A_1315 = tpu.vector_load_idx %arg7[%add3A_1310, %get3A_308] : memref<512x32xf32, #tpu.memory_space<vmem>>[vector<16xi32>, vector<16xi32>], vector<16xf32>,
        %gather3A_1316 = tpu.vector_load_idx %arg7[%add3A_1310, %get3A_313] : memref<512x32xf32, #tpu.memory_space<vmem>>[vector<16xi32>, vector<16xi32>], vector<16xf32>,
        %gather3A_1317 = tpu.vector_load_idx %arg7[%add3A_1310, %get3A_318] : memref<512x32xf32, #tpu.memory_space<vmem>>[vector<16xi32>, vector<16xi32>], vector<16xf32>,
        %gather3A_1318 = tpu.vector_load_idx %arg7[%add3A_1310, %get3A_323] : memref<512x32xf32, #tpu.memory_space<vmem>>[vector<16xi32>, vector<16xi32>], vector<16xf32>,
        %add3A_1319 = arith.constant 3120 : i32
        %add3A_1320 = vector.broadcast %add3A_1319 : i32 to vector<16xi32>
        %add3A_1321 = arith.addi %get3A_328, %add3A_1320 : vector<16xi32>
        tpu.vector_store_idx %arg9[%add3A_1321], %gather3A_1311 : memref<16384xf32, #tpu.memory_space<vmem>>[vector<16xi32>], vector<16xf32>,
        %add3A_1322 = arith.constant 3120 : i32
        %add3A_1323 = vector.broadcast %add3A_1322 : i32 to vector<16xi32>
        %add3A_1324 = arith.addi %get3A_333, %add3A_1323 : vector<16xi32>
        tpu.vector_store_idx %arg9[%add3A_1324], %gather3A_1312 : memref<16384xf32, #tpu.memory_space<vmem>>[vector<16xi32>], vector<16xf32>,
        %add3A_1325 = arith.constant 3120 : i32
        %add3A_1326 = vector.broadcast %add3A_1325 : i32 to vector<16xi32>
        %add3A_1327 = arith.addi %get3A_338, %add3A_1326 : vector<16xi32>
        tpu.vector_store_idx %arg9[%add3A_1327], %gather3A_1313 : memref<16384xf32, #tpu.memory_space<vmem>>[vector<16xi32>], vector<16xf32>,
        %add3A_1328 = arith.constant 3120 : i32
        %add3A_1329 = vector.broadcast %add3A_1328 : i32 to vector<16xi32>
        %add3A_1330 = arith.addi %get3A_343, %add3A_1329 : vector<16xi32>
        tpu.vector_store_idx %arg9[%add3A_1330], %gather3A_1314 : memref<16384xf32, #tpu.memory_space<vmem>>[vector<16xi32>], vector<16xf32>,
        %add3A_1331 = arith.constant 3120 : i32
        %add3A_1332 = vector.broadcast %add3A_1331 : i32 to vector<16xi32>
        %add3A_1333 = arith.addi %get3A_348, %add3A_1332 : vector<16xi32>
        tpu.vector_store_idx %arg9[%add3A_1333], %gather3A_1315 : memref<16384xf32, #tpu.memory_space<vmem>>[vector<16xi32>], vector<16xf32>,
        %add3A_1334 = arith.constant 3120 : i32
        %add3A_1335 = vector.broadcast %add3A_1334 : i32 to vector<16xi32>
        %add3A_1336 = arith.addi %get3A_353, %add3A_1335 : vector<16xi32>
        tpu.vector_store_idx %arg9[%add3A_1336], %gather3A_1316 : memref<16384xf32, #tpu.memory_space<vmem>>[vector<16xi32>], vector<16xf32>,
        %add3A_1337 = arith.constant 3120 : i32
        %add3A_1338 = vector.broadcast %add3A_1337 : i32 to vector<16xi32>
        %add3A_1339 = arith.addi %get3A_358, %add3A_1338 : vector<16xi32>
        tpu.vector_store_idx %arg9[%add3A_1339], %gather3A_1317 : memref<16384xf32, #tpu.memory_space<vmem>>[vector<16xi32>], vector<16xf32>,
        %add3A_1340 = arith.constant 3120 : i32
        %add3A_1341 = vector.broadcast %add3A_1340 : i32 to vector<16xi32>
        %add3A_1342 = arith.addi %get3A_363, %add3A_1341 : vector<16xi32>
        tpu.vector_store_idx %arg9[%add3A_1342], %gather3A_1318 : memref<16384xf32, #tpu.memory_space<vmem>>[vector<16xi32>], vector<16xf32>,
        %add3A_1343 = arith.constant 448 : i32
        %add3A_1344 = vector.broadcast %add3A_1343 : i32 to vector<16xi32>
        %add3A_1345 = arith.addi %iota3A, %add3A_1344 : vector<16xi32>
        %gather3A_1346 = tpu.vector_load_idx %arg7[%add3A_1345, %get3A_288] : memref<512x32xf32, #tpu.memory_space<vmem>>[vector<16xi32>, vector<16xi32>], vector<16xf32>,
        %gather3A_1347 = tpu.vector_load_idx %arg7[%add3A_1345, %get3A_293] : memref<512x32xf32, #tpu.memory_space<vmem>>[vector<16xi32>, vector<16xi32>], vector<16xf32>,
        %gather3A_1348 = tpu.vector_load_idx %arg7[%add3A_1345, %get3A_298] : memref<512x32xf32, #tpu.memory_space<vmem>>[vector<16xi32>, vector<16xi32>], vector<16xf32>,
        %gather3A_1349 = tpu.vector_load_idx %arg7[%add3A_1345, %get3A_303] : memref<512x32xf32, #tpu.memory_space<vmem>>[vector<16xi32>, vector<16xi32>], vector<16xf32>,
        %gather3A_1350 = tpu.vector_load_idx %arg7[%add3A_1345, %get3A_308] : memref<512x32xf32, #tpu.memory_space<vmem>>[vector<16xi32>, vector<16xi32>], vector<16xf32>,
        %gather3A_1351 = tpu.vector_load_idx %arg7[%add3A_1345, %get3A_313] : memref<512x32xf32, #tpu.memory_space<vmem>>[vector<16xi32>, vector<16xi32>], vector<16xf32>,
        %gather3A_1352 = tpu.vector_load_idx %arg7[%add3A_1345, %get3A_318] : memref<512x32xf32, #tpu.memory_space<vmem>>[vector<16xi32>, vector<16xi32>], vector<16xf32>,
        %gather3A_1353 = tpu.vector_load_idx %arg7[%add3A_1345, %get3A_323] : memref<512x32xf32, #tpu.memory_space<vmem>>[vector<16xi32>, vector<16xi32>], vector<16xf32>,
        %add3A_1354 = arith.constant 3136 : i32
        %add3A_1355 = vector.broadcast %add3A_1354 : i32 to vector<16xi32>
        %add3A_1356 = arith.addi %get3A_328, %add3A_1355 : vector<16xi32>
        tpu.vector_store_idx %arg9[%add3A_1356], %gather3A_1346 : memref<16384xf32, #tpu.memory_space<vmem>>[vector<16xi32>], vector<16xf32>,
        %add3A_1357 = arith.constant 3136 : i32
        %add3A_1358 = vector.broadcast %add3A_1357 : i32 to vector<16xi32>
        %add3A_1359 = arith.addi %get3A_333, %add3A_1358 : vector<16xi32>
        tpu.vector_store_idx %arg9[%add3A_1359], %gather3A_1347 : memref<16384xf32, #tpu.memory_space<vmem>>[vector<16xi32>], vector<16xf32>,
        %add3A_1360 = arith.constant 3136 : i32
        %add3A_1361 = vector.broadcast %add3A_1360 : i32 to vector<16xi32>
        %add3A_1362 = arith.addi %get3A_338, %add3A_1361 : vector<16xi32>
        tpu.vector_store_idx %arg9[%add3A_1362], %gather3A_1348 : memref<16384xf32, #tpu.memory_space<vmem>>[vector<16xi32>], vector<16xf32>,
        %add3A_1363 = arith.constant 3136 : i32
        %add3A_1364 = vector.broadcast %add3A_1363 : i32 to vector<16xi32>
        %add3A_1365 = arith.addi %get3A_343, %add3A_1364 : vector<16xi32>
        tpu.vector_store_idx %arg9[%add3A_1365], %gather3A_1349 : memref<16384xf32, #tpu.memory_space<vmem>>[vector<16xi32>], vector<16xf32>,
        %add3A_1366 = arith.constant 3136 : i32
        %add3A_1367 = vector.broadcast %add3A_1366 : i32 to vector<16xi32>
        %add3A_1368 = arith.addi %get3A_348, %add3A_1367 : vector<16xi32>
        tpu.vector_store_idx %arg9[%add3A_1368], %gather3A_1350 : memref<16384xf32, #tpu.memory_space<vmem>>[vector<16xi32>], vector<16xf32>,
        %add3A_1369 = arith.constant 3136 : i32
        %add3A_1370 = vector.broadcast %add3A_1369 : i32 to vector<16xi32>
        %add3A_1371 = arith.addi %get3A_353, %add3A_1370 : vector<16xi32>
        tpu.vector_store_idx %arg9[%add3A_1371], %gather3A_1351 : memref<16384xf32, #tpu.memory_space<vmem>>[vector<16xi32>], vector<16xf32>,
        %add3A_1372 = arith.constant 3136 : i32
        %add3A_1373 = vector.broadcast %add3A_1372 : i32 to vector<16xi32>
        %add3A_1374 = arith.addi %get3A_358, %add3A_1373 : vector<16xi32>
        tpu.vector_store_idx %arg9[%add3A_1374], %gather3A_1352 : memref<16384xf32, #tpu.memory_space<vmem>>[vector<16xi32>], vector<16xf32>,
        %add3A_1375 = arith.constant 3136 : i32
        %add3A_1376 = vector.broadcast %add3A_1375 : i32 to vector<16xi32>
        %add3A_1377 = arith.addi %get3A_363, %add3A_1376 : vector<16xi32>
        tpu.vector_store_idx %arg9[%add3A_1377], %gather3A_1353 : memref<16384xf32, #tpu.memory_space<vmem>>[vector<16xi32>], vector<16xf32>,
        %add3A_1378 = arith.constant 464 : i32
        %add3A_1379 = vector.broadcast %add3A_1378 : i32 to vector<16xi32>
        %add3A_1380 = arith.addi %iota3A, %add3A_1379 : vector<16xi32>
        %gather3A_1381 = tpu.vector_load_idx %arg7[%add3A_1380, %get3A_288] : memref<512x32xf32, #tpu.memory_space<vmem>>[vector<16xi32>, vector<16xi32>], vector<16xf32>,
        %gather3A_1382 = tpu.vector_load_idx %arg7[%add3A_1380, %get3A_293] : memref<512x32xf32, #tpu.memory_space<vmem>>[vector<16xi32>, vector<16xi32>], vector<16xf32>,
        %gather3A_1383 = tpu.vector_load_idx %arg7[%add3A_1380, %get3A_298] : memref<512x32xf32, #tpu.memory_space<vmem>>[vector<16xi32>, vector<16xi32>], vector<16xf32>,
        %gather3A_1384 = tpu.vector_load_idx %arg7[%add3A_1380, %get3A_303] : memref<512x32xf32, #tpu.memory_space<vmem>>[vector<16xi32>, vector<16xi32>], vector<16xf32>,
        %gather3A_1385 = tpu.vector_load_idx %arg7[%add3A_1380, %get3A_308] : memref<512x32xf32, #tpu.memory_space<vmem>>[vector<16xi32>, vector<16xi32>], vector<16xf32>,
        %gather3A_1386 = tpu.vector_load_idx %arg7[%add3A_1380, %get3A_313] : memref<512x32xf32, #tpu.memory_space<vmem>>[vector<16xi32>, vector<16xi32>], vector<16xf32>,
        %gather3A_1387 = tpu.vector_load_idx %arg7[%add3A_1380, %get3A_318] : memref<512x32xf32, #tpu.memory_space<vmem>>[vector<16xi32>, vector<16xi32>], vector<16xf32>,
        %gather3A_1388 = tpu.vector_load_idx %arg7[%add3A_1380, %get3A_323] : memref<512x32xf32, #tpu.memory_space<vmem>>[vector<16xi32>, vector<16xi32>], vector<16xf32>,
        %add3A_1389 = arith.constant 3152 : i32
        %add3A_1390 = vector.broadcast %add3A_1389 : i32 to vector<16xi32>
        %add3A_1391 = arith.addi %get3A_328, %add3A_1390 : vector<16xi32>
        tpu.vector_store_idx %arg9[%add3A_1391], %gather3A_1381 : memref<16384xf32, #tpu.memory_space<vmem>>[vector<16xi32>], vector<16xf32>,
        %add3A_1392 = arith.constant 3152 : i32
        %add3A_1393 = vector.broadcast %add3A_1392 : i32 to vector<16xi32>
        %add3A_1394 = arith.addi %get3A_333, %add3A_1393 : vector<16xi32>
        tpu.vector_store_idx %arg9[%add3A_1394], %gather3A_1382 : memref<16384xf32, #tpu.memory_space<vmem>>[vector<16xi32>], vector<16xf32>,
        %add3A_1395 = arith.constant 3152 : i32
        %add3A_1396 = vector.broadcast %add3A_1395 : i32 to vector<16xi32>
        %add3A_1397 = arith.addi %get3A_338, %add3A_1396 : vector<16xi32>
        tpu.vector_store_idx %arg9[%add3A_1397], %gather3A_1383 : memref<16384xf32, #tpu.memory_space<vmem>>[vector<16xi32>], vector<16xf32>,
        %add3A_1398 = arith.constant 3152 : i32
        %add3A_1399 = vector.broadcast %add3A_1398 : i32 to vector<16xi32>
        %add3A_1400 = arith.addi %get3A_343, %add3A_1399 : vector<16xi32>
        tpu.vector_store_idx %arg9[%add3A_1400], %gather3A_1384 : memref<16384xf32, #tpu.memory_space<vmem>>[vector<16xi32>], vector<16xf32>,
        %add3A_1401 = arith.constant 3152 : i32
        %add3A_1402 = vector.broadcast %add3A_1401 : i32 to vector<16xi32>
        %add3A_1403 = arith.addi %get3A_348, %add3A_1402 : vector<16xi32>
        tpu.vector_store_idx %arg9[%add3A_1403], %gather3A_1385 : memref<16384xf32, #tpu.memory_space<vmem>>[vector<16xi32>], vector<16xf32>,
        %add3A_1404 = arith.constant 3152 : i32
        %add3A_1405 = vector.broadcast %add3A_1404 : i32 to vector<16xi32>
        %add3A_1406 = arith.addi %get3A_353, %add3A_1405 : vector<16xi32>
        tpu.vector_store_idx %arg9[%add3A_1406], %gather3A_1386 : memref<16384xf32, #tpu.memory_space<vmem>>[vector<16xi32>], vector<16xf32>,
        %add3A_1407 = arith.constant 3152 : i32
        %add3A_1408 = vector.broadcast %add3A_1407 : i32 to vector<16xi32>
        %add3A_1409 = arith.addi %get3A_358, %add3A_1408 : vector<16xi32>
        tpu.vector_store_idx %arg9[%add3A_1409], %gather3A_1387 : memref<16384xf32, #tpu.memory_space<vmem>>[vector<16xi32>], vector<16xf32>,
        %add3A_1410 = arith.constant 3152 : i32
        %add3A_1411 = vector.broadcast %add3A_1410 : i32 to vector<16xi32>
        %add3A_1412 = arith.addi %get3A_363, %add3A_1411 : vector<16xi32>
        tpu.vector_store_idx %arg9[%add3A_1412], %gather3A_1388 : memref<16384xf32, #tpu.memory_space<vmem>>[vector<16xi32>], vector<16xf32>,
        %add3A_1413 = arith.constant 480 : i32
        %add3A_1414 = vector.broadcast %add3A_1413 : i32 to vector<16xi32>
        %add3A_1415 = arith.addi %iota3A, %add3A_1414 : vector<16xi32>
        %gather3A_1416 = tpu.vector_load_idx %arg7[%add3A_1415, %get3A_288] : memref<512x32xf32, #tpu.memory_space<vmem>>[vector<16xi32>, vector<16xi32>], vector<16xf32>,
        %gather3A_1417 = tpu.vector_load_idx %arg7[%add3A_1415, %get3A_293] : memref<512x32xf32, #tpu.memory_space<vmem>>[vector<16xi32>, vector<16xi32>], vector<16xf32>,
        %gather3A_1418 = tpu.vector_load_idx %arg7[%add3A_1415, %get3A_298] : memref<512x32xf32, #tpu.memory_space<vmem>>[vector<16xi32>, vector<16xi32>], vector<16xf32>,
        %gather3A_1419 = tpu.vector_load_idx %arg7[%add3A_1415, %get3A_303] : memref<512x32xf32, #tpu.memory_space<vmem>>[vector<16xi32>, vector<16xi32>], vector<16xf32>,
        %gather3A_1420 = tpu.vector_load_idx %arg7[%add3A_1415, %get3A_308] : memref<512x32xf32, #tpu.memory_space<vmem>>[vector<16xi32>, vector<16xi32>], vector<16xf32>,
        %gather3A_1421 = tpu.vector_load_idx %arg7[%add3A_1415, %get3A_313] : memref<512x32xf32, #tpu.memory_space<vmem>>[vector<16xi32>, vector<16xi32>], vector<16xf32>,
        %gather3A_1422 = tpu.vector_load_idx %arg7[%add3A_1415, %get3A_318] : memref<512x32xf32, #tpu.memory_space<vmem>>[vector<16xi32>, vector<16xi32>], vector<16xf32>,
        %gather3A_1423 = tpu.vector_load_idx %arg7[%add3A_1415, %get3A_323] : memref<512x32xf32, #tpu.memory_space<vmem>>[vector<16xi32>, vector<16xi32>], vector<16xf32>,
        %add3A_1424 = arith.constant 3168 : i32
        %add3A_1425 = vector.broadcast %add3A_1424 : i32 to vector<16xi32>
        %add3A_1426 = arith.addi %get3A_328, %add3A_1425 : vector<16xi32>
        tpu.vector_store_idx %arg9[%add3A_1426], %gather3A_1416 : memref<16384xf32, #tpu.memory_space<vmem>>[vector<16xi32>], vector<16xf32>,
        %add3A_1427 = arith.constant 3168 : i32
        %add3A_1428 = vector.broadcast %add3A_1427 : i32 to vector<16xi32>
        %add3A_1429 = arith.addi %get3A_333, %add3A_1428 : vector<16xi32>
        tpu.vector_store_idx %arg9[%add3A_1429], %gather3A_1417 : memref<16384xf32, #tpu.memory_space<vmem>>[vector<16xi32>], vector<16xf32>,
        %add3A_1430 = arith.constant 3168 : i32
        %add3A_1431 = vector.broadcast %add3A_1430 : i32 to vector<16xi32>
        %add3A_1432 = arith.addi %get3A_338, %add3A_1431 : vector<16xi32>
        tpu.vector_store_idx %arg9[%add3A_1432], %gather3A_1418 : memref<16384xf32, #tpu.memory_space<vmem>>[vector<16xi32>], vector<16xf32>,
        %add3A_1433 = arith.constant 3168 : i32
        %add3A_1434 = vector.broadcast %add3A_1433 : i32 to vector<16xi32>
        %add3A_1435 = arith.addi %get3A_343, %add3A_1434 : vector<16xi32>
        tpu.vector_store_idx %arg9[%add3A_1435], %gather3A_1419 : memref<16384xf32, #tpu.memory_space<vmem>>[vector<16xi32>], vector<16xf32>,
        %add3A_1436 = arith.constant 3168 : i32
        %add3A_1437 = vector.broadcast %add3A_1436 : i32 to vector<16xi32>
        %add3A_1438 = arith.addi %get3A_348, %add3A_1437 : vector<16xi32>
        tpu.vector_store_idx %arg9[%add3A_1438], %gather3A_1420 : memref<16384xf32, #tpu.memory_space<vmem>>[vector<16xi32>], vector<16xf32>,
        %add3A_1439 = arith.constant 3168 : i32
        %add3A_1440 = vector.broadcast %add3A_1439 : i32 to vector<16xi32>
        %add3A_1441 = arith.addi %get3A_353, %add3A_1440 : vector<16xi32>
        tpu.vector_store_idx %arg9[%add3A_1441], %gather3A_1421 : memref<16384xf32, #tpu.memory_space<vmem>>[vector<16xi32>], vector<16xf32>,
        %add3A_1442 = arith.constant 3168 : i32
        %add3A_1443 = vector.broadcast %add3A_1442 : i32 to vector<16xi32>
        %add3A_1444 = arith.addi %get3A_358, %add3A_1443 : vector<16xi32>
        tpu.vector_store_idx %arg9[%add3A_1444], %gather3A_1422 : memref<16384xf32, #tpu.memory_space<vmem>>[vector<16xi32>], vector<16xf32>,
        %add3A_1445 = arith.constant 3168 : i32
        %add3A_1446 = vector.broadcast %add3A_1445 : i32 to vector<16xi32>
        %add3A_1447 = arith.addi %get3A_363, %add3A_1446 : vector<16xi32>
        tpu.vector_store_idx %arg9[%add3A_1447], %gather3A_1423 : memref<16384xf32, #tpu.memory_space<vmem>>[vector<16xi32>], vector<16xf32>,
        %add3A_1448 = arith.constant 496 : i32
        %add3A_1449 = vector.broadcast %add3A_1448 : i32 to vector<16xi32>
        %add3A_1450 = arith.addi %iota3A, %add3A_1449 : vector<16xi32>
        %gather3A_1451 = tpu.vector_load_idx %arg7[%add3A_1450, %get3A_288] : memref<512x32xf32, #tpu.memory_space<vmem>>[vector<16xi32>, vector<16xi32>], vector<16xf32>,
        %gather3A_1452 = tpu.vector_load_idx %arg7[%add3A_1450, %get3A_293] : memref<512x32xf32, #tpu.memory_space<vmem>>[vector<16xi32>, vector<16xi32>], vector<16xf32>,
        %gather3A_1453 = tpu.vector_load_idx %arg7[%add3A_1450, %get3A_298] : memref<512x32xf32, #tpu.memory_space<vmem>>[vector<16xi32>, vector<16xi32>], vector<16xf32>,
        %gather3A_1454 = tpu.vector_load_idx %arg7[%add3A_1450, %get3A_303] : memref<512x32xf32, #tpu.memory_space<vmem>>[vector<16xi32>, vector<16xi32>], vector<16xf32>,
        %gather3A_1455 = tpu.vector_load_idx %arg7[%add3A_1450, %get3A_308] : memref<512x32xf32, #tpu.memory_space<vmem>>[vector<16xi32>, vector<16xi32>], vector<16xf32>,
        %gather3A_1456 = tpu.vector_load_idx %arg7[%add3A_1450, %get3A_313] : memref<512x32xf32, #tpu.memory_space<vmem>>[vector<16xi32>, vector<16xi32>], vector<16xf32>,
        %gather3A_1457 = tpu.vector_load_idx %arg7[%add3A_1450, %get3A_318] : memref<512x32xf32, #tpu.memory_space<vmem>>[vector<16xi32>, vector<16xi32>], vector<16xf32>,
        %gather3A_1458 = tpu.vector_load_idx %arg7[%add3A_1450, %get3A_323] : memref<512x32xf32, #tpu.memory_space<vmem>>[vector<16xi32>, vector<16xi32>], vector<16xf32>,
        %add3A_1459 = arith.constant 3184 : i32
        %add3A_1460 = vector.broadcast %add3A_1459 : i32 to vector<16xi32>
        %add3A_1461 = arith.addi %get3A_328, %add3A_1460 : vector<16xi32>
        tpu.vector_store_idx %arg9[%add3A_1461], %gather3A_1451 : memref<16384xf32, #tpu.memory_space<vmem>>[vector<16xi32>], vector<16xf32>,
        %add3A_1462 = arith.constant 3184 : i32
        %add3A_1463 = vector.broadcast %add3A_1462 : i32 to vector<16xi32>
        %add3A_1464 = arith.addi %get3A_333, %add3A_1463 : vector<16xi32>
        tpu.vector_store_idx %arg9[%add3A_1464], %gather3A_1452 : memref<16384xf32, #tpu.memory_space<vmem>>[vector<16xi32>], vector<16xf32>,
        %add3A_1465 = arith.constant 3184 : i32
        %add3A_1466 = vector.broadcast %add3A_1465 : i32 to vector<16xi32>
        %add3A_1467 = arith.addi %get3A_338, %add3A_1466 : vector<16xi32>
        tpu.vector_store_idx %arg9[%add3A_1467], %gather3A_1453 : memref<16384xf32, #tpu.memory_space<vmem>>[vector<16xi32>], vector<16xf32>,
        %add3A_1468 = arith.constant 3184 : i32
        %add3A_1469 = vector.broadcast %add3A_1468 : i32 to vector<16xi32>
        %add3A_1470 = arith.addi %get3A_343, %add3A_1469 : vector<16xi32>
        tpu.vector_store_idx %arg9[%add3A_1470], %gather3A_1454 : memref<16384xf32, #tpu.memory_space<vmem>>[vector<16xi32>], vector<16xf32>,
        %add3A_1471 = arith.constant 3184 : i32
        %add3A_1472 = vector.broadcast %add3A_1471 : i32 to vector<16xi32>
        %add3A_1473 = arith.addi %get3A_348, %add3A_1472 : vector<16xi32>
        tpu.vector_store_idx %arg9[%add3A_1473], %gather3A_1455 : memref<16384xf32, #tpu.memory_space<vmem>>[vector<16xi32>], vector<16xf32>,
        %add3A_1474 = arith.constant 3184 : i32
        %add3A_1475 = vector.broadcast %add3A_1474 : i32 to vector<16xi32>
        %add3A_1476 = arith.addi %get3A_353, %add3A_1475 : vector<16xi32>
        tpu.vector_store_idx %arg9[%add3A_1476], %gather3A_1456 : memref<16384xf32, #tpu.memory_space<vmem>>[vector<16xi32>], vector<16xf32>,
        %add3A_1477 = arith.constant 3184 : i32
        %add3A_1478 = vector.broadcast %add3A_1477 : i32 to vector<16xi32>
        %add3A_1479 = arith.addi %get3A_358, %add3A_1478 : vector<16xi32>
        tpu.vector_store_idx %arg9[%add3A_1479], %gather3A_1457 : memref<16384xf32, #tpu.memory_space<vmem>>[vector<16xi32>], vector<16xf32>,
        %add3A_1480 = arith.constant 3184 : i32
        %add3A_1481 = vector.broadcast %add3A_1480 : i32 to vector<16xi32>
        %add3A_1482 = arith.addi %get3A_363, %add3A_1481 : vector<16xi32>
        tpu.vector_store_idx %arg9[%add3A_1482], %gather3A_1458 : memref<16384xf32, #tpu.memory_space<vmem>>[vector<16xi32>], vector<16xf32>,
      }
      %scan3A_231 = arith.constant 4 : i32
      %mul3A_232 = arith.constant 4 : i32
      %mul3A_233 = arith.muli %add3A, %mul3A_232 : i32
      %mul3A_234 = arith.constant 1024 : i32
      %mul3A_235 = arith.muli %mul3A_233, %mul3A_234 : i32
      %dma_start3A_236 = arith.constant 0 : i32
      %dma_start3A_237 = arith.constant 0 : i32
      %dma_start3A_238 = tpu.memref_slice %arg9[%dma_start3A_237] : memref<16384xf32, #tpu.memory_space<vmem>> -> memref<4096xf32, #tpu.memory_space<vmem>>
      %dma_start3A_239 = tpu.memref_slice %arg4[%add3A_207, %dma_start3A_236, %mul3A_235] : memref<100x4x131072xf32, #tpu.memory_space<hbm>> -> memref<1x1x4096xf32, #tpu.memory_space<hbm>>
      %dma_start3A_240 = tpu.memref_squeeze %dma_start3A_239 : memref<1x1x4096xf32, #tpu.memory_space<hbm>> -> memref<4096xf32, #tpu.memory_space<hbm>>
      %dma_start3A_241 = tpu.memref_slice %arg4[%add3A_207, %dma_start3A_236, %mul3A_235] : memref<100x4x131072xf32, #tpu.memory_space<hbm>> -> memref<1x1x4096xf32, #tpu.memory_space<hbm>>
      %dma_start3A_242 = tpu.memref_squeeze %dma_start3A_241 : memref<1x1x4096xf32, #tpu.memory_space<hbm>> -> memref<4096xf32, #tpu.memory_space<hbm>>
      %dma_start3A_243 = arith.constant 0 : i32
      %dma_start3A_244 = tpu.memref_slice %arg9[%dma_start3A_243] : memref<16384xf32, #tpu.memory_space<vmem>> -> memref<4096xf32, #tpu.memory_space<vmem>>
      tpu.enqueue_dma source(%dma_start3A_244 : memref<4096xf32, #tpu.memory_space<vmem>>) target(%dma_start3A_242 : memref<4096xf32, #tpu.memory_space<hbm>>) target_semaphore(%arg15 : memref<!tpu.dma_semaphore, #tpu.memory_space<semaphore_mem>>)
      %mul3A_245 = arith.constant 4 : i32
      %mul3A_246 = arith.muli %add3A, %mul3A_245 : i32
      %mul3A_247 = arith.constant 1024 : i32
      %mul3A_248 = arith.muli %mul3A_246, %mul3A_247 : i32
      %dma_start3A_249 = arith.constant 1 : i32
      %dma_start3A_250 = arith.constant 4096 : i32
      %dma_start3A_251 = tpu.memref_slice %arg9[%dma_start3A_250] : memref<16384xf32, #tpu.memory_space<vmem>> -> memref<4096xf32, #tpu.memory_space<vmem>>
      %dma_start3A_252 = tpu.memref_slice %arg4[%add3A_207, %dma_start3A_249, %mul3A_248] : memref<100x4x131072xf32, #tpu.memory_space<hbm>> -> memref<1x1x4096xf32, #tpu.memory_space<hbm>>
      %dma_start3A_253 = tpu.memref_squeeze %dma_start3A_252 : memref<1x1x4096xf32, #tpu.memory_space<hbm>> -> memref<4096xf32, #tpu.memory_space<hbm>>
      %dma_start3A_254 = tpu.memref_slice %arg4[%add3A_207, %dma_start3A_249, %mul3A_248] : memref<100x4x131072xf32, #tpu.memory_space<hbm>> -> memref<1x1x4096xf32, #tpu.memory_space<hbm>>
      %dma_start3A_255 = tpu.memref_squeeze %dma_start3A_254 : memref<1x1x4096xf32, #tpu.memory_space<hbm>> -> memref<4096xf32, #tpu.memory_space<hbm>>
      %dma_start3A_256 = arith.constant 4096 : i32
      %dma_start3A_257 = tpu.memref_slice %arg9[%dma_start3A_256] : memref<16384xf32, #tpu.memory_space<vmem>> -> memref<4096xf32, #tpu.memory_space<vmem>>
      tpu.enqueue_dma source(%dma_start3A_257 : memref<4096xf32, #tpu.memory_space<vmem>>) target(%dma_start3A_255 : memref<4096xf32, #tpu.memory_space<hbm>>) target_semaphore(%arg15 : memref<!tpu.dma_semaphore, #tpu.memory_space<semaphore_mem>>)
      %mul3A_258 = arith.constant 4 : i32
      %mul3A_259 = arith.muli %add3A, %mul3A_258 : i32
      %mul3A_260 = arith.constant 1024 : i32
      %mul3A_261 = arith.muli %mul3A_259, %mul3A_260 : i32
      %dma_start3A_262 = arith.constant 2 : i32
      %dma_start3A_263 = arith.constant 8192 : i32
      %dma_start3A_264 = tpu.memref_slice %arg9[%dma_start3A_263] : memref<16384xf32, #tpu.memory_space<vmem>> -> memref<4096xf32, #tpu.memory_space<vmem>>
      %dma_start3A_265 = tpu.memref_slice %arg4[%add3A_207, %dma_start3A_262, %mul3A_261] : memref<100x4x131072xf32, #tpu.memory_space<hbm>> -> memref<1x1x4096xf32, #tpu.memory_space<hbm>>
      %dma_start3A_266 = tpu.memref_squeeze %dma_start3A_265 : memref<1x1x4096xf32, #tpu.memory_space<hbm>> -> memref<4096xf32, #tpu.memory_space<hbm>>
      %dma_start3A_267 = tpu.memref_slice %arg4[%add3A_207, %dma_start3A_262, %mul3A_261] : memref<100x4x131072xf32, #tpu.memory_space<hbm>> -> memref<1x1x4096xf32, #tpu.memory_space<hbm>>
      %dma_start3A_268 = tpu.memref_squeeze %dma_start3A_267 : memref<1x1x4096xf32, #tpu.memory_space<hbm>> -> memref<4096xf32, #tpu.memory_space<hbm>>
      %dma_start3A_269 = arith.constant 8192 : i32
      %dma_start3A_270 = tpu.memref_slice %arg9[%dma_start3A_269] : memref<16384xf32, #tpu.memory_space<vmem>> -> memref<4096xf32, #tpu.memory_space<vmem>>
      tpu.enqueue_dma source(%dma_start3A_270 : memref<4096xf32, #tpu.memory_space<vmem>>) target(%dma_start3A_268 : memref<4096xf32, #tpu.memory_space<hbm>>) target_semaphore(%arg15 : memref<!tpu.dma_semaphore, #tpu.memory_space<semaphore_mem>>)
      %mul3A_271 = arith.constant 4 : i32
      %mul3A_272 = arith.muli %add3A, %mul3A_271 : i32
      %mul3A_273 = arith.constant 1024 : i32
      %mul3A_274 = arith.muli %mul3A_272, %mul3A_273 : i32
      %dma_start3A_275 = arith.constant 3 : i32
      %dma_start3A_276 = arith.constant 12288 : i32
      %dma_start3A_277 = tpu.memref_slice %arg9[%dma_start3A_276] : memref<16384xf32, #tpu.memory_space<vmem>> -> memref<4096xf32, #tpu.memory_space<vmem>>
      %dma_start3A_278 = tpu.memref_slice %arg4[%add3A_207, %dma_start3A_275, %mul3A_274] : memref<100x4x131072xf32, #tpu.memory_space<hbm>> -> memref<1x1x4096xf32, #tpu.memory_space<hbm>>
      %dma_start3A_279 = tpu.memref_squeeze %dma_start3A_278 : memref<1x1x4096xf32, #tpu.memory_space<hbm>> -> memref<4096xf32, #tpu.memory_space<hbm>>
      %dma_start3A_280 = tpu.memref_slice %arg4[%add3A_207, %dma_start3A_275, %mul3A_274] : memref<100x4x131072xf32, #tpu.memory_space<hbm>> -> memref<1x1x4096xf32, #tpu.memory_space<hbm>>
      %dma_start3A_281 = tpu.memref_squeeze %dma_start3A_280 : memref<1x1x4096xf32, #tpu.memory_space<hbm>> -> memref<4096xf32, #tpu.memory_space<hbm>>
      %dma_start3A_282 = arith.constant 12288 : i32
      %dma_start3A_283 = tpu.memref_slice %arg9[%dma_start3A_282] : memref<16384xf32, #tpu.memory_space<vmem>> -> memref<4096xf32, #tpu.memory_space<vmem>>
      tpu.enqueue_dma source(%dma_start3A_283 : memref<4096xf32, #tpu.memory_space<vmem>>) target(%dma_start3A_281 : memref<4096xf32, #tpu.memory_space<hbm>>) target_semaphore(%arg15 : memref<!tpu.dma_semaphore, #tpu.memory_space<semaphore_mem>>)
    }
    %scan3A_19 = arith.constant 50 : i32
    %mul3A_20 = arith.constant 4 : i32
    %mul3A_21 = arith.muli %add3A, %mul3A_20 : i32
    %mul3A_22 = arith.constant 1024 : i32
    %mul3A_23 = arith.muli %mul3A_21, %mul3A_22 : i32
    %dma_wait3A = arith.constant 98 : i32
    %dma_wait3A_24 = arith.constant 0 : i32
    %dma_wait3A_25 = arith.constant 0 : i32
    %dma_wait3A_26 = tpu.memref_slice %arg8[%dma_wait3A_25] : memref<16384xf32, #tpu.memory_space<vmem>> -> memref<4096xf32, #tpu.memory_space<vmem>>
    %dma_wait3A_27 = tpu.memref_slice %arg4[%dma_wait3A, %dma_wait3A_24, %mul3A_23] : memref<100x4x131072xf32, #tpu.memory_space<hbm>> -> memref<1x1x4096xf32, #tpu.memory_space<hbm>>
    %dma_wait3A_28 = tpu.memref_squeeze %dma_wait3A_27 : memref<1x1x4096xf32, #tpu.memory_space<hbm>> -> memref<4096xf32, #tpu.memory_space<hbm>>
    %dma_wait3A_29 = tpu.memref_slice %arg4[%dma_wait3A, %dma_wait3A_24, %mul3A_23] : memref<100x4x131072xf32, #tpu.memory_space<hbm>> -> memref<1x1x4096xf32, #tpu.memory_space<hbm>>
    %dma_wait3A_30 = tpu.memref_squeeze %dma_wait3A_29 : memref<1x1x4096xf32, #tpu.memory_space<hbm>> -> memref<4096xf32, #tpu.memory_space<hbm>>
    %dma_wait3A_31 = arith.constant 0 : i32
    %dma_wait3A_32 = tpu.memref_slice %arg8[%dma_wait3A_31] : memref<16384xf32, #tpu.memory_space<vmem>> -> memref<4096xf32, #tpu.memory_space<vmem>>
    tpu.wait_dma2 semaphore(%arg14 : memref<!tpu.dma_semaphore, #tpu.memory_space<semaphore_mem>>) src(%dma_wait3A_32 : memref<4096xf32, #tpu.memory_space<vmem>>) dst(%dma_wait3A_30 : memref<4096xf32, #tpu.memory_space<hbm>>)
    %mul3A_33 = arith.constant 4 : i32
    %mul3A_34 = arith.muli %add3A, %mul3A_33 : i32
    %mul3A_35 = arith.constant 1024 : i32
    %mul3A_36 = arith.muli %mul3A_34, %mul3A_35 : i32
    %dma_wait3A_37 = arith.constant 98 : i32
    %dma_wait3A_38 = arith.constant 1 : i32
    %dma_wait3A_39 = arith.constant 4096 : i32
    %dma_wait3A_40 = tpu.memref_slice %arg8[%dma_wait3A_39] : memref<16384xf32, #tpu.memory_space<vmem>> -> memref<4096xf32, #tpu.memory_space<vmem>>
    %dma_wait3A_41 = tpu.memref_slice %arg4[%dma_wait3A_37, %dma_wait3A_38, %mul3A_36] : memref<100x4x131072xf32, #tpu.memory_space<hbm>> -> memref<1x1x4096xf32, #tpu.memory_space<hbm>>
    %dma_wait3A_42 = tpu.memref_squeeze %dma_wait3A_41 : memref<1x1x4096xf32, #tpu.memory_space<hbm>> -> memref<4096xf32, #tpu.memory_space<hbm>>
    %dma_wait3A_43 = tpu.memref_slice %arg4[%dma_wait3A_37, %dma_wait3A_38, %mul3A_36] : memref<100x4x131072xf32, #tpu.memory_space<hbm>> -> memref<1x1x4096xf32, #tpu.memory_space<hbm>>
    %dma_wait3A_44 = tpu.memref_squeeze %dma_wait3A_43 : memref<1x1x4096xf32, #tpu.memory_space<hbm>> -> memref<4096xf32, #tpu.memory_space<hbm>>
    %dma_wait3A_45 = arith.constant 4096 : i32
    %dma_wait3A_46 = tpu.memref_slice %arg8[%dma_wait3A_45] : memref<16384xf32, #tpu.memory_space<vmem>> -> memref<4096xf32, #tpu.memory_space<vmem>>
    tpu.wait_dma2 semaphore(%arg14 : memref<!tpu.dma_semaphore, #tpu.memory_space<semaphore_mem>>) src(%dma_wait3A_46 : memref<4096xf32, #tpu.memory_space<vmem>>) dst(%dma_wait3A_44 : memref<4096xf32, #tpu.memory_space<hbm>>)
    %mul3A_47 = arith.constant 4 : i32
    %mul3A_48 = arith.muli %add3A, %mul3A_47 : i32
    %mul3A_49 = arith.constant 1024 : i32
    %mul3A_50 = arith.muli %mul3A_48, %mul3A_49 : i32
    %dma_wait3A_51 = arith.constant 98 : i32
    %dma_wait3A_52 = arith.constant 2 : i32
    %dma_wait3A_53 = arith.constant 8192 : i32
    %dma_wait3A_54 = tpu.memref_slice %arg8[%dma_wait3A_53] : memref<16384xf32, #tpu.memory_space<vmem>> -> memref<4096xf32, #tpu.memory_space<vmem>>
    %dma_wait3A_55 = tpu.memref_slice %arg4[%dma_wait3A_51, %dma_wait3A_52, %mul3A_50] : memref<100x4x131072xf32, #tpu.memory_space<hbm>> -> memref<1x1x4096xf32, #tpu.memory_space<hbm>>
    %dma_wait3A_56 = tpu.memref_squeeze %dma_wait3A_55 : memref<1x1x4096xf32, #tpu.memory_space<hbm>> -> memref<4096xf32, #tpu.memory_space<hbm>>
    %dma_wait3A_57 = tpu.memref_slice %arg4[%dma_wait3A_51, %dma_wait3A_52, %mul3A_50] : memref<100x4x131072xf32, #tpu.memory_space<hbm>> -> memref<1x1x4096xf32, #tpu.memory_space<hbm>>
    %dma_wait3A_58 = tpu.memref_squeeze %dma_wait3A_57 : memref<1x1x4096xf32, #tpu.memory_space<hbm>> -> memref<4096xf32, #tpu.memory_space<hbm>>
    %dma_wait3A_59 = arith.constant 8192 : i32
    %dma_wait3A_60 = tpu.memref_slice %arg8[%dma_wait3A_59] : memref<16384xf32, #tpu.memory_space<vmem>> -> memref<4096xf32, #tpu.memory_space<vmem>>
    tpu.wait_dma2 semaphore(%arg14 : memref<!tpu.dma_semaphore, #tpu.memory_space<semaphore_mem>>) src(%dma_wait3A_60 : memref<4096xf32, #tpu.memory_space<vmem>>) dst(%dma_wait3A_58 : memref<4096xf32, #tpu.memory_space<hbm>>)
    %mul3A_61 = arith.constant 4 : i32
    %mul3A_62 = arith.muli %add3A, %mul3A_61 : i32
    %mul3A_63 = arith.constant 1024 : i32
    %mul3A_64 = arith.muli %mul3A_62, %mul3A_63 : i32
    %dma_wait3A_65 = arith.constant 98 : i32
    %dma_wait3A_66 = arith.constant 3 : i32
    %dma_wait3A_67 = arith.constant 12288 : i32
    %dma_wait3A_68 = tpu.memref_slice %arg8[%dma_wait3A_67] : memref<16384xf32, #tpu.memory_space<vmem>> -> memref<4096xf32, #tpu.memory_space<vmem>>
    %dma_wait3A_69 = tpu.memref_slice %arg4[%dma_wait3A_65, %dma_wait3A_66, %mul3A_64] : memref<100x4x131072xf32, #tpu.memory_space<hbm>> -> memref<1x1x4096xf32, #tpu.memory_space<hbm>>
    %dma_wait3A_70 = tpu.memref_squeeze %dma_wait3A_69 : memref<1x1x4096xf32, #tpu.memory_space<hbm>> -> memref<4096xf32, #tpu.memory_space<hbm>>
    %dma_wait3A_71 = tpu.memref_slice %arg4[%dma_wait3A_65, %dma_wait3A_66, %mul3A_64] : memref<100x4x131072xf32, #tpu.memory_space<hbm>> -> memref<1x1x4096xf32, #tpu.memory_space<hbm>>
    %dma_wait3A_72 = tpu.memref_squeeze %dma_wait3A_71 : memref<1x1x4096xf32, #tpu.memory_space<hbm>> -> memref<4096xf32, #tpu.memory_space<hbm>>
    %dma_wait3A_73 = arith.constant 12288 : i32
    %dma_wait3A_74 = tpu.memref_slice %arg8[%dma_wait3A_73] : memref<16384xf32, #tpu.memory_space<vmem>> -> memref<4096xf32, #tpu.memory_space<vmem>>
    tpu.wait_dma2 semaphore(%arg14 : memref<!tpu.dma_semaphore, #tpu.memory_space<semaphore_mem>>) src(%dma_wait3A_74 : memref<4096xf32, #tpu.memory_space<vmem>>) dst(%dma_wait3A_72 : memref<4096xf32, #tpu.memory_space<hbm>>)
    %mul3A_75 = arith.constant 4 : i32
    %mul3A_76 = arith.muli %add3A, %mul3A_75 : i32
    %mul3A_77 = arith.constant 1024 : i32
    %mul3A_78 = arith.muli %mul3A_76, %mul3A_77 : i32
    %dma_wait3A_79 = arith.constant 99 : i32
    %dma_wait3A_80 = arith.constant 0 : i32
    %dma_wait3A_81 = arith.constant 0 : i32
    %dma_wait3A_82 = tpu.memref_slice %arg9[%dma_wait3A_81] : memref<16384xf32, #tpu.memory_space<vmem>> -> memref<4096xf32, #tpu.memory_space<vmem>>
    %dma_wait3A_83 = tpu.memref_slice %arg4[%dma_wait3A_79, %dma_wait3A_80, %mul3A_78] : memref<100x4x131072xf32, #tpu.memory_space<hbm>> -> memref<1x1x4096xf32, #tpu.memory_space<hbm>>
    %dma_wait3A_84 = tpu.memref_squeeze %dma_wait3A_83 : memref<1x1x4096xf32, #tpu.memory_space<hbm>> -> memref<4096xf32, #tpu.memory_space<hbm>>
    %dma_wait3A_85 = tpu.memref_slice %arg4[%dma_wait3A_79, %dma_wait3A_80, %mul3A_78] : memref<100x4x131072xf32, #tpu.memory_space<hbm>> -> memref<1x1x4096xf32, #tpu.memory_space<hbm>>
    %dma_wait3A_86 = tpu.memref_squeeze %dma_wait3A_85 : memref<1x1x4096xf32, #tpu.memory_space<hbm>> -> memref<4096xf32, #tpu.memory_space<hbm>>
    %dma_wait3A_87 = arith.constant 0 : i32
    %dma_wait3A_88 = tpu.memref_slice %arg9[%dma_wait3A_87] : memref<16384xf32, #tpu.memory_space<vmem>> -> memref<4096xf32, #tpu.memory_space<vmem>>
    tpu.wait_dma2 semaphore(%arg15 : memref<!tpu.dma_semaphore, #tpu.memory_space<semaphore_mem>>) src(%dma_wait3A_88 : memref<4096xf32, #tpu.memory_space<vmem>>) dst(%dma_wait3A_86 : memref<4096xf32, #tpu.memory_space<hbm>>)
    %mul3A_89 = arith.constant 4 : i32
    %mul3A_90 = arith.muli %add3A, %mul3A_89 : i32
    %mul3A_91 = arith.constant 1024 : i32
    %mul3A_92 = arith.muli %mul3A_90, %mul3A_91 : i32
    %dma_wait3A_93 = arith.constant 99 : i32
    %dma_wait3A_94 = arith.constant 1 : i32
    %dma_wait3A_95 = arith.constant 4096 : i32
    %dma_wait3A_96 = tpu.memref_slice %arg9[%dma_wait3A_95] : memref<16384xf32, #tpu.memory_space<vmem>> -> memref<4096xf32, #tpu.memory_space<vmem>>
    %dma_wait3A_97 = tpu.memref_slice %arg4[%dma_wait3A_93, %dma_wait3A_94, %mul3A_92] : memref<100x4x131072xf32, #tpu.memory_space<hbm>> -> memref<1x1x4096xf32, #tpu.memory_space<hbm>>
    %dma_wait3A_98 = tpu.memref_squeeze %dma_wait3A_97 : memref<1x1x4096xf32, #tpu.memory_space<hbm>> -> memref<4096xf32, #tpu.memory_space<hbm>>
    %dma_wait3A_99 = tpu.memref_slice %arg4[%dma_wait3A_93, %dma_wait3A_94, %mul3A_92] : memref<100x4x131072xf32, #tpu.memory_space<hbm>> -> memref<1x1x4096xf32, #tpu.memory_space<hbm>>
    %dma_wait3A_100 = tpu.memref_squeeze %dma_wait3A_99 : memref<1x1x4096xf32, #tpu.memory_space<hbm>> -> memref<4096xf32, #tpu.memory_space<hbm>>
    %dma_wait3A_101 = arith.constant 4096 : i32
    %dma_wait3A_102 = tpu.memref_slice %arg9[%dma_wait3A_101] : memref<16384xf32, #tpu.memory_space<vmem>> -> memref<4096xf32, #tpu.memory_space<vmem>>
    tpu.wait_dma2 semaphore(%arg15 : memref<!tpu.dma_semaphore, #tpu.memory_space<semaphore_mem>>) src(%dma_wait3A_102 : memref<4096xf32, #tpu.memory_space<vmem>>) dst(%dma_wait3A_100 : memref<4096xf32, #tpu.memory_space<hbm>>)
    %mul3A_103 = arith.constant 4 : i32
    %mul3A_104 = arith.muli %add3A, %mul3A_103 : i32
    %mul3A_105 = arith.constant 1024 : i32
    %mul3A_106 = arith.muli %mul3A_104, %mul3A_105 : i32
    %dma_wait3A_107 = arith.constant 99 : i32
    %dma_wait3A_108 = arith.constant 2 : i32
    %dma_wait3A_109 = arith.constant 8192 : i32
    %dma_wait3A_110 = tpu.memref_slice %arg9[%dma_wait3A_109] : memref<16384xf32, #tpu.memory_space<vmem>> -> memref<4096xf32, #tpu.memory_space<vmem>>
    %dma_wait3A_111 = tpu.memref_slice %arg4[%dma_wait3A_107, %dma_wait3A_108, %mul3A_106] : memref<100x4x131072xf32, #tpu.memory_space<hbm>> -> memref<1x1x4096xf32, #tpu.memory_space<hbm>>
    %dma_wait3A_112 = tpu.memref_squeeze %dma_wait3A_111 : memref<1x1x4096xf32, #tpu.memory_space<hbm>> -> memref<4096xf32, #tpu.memory_space<hbm>>
    %dma_wait3A_113 = tpu.memref_slice %arg4[%dma_wait3A_107, %dma_wait3A_108, %mul3A_106] : memref<100x4x131072xf32, #tpu.memory_space<hbm>> -> memref<1x1x4096xf32, #tpu.memory_space<hbm>>
    %dma_wait3A_114 = tpu.memref_squeeze %dma_wait3A_113 : memref<1x1x4096xf32, #tpu.memory_space<hbm>> -> memref<4096xf32, #tpu.memory_space<hbm>>
    %dma_wait3A_115 = arith.constant 8192 : i32
    %dma_wait3A_116 = tpu.memref_slice %arg9[%dma_wait3A_115] : memref<16384xf32, #tpu.memory_space<vmem>> -> memref<4096xf32, #tpu.memory_space<vmem>>
    tpu.wait_dma2 semaphore(%arg15 : memref<!tpu.dma_semaphore, #tpu.memory_space<semaphore_mem>>) src(%dma_wait3A_116 : memref<4096xf32, #tpu.memory_space<vmem>>) dst(%dma_wait3A_114 : memref<4096xf32, #tpu.memory_space<hbm>>)
    %mul3A_117 = arith.constant 4 : i32
    %mul3A_118 = arith.muli %add3A, %mul3A_117 : i32
    %mul3A_119 = arith.constant 1024 : i32
    %mul3A_120 = arith.muli %mul3A_118, %mul3A_119 : i32
    %dma_wait3A_121 = arith.constant 99 : i32
    %dma_wait3A_122 = arith.constant 3 : i32
    %dma_wait3A_123 = arith.constant 12288 : i32
    %dma_wait3A_124 = tpu.memref_slice %arg9[%dma_wait3A_123] : memref<16384xf32, #tpu.memory_space<vmem>> -> memref<4096xf32, #tpu.memory_space<vmem>>
    %dma_wait3A_125 = tpu.memref_slice %arg4[%dma_wait3A_121, %dma_wait3A_122, %mul3A_120] : memref<100x4x131072xf32, #tpu.memory_space<hbm>> -> memref<1x1x4096xf32, #tpu.memory_space<hbm>>
    %dma_wait3A_126 = tpu.memref_squeeze %dma_wait3A_125 : memref<1x1x4096xf32, #tpu.memory_space<hbm>> -> memref<4096xf32, #tpu.memory_space<hbm>>
    %dma_wait3A_127 = tpu.memref_slice %arg4[%dma_wait3A_121, %dma_wait3A_122, %mul3A_120] : memref<100x4x131072xf32, #tpu.memory_space<hbm>> -> memref<1x1x4096xf32, #tpu.memory_space<hbm>>
    %dma_wait3A_128 = tpu.memref_squeeze %dma_wait3A_127 : memref<1x1x4096xf32, #tpu.memory_space<hbm>> -> memref<4096xf32, #tpu.memory_space<hbm>>
    %dma_wait3A_129 = arith.constant 12288 : i32
    %dma_wait3A_130 = tpu.memref_slice %arg9[%dma_wait3A_129] : memref<16384xf32, #tpu.memory_space<vmem>> -> memref<4096xf32, #tpu.memory_space<vmem>>
    tpu.wait_dma2 semaphore(%arg15 : memref<!tpu.dma_semaphore, #tpu.memory_space<semaphore_mem>>) src(%dma_wait3A_130 : memref<4096xf32, #tpu.memory_space<vmem>>) dst(%dma_wait3A_128 : memref<4096xf32, #tpu.memory_space<hbm>>)
    return
  }
}

</mosaic_0001>

<sc_bundles>
// kernel: kernel.3.cloned.1.call-start
scs
__scs_entry_jumppad:
0x0: {  	(pc) =	sbr.rel $0x88, $3  }
0x1: {  	(tag) =	ssettag $0x0;
	lr =	simm.s32 $0x1  }
0x2: {  	[smem:$0x3F9F] =	sst lr;
	_ =	strace $0xD0000000  }
0x3: {  	_ = 	snop  }
0x4: {  	_ = 	snop  }
0x5: {  	_ = 	snop  }
0x6: {  	_ = 	snop  }
0x7: {  	_ = 	snop  }
__scs_overlays_trampoline_lowered:
0x8: {  	[smem:$0x3FAE] =	sst s0  }
0x9: {  	[smem:$0x3FAF] =	sst s1  }
0xa: {  	[smem:$0x3FB0] =	sst s2  }
0xb: {  	[smem:$0x3FB1] =	sst s3  }
0xc: {  	[smem:$0x3FB2] =	sst s4  }
0xd: {  	[smem:$0x3FB3] =	sst s5  }
0xe: {  	[smem:$0x3FB4] =	sst s6  }
0xf: {  	[smem:$0x3FB5] =	sst s7  }
0x10: {  	[smem:$0x3FB6] =	sst s8  }
0x11: {  	[smem:$0x3FB7] =	sst s9;
	s0 =	simm.s32 @!p0 $0x0  }
0x12: {  	s1 =	sld [smem:$0x3F9D];
	s0 =	simm.s32 @p0 $0x1  }
0x13: {  	[smem:$0x3FB8] =	sst s0;
	s0 =	simm.s32 @!p1 $0x0  }
0x14: {  	s2 =	sld [smem:$0x3F9C];
	s0 =	simm.s32 @p1 $0x1  }
0x15: {  	[smem:$0x3FB9] =	sst s0;
	s0 =	simm.s32 @!p2 $0x0  }
0x16: {  	s3 =	sld [smem:$0x3FDB];
	s0 =	simm.s32 @p2 $0x1  }
0x17: {  	s4 =	simm.s32 $0x1BF5;
	[smem:$0x3FBB] =	sst s0  }
0x18: {  	s0 =	sld [smem:$0x3F9E];
	_ =	swait.ge [sflag:s4], $0x0  }
0x19: {  	s7 =	sld [smem:$0x3F9F]  }
0x1a: {  	s8 =	sadd.s32 $0xFFFFE003, lr  }
0x1b: {  	s9 =	sadd.s32 $0xFFFFFEF7, lr;
	s5 =	simm.s32 $0xFFFFFFFF;
	p2 =	slt.u32 s8, $0xFFFFF086  }
0x1c: {  	p1 =	slt.u32 s9, $0xF7A;
	s5 =	simm.s32 @!p2 $0x0  }
0x1d: {  	s5 =	simm.s32 @p1 $0x1;
	p0 =	seq.s32 s7, s2  }
0x1e: {  	s7 =	smul.u32 @!p0 $0xF7A, s2;
	p2 =	seq.s32 @!p0 s5, $0x0  }
0x1f: {  	s9 =	smul.u32 $0xF7A, s1;
	s8 =	simm.s32 @!p0 $0x1BF5;
	p2 =	por !p2, p0  }
0x20: {  	[sflag:s8] =	ssyncset.s32 @!p0 $0xFFFFF086;
	s6 =	sadd.s32 @!p0 s3, s7;
	s7 =	simm.s32 @!p0 $0x108  }
0x21: {  	s3 =	sadd.s32 s3, s9;
	s6 =	sadd.s32 @!p0 $0x88, s6;
	s7 =	simm.s32 @p2 $0x1082  }
0x22: {  	[simem:s7], [sflag:s8] =	dma.local @!p0 [hbm:s6], $0xF7A  }
0x23: {  	s9 =	sor.u32 $0xD0000000, s2;
	s6 =	simm.s32 $0x108;
	_ =	swait.ge @!p0 [sflag:s8], $0x0  }
0x24: {  	s3 =	sadd.s32 $0x88, s3;
	s6 =	simm.s32 @!p1 $0x1082;
	[sflag:s4] =	ssyncset.s32 $0xFFFFF086  }
0x25: {  	[simem:s6], [sflag:s4] =	dma.local [hbm:s3], $0xF7A  }
0x26: {  	[smem:$0x3F9F] =	sst s1;
	(tag) =	ssettag s2;
	_ =	strace s9  }
0x27: {  	s1 =	sld [smem:$0x3FAF]  }
0x28: {  	s2 =	sld [smem:$0x3FB0]  }
0x29: {  	s4 =	sld [smem:$0x3FB2]  }
0x2a: {  	p0 =	seq.s32 s5, $0x0;
	s5 =	sld [smem:$0x3FB3]  }
0x2b: {  	s6 =	sld [smem:$0x3FB4]  }
0x2c: {  	s7 =	sld [smem:$0x3FB5]  }
0x2d: {  	s3 =	simm.s32 $0x108;
	s8 =	sld [smem:$0x3FB6]  }
0x2e: {  	s3 =	simm.s32 @!p0 $0x1082;
	s9 =	sld [smem:$0x3FB7]  }
0x2f: {  	lr =	sadd.s32 s0, s3;
	s0 =	sld [smem:$0x3FAE]  }
0x30: {  	s3 =	sld [smem:$0x3FB1]  }
0x31: {  	[smem:$0x3FBA] =	sst s10  }
0x32: {  	s10 =	sld [smem:$0x3FB8];
	_ =	sdelay $0x3  }
0x33: {  	p0 =	seq.s32 s10, $0x1;
	s10 =	sld [smem:$0x3FBA];
	_ =	sdelay $0x3  }
0x34: {  	[smem:$0x3FBA] =	sst s10  }
0x35: {  	s10 =	sld [smem:$0x3FB9];
	_ =	sdelay $0x3  }
0x36: {  	p1 =	seq.s32 s10, $0x1;
	s10 =	sld [smem:$0x3FBA];
	_ =	sdelay $0x3  }
0x37: {  	[smem:$0x3FBA] =	sst s10  }
0x38: {  	s10 =	sld [smem:$0x3FBB]  }
0x39: {  	_ = 	snop;
	(pc) =	sbr.ind lr, $3  }
0x3a: {  	_ = 	snop  }
0x3b: {  	_ = 	snop  }
0x3c: {  	p2 =	seq.s32 s10, $0x1;
	s10 =	sld [smem:$0x3FBA]  }
0x3d: {  	_ =	shalt  }
0x3e: {  	_ =	shalt  }
0x3f: {  	_ =	shalt  }
0x40: {  	_ =	shalt  }
0x41: {  	_ =	shalt  }
0x42: {  	_ =	shalt  }
0x43: {  	_ =	shalt  }
0x44: {  	_ =	shalt  }
0x45: {  	_ =	shalt  }
0x46: {  	_ =	shalt  }
0x47: {  	_ =	shalt  }
0x48: {  	_ =	shalt  }
0x49: {  	_ =	shalt  }
0x4a: {  	_ =	shalt  }
0x4b: {  	_ =	shalt  }
0x4c: {  	_ =	shalt  }
0x4d: {  	_ =	shalt  }
0x4e: {  	_ =	shalt  }
0x4f: {  	_ =	shalt  }
0x50: {  	_ =	shalt  }
0x51: {  	_ =	shalt  }
0x52: {  	_ =	shalt  }
0x53: {  	_ =	shalt  }
0x54: {  	_ =	shalt  }
0x55: {  	_ =	shalt  }
0x56: {  	_ =	shalt  }
0x57: {  	_ =	shalt  }
0x58: {  	_ =	shalt  }
0x59: {  	_ =	shalt  }
0x5a: {  	_ =	shalt  }
0x5b: {  	_ =	shalt  }
0x5c: {  	_ =	shalt  }
0x5d: {  	_ =	shalt  }
0x5e: {  	_ =	shalt  }
0x5f: {  	_ =	shalt  }
0x60: {  	_ =	shalt  }
0x61: {  	_ =	shalt  }
0x62: {  	_ =	shalt  }
0x63: {  	_ =	shalt  }
0x64: {  	_ =	shalt  }
0x65: {  	_ =	shalt  }
0x66: {  	_ =	shalt  }
0x67: {  	_ =	shalt  }
0x68: {  	_ =	shalt  }
0x69: {  	_ =	shalt  }
0x6a: {  	_ =	shalt  }
0x6b: {  	_ =	shalt  }
0x6c: {  	_ =	shalt  }
0x6d: {  	_ =	shalt  }
0x6e: {  	_ =	shalt  }
0x6f: {  	_ =	shalt  }
0x70: {  	_ =	shalt  }
0x71: {  	_ =	shalt  }
0x72: {  	_ =	shalt  }
0x73: {  	_ =	shalt  }
0x74: {  	_ =	shalt  }
0x75: {  	_ =	shalt  }
0x76: {  	_ =	shalt  }
0x77: {  	_ =	shalt  }
0x78: {  	_ =	shalt  }
0x79: {  	_ =	shalt  }
0x7a: {  	_ =	shalt  }
0x7b: {  	_ =	shalt  }
0x7c: {  	_ =	shalt  }
0x7d: {  	_ =	shalt  }
0x7e: {  	_ =	shalt  }
0x7f: {  	_ =	shalt  }
0x80: {  	_ =	shalt  }
0x81: {  	_ =	shalt  }
0x82: {  	_ =	shalt  }
0x83: {  	_ =	shalt  }
0x84: {  	_ =	shalt  }
0x85: {  	_ =	shalt  }
0x86: {  	_ =	shalt  }
0x87: {  	_ =	shalt  }
.Lfunc_end0:
.L_simem_size_0:
called_computation_lowered:
.L_overlay_start_0:
0x88: {  	s2 =	sld [smem:$0x3FD9]  }
0x89: {  	s3 =	sld [smem:$0x3FFE];
	_ =	sdelay $0x1  }
0x8a: {  	s1 =	srdreg.scid  }
0x8b: {  	s0 =	sand.u32 $0x1, s1  }
0x8c: {  	s17 =	sshll.u32 s0, $0xA;
	s2 =	sadd.s32 s3, s2  }
0x8d: {  	s2 =	sadd.s32 s2, s17  }
0x8e: {  	[smem:$0x3FC6] =	sst s2  }
0x8f: {  	_ = 	snop  }
0x90: {  	s2 =	sld [smem:$0x3FD0];
	(tm) =	ssettm $0x1  }
0x91: {  	s18 =	sld [smem:$0x3FFB];
	_ =	sdelay $0x3  }
0x92: {  	_ =	strace s18  }
0x93: {  	s3 =	sld [smem:$0x3FFC];
	_ =	sdelay $0x3  }
0x94: {  	_ =	strace s3  }
0x95: {  	s3 =	sld [smem:$0x3FFD];
	_ =	sdelay $0x3  }
0x96: {  	_ =	strace s3  }
0x97: {  	_ =	strace $0x8FFFFFFF  }
0x98: {  	s19 =	sld [smem:$0x3FDB];
	_ =	sdelay $0x1  }
0x99: {  	s4 =	simm.s32 $_scs_section_size  }
0x9a: {  	s5 =	simm.s32 $_size__tile_overlayer_lowered;
	s6 =	simm.s32 $_tile_overlayer_lowered  }
0x9b: {  	s22 =	simm.s32 $0x1BFF;
	s21 =	sshll.u32 s6, $0x1;
	s3 =	sadd.s32 s4, s19  }
0x9c: {  	s7 =	simm.s32 $0x0;
	s20 =	sshll.u32 s5, $0x1;
	s5 =	sadd.s32 s21, s3  }
0x9d: {  	[timem:s7], [sflag:s22] =	dma.local [hbm:s5], s20  }
0x9e: {  	_ =	swait.ge [sflag:s22], s20  }
0x9f: {  	s4 =	ssub.s32 $0x0, s20;
	[sflag:s22] =	ssyncset.done $0x0  }
0xa0: {  	[sflag:s22] =	ssyncadd.s32 s4;
	_ =	sdelay $0x1  }
0xa1: {  	s23 =	simm.s32 $0x1B8B  }
0xa2: {  	_ =	swait.ge [sflag:s23], $0x1  }
0xa3: {  	[sflag:s23] =	ssyncset.done $0x0  }
0xa4: {  	s25 =	simm.s32 $0x1B8E;
	s24 =	sld [smem:$0x3FFE];
	[sflag:s23] =	ssyncadd.s32 $0xFFFFFFFF  }
0xa5: {  	s26 =	simm.s32 $execute0_lowered;
	[smem:$0x3FD2] =	sst s25  }
0xa6: {  	s5 =	sshll.u32 s26, $0x1;
	_ =	strace $0x80000046;
	[dreg:$0x1] =	wrdreg $0xFFFFFFFF  }
0xa7: {  	s28 =	simm.s32 $_size_execute0_lowered;
	s3 =	sadd.s32 s3, s5;
	[dreg:$0x0] =	wrdreg $0x0  }
0xa8: {  	s5 =	sshll.u32 s28, $0x1;
	[dreg:$0x2] =	wrdreg s3  }
0xa9: {  	[dreg:$0x3] =	wrdreg s5  }
0xaa: {  	[dreg:$0x4] =	wrdreg $0xC0  }
0xab: {  	_ =	task [dreg:s7], $0x5FFFF  }
0xac: {  	[dreg:$0x1] =	wrdreg $0xFFFFFFFF  }
0xad: {  	[dreg:$0x0] =	wrdreg $0x60  }
0xae: {  	[dreg:$0x2] =	wrdreg s24  }
0xaf: {  	[dreg:$0x3] =	wrdreg s2  }
0xb0: {  	[dreg:$0x4] =	wrdreg $0x9  }
0xb1: {  	_ =	task.clear_ibuf [dreg:s7], $0x5FFFF;
	_ =	strace $0x90000046  }
0xb2: {  	s29 =	simm.s32 $0x9;
	_ =	strace $0x80000048  }
0xb3: {  	_ =	swait.ge [sflag:s29], $0x1  }
0xb4: {  	[sflag:s29] =	ssyncadd.s32 $0xFFFFFFFF  }
0xb5: {  	_ =	strace $0x90000048  }
0xb6: {  	_ =	sfence  }
0xb7: {  	s30 =	sld [smem:$0x0];
	_ =	sdelay $0x2  }
0xb8: {  	s31 =	sshll.u32 s1, $0xD;
	s1 =	sshrl.u32 s1, $0x2  }
0xb9: {  	s3 =	sand.u32 $0x4000, s31;
	s1 =	sadd.s32 s1, s30  }
0xba: {  	s0 =	sor.u32 s3, s0;
	s1 =	sshll.u32 s1, $0x11  }
0xbb: {  	s0 =	sor.u32 s1, s0  }
0xbc: {  	s0 =	sadd.s32 $0x8F2B, s0  }
0xbd: {  	[sflag:s0] =	ssyncadd.remote.s32 $0x1  }
0xbe: {  	_ =	sfence.sel $0xFFFF  }
0xbf: {  	[dreg:$0x0] =	wrdreg $0xFFFFFFFF;
	(pc) =	sbr.abs _section_cstart, $3  }
0xc0: {  	[dreg:$0x1] =	wrdreg $0xFFFFFFFF  }
0xc1: {  	_ =	task.clear_ibuf [dreg:s7], $0x2FFFF;
	_ =	strace $0x9FFFFFFF  }
0xc2: {  	(tm) =	ssettm $0x7FFFFFFF  }
0xc3: {  	_ =	shalt  }
tec
execute0_lowered:
.L_overlay_start_1:
0x0: {  	(tag) =	ssettag $0x1  }
0x1: {  	s0 =	rddreg [dreg:$0x0]  }
0x2: {  	s2 =	rddreg [dreg:$0x1];
	v0 =	vlaneseq.u32  }
0x3: {  	s4 =	srdreg.scid;
	s1 =	stileid.u32;
	v1 =	vmul.u32 $0x20, v0  }
0x4: {  	s3 =	simm.s32 $0x0;
	s11 =	simm.s32 $0x200;
	s12 =	simm.s32 $0x4000  }
0x5: {  	s13 =	simm.s32 $0x5;
	s14 =	simm.s32 $0xC800;
	s15 =	simm.s32 $0x10800;
	v2 =	vor.u32 $0x200, v1  }
0x6: {  	s16 =	simm.s32 $0x1;
	s17 =	simm.s32 $0x14800;
	s18 =	simm.s32 $0x15800;
	v3 =	vor.u32 $0x400, v1;
	v4 =	vor.u32 $0x600, v1;
	v5 =	vor.u32 $0x800, v1  }
0x7: {  	s19 =	simm.s32 $0x16800;
	s20 =	simm.s32 $0x17800;
	s21 =	simm.s32 $0x2;
	v6 =	vor.u32 $0xA00, v1;
	v7 =	vor.u32 $0xC00, v1;
	v8 =	vor.u32 $0xE00, v1  }
0x8: {  	s22 =	simm.s32 $0x4;
	s23 =	simm.s32 $0x18800;
	s24 =	simm.s32 $0x19800;
	v9 =	vor.u32 $0x1000, v1;
	v10 =	vor.u32 $0x1200, v1;
	v11 =	vor.u32 $0x1400, v1  }
0x9: {  	s25 =	simm.s32 $0x1A800;
	s28 =	simm.s32 $0x3;
	s29 =	simm.s32 $0x0;
	v12 =	vor.u32 $0x1600, v1;
	v13 =	vor.u32 $0x1800, v1;
	v14 =	vor.u32 $0x1A00, v1  }
0xa: {  	s4 =	sand.u32 $0x1, s4;
	s5 =	sshll.u32 s1, $0x1;
	[smem:$0x7FF] =	sst s3;
	v15 =	vor.u32 $0x1C00, v1;
	v16 =	vor.u32 $0x1E00, v1;
	v17 =	vor.u32 $0x2000, v1  }
0xb: {  	s9 =	sadd.s32 $0xC000, s2;
	s6 =	sor.u32 s4, s5;
	_ =	strace $0x80000047;
	v18 =	vor.u32 $0x2200, v1;
	v19 =	vor.u32 $0x2400, v1;
	v20 =	vor.u32 $0x2600, v1  }
0xc: {  	s26 =	ssub.s32 $0x2, s4;
	s4 =	sadd.s32 $0xF42A00, s0;
	s30 =	sshll.u32 s6, $0x6;
	v21 =	vor.u32 $0x2800, v1;
	v22 =	vor.u32 $0x2A00, v1;
	v23 =	vor.u32 $0x2C00, v1  }
0xd: {  	s7 =	sshrl.u32 s26, $0x1;
	s6 =	sshll.u32 s6, $0xC;
	v24 =	vor.u32 $0x2E00, v1;
	v25 =	vor.u32 $0x3000, v1;
	v26 =	vor.u32 $0x3200, v1;
	s8 =	sadd.s32 s30, s0  }
0xe: {  	v27 =	vor.u32 $0x3400, v1;
	v28 =	vor.u32 $0x3600, v1;
	v29 =	vor.u32 $0x3800, v1;
	s31 =	ssub.s32 s26, s7;
	s7 =	sadd.s32 $0x4000, s2;
	s26 =	simm.s32 $0x1B800  }
0xf: {  	v30 =	vor.u32 $0x3A00, v1;
	v31 =	vor.u32 $0x3C00, v1;
	v32 =	vor.u32 $0x3E00, v1;
	s5 =	sadd.s32 $0x600, s8;
	s8 =	sadd.s32 $0x8000, s2;
	s10 =	smax.u32 s31, $0x1  }
.LBB2_1:
0x10: {  	v33 =	vadd.s32 s3, v0  }
0x11: {  	v34 =	vshll.u32 v33, $0x9;
	v35 =	vshll.u32 v33, $0x7  }
0x12: {  	v34 =	vand.u32 $0x3000, v34;
	v35 =	vand.u32 $0x380, v35  }
0x13: {  	s0 =	simm.s32 $0x1C800;
	v33 =	vand.u32 $0x1F, v33;
	v34 =	vor.u32 v34, v35  }
0x14: {  	s30 =	simm.s32 $0x1CA00;
	[tilespmem:s0+$0x0] =	vst v33;
	v63 =	vor.u32 v0, v34  }
0x15: {  	s31 =	simm.s32 $0x1;
	[tilespmem:s30+$0x0] =	vst v63  }
.LBB2_2:
0x16: {  	v33 =	vadd.s32 s31, v0;
	p0 =	sne.s32 s31, $0x1F;
	s31 =	sadd.s32 $0x1, s31  }
.Ltmp0:
0x17: {  	v34 =	vshll.u32 v33, $0x9;
	v35 =	vshll.u32 v33, $0x7;
	(pc) =	sbr.rel @p0 .LBB2_2-.Ltmp0, $4  }
0x18: {  	v34 =	vand.u32 $0x3000, v34;
	v35 =	vand.u32 $0x380, v35  }
0x19: {  	s0 =	sadd.s32 $0x10, s0;
	v33 =	vand.u32 $0x1F, v33;
	v34 =	vor.u32 v34, v35  }
0x1a: {  	s30 =	sadd.s32 $0x10, s30;
	[tilespmem:s0+$0x0] =	vst v33;
	v33 =	vor.u32 v0, v34  }
0x1b: {  	[tilespmem:s30+$0x0] =	vst v33  }
0x1c: {  	s30 =	simm.s32 $0x0  }
0x1d: {  	[tilespmem:s30], [sflag:$0x5] =	stream.strided.gather [hbm4b:s5+s11], $0xC800, s12, s11, $0x38;
	[tilespmem:$0x1CC00] =	vst v63  }
0x1e: {  	_ =	swait.ge [sflag:s13], $0xC800  }
0x1f: {  	[sflag:s13] =	ssyncset.done $0x0  }
0x20: {  	[sflag:s13] =	ssyncadd.s32 $0xFFFF3800  }
0x21: {  	[tilespmem:s14], [sflag:$0x1] =	stream.indirect.gather [hbm4b:s4+s11], $0x20, s30, s11, $0xb8;
	[tilespmem:$0x1CC00] =	vst v63  }
.LBB2_4:
0x22: {  	s31 =	sshllo.u32 s30, $0x1  }
0x23: {  	s0 =	sshll.u32 s31, $0x9  }
0x24: {  	s0 =	sand.u32 $0x3FFFFE00, s0  }
0x25: {  	[tilespmem:s15], [sflag:$0x2] =	stream.indirect.gather [hbm4b:s4+s11], $0x20, s0, s11, $0xb8;
	[tilespmem:$0x1CC00] =	vst v63  }
0x26: {  	_ =	swait.ge [sflag:s16], $0x4000  }
0x27: {  	p0 =	seq.s32 s30, $0x0;
	[sflag:s16] =	ssyncset.done $0x0  }
0x28: {  	s0 =	simm.s32 @!p0 $0x3;
	[sflag:s16] =	ssyncadd.s32 $0xFFFFC000  }
0x29: {  	_ =	swait.ge @!p0 [sflag:s0], $0x1000  }
0x2a: {  	[sflag:s0] =	ssyncset.done @!p0 $0x0  }
0x2b: {  	[sflag:s0] =	ssyncadd.s32 @!p0 $0xFFFFF000  }
0x2c: {  	_ =	swait.ge @!p0 [sflag:s0], $0x1000  }
0x2d: {  	[sflag:s0] =	ssyncset.done @!p0 $0x0  }
0x2e: {  	[sflag:s0] =	ssyncadd.s32 @!p0 $0xFFFFF000  }
0x2f: {  	_ =	swait.ge @!p0 [sflag:s0], $0x1000  }
0x30: {  	[sflag:s0] =	ssyncset.done @!p0 $0x0  }
0x31: {  	[sflag:s0] =	ssyncadd.s32 @!p0 $0xFFFFF000  }
0x32: {  	_ =	swait.ge @!p0 [sflag:s0], $0x1000  }
0x33: {  	[sflag:s0] =	ssyncset.done @!p0 $0x0  }
0x34: {  	[sflag:s0] =	ssyncadd.s32 @!p0 $0xFFFFF000;
	s0 =	simm.s32 $0xFFFFFF00  }
.LBB2_5:
0x35: {  	s1 =	sshra.s32 s0, $0x2  }
0x36: {  	v48 =	vld [tilespmem:s1+$0x1C840]  }
0x37: {  	v47 =	vld [tilespmem:s1+$0x1C880]  }
0x38: {  	v46 =	vld [tilespmem:s1+$0x1C8C0]  }
0x39: {  	v45 =	vld [tilespmem:s1+$0x1C900]  }
0x3a: {  	v44 =	vld [tilespmem:s1+$0x1C940]  }
0x3b: {  	v43 =	vld [tilespmem:s1+$0x1C980]  }
0x3c: {  	v42 =	vld [tilespmem:s1+$0x1C9C0]  }
0x3d: {  	v41 =	vld [tilespmem:s1+$0x1CA00]  }
0x3e: {  	v40 =	vld [tilespmem:s1+$0x1CA40]  }
0x3f: {  	v39 =	vld [tilespmem:s1+$0x1CA80]  }
0x40: {  	v38 =	vld [tilespmem:s1+$0x1CAC0]  }
0x41: {  	v33 =	vld [tilespmem:s1+$0x1CB00];
	v49 =	vadd.s32 v1, v48  }
0x42: {  	v34 =	vld [tilespmem:s1+$0x1CB40];
	v50 =	vadd.s32 v1, v47  }
0x43: {  	v35 =	vld [tilespmem:s1+$0x1CB80];
	v51 =	vadd.s32 v1, v46  }
0x44: {  	v36 =	vld [tilespmem:s1+$0x1CBC0];
	v52 =	vadd.s32 v1, v45  }
0x45: {  	v37 =	vld [tilespmem:s1+$0x1CC00];
	v53 =	vadd.s32 v1, v44  }
0x46: {  	v54 =	vadd.s32 v1, v43;
	v49 =	vld.idx.msk [tilespmem:v49+s14+$0x0], $0xffff  }
0x47: {  	v55 =	vadd.s32 v1, v42;
	v50 =	vld.idx.msk [tilespmem:v50+s14+$0x0], $0xffff  }
0x48: {  	v56 =	vadd.s32 v1, v41;
	v51 =	vld.idx.msk [tilespmem:v51+s14+$0x0], $0xffff  }
0x49: {  	v52 =	vld.idx.msk [tilespmem:v52+s14+$0x0], $0xffff  }
0x4a: {  	v53 =	vld.idx.msk [tilespmem:v53+s14+$0x0], $0xffff  }
0x4b: {  	v54 =	vld.idx.msk [tilespmem:v54+s14+$0x0], $0xffff  }
0x4c: {  	v55 =	vld.idx.msk [tilespmem:v55+s14+$0x0], $0xffff  }
0x4d: {  	v56 =	vld.idx.msk [tilespmem:v56+s14+$0x0], $0xffff;
	[tilespmem:v40+s17+$0x0] =	vst.idx.msk $0xffff, v49  }
0x4e: {  	[tilespmem:v39+s17+$0x0] =	vst.idx.msk $0xffff, v50  }
0x4f: {  	[tilespmem:v38+s17+$0x0] =	vst.idx.msk $0xffff, v51  }
0x50: {  	v57 =	vadd.s32 v2, v48;
	[tilespmem:v33+s17+$0x0] =	vst.idx.msk $0xffff, v52  }
0x51: {  	v58 =	vadd.s32 v2, v47;
	[tilespmem:v34+s17+$0x0] =	vst.idx.msk $0xffff, v53  }
0x52: {  	v59 =	vadd.s32 v2, v46;
	[tilespmem:v35+s17+$0x0] =	vst.idx.msk $0xffff, v54  }
0x53: {  	v62 =	vadd.s32 v2, v45;
	[tilespmem:v36+s17+$0x0] =	vst.idx.msk $0xffff, v55  }
0x54: {  	v63 =	vadd.s32 v2, v44;
	[tilespmem:v37+s17+$0x0] =	vst.idx.msk $0xffff, v56  }
0x55: {  	v60 =	vadd.s32 v2, v43;
	v49 =	vld.idx.msk [tilespmem:v57+s14+$0x0], $0xffff  }
0x56: {  	v61 =	vadd.s32 v2, v42;
	v50 =	vld.idx.msk [tilespmem:v58+s14+$0x0], $0xffff  }
0x57: {  	v56 =	vadd.s32 v2, v41;
	v51 =	vld.idx.msk [tilespmem:v59+s14+$0x0], $0xffff;
	v57 =	vadd.s32 $0x10, v40  }
0x58: {  	v52 =	vld.idx.msk [tilespmem:v62+s14+$0x0], $0xffff;
	v58 =	vadd.s32 $0x10, v39  }
0x59: {  	v53 =	vld.idx.msk [tilespmem:v63+s14+$0x0], $0xffff;
	v59 =	vadd.s32 $0x10, v38  }
0x5a: {  	v54 =	vld.idx.msk [tilespmem:v60+s14+$0x0], $0xffff;
	v60 =	vadd.s32 $0x10, v33  }
0x5b: {  	v55 =	vld.idx.msk [tilespmem:v61+s14+$0x0], $0xffff;
	v61 =	vadd.s32 $0x10, v34  }
0x5c: {  	v56 =	vld.idx.msk [tilespmem:v56+s14+$0x0], $0xffff;
	[tilespmem:v57+s17+$0x0] =	vst.idx.msk $0xffff, v49;
	v49 =	vadd.s32 $0x10, v35  }
0x5d: {  	v62 =	vadd.s32 $0x10, v36;
	[tilespmem:v58+s17+$0x0] =	vst.idx.msk $0xffff, v50  }
0x5e: {  	v63 =	vadd.s32 $0x10, v37;
	[tilespmem:v59+s17+$0x0] =	vst.idx.msk $0xffff, v51  }
0x5f: {  	v57 =	vadd.s32 v3, v48;
	[tilespmem:v60+s17+$0x0] =	vst.idx.msk $0xffff, v52  }
0x60: {  	v58 =	vadd.s32 v3, v47;
	[tilespmem:v61+s17+$0x0] =	vst.idx.msk $0xffff, v53  }
0x61: {  	v59 =	vadd.s32 v3, v46;
	[tilespmem:v49+s17+$0x0] =	vst.idx.msk $0xffff, v54  }
0x62: {  	v60 =	vadd.s32 v3, v43;
	[tilespmem:v62+s17+$0x0] =	vst.idx.msk $0xffff, v55  }
0x63: {  	v61 =	vadd.s32 v3, v42;
	[tilespmem:v63+s17+$0x0] =	vst.idx.msk $0xffff, v56  }
0x64: {  	v62 =	vadd.s32 v3, v45;
	v52 =	vld.idx.msk [tilespmem:v57+s14+$0x0], $0xffff  }
0x65: {  	v63 =	vadd.s32 v3, v44;
	v53 =	vld.idx.msk [tilespmem:v58+s14+$0x0], $0xffff  }
0x66: {  	v56 =	vadd.s32 v3, v41;
	v49 =	vld.idx.msk [tilespmem:v59+s14+$0x0], $0xffff;
	v57 =	vadd.s32 $0x20, v40  }
0x67: {  	v58 =	vadd.s32 $0x20, v39;
	v54 =	vld.idx.msk [tilespmem:v60+s14+$0x0], $0xffff  }
0x68: {  	v59 =	vadd.s32 $0x20, v38;
	v55 =	vld.idx.msk [tilespmem:v61+s14+$0x0], $0xffff  }
0x69: {  	v60 =	vadd.s32 $0x20, v33;
	v50 =	vld.idx.msk [tilespmem:v62+s14+$0x0], $0xffff  }
0x6a: {  	v61 =	vadd.s32 $0x20, v34;
	v51 =	vld.idx.msk [tilespmem:v63+s14+$0x0], $0xffff  }
0x6b: {  	v56 =	vld.idx.msk [tilespmem:v56+s14+$0x0], $0xffff;
	[tilespmem:v57+s17+$0x0] =	vst.idx.msk $0xffff, v52;
	v52 =	vadd.s32 $0x20, v35  }
0x6c: {  	v62 =	vadd.s32 $0x20, v36;
	[tilespmem:v58+s17+$0x0] =	vst.idx.msk $0xffff, v53  }
0x6d: {  	v63 =	vadd.s32 $0x20, v37;
	[tilespmem:v59+s17+$0x0] =	vst.idx.msk $0xffff, v49  }
0x6e: {  	v57 =	vadd.s32 v4, v48;
	[tilespmem:v60+s17+$0x0] =	vst.idx.msk $0xffff, v50  }
0x6f: {  	v58 =	vadd.s32 v4, v47;
	[tilespmem:v61+s17+$0x0] =	vst.idx.msk $0xffff, v51  }
0x70: {  	v59 =	vadd.s32 v4, v46;
	[tilespmem:v52+s17+$0x0] =	vst.idx.msk $0xffff, v54  }
0x71: {  	v60 =	vadd.s32 v4, v43;
	[tilespmem:v62+s17+$0x0] =	vst.idx.msk $0xffff, v55  }
0x72: {  	v61 =	vadd.s32 v4, v42;
	[tilespmem:v63+s17+$0x0] =	vst.idx.msk $0xffff, v56  }
0x73: {  	v62 =	vadd.s32 v4, v45;
	v50 =	vld.idx.msk [tilespmem:v57+s14+$0x0], $0xffff  }
0x74: {  	v63 =	vadd.s32 v4, v44;
	v51 =	vld.idx.msk [tilespmem:v58+s14+$0x0], $0xffff  }
0x75: {  	v56 =	vadd.s32 v4, v41;
	v52 =	vld.idx.msk [tilespmem:v59+s14+$0x0], $0xffff;
	v57 =	vadd.s32 $0x30, v40  }
0x76: {  	v58 =	vadd.s32 $0x30, v39;
	v54 =	vld.idx.msk [tilespmem:v60+s14+$0x0], $0xffff  }
0x77: {  	v59 =	vadd.s32 $0x30, v38;
	v55 =	vld.idx.msk [tilespmem:v61+s14+$0x0], $0xffff  }
0x78: {  	v60 =	vadd.s32 $0x30, v33;
	v53 =	vld.idx.msk [tilespmem:v62+s14+$0x0], $0xffff  }
0x79: {  	v61 =	vadd.s32 $0x30, v34;
	v49 =	vld.idx.msk [tilespmem:v63+s14+$0x0], $0xffff  }
0x7a: {  	v56 =	vld.idx.msk [tilespmem:v56+s14+$0x0], $0xffff;
	[tilespmem:v57+s17+$0x0] =	vst.idx.msk $0xffff, v50;
	v50 =	vadd.s32 $0x30, v35  }
0x7b: {  	v62 =	vadd.s32 $0x30, v36;
	[tilespmem:v58+s17+$0x0] =	vst.idx.msk $0xffff, v51  }
0x7c: {  	v63 =	vadd.s32 $0x30, v37;
	[tilespmem:v59+s17+$0x0] =	vst.idx.msk $0xffff, v52  }
0x7d: {  	v57 =	vadd.s32 v5, v48;
	[tilespmem:v60+s17+$0x0] =	vst.idx.msk $0xffff, v53  }
0x7e: {  	v58 =	vadd.s32 v5, v47;
	[tilespmem:v61+s17+$0x0] =	vst.idx.msk $0xffff, v49  }
0x7f: {  	v59 =	vadd.s32 v5, v46;
	[tilespmem:v50+s17+$0x0] =	vst.idx.msk $0xffff, v54  }
0x80: {  	v60 =	vadd.s32 v5, v43;
	[tilespmem:v62+s17+$0x0] =	vst.idx.msk $0xffff, v55  }
0x81: {  	v61 =	vadd.s32 v5, v42;
	[tilespmem:v63+s17+$0x0] =	vst.idx.msk $0xffff, v56  }
0x82: {  	v62 =	vadd.s32 v5, v45;
	v53 =	vld.idx.msk [tilespmem:v57+s14+$0x0], $0xffff  }
0x83: {  	v63 =	vadd.s32 v5, v44;
	v49 =	vld.idx.msk [tilespmem:v58+s14+$0x0], $0xffff  }
0x84: {  	v56 =	vadd.s32 v5, v41;
	v50 =	vld.idx.msk [tilespmem:v59+s14+$0x0], $0xffff;
	v57 =	vadd.s32 $0x40, v40  }
0x85: {  	v58 =	vadd.s32 $0x40, v39;
	v54 =	vld.idx.msk [tilespmem:v60+s14+$0x0], $0xffff  }
0x86: {  	v59 =	vadd.s32 $0x40, v38;
	v55 =	vld.idx.msk [tilespmem:v61+s14+$0x0], $0xffff  }
0x87: {  	v60 =	vadd.s32 $0x40, v33;
	v51 =	vld.idx.msk [tilespmem:v62+s14+$0x0], $0xffff  }
0x88: {  	v61 =	vadd.s32 $0x40, v34;
	v52 =	vld.idx.msk [tilespmem:v63+s14+$0x0], $0xffff  }
0x89: {  	v56 =	vld.idx.msk [tilespmem:v56+s14+$0x0], $0xffff;
	[tilespmem:v57+s17+$0x0] =	vst.idx.msk $0xffff, v53;
	v53 =	vadd.s32 $0x40, v35  }
0x8a: {  	v62 =	vadd.s32 $0x40, v36;
	[tilespmem:v58+s17+$0x0] =	vst.idx.msk $0xffff, v49  }
0x8b: {  	v63 =	vadd.s32 $0x40, v37;
	[tilespmem:v59+s17+$0x0] =	vst.idx.msk $0xffff, v50  }
0x8c: {  	v57 =	vadd.s32 v6, v48;
	[tilespmem:v60+s17+$0x0] =	vst.idx.msk $0xffff, v51  }
0x8d: {  	v58 =	vadd.s32 v6, v47;
	[tilespmem:v61+s17+$0x0] =	vst.idx.msk $0xffff, v52  }
0x8e: {  	v59 =	vadd.s32 v6, v46;
	[tilespmem:v53+s17+$0x0] =	vst.idx.msk $0xffff, v54  }
0x8f: {  	v60 =	vadd.s32 v6, v43;
	[tilespmem:v62+s17+$0x0] =	vst.idx.msk $0xffff, v55  }
0x90: {  	v61 =	vadd.s32 v6, v42;
	[tilespmem:v63+s17+$0x0] =	vst.idx.msk $0xffff, v56  }
0x91: {  	v62 =	vadd.s32 v6, v45;
	v51 =	vld.idx.msk [tilespmem:v57+s14+$0x0], $0xffff  }
0x92: {  	v63 =	vadd.s32 v6, v44;
	v52 =	vld.idx.msk [tilespmem:v58+s14+$0x0], $0xffff  }
0x93: {  	v56 =	vadd.s32 v6, v41;
	v53 =	vld.idx.msk [tilespmem:v59+s14+$0x0], $0xffff;
	v57 =	vadd.s32 $0x50, v40  }
0x94: {  	v58 =	vadd.s32 $0x50, v39;
	v54 =	vld.idx.msk [tilespmem:v60+s14+$0x0], $0xffff  }
0x95: {  	v59 =	vadd.s32 $0x50, v38;
	v55 =	vld.idx.msk [tilespmem:v61+s14+$0x0], $0xffff  }
0x96: {  	v60 =	vadd.s32 $0x50, v33;
	v49 =	vld.idx.msk [tilespmem:v62+s14+$0x0], $0xffff  }
0x97: {  	v61 =	vadd.s32 $0x50, v34;
	v50 =	vld.idx.msk [tilespmem:v63+s14+$0x0], $0xffff  }
0x98: {  	v56 =	vld.idx.msk [tilespmem:v56+s14+$0x0], $0xffff;
	[tilespmem:v57+s17+$0x0] =	vst.idx.msk $0xffff, v51;
	v51 =	vadd.s32 $0x50, v35  }
0x99: {  	v62 =	vadd.s32 $0x50, v36;
	[tilespmem:v58+s17+$0x0] =	vst.idx.msk $0xffff, v52  }
0x9a: {  	v63 =	vadd.s32 $0x50, v37;
	[tilespmem:v59+s17+$0x0] =	vst.idx.msk $0xffff, v53  }
0x9b: {  	v57 =	vadd.s32 v7, v48;
	[tilespmem:v60+s17+$0x0] =	vst.idx.msk $0xffff, v49  }
0x9c: {  	v58 =	vadd.s32 v7, v47;
	[tilespmem:v61+s17+$0x0] =	vst.idx.msk $0xffff, v50  }
0x9d: {  	v59 =	vadd.s32 v7, v46;
	[tilespmem:v51+s17+$0x0] =	vst.idx.msk $0xffff, v54  }
0x9e: {  	v60 =	vadd.s32 v7, v43;
	[tilespmem:v62+s17+$0x0] =	vst.idx.msk $0xffff, v55  }
0x9f: {  	v61 =	vadd.s32 v7, v42;
	[tilespmem:v63+s17+$0x0] =	vst.idx.msk $0xffff, v56  }
0xa0: {  	v62 =	vadd.s32 v7, v45;
	v49 =	vld.idx.msk [tilespmem:v57+s14+$0x0], $0xffff  }
0xa1: {  	v63 =	vadd.s32 v7, v44;
	v50 =	vld.idx.msk [tilespmem:v58+s14+$0x0], $0xffff  }
0xa2: {  	v56 =	vadd.s32 v7, v41;
	v51 =	vld.idx.msk [tilespmem:v59+s14+$0x0], $0xffff;
	v57 =	vadd.s32 $0x60, v40  }
0xa3: {  	v58 =	vadd.s32 $0x60, v39;
	v54 =	vld.idx.msk [tilespmem:v60+s14+$0x0], $0xffff  }
0xa4: {  	v59 =	vadd.s32 $0x60, v38;
	v55 =	vld.idx.msk [tilespmem:v61+s14+$0x0], $0xffff  }
0xa5: {  	v60 =	vadd.s32 $0x60, v33;
	v52 =	vld.idx.msk [tilespmem:v62+s14+$0x0], $0xffff  }
0xa6: {  	v61 =	vadd.s32 $0x60, v34;
	v53 =	vld.idx.msk [tilespmem:v63+s14+$0x0], $0xffff  }
0xa7: {  	v56 =	vld.idx.msk [tilespmem:v56+s14+$0x0], $0xffff;
	[tilespmem:v57+s17+$0x0] =	vst.idx.msk $0xffff, v49;
	v49 =	vadd.s32 $0x60, v35  }
0xa8: {  	v62 =	vadd.s32 $0x60, v36;
	[tilespmem:v58+s17+$0x0] =	vst.idx.msk $0xffff, v50  }
0xa9: {  	v63 =	vadd.s32 $0x60, v37;
	[tilespmem:v59+s17+$0x0] =	vst.idx.msk $0xffff, v51  }
0xaa: {  	v57 =	vadd.s32 v8, v48;
	[tilespmem:v60+s17+$0x0] =	vst.idx.msk $0xffff, v52  }
0xab: {  	v58 =	vadd.s32 v8, v47;
	[tilespmem:v61+s17+$0x0] =	vst.idx.msk $0xffff, v53  }
0xac: {  	v59 =	vadd.s32 v8, v46;
	[tilespmem:v49+s17+$0x0] =	vst.idx.msk $0xffff, v54  }
0xad: {  	v60 =	vadd.s32 v8, v43;
	[tilespmem:v62+s17+$0x0] =	vst.idx.msk $0xffff, v55  }
0xae: {  	v61 =	vadd.s32 v8, v42;
	[tilespmem:v63+s17+$0x0] =	vst.idx.msk $0xffff, v56  }
0xaf: {  	v62 =	vadd.s32 v8, v45;
	v52 =	vld.idx.msk [tilespmem:v57+s14+$0x0], $0xffff  }
0xb0: {  	v63 =	vadd.s32 v8, v44;
	v53 =	vld.idx.msk [tilespmem:v58+s14+$0x0], $0xffff  }
0xb1: {  	v56 =	vadd.s32 v8, v41;
	v49 =	vld.idx.msk [tilespmem:v59+s14+$0x0], $0xffff;
	v57 =	vadd.s32 $0x70, v40  }
0xb2: {  	v58 =	vadd.s32 $0x70, v39;
	v54 =	vld.idx.msk [tilespmem:v60+s14+$0x0], $0xffff  }
0xb3: {  	v59 =	vadd.s32 $0x70, v38;
	v55 =	vld.idx.msk [tilespmem:v61+s14+$0x0], $0xffff  }
0xb4: {  	v60 =	vadd.s32 $0x70, v33;
	v50 =	vld.idx.msk [tilespmem:v62+s14+$0x0], $0xffff  }
0xb5: {  	v61 =	vadd.s32 $0x70, v34;
	v51 =	vld.idx.msk [tilespmem:v63+s14+$0x0], $0xffff  }
0xb6: {  	v56 =	vld.idx.msk [tilespmem:v56+s14+$0x0], $0xffff;
	[tilespmem:v57+s17+$0x0] =	vst.idx.msk $0xffff, v52;
	v52 =	vadd.s32 $0x70, v35  }
0xb7: {  	v62 =	vadd.s32 $0x70, v36;
	[tilespmem:v58+s17+$0x0] =	vst.idx.msk $0xffff, v53  }
0xb8: {  	v63 =	vadd.s32 $0x70, v37;
	[tilespmem:v59+s17+$0x0] =	vst.idx.msk $0xffff, v49  }
0xb9: {  	v57 =	vadd.s32 v9, v48;
	[tilespmem:v60+s17+$0x0] =	vst.idx.msk $0xffff, v50  }
0xba: {  	v58 =	vadd.s32 v9, v47;
	[tilespmem:v61+s17+$0x0] =	vst.idx.msk $0xffff, v51  }
0xbb: {  	v59 =	vadd.s32 v9, v46;
	[tilespmem:v52+s17+$0x0] =	vst.idx.msk $0xffff, v54  }
0xbc: {  	v60 =	vadd.s32 v9, v43;
	[tilespmem:v62+s17+$0x0] =	vst.idx.msk $0xffff, v55  }
0xbd: {  	v61 =	vadd.s32 v9, v42;
	[tilespmem:v63+s17+$0x0] =	vst.idx.msk $0xffff, v56  }
0xbe: {  	v62 =	vadd.s32 v9, v45;
	v50 =	vld.idx.msk [tilespmem:v57+s14+$0x0], $0xffff  }
0xbf: {  	v63 =	vadd.s32 v9, v44;
	v51 =	vld.idx.msk [tilespmem:v58+s14+$0x0], $0xffff  }
0xc0: {  	v56 =	vadd.s32 v9, v41;
	v52 =	vld.idx.msk [tilespmem:v59+s14+$0x0], $0xffff;
	v57 =	vadd.s32 $0x400, v40  }
0xc1: {  	v58 =	vadd.s32 $0x400, v39;
	v54 =	vld.idx.msk [tilespmem:v60+s14+$0x0], $0xffff  }
0xc2: {  	v59 =	vadd.s32 $0x400, v38;
	v55 =	vld.idx.msk [tilespmem:v61+s14+$0x0], $0xffff  }
0xc3: {  	v60 =	vadd.s32 $0x400, v33;
	v53 =	vld.idx.msk [tilespmem:v62+s14+$0x0], $0xffff  }
0xc4: {  	v61 =	vadd.s32 $0x400, v34;
	v49 =	vld.idx.msk [tilespmem:v63+s14+$0x0], $0xffff  }
0xc5: {  	v56 =	vld.idx.msk [tilespmem:v56+s14+$0x0], $0xffff;
	[tilespmem:v57+s17+$0x0] =	vst.idx.msk $0xffff, v50;
	v50 =	vadd.s32 $0x400, v35  }
0xc6: {  	v62 =	vadd.s32 $0x400, v36;
	[tilespmem:v58+s17+$0x0] =	vst.idx.msk $0xffff, v51  }
0xc7: {  	v63 =	vadd.s32 $0x400, v37;
	[tilespmem:v59+s17+$0x0] =	vst.idx.msk $0xffff, v52  }
0xc8: {  	v57 =	vadd.s32 v10, v48;
	[tilespmem:v60+s17+$0x0] =	vst.idx.msk $0xffff, v53  }
0xc9: {  	v58 =	vadd.s32 v10, v47;
	[tilespmem:v61+s17+$0x0] =	vst.idx.msk $0xffff, v49  }
0xca: {  	v59 =	vadd.s32 v10, v46;
	[tilespmem:v50+s17+$0x0] =	vst.idx.msk $0xffff, v54  }
0xcb: {  	v60 =	vadd.s32 v10, v43;
	[tilespmem:v62+s17+$0x0] =	vst.idx.msk $0xffff, v55  }
0xcc: {  	v61 =	vadd.s32 v10, v42;
	[tilespmem:v63+s17+$0x0] =	vst.idx.msk $0xffff, v56  }
0xcd: {  	v62 =	vadd.s32 v10, v45;
	v53 =	vld.idx.msk [tilespmem:v57+s14+$0x0], $0xffff  }
0xce: {  	v63 =	vadd.s32 v10, v44;
	v49 =	vld.idx.msk [tilespmem:v58+s14+$0x0], $0xffff  }
0xcf: {  	v56 =	vadd.s32 v10, v41;
	v50 =	vld.idx.msk [tilespmem:v59+s14+$0x0], $0xffff;
	v57 =	vadd.s32 $0x410, v40  }
0xd0: {  	v58 =	vadd.s32 $0x410, v39;
	v54 =	vld.idx.msk [tilespmem:v60+s14+$0x0], $0xffff  }
0xd1: {  	v59 =	vadd.s32 $0x410, v38;
	v55 =	vld.idx.msk [tilespmem:v61+s14+$0x0], $0xffff  }
0xd2: {  	v60 =	vadd.s32 $0x410, v33;
	v51 =	vld.idx.msk [tilespmem:v62+s14+$0x0], $0xffff  }
0xd3: {  	v61 =	vadd.s32 $0x410, v34;
	v52 =	vld.idx.msk [tilespmem:v63+s14+$0x0], $0xffff  }
0xd4: {  	v56 =	vld.idx.msk [tilespmem:v56+s14+$0x0], $0xffff;
	[tilespmem:v57+s17+$0x0] =	vst.idx.msk $0xffff, v53;
	v53 =	vadd.s32 $0x410, v35  }
0xd5: {  	v62 =	vadd.s32 $0x410, v36;
	[tilespmem:v58+s17+$0x0] =	vst.idx.msk $0xffff, v49  }
0xd6: {  	v63 =	vadd.s32 $0x410, v37;
	[tilespmem:v59+s17+$0x0] =	vst.idx.msk $0xffff, v50  }
0xd7: {  	v57 =	vadd.s32 v11, v48;
	[tilespmem:v60+s17+$0x0] =	vst.idx.msk $0xffff, v51  }
0xd8: {  	v58 =	vadd.s32 v11, v47;
	[tilespmem:v61+s17+$0x0] =	vst.idx.msk $0xffff, v52  }
0xd9: {  	v59 =	vadd.s32 v11, v46;
	[tilespmem:v53+s17+$0x0] =	vst.idx.msk $0xffff, v54  }
0xda: {  	v60 =	vadd.s32 v11, v43;
	[tilespmem:v62+s17+$0x0] =	vst.idx.msk $0xffff, v55  }
0xdb: {  	v61 =	vadd.s32 v11, v42;
	[tilespmem:v63+s17+$0x0] =	vst.idx.msk $0xffff, v56  }
0xdc: {  	v62 =	vadd.s32 v11, v45;
	v51 =	vld.idx.msk [tilespmem:v57+s14+$0x0], $0xffff  }
0xdd: {  	v63 =	vadd.s32 v11, v44;
	v52 =	vld.idx.msk [tilespmem:v58+s14+$0x0], $0xffff  }
0xde: {  	v56 =	vadd.s32 v11, v41;
	v53 =	vld.idx.msk [tilespmem:v59+s14+$0x0], $0xffff;
	v57 =	vadd.s32 $0x420, v40  }
0xdf: {  	v58 =	vadd.s32 $0x420, v39;
	v54 =	vld.idx.msk [tilespmem:v60+s14+$0x0], $0xffff  }
0xe0: {  	v59 =	vadd.s32 $0x420, v38;
	v55 =	vld.idx.msk [tilespmem:v61+s14+$0x0], $0xffff  }
0xe1: {  	v60 =	vadd.s32 $0x420, v33;
	v49 =	vld.idx.msk [tilespmem:v62+s14+$0x0], $0xffff  }
0xe2: {  	v61 =	vadd.s32 $0x420, v34;
	v50 =	vld.idx.msk [tilespmem:v63+s14+$0x0], $0xffff  }
0xe3: {  	v56 =	vld.idx.msk [tilespmem:v56+s14+$0x0], $0xffff;
	[tilespmem:v57+s17+$0x0] =	vst.idx.msk $0xffff, v51;
	v51 =	vadd.s32 $0x420, v35  }
0xe4: {  	v62 =	vadd.s32 $0x420, v36;
	[tilespmem:v58+s17+$0x0] =	vst.idx.msk $0xffff, v52  }
0xe5: {  	v63 =	vadd.s32 $0x420, v37;
	[tilespmem:v59+s17+$0x0] =	vst.idx.msk $0xffff, v53  }
0xe6: {  	v57 =	vadd.s32 v12, v48;
	[tilespmem:v60+s17+$0x0] =	vst.idx.msk $0xffff, v49  }
0xe7: {  	v58 =	vadd.s32 v12, v47;
	[tilespmem:v61+s17+$0x0] =	vst.idx.msk $0xffff, v50  }
0xe8: {  	v59 =	vadd.s32 v12, v46;
	[tilespmem:v51+s17+$0x0] =	vst.idx.msk $0xffff, v54  }
0xe9: {  	v60 =	vadd.s32 v12, v43;
	[tilespmem:v62+s17+$0x0] =	vst.idx.msk $0xffff, v55  }
0xea: {  	v61 =	vadd.s32 v12, v42;
	[tilespmem:v63+s17+$0x0] =	vst.idx.msk $0xffff, v56  }
0xeb: {  	v62 =	vadd.s32 v12, v45;
	v49 =	vld.idx.msk [tilespmem:v57+s14+$0x0], $0xffff  }
0xec: {  	v63 =	vadd.s32 v12, v44;
	v50 =	vld.idx.msk [tilespmem:v58+s14+$0x0], $0xffff  }
0xed: {  	v56 =	vadd.s32 v12, v41;
	v51 =	vld.idx.msk [tilespmem:v59+s14+$0x0], $0xffff;
	v57 =	vadd.s32 $0x430, v40  }
0xee: {  	v58 =	vadd.s32 $0x430, v39;
	v54 =	vld.idx.msk [tilespmem:v60+s14+$0x0], $0xffff  }
0xef: {  	v59 =	vadd.s32 $0x430, v38;
	v55 =	vld.idx.msk [tilespmem:v61+s14+$0x0], $0xffff  }
0xf0: {  	v60 =	vadd.s32 $0x430, v33;
	v52 =	vld.idx.msk [tilespmem:v62+s14+$0x0], $0xffff  }
0xf1: {  	v61 =	vadd.s32 $0x430, v34;
	v53 =	vld.idx.msk [tilespmem:v63+s14+$0x0], $0xffff  }
0xf2: {  	v56 =	vld.idx.msk [tilespmem:v56+s14+$0x0], $0xffff;
	[tilespmem:v57+s17+$0x0] =	vst.idx.msk $0xffff, v49;
	v49 =	vadd.s32 $0x430, v35  }
0xf3: {  	v62 =	vadd.s32 $0x430, v36;
	[tilespmem:v58+s17+$0x0] =	vst.idx.msk $0xffff, v50  }
0xf4: {  	v63 =	vadd.s32 $0x430, v37;
	[tilespmem:v59+s17+$0x0] =	vst.idx.msk $0xffff, v51  }
0xf5: {  	v57 =	vadd.s32 v13, v48;
	[tilespmem:v60+s17+$0x0] =	vst.idx.msk $0xffff, v52  }
0xf6: {  	v58 =	vadd.s32 v13, v47;
	[tilespmem:v61+s17+$0x0] =	vst.idx.msk $0xffff, v53  }
0xf7: {  	v59 =	vadd.s32 v13, v46;
	[tilespmem:v49+s17+$0x0] =	vst.idx.msk $0xffff, v54  }
0xf8: {  	v60 =	vadd.s32 v13, v43;
	[tilespmem:v62+s17+$0x0] =	vst.idx.msk $0xffff, v55  }
0xf9: {  	v61 =	vadd.s32 v13, v42;
	[tilespmem:v63+s17+$0x0] =	vst.idx.msk $0xffff, v56  }
0xfa: {  	v62 =	vadd.s32 v13, v45;
	v52 =	vld.idx.msk [tilespmem:v57+s14+$0x0], $0xffff  }
0xfb: {  	v63 =	vadd.s32 v13, v44;
	v53 =	vld.idx.msk [tilespmem:v58+s14+$0x0], $0xffff  }
0xfc: {  	v56 =	vadd.s32 v13, v41;
	v49 =	vld.idx.msk [tilespmem:v59+s14+$0x0], $0xffff;
	v57 =	vadd.s32 $0x440, v40  }
0xfd: {  	v58 =	vadd.s32 $0x440, v39;
	v54 =	vld.idx.msk [tilespmem:v60+s14+$0x0], $0xffff  }
0xfe: {  	v59 =	vadd.s32 $0x440, v38;
	v55 =	vld.idx.msk [tilespmem:v61+s14+$0x0], $0xffff  }
0xff: {  	v60 =	vadd.s32 $0x440, v33;
	v50 =	vld.idx.msk [tilespmem:v62+s14+$0x0], $0xffff  }
0x100: {  	v61 =	vadd.s32 $0x440, v34;
	v51 =	vld.idx.msk [tilespmem:v63+s14+$0x0], $0xffff  }
0x101: {  	v56 =	vld.idx.msk [tilespmem:v56+s14+$0x0], $0xffff;
	[tilespmem:v57+s17+$0x0] =	vst.idx.msk $0xffff, v52;
	v52 =	vadd.s32 $0x440, v35  }
0x102: {  	v62 =	vadd.s32 $0x440, v36;
	[tilespmem:v58+s17+$0x0] =	vst.idx.msk $0xffff, v53  }
0x103: {  	v63 =	vadd.s32 $0x440, v37;
	[tilespmem:v59+s17+$0x0] =	vst.idx.msk $0xffff, v49  }
0x104: {  	v57 =	vadd.s32 v14, v48;
	[tilespmem:v60+s17+$0x0] =	vst.idx.msk $0xffff, v50  }
0x105: {  	v58 =	vadd.s32 v14, v47;
	[tilespmem:v61+s17+$0x0] =	vst.idx.msk $0xffff, v51  }
0x106: {  	v59 =	vadd.s32 v14, v46;
	[tilespmem:v52+s17+$0x0] =	vst.idx.msk $0xffff, v54  }
0x107: {  	v60 =	vadd.s32 v14, v43;
	[tilespmem:v62+s17+$0x0] =	vst.idx.msk $0xffff, v55  }
0x108: {  	v61 =	vadd.s32 v14, v42;
	[tilespmem:v63+s17+$0x0] =	vst.idx.msk $0xffff, v56  }
0x109: {  	v62 =	vadd.s32 v14, v45;
	v50 =	vld.idx.msk [tilespmem:v57+s14+$0x0], $0xffff  }
0x10a: {  	v63 =	vadd.s32 v14, v44;
	v51 =	vld.idx.msk [tilespmem:v58+s14+$0x0], $0xffff  }
0x10b: {  	v56 =	vadd.s32 v14, v41;
	v52 =	vld.idx.msk [tilespmem:v59+s14+$0x0], $0xffff;
	v57 =	vadd.s32 $0x450, v40  }
0x10c: {  	v58 =	vadd.s32 $0x450, v39;
	v54 =	vld.idx.msk [tilespmem:v60+s14+$0x0], $0xffff  }
0x10d: {  	v59 =	vadd.s32 $0x450, v38;
	v55 =	vld.idx.msk [tilespmem:v61+s14+$0x0], $0xffff  }
0x10e: {  	v60 =	vadd.s32 $0x450, v33;
	v53 =	vld.idx.msk [tilespmem:v62+s14+$0x0], $0xffff  }
0x10f: {  	v61 =	vadd.s32 $0x450, v34;
	v49 =	vld.idx.msk [tilespmem:v63+s14+$0x0], $0xffff  }
0x110: {  	v56 =	vld.idx.msk [tilespmem:v56+s14+$0x0], $0xffff;
	[tilespmem:v57+s17+$0x0] =	vst.idx.msk $0xffff, v50;
	v50 =	vadd.s32 $0x450, v35  }
0x111: {  	v62 =	vadd.s32 $0x450, v36;
	[tilespmem:v58+s17+$0x0] =	vst.idx.msk $0xffff, v51  }
0x112: {  	v63 =	vadd.s32 $0x450, v37;
	[tilespmem:v59+s17+$0x0] =	vst.idx.msk $0xffff, v52  }
0x113: {  	v57 =	vadd.s32 v15, v48;
	[tilespmem:v60+s17+$0x0] =	vst.idx.msk $0xffff, v53  }
0x114: {  	v58 =	vadd.s32 v15, v47;
	[tilespmem:v61+s17+$0x0] =	vst.idx.msk $0xffff, v49  }
0x115: {  	v59 =	vadd.s32 v15, v46;
	[tilespmem:v50+s17+$0x0] =	vst.idx.msk $0xffff, v54  }
0x116: {  	v60 =	vadd.s32 v15, v43;
	[tilespmem:v62+s17+$0x0] =	vst.idx.msk $0xffff, v55  }
0x117: {  	v61 =	vadd.s32 v15, v42;
	[tilespmem:v63+s17+$0x0] =	vst.idx.msk $0xffff, v56  }
0x118: {  	v62 =	vadd.s32 v15, v45;
	v53 =	vld.idx.msk [tilespmem:v57+s14+$0x0], $0xffff  }
0x119: {  	v63 =	vadd.s32 v15, v44;
	v49 =	vld.idx.msk [tilespmem:v58+s14+$0x0], $0xffff  }
0x11a: {  	v56 =	vadd.s32 v15, v41;
	v50 =	vld.idx.msk [tilespmem:v59+s14+$0x0], $0xffff;
	v57 =	vadd.s32 $0x460, v40  }
0x11b: {  	v58 =	vadd.s32 $0x460, v39;
	v54 =	vld.idx.msk [tilespmem:v60+s14+$0x0], $0xffff  }
0x11c: {  	v59 =	vadd.s32 $0x460, v38;
	v55 =	vld.idx.msk [tilespmem:v61+s14+$0x0], $0xffff  }
0x11d: {  	v60 =	vadd.s32 $0x460, v33;
	v51 =	vld.idx.msk [tilespmem:v62+s14+$0x0], $0xffff  }
0x11e: {  	v61 =	vadd.s32 $0x460, v34;
	v52 =	vld.idx.msk [tilespmem:v63+s14+$0x0], $0xffff  }
0x11f: {  	v56 =	vld.idx.msk [tilespmem:v56+s14+$0x0], $0xffff;
	[tilespmem:v57+s17+$0x0] =	vst.idx.msk $0xffff, v53;
	v53 =	vadd.s32 $0x460, v35  }
0x120: {  	v62 =	vadd.s32 $0x460, v36;
	[tilespmem:v58+s17+$0x0] =	vst.idx.msk $0xffff, v49  }
0x121: {  	v63 =	vadd.s32 $0x460, v37;
	[tilespmem:v59+s17+$0x0] =	vst.idx.msk $0xffff, v50  }
0x122: {  	v57 =	vadd.s32 v16, v48;
	[tilespmem:v60+s17+$0x0] =	vst.idx.msk $0xffff, v51  }
0x123: {  	v58 =	vadd.s32 v16, v47;
	[tilespmem:v61+s17+$0x0] =	vst.idx.msk $0xffff, v52  }
0x124: {  	v59 =	vadd.s32 v16, v46;
	[tilespmem:v53+s17+$0x0] =	vst.idx.msk $0xffff, v54  }
0x125: {  	v60 =	vadd.s32 v16, v43;
	[tilespmem:v62+s17+$0x0] =	vst.idx.msk $0xffff, v55  }
0x126: {  	v61 =	vadd.s32 v16, v42;
	[tilespmem:v63+s17+$0x0] =	vst.idx.msk $0xffff, v56  }
0x127: {  	v62 =	vadd.s32 v16, v45;
	v51 =	vld.idx.msk [tilespmem:v57+s14+$0x0], $0xffff  }
0x128: {  	v63 =	vadd.s32 v16, v44;
	v52 =	vld.idx.msk [tilespmem:v58+s14+$0x0], $0xffff  }
0x129: {  	v56 =	vadd.s32 v16, v41;
	v53 =	vld.idx.msk [tilespmem:v59+s14+$0x0], $0xffff;
	v57 =	vadd.s32 $0x470, v40  }
0x12a: {  	v58 =	vadd.s32 $0x470, v39;
	v54 =	vld.idx.msk [tilespmem:v60+s14+$0x0], $0xffff  }
0x12b: {  	v59 =	vadd.s32 $0x470, v38;
	v55 =	vld.idx.msk [tilespmem:v61+s14+$0x0], $0xffff  }
0x12c: {  	v60 =	vadd.s32 $0x470, v33;
	v49 =	vld.idx.msk [tilespmem:v62+s14+$0x0], $0xffff  }
0x12d: {  	v61 =	vadd.s32 $0x470, v34;
	v50 =	vld.idx.msk [tilespmem:v63+s14+$0x0], $0xffff  }
0x12e: {  	v56 =	vld.idx.msk [tilespmem:v56+s14+$0x0], $0xffff;
	[tilespmem:v57+s17+$0x0] =	vst.idx.msk $0xffff, v51;
	v51 =	vadd.s32 $0x470, v35  }
0x12f: {  	v62 =	vadd.s32 $0x470, v36;
	[tilespmem:v58+s17+$0x0] =	vst.idx.msk $0xffff, v52  }
0x130: {  	v63 =	vadd.s32 $0x470, v37;
	[tilespmem:v59+s17+$0x0] =	vst.idx.msk $0xffff, v53  }
0x131: {  	v57 =	vadd.s32 v17, v48;
	[tilespmem:v60+s17+$0x0] =	vst.idx.msk $0xffff, v49  }
0x132: {  	v58 =	vadd.s32 v17, v47;
	[tilespmem:v61+s17+$0x0] =	vst.idx.msk $0xffff, v50  }
0x133: {  	v59 =	vadd.s32 v17, v46;
	[tilespmem:v51+s17+$0x0] =	vst.idx.msk $0xffff, v54  }
0x134: {  	v60 =	vadd.s32 v17, v43;
	[tilespmem:v62+s17+$0x0] =	vst.idx.msk $0xffff, v55  }
0x135: {  	v61 =	vadd.s32 v17, v42;
	[tilespmem:v63+s17+$0x0] =	vst.idx.msk $0xffff, v56  }
0x136: {  	v62 =	vadd.s32 v17, v45;
	v49 =	vld.idx.msk [tilespmem:v57+s14+$0x0], $0xffff  }
0x137: {  	v63 =	vadd.s32 v17, v44;
	v50 =	vld.idx.msk [tilespmem:v58+s14+$0x0], $0xffff  }
0x138: {  	v56 =	vadd.s32 v17, v41;
	v51 =	vld.idx.msk [tilespmem:v59+s14+$0x0], $0xffff;
	v57 =	vadd.s32 $0x800, v40  }
0x139: {  	v58 =	vadd.s32 $0x800, v39;
	v54 =	vld.idx.msk [tilespmem:v60+s14+$0x0], $0xffff  }
0x13a: {  	v59 =	vadd.s32 $0x800, v38;
	v55 =	vld.idx.msk [tilespmem:v61+s14+$0x0], $0xffff  }
0x13b: {  	v60 =	vadd.s32 $0x800, v33;
	v52 =	vld.idx.msk [tilespmem:v62+s14+$0x0], $0xffff  }
0x13c: {  	v61 =	vadd.s32 $0x800, v34;
	v53 =	vld.idx.msk [tilespmem:v63+s14+$0x0], $0xffff  }
0x13d: {  	v56 =	vld.idx.msk [tilespmem:v56+s14+$0x0], $0xffff;
	[tilespmem:v57+s17+$0x0] =	vst.idx.msk $0xffff, v49;
	v49 =	vadd.s32 $0x800, v35  }
0x13e: {  	v62 =	vadd.s32 $0x800, v36;
	[tilespmem:v58+s17+$0x0] =	vst.idx.msk $0xffff, v50  }
0x13f: {  	v63 =	vadd.s32 $0x800, v37;
	[tilespmem:v59+s17+$0x0] =	vst.idx.msk $0xffff, v51  }
0x140: {  	v57 =	vadd.s32 v18, v48;
	[tilespmem:v60+s17+$0x0] =	vst.idx.msk $0xffff, v52  }
0x141: {  	v58 =	vadd.s32 v18, v47;
	[tilespmem:v61+s17+$0x0] =	vst.idx.msk $0xffff, v53  }
0x142: {  	v59 =	vadd.s32 v18, v46;
	[tilespmem:v49+s17+$0x0] =	vst.idx.msk $0xffff, v54  }
0x143: {  	v60 =	vadd.s32 v18, v43;
	[tilespmem:v62+s17+$0x0] =	vst.idx.msk $0xffff, v55  }
0x144: {  	v61 =	vadd.s32 v18, v42;
	[tilespmem:v63+s17+$0x0] =	vst.idx.msk $0xffff, v56  }
0x145: {  	v62 =	vadd.s32 v18, v45;
	v52 =	vld.idx.msk [tilespmem:v57+s14+$0x0], $0xffff  }
0x146: {  	v63 =	vadd.s32 v18, v44;
	v53 =	vld.idx.msk [tilespmem:v58+s14+$0x0], $0xffff  }
0x147: {  	v56 =	vadd.s32 v18, v41;
	v49 =	vld.idx.msk [tilespmem:v59+s14+$0x0], $0xffff;
	v57 =	vadd.s32 $0x810, v40  }
0x148: {  	v58 =	vadd.s32 $0x810, v39;
	v54 =	vld.idx.msk [tilespmem:v60+s14+$0x0], $0xffff  }
0x149: {  	v59 =	vadd.s32 $0x810, v38;
	v55 =	vld.idx.msk [tilespmem:v61+s14+$0x0], $0xffff  }
0x14a: {  	v60 =	vadd.s32 $0x810, v33;
	v50 =	vld.idx.msk [tilespmem:v62+s14+$0x0], $0xffff  }
0x14b: {  	v61 =	vadd.s32 $0x810, v34;
	v51 =	vld.idx.msk [tilespmem:v63+s14+$0x0], $0xffff  }
0x14c: {  	v56 =	vld.idx.msk [tilespmem:v56+s14+$0x0], $0xffff;
	[tilespmem:v57+s17+$0x0] =	vst.idx.msk $0xffff, v52;
	v52 =	vadd.s32 $0x810, v35  }
0x14d: {  	v62 =	vadd.s32 $0x810, v36;
	[tilespmem:v58+s17+$0x0] =	vst.idx.msk $0xffff, v53  }
0x14e: {  	v63 =	vadd.s32 $0x810, v37;
	[tilespmem:v59+s17+$0x0] =	vst.idx.msk $0xffff, v49  }
0x14f: {  	v57 =	vadd.s32 v19, v48;
	[tilespmem:v60+s17+$0x0] =	vst.idx.msk $0xffff, v50  }
0x150: {  	v58 =	vadd.s32 v19, v47;
	[tilespmem:v61+s17+$0x0] =	vst.idx.msk $0xffff, v51  }
0x151: {  	v59 =	vadd.s32 v19, v46;
	[tilespmem:v52+s17+$0x0] =	vst.idx.msk $0xffff, v54  }
0x152: {  	v60 =	vadd.s32 v19, v43;
	[tilespmem:v62+s17+$0x0] =	vst.idx.msk $0xffff, v55  }
0x153: {  	v61 =	vadd.s32 v19, v42;
	[tilespmem:v63+s17+$0x0] =	vst.idx.msk $0xffff, v56  }
0x154: {  	v62 =	vadd.s32 v19, v45;
	v50 =	vld.idx.msk [tilespmem:v57+s14+$0x0], $0xffff  }
0x155: {  	v63 =	vadd.s32 v19, v44;
	v51 =	vld.idx.msk [tilespmem:v58+s14+$0x0], $0xffff  }
0x156: {  	v56 =	vadd.s32 v19, v41;
	v52 =	vld.idx.msk [tilespmem:v59+s14+$0x0], $0xffff;
	v57 =	vadd.s32 $0x820, v40  }
0x157: {  	v58 =	vadd.s32 $0x820, v39;
	v54 =	vld.idx.msk [tilespmem:v60+s14+$0x0], $0xffff  }
0x158: {  	v59 =	vadd.s32 $0x820, v38;
	v55 =	vld.idx.msk [tilespmem:v61+s14+$0x0], $0xffff  }
0x159: {  	v60 =	vadd.s32 $0x820, v33;
	v53 =	vld.idx.msk [tilespmem:v62+s14+$0x0], $0xffff  }
0x15a: {  	v61 =	vadd.s32 $0x820, v34;
	v49 =	vld.idx.msk [tilespmem:v63+s14+$0x0], $0xffff  }
0x15b: {  	v56 =	vld.idx.msk [tilespmem:v56+s14+$0x0], $0xffff;
	[tilespmem:v57+s17+$0x0] =	vst.idx.msk $0xffff, v50;
	v50 =	vadd.s32 $0x820, v35  }
0x15c: {  	v62 =	vadd.s32 $0x820, v36;
	[tilespmem:v58+s17+$0x0] =	vst.idx.msk $0xffff, v51  }
0x15d: {  	v63 =	vadd.s32 $0x820, v37;
	[tilespmem:v59+s17+$0x0] =	vst.idx.msk $0xffff, v52  }
0x15e: {  	v57 =	vadd.s32 v20, v48;
	[tilespmem:v60+s17+$0x0] =	vst.idx.msk $0xffff, v53  }
0x15f: {  	v58 =	vadd.s32 v20, v47;
	[tilespmem:v61+s17+$0x0] =	vst.idx.msk $0xffff, v49  }
0x160: {  	v59 =	vadd.s32 v20, v46;
	[tilespmem:v50+s17+$0x0] =	vst.idx.msk $0xffff, v54  }
0x161: {  	v60 =	vadd.s32 v20, v43;
	[tilespmem:v62+s17+$0x0] =	vst.idx.msk $0xffff, v55  }
0x162: {  	v61 =	vadd.s32 v20, v42;
	[tilespmem:v63+s17+$0x0] =	vst.idx.msk $0xffff, v56  }
0x163: {  	v62 =	vadd.s32 v20, v45;
	v53 =	vld.idx.msk [tilespmem:v57+s14+$0x0], $0xffff  }
0x164: {  	v63 =	vadd.s32 v20, v44;
	v49 =	vld.idx.msk [tilespmem:v58+s14+$0x0], $0xffff  }
0x165: {  	v56 =	vadd.s32 v20, v41;
	v50 =	vld.idx.msk [tilespmem:v59+s14+$0x0], $0xffff;
	v57 =	vadd.s32 $0x830, v40  }
0x166: {  	v58 =	vadd.s32 $0x830, v39;
	v54 =	vld.idx.msk [tilespmem:v60+s14+$0x0], $0xffff  }
0x167: {  	v59 =	vadd.s32 $0x830, v38;
	v55 =	vld.idx.msk [tilespmem:v61+s14+$0x0], $0xffff  }
0x168: {  	v60 =	vadd.s32 $0x830, v33;
	v51 =	vld.idx.msk [tilespmem:v62+s14+$0x0], $0xffff  }
0x169: {  	v61 =	vadd.s32 $0x830, v34;
	v52 =	vld.idx.msk [tilespmem:v63+s14+$0x0], $0xffff  }
0x16a: {  	v56 =	vld.idx.msk [tilespmem:v56+s14+$0x0], $0xffff;
	[tilespmem:v57+s17+$0x0] =	vst.idx.msk $0xffff, v53;
	v53 =	vadd.s32 $0x830, v35  }
0x16b: {  	v62 =	vadd.s32 $0x830, v36;
	[tilespmem:v58+s17+$0x0] =	vst.idx.msk $0xffff, v49  }
0x16c: {  	v63 =	vadd.s32 $0x830, v37;
	[tilespmem:v59+s17+$0x0] =	vst.idx.msk $0xffff, v50  }
0x16d: {  	v57 =	vadd.s32 v21, v48;
	[tilespmem:v60+s17+$0x0] =	vst.idx.msk $0xffff, v51  }
0x16e: {  	v58 =	vadd.s32 v21, v47;
	[tilespmem:v61+s17+$0x0] =	vst.idx.msk $0xffff, v52  }
0x16f: {  	v59 =	vadd.s32 v21, v46;
	[tilespmem:v53+s17+$0x0] =	vst.idx.msk $0xffff, v54  }
0x170: {  	v60 =	vadd.s32 v21, v43;
	[tilespmem:v62+s17+$0x0] =	vst.idx.msk $0xffff, v55  }
0x171: {  	v61 =	vadd.s32 v21, v42;
	[tilespmem:v63+s17+$0x0] =	vst.idx.msk $0xffff, v56  }
0x172: {  	v62 =	vadd.s32 v21, v45;
	v51 =	vld.idx.msk [tilespmem:v57+s14+$0x0], $0xffff  }
0x173: {  	v63 =	vadd.s32 v21, v44;
	v52 =	vld.idx.msk [tilespmem:v58+s14+$0x0], $0xffff  }
0x174: {  	v56 =	vadd.s32 v21, v41;
	v53 =	vld.idx.msk [tilespmem:v59+s14+$0x0], $0xffff;
	v57 =	vadd.s32 $0x840, v40  }
0x175: {  	v58 =	vadd.s32 $0x840, v39;
	v54 =	vld.idx.msk [tilespmem:v60+s14+$0x0], $0xffff  }
0x176: {  	v59 =	vadd.s32 $0x840, v38;
	v55 =	vld.idx.msk [tilespmem:v61+s14+$0x0], $0xffff  }
0x177: {  	v60 =	vadd.s32 $0x840, v33;
	v49 =	vld.idx.msk [tilespmem:v62+s14+$0x0], $0xffff  }
0x178: {  	v61 =	vadd.s32 $0x840, v34;
	v50 =	vld.idx.msk [tilespmem:v63+s14+$0x0], $0xffff  }
0x179: {  	v56 =	vld.idx.msk [tilespmem:v56+s14+$0x0], $0xffff;
	[tilespmem:v57+s17+$0x0] =	vst.idx.msk $0xffff, v51;
	v51 =	vadd.s32 $0x840, v35  }
0x17a: {  	v62 =	vadd.s32 $0x840, v36;
	[tilespmem:v58+s17+$0x0] =	vst.idx.msk $0xffff, v52  }
0x17b: {  	v63 =	vadd.s32 $0x840, v37;
	[tilespmem:v59+s17+$0x0] =	vst.idx.msk $0xffff, v53  }
0x17c: {  	v57 =	vadd.s32 v22, v48;
	[tilespmem:v60+s17+$0x0] =	vst.idx.msk $0xffff, v49  }
0x17d: {  	v58 =	vadd.s32 v22, v47;
	[tilespmem:v61+s17+$0x0] =	vst.idx.msk $0xffff, v50  }
0x17e: {  	v59 =	vadd.s32 v22, v46;
	[tilespmem:v51+s17+$0x0] =	vst.idx.msk $0xffff, v54  }
0x17f: {  	v60 =	vadd.s32 v22, v43;
	[tilespmem:v62+s17+$0x0] =	vst.idx.msk $0xffff, v55  }
0x180: {  	v61 =	vadd.s32 v22, v42;
	[tilespmem:v63+s17+$0x0] =	vst.idx.msk $0xffff, v56  }
0x181: {  	v62 =	vadd.s32 v22, v45;
	v49 =	vld.idx.msk [tilespmem:v57+s14+$0x0], $0xffff  }
0x182: {  	v63 =	vadd.s32 v22, v44;
	v50 =	vld.idx.msk [tilespmem:v58+s14+$0x0], $0xffff  }
0x183: {  	v56 =	vadd.s32 v22, v41;
	v51 =	vld.idx.msk [tilespmem:v59+s14+$0x0], $0xffff;
	v57 =	vadd.s32 $0x850, v40  }
0x184: {  	v58 =	vadd.s32 $0x850, v39;
	v54 =	vld.idx.msk [tilespmem:v60+s14+$0x0], $0xffff  }
0x185: {  	v59 =	vadd.s32 $0x850, v38;
	v55 =	vld.idx.msk [tilespmem:v61+s14+$0x0], $0xffff  }
0x186: {  	v60 =	vadd.s32 $0x850, v33;
	v52 =	vld.idx.msk [tilespmem:v62+s14+$0x0], $0xffff  }
0x187: {  	v61 =	vadd.s32 $0x850, v34;
	v53 =	vld.idx.msk [tilespmem:v63+s14+$0x0], $0xffff  }
0x188: {  	v56 =	vld.idx.msk [tilespmem:v56+s14+$0x0], $0xffff;
	[tilespmem:v57+s17+$0x0] =	vst.idx.msk $0xffff, v49;
	v49 =	vadd.s32 $0x850, v35  }
0x189: {  	v62 =	vadd.s32 $0x850, v36;
	[tilespmem:v58+s17+$0x0] =	vst.idx.msk $0xffff, v50  }
0x18a: {  	v63 =	vadd.s32 $0x850, v37;
	[tilespmem:v59+s17+$0x0] =	vst.idx.msk $0xffff, v51  }
0x18b: {  	v57 =	vadd.s32 v23, v48;
	[tilespmem:v60+s17+$0x0] =	vst.idx.msk $0xffff, v52  }
0x18c: {  	v58 =	vadd.s32 v23, v47;
	[tilespmem:v61+s17+$0x0] =	vst.idx.msk $0xffff, v53  }
0x18d: {  	v59 =	vadd.s32 v23, v46;
	[tilespmem:v49+s17+$0x0] =	vst.idx.msk $0xffff, v54  }
0x18e: {  	v60 =	vadd.s32 v23, v43;
	[tilespmem:v62+s17+$0x0] =	vst.idx.msk $0xffff, v55  }
0x18f: {  	v61 =	vadd.s32 v23, v42;
	[tilespmem:v63+s17+$0x0] =	vst.idx.msk $0xffff, v56  }
0x190: {  	v62 =	vadd.s32 v23, v45;
	v52 =	vld.idx.msk [tilespmem:v57+s14+$0x0], $0xffff  }
0x191: {  	v63 =	vadd.s32 v23, v44;
	v53 =	vld.idx.msk [tilespmem:v58+s14+$0x0], $0xffff  }
0x192: {  	v56 =	vadd.s32 v23, v41;
	v49 =	vld.idx.msk [tilespmem:v59+s14+$0x0], $0xffff;
	v57 =	vadd.s32 $0x860, v40  }
0x193: {  	v58 =	vadd.s32 $0x860, v39;
	v54 =	vld.idx.msk [tilespmem:v60+s14+$0x0], $0xffff  }
0x194: {  	v59 =	vadd.s32 $0x860, v38;
	v55 =	vld.idx.msk [tilespmem:v61+s14+$0x0], $0xffff  }
0x195: {  	v60 =	vadd.s32 $0x860, v33;
	v50 =	vld.idx.msk [tilespmem:v62+s14+$0x0], $0xffff  }
0x196: {  	v61 =	vadd.s32 $0x860, v34;
	v51 =	vld.idx.msk [tilespmem:v63+s14+$0x0], $0xffff  }
0x197: {  	v56 =	vld.idx.msk [tilespmem:v56+s14+$0x0], $0xffff;
	[tilespmem:v57+s17+$0x0] =	vst.idx.msk $0xffff, v52;
	v52 =	vadd.s32 $0x860, v35  }
0x198: {  	v62 =	vadd.s32 $0x860, v36;
	[tilespmem:v58+s17+$0x0] =	vst.idx.msk $0xffff, v53  }
0x199: {  	v63 =	vadd.s32 $0x860, v37;
	[tilespmem:v59+s17+$0x0] =	vst.idx.msk $0xffff, v49  }
0x19a: {  	v57 =	vadd.s32 v24, v48;
	[tilespmem:v60+s17+$0x0] =	vst.idx.msk $0xffff, v50  }
0x19b: {  	v58 =	vadd.s32 v24, v47;
	[tilespmem:v61+s17+$0x0] =	vst.idx.msk $0xffff, v51  }
0x19c: {  	v59 =	vadd.s32 v24, v46;
	[tilespmem:v52+s17+$0x0] =	vst.idx.msk $0xffff, v54  }
0x19d: {  	v60 =	vadd.s32 v24, v43;
	[tilespmem:v62+s17+$0x0] =	vst.idx.msk $0xffff, v55  }
0x19e: {  	v61 =	vadd.s32 v24, v42;
	[tilespmem:v63+s17+$0x0] =	vst.idx.msk $0xffff, v56  }
0x19f: {  	v62 =	vadd.s32 v24, v45;
	v50 =	vld.idx.msk [tilespmem:v57+s14+$0x0], $0xffff  }
0x1a0: {  	v63 =	vadd.s32 v24, v44;
	v51 =	vld.idx.msk [tilespmem:v58+s14+$0x0], $0xffff  }
0x1a1: {  	v56 =	vadd.s32 v24, v41;
	v52 =	vld.idx.msk [tilespmem:v59+s14+$0x0], $0xffff;
	v57 =	vadd.s32 $0x870, v40  }
0x1a2: {  	v58 =	vadd.s32 $0x870, v39;
	v54 =	vld.idx.msk [tilespmem:v60+s14+$0x0], $0xffff  }
0x1a3: {  	v59 =	vadd.s32 $0x870, v38;
	v55 =	vld.idx.msk [tilespmem:v61+s14+$0x0], $0xffff  }
0x1a4: {  	v60 =	vadd.s32 $0x870, v33;
	v53 =	vld.idx.msk [tilespmem:v62+s14+$0x0], $0xffff  }
0x1a5: {  	v61 =	vadd.s32 $0x870, v34;
	v49 =	vld.idx.msk [tilespmem:v63+s14+$0x0], $0xffff  }
0x1a6: {  	v56 =	vld.idx.msk [tilespmem:v56+s14+$0x0], $0xffff;
	[tilespmem:v57+s17+$0x0] =	vst.idx.msk $0xffff, v50;
	v50 =	vadd.s32 $0x870, v35  }
0x1a7: {  	v62 =	vadd.s32 $0x870, v36;
	[tilespmem:v58+s17+$0x0] =	vst.idx.msk $0xffff, v51  }
0x1a8: {  	v63 =	vadd.s32 $0x870, v37;
	[tilespmem:v59+s17+$0x0] =	vst.idx.msk $0xffff, v52  }
0x1a9: {  	v57 =	vadd.s32 v25, v48;
	[tilespmem:v60+s17+$0x0] =	vst.idx.msk $0xffff, v53  }
0x1aa: {  	v58 =	vadd.s32 v25, v47;
	[tilespmem:v61+s17+$0x0] =	vst.idx.msk $0xffff, v49  }
0x1ab: {  	v59 =	vadd.s32 v25, v46;
	[tilespmem:v50+s17+$0x0] =	vst.idx.msk $0xffff, v54  }
0x1ac: {  	v60 =	vadd.s32 v25, v43;
	[tilespmem:v62+s17+$0x0] =	vst.idx.msk $0xffff, v55  }
0x1ad: {  	v61 =	vadd.s32 v25, v42;
	[tilespmem:v63+s17+$0x0] =	vst.idx.msk $0xffff, v56  }
0x1ae: {  	v62 =	vadd.s32 v25, v45;
	v53 =	vld.idx.msk [tilespmem:v57+s14+$0x0], $0xffff  }
0x1af: {  	v63 =	vadd.s32 v25, v44;
	v49 =	vld.idx.msk [tilespmem:v58+s14+$0x0], $0xffff  }
0x1b0: {  	v56 =	vadd.s32 v25, v41;
	v50 =	vld.idx.msk [tilespmem:v59+s14+$0x0], $0xffff;
	v57 =	vadd.s32 $0xC00, v40  }
0x1b1: {  	v58 =	vadd.s32 $0xC00, v39;
	v54 =	vld.idx.msk [tilespmem:v60+s14+$0x0], $0xffff  }
0x1b2: {  	v59 =	vadd.s32 $0xC00, v38;
	v55 =	vld.idx.msk [tilespmem:v61+s14+$0x0], $0xffff  }
0x1b3: {  	v60 =	vadd.s32 $0xC00, v33;
	v51 =	vld.idx.msk [tilespmem:v62+s14+$0x0], $0xffff  }
0x1b4: {  	v61 =	vadd.s32 $0xC00, v34;
	v52 =	vld.idx.msk [tilespmem:v63+s14+$0x0], $0xffff  }
0x1b5: {  	v56 =	vld.idx.msk [tilespmem:v56+s14+$0x0], $0xffff;
	[tilespmem:v57+s17+$0x0] =	vst.idx.msk $0xffff, v53;
	v53 =	vadd.s32 $0xC00, v35  }
0x1b6: {  	v62 =	vadd.s32 $0xC00, v36;
	[tilespmem:v58+s17+$0x0] =	vst.idx.msk $0xffff, v49  }
0x1b7: {  	v63 =	vadd.s32 $0xC00, v37;
	[tilespmem:v59+s17+$0x0] =	vst.idx.msk $0xffff, v50  }
0x1b8: {  	v57 =	vadd.s32 v26, v48;
	[tilespmem:v60+s17+$0x0] =	vst.idx.msk $0xffff, v51  }
0x1b9: {  	v58 =	vadd.s32 v26, v47;
	[tilespmem:v61+s17+$0x0] =	vst.idx.msk $0xffff, v52  }
0x1ba: {  	v59 =	vadd.s32 v26, v46;
	[tilespmem:v53+s17+$0x0] =	vst.idx.msk $0xffff, v54  }
0x1bb: {  	v60 =	vadd.s32 v26, v43;
	[tilespmem:v62+s17+$0x0] =	vst.idx.msk $0xffff, v55  }
0x1bc: {  	v61 =	vadd.s32 v26, v42;
	[tilespmem:v63+s17+$0x0] =	vst.idx.msk $0xffff, v56  }
0x1bd: {  	v62 =	vadd.s32 v26, v45;
	v51 =	vld.idx.msk [tilespmem:v57+s14+$0x0], $0xffff  }
0x1be: {  	v63 =	vadd.s32 v26, v44;
	v52 =	vld.idx.msk [tilespmem:v58+s14+$0x0], $0xffff  }
0x1bf: {  	v56 =	vadd.s32 v26, v41;
	v53 =	vld.idx.msk [tilespmem:v59+s14+$0x0], $0xffff;
	v57 =	vadd.s32 $0xC10, v40  }
0x1c0: {  	v58 =	vadd.s32 $0xC10, v39;
	v54 =	vld.idx.msk [tilespmem:v60+s14+$0x0], $0xffff  }
0x1c1: {  	v59 =	vadd.s32 $0xC10, v38;
	v55 =	vld.idx.msk [tilespmem:v61+s14+$0x0], $0xffff  }
0x1c2: {  	v60 =	vadd.s32 $0xC10, v33;
	v49 =	vld.idx.msk [tilespmem:v62+s14+$0x0], $0xffff  }
0x1c3: {  	v61 =	vadd.s32 $0xC10, v34;
	v50 =	vld.idx.msk [tilespmem:v63+s14+$0x0], $0xffff  }
0x1c4: {  	v56 =	vld.idx.msk [tilespmem:v56+s14+$0x0], $0xffff;
	[tilespmem:v57+s17+$0x0] =	vst.idx.msk $0xffff, v51;
	v51 =	vadd.s32 $0xC10, v35  }
0x1c5: {  	v62 =	vadd.s32 $0xC10, v36;
	[tilespmem:v58+s17+$0x0] =	vst.idx.msk $0xffff, v52  }
0x1c6: {  	v63 =	vadd.s32 $0xC10, v37;
	[tilespmem:v59+s17+$0x0] =	vst.idx.msk $0xffff, v53  }
0x1c7: {  	v57 =	vadd.s32 v27, v48;
	[tilespmem:v60+s17+$0x0] =	vst.idx.msk $0xffff, v49  }
0x1c8: {  	v58 =	vadd.s32 v27, v47;
	[tilespmem:v61+s17+$0x0] =	vst.idx.msk $0xffff, v50  }
0x1c9: {  	v59 =	vadd.s32 v27, v46;
	[tilespmem:v51+s17+$0x0] =	vst.idx.msk $0xffff, v54  }
0x1ca: {  	v60 =	vadd.s32 v27, v43;
	[tilespmem:v62+s17+$0x0] =	vst.idx.msk $0xffff, v55  }
0x1cb: {  	v61 =	vadd.s32 v27, v42;
	[tilespmem:v63+s17+$0x0] =	vst.idx.msk $0xffff, v56  }
0x1cc: {  	v62 =	vadd.s32 v27, v45;
	v49 =	vld.idx.msk [tilespmem:v57+s14+$0x0], $0xffff  }
0x1cd: {  	v63 =	vadd.s32 v27, v44;
	v50 =	vld.idx.msk [tilespmem:v58+s14+$0x0], $0xffff  }
0x1ce: {  	v56 =	vadd.s32 v27, v41;
	v51 =	vld.idx.msk [tilespmem:v59+s14+$0x0], $0xffff;
	v57 =	vadd.s32 $0xC20, v40  }
0x1cf: {  	v58 =	vadd.s32 $0xC20, v39;
	v54 =	vld.idx.msk [tilespmem:v60+s14+$0x0], $0xffff  }
0x1d0: {  	v59 =	vadd.s32 $0xC20, v38;
	v55 =	vld.idx.msk [tilespmem:v61+s14+$0x0], $0xffff  }
0x1d1: {  	v60 =	vadd.s32 $0xC20, v33;
	v52 =	vld.idx.msk [tilespmem:v62+s14+$0x0], $0xffff  }
0x1d2: {  	v61 =	vadd.s32 $0xC20, v34;
	v53 =	vld.idx.msk [tilespmem:v63+s14+$0x0], $0xffff  }
0x1d3: {  	v56 =	vld.idx.msk [tilespmem:v56+s14+$0x0], $0xffff;
	[tilespmem:v57+s17+$0x0] =	vst.idx.msk $0xffff, v49;
	v49 =	vadd.s32 $0xC20, v35  }
0x1d4: {  	v62 =	vadd.s32 $0xC20, v36;
	[tilespmem:v58+s17+$0x0] =	vst.idx.msk $0xffff, v50  }
0x1d5: {  	v63 =	vadd.s32 $0xC20, v37;
	[tilespmem:v59+s17+$0x0] =	vst.idx.msk $0xffff, v51  }
0x1d6: {  	v57 =	vadd.s32 v28, v48;
	[tilespmem:v60+s17+$0x0] =	vst.idx.msk $0xffff, v52  }
0x1d7: {  	v58 =	vadd.s32 v28, v47;
	[tilespmem:v61+s17+$0x0] =	vst.idx.msk $0xffff, v53  }
0x1d8: {  	v59 =	vadd.s32 v28, v46;
	[tilespmem:v49+s17+$0x0] =	vst.idx.msk $0xffff, v54  }
0x1d9: {  	v60 =	vadd.s32 v28, v43;
	[tilespmem:v62+s17+$0x0] =	vst.idx.msk $0xffff, v55  }
0x1da: {  	v61 =	vadd.s32 v28, v42;
	[tilespmem:v63+s17+$0x0] =	vst.idx.msk $0xffff, v56  }
0x1db: {  	v62 =	vadd.s32 v28, v45;
	v52 =	vld.idx.msk [tilespmem:v57+s14+$0x0], $0xffff  }
0x1dc: {  	v63 =	vadd.s32 v28, v44;
	v53 =	vld.idx.msk [tilespmem:v58+s14+$0x0], $0xffff  }
0x1dd: {  	v56 =	vadd.s32 v28, v41;
	v49 =	vld.idx.msk [tilespmem:v59+s14+$0x0], $0xffff;
	v57 =	vadd.s32 $0xC30, v40  }
0x1de: {  	v58 =	vadd.s32 $0xC30, v39;
	v54 =	vld.idx.msk [tilespmem:v60+s14+$0x0], $0xffff  }
0x1df: {  	v59 =	vadd.s32 $0xC30, v38;
	v55 =	vld.idx.msk [tilespmem:v61+s14+$0x0], $0xffff  }
0x1e0: {  	v60 =	vadd.s32 $0xC30, v33;
	v50 =	vld.idx.msk [tilespmem:v62+s14+$0x0], $0xffff  }
0x1e1: {  	v61 =	vadd.s32 $0xC30, v34;
	v51 =	vld.idx.msk [tilespmem:v63+s14+$0x0], $0xffff  }
0x1e2: {  	v56 =	vld.idx.msk [tilespmem:v56+s14+$0x0], $0xffff;
	[tilespmem:v57+s17+$0x0] =	vst.idx.msk $0xffff, v52;
	v52 =	vadd.s32 $0xC30, v35  }
0x1e3: {  	v62 =	vadd.s32 $0xC30, v36;
	[tilespmem:v58+s17+$0x0] =	vst.idx.msk $0xffff, v53  }
0x1e4: {  	v63 =	vadd.s32 $0xC30, v37;
	[tilespmem:v59+s17+$0x0] =	vst.idx.msk $0xffff, v49  }
0x1e5: {  	v57 =	vadd.s32 v29, v48;
	[tilespmem:v60+s17+$0x0] =	vst.idx.msk $0xffff, v50  }
0x1e6: {  	v58 =	vadd.s32 v29, v47;
	[tilespmem:v61+s17+$0x0] =	vst.idx.msk $0xffff, v51  }
0x1e7: {  	v59 =	vadd.s32 v29, v46;
	[tilespmem:v52+s17+$0x0] =	vst.idx.msk $0xffff, v54  }
0x1e8: {  	v60 =	vadd.s32 v29, v43;
	[tilespmem:v62+s17+$0x0] =	vst.idx.msk $0xffff, v55  }
0x1e9: {  	v61 =	vadd.s32 v29, v42;
	[tilespmem:v63+s17+$0x0] =	vst.idx.msk $0xffff, v56  }
0x1ea: {  	v62 =	vadd.s32 v29, v45;
	v50 =	vld.idx.msk [tilespmem:v57+s14+$0x0], $0xffff  }
0x1eb: {  	v63 =	vadd.s32 v29, v44;
	v51 =	vld.idx.msk [tilespmem:v58+s14+$0x0], $0xffff  }
0x1ec: {  	v56 =	vadd.s32 v29, v41;
	v52 =	vld.idx.msk [tilespmem:v59+s14+$0x0], $0xffff;
	v57 =	vadd.s32 $0xC40, v40  }
0x1ed: {  	v58 =	vadd.s32 $0xC40, v39;
	v54 =	vld.idx.msk [tilespmem:v60+s14+$0x0], $0xffff  }
0x1ee: {  	v59 =	vadd.s32 $0xC40, v38;
	v55 =	vld.idx.msk [tilespmem:v61+s14+$0x0], $0xffff  }
0x1ef: {  	v60 =	vadd.s32 $0xC40, v33;
	v53 =	vld.idx.msk [tilespmem:v62+s14+$0x0], $0xffff  }
0x1f0: {  	v61 =	vadd.s32 $0xC40, v34;
	v49 =	vld.idx.msk [tilespmem:v63+s14+$0x0], $0xffff  }
0x1f1: {  	v56 =	vld.idx.msk [tilespmem:v56+s14+$0x0], $0xffff;
	[tilespmem:v57+s17+$0x0] =	vst.idx.msk $0xffff, v50;
	v50 =	vadd.s32 $0xC40, v35  }
0x1f2: {  	v62 =	vadd.s32 $0xC40, v36;
	[tilespmem:v58+s17+$0x0] =	vst.idx.msk $0xffff, v51  }
0x1f3: {  	v63 =	vadd.s32 $0xC40, v37;
	[tilespmem:v59+s17+$0x0] =	vst.idx.msk $0xffff, v52  }
0x1f4: {  	v57 =	vadd.s32 v30, v48;
	[tilespmem:v60+s17+$0x0] =	vst.idx.msk $0xffff, v53  }
0x1f5: {  	v58 =	vadd.s32 v30, v47;
	[tilespmem:v61+s17+$0x0] =	vst.idx.msk $0xffff, v49  }
0x1f6: {  	v59 =	vadd.s32 v30, v46;
	[tilespmem:v50+s17+$0x0] =	vst.idx.msk $0xffff, v54  }
0x1f7: {  	v60 =	vadd.s32 v30, v43;
	[tilespmem:v62+s17+$0x0] =	vst.idx.msk $0xffff, v55  }
0x1f8: {  	v61 =	vadd.s32 v30, v42;
	[tilespmem:v63+s17+$0x0] =	vst.idx.msk $0xffff, v56  }
0x1f9: {  	v62 =	vadd.s32 v30, v45;
	v53 =	vld.idx.msk [tilespmem:v57+s14+$0x0], $0xffff  }
0x1fa: {  	v63 =	vadd.s32 v30, v44;
	v49 =	vld.idx.msk [tilespmem:v58+s14+$0x0], $0xffff  }
0x1fb: {  	v56 =	vadd.s32 v30, v41;
	v50 =	vld.idx.msk [tilespmem:v59+s14+$0x0], $0xffff;
	v57 =	vadd.s32 $0xC50, v40  }
0x1fc: {  	v58 =	vadd.s32 $0xC50, v39;
	v54 =	vld.idx.msk [tilespmem:v60+s14+$0x0], $0xffff  }
0x1fd: {  	v59 =	vadd.s32 $0xC50, v38;
	v55 =	vld.idx.msk [tilespmem:v61+s14+$0x0], $0xffff  }
0x1fe: {  	v60 =	vadd.s32 $0xC50, v33;
	v51 =	vld.idx.msk [tilespmem:v62+s14+$0x0], $0xffff  }
0x1ff: {  	v61 =	vadd.s32 $0xC50, v34;
	v52 =	vld.idx.msk [tilespmem:v63+s14+$0x0], $0xffff  }
0x200: {  	v56 =	vld.idx.msk [tilespmem:v56+s14+$0x0], $0xffff;
	[tilespmem:v57+s17+$0x0] =	vst.idx.msk $0xffff, v53;
	v53 =	vadd.s32 $0xC50, v35  }
0x201: {  	v62 =	vadd.s32 $0xC50, v36;
	[tilespmem:v58+s17+$0x0] =	vst.idx.msk $0xffff, v49  }
0x202: {  	v63 =	vadd.s32 $0xC50, v37;
	[tilespmem:v59+s17+$0x0] =	vst.idx.msk $0xffff, v50  }
0x203: {  	v57 =	vadd.s32 v31, v48;
	[tilespmem:v60+s17+$0x0] =	vst.idx.msk $0xffff, v51  }
0x204: {  	v58 =	vadd.s32 v31, v47;
	[tilespmem:v61+s17+$0x0] =	vst.idx.msk $0xffff, v52  }
0x205: {  	v59 =	vadd.s32 v31, v46;
	[tilespmem:v53+s17+$0x0] =	vst.idx.msk $0xffff, v54  }
0x206: {  	v60 =	vadd.s32 v31, v45;
	[tilespmem:v62+s17+$0x0] =	vst.idx.msk $0xffff, v55  }
0x207: {  	v61 =	vadd.s32 v31, v44;
	[tilespmem:v63+s17+$0x0] =	vst.idx.msk $0xffff, v56  }
0x208: {  	v62 =	vadd.s32 v31, v43;
	v51 =	vld.idx.msk [tilespmem:v57+s14+$0x0], $0xffff  }
0x209: {  	v63 =	vadd.s32 v31, v42;
	v52 =	vld.idx.msk [tilespmem:v58+s14+$0x0], $0xffff  }
0x20a: {  	v56 =	vadd.s32 v31, v41;
	v53 =	vld.idx.msk [tilespmem:v59+s14+$0x0], $0xffff;
	v57 =	vadd.s32 $0xC60, v40  }
0x20b: {  	v49 =	vld.idx.msk [tilespmem:v60+s14+$0x0], $0xffff;
	v58 =	vadd.s32 $0xC60, v39  }
0x20c: {  	v59 =	vadd.s32 $0xC60, v38;
	v50 =	vld.idx.msk [tilespmem:v61+s14+$0x0], $0xffff  }
0x20d: {  	v60 =	vadd.s32 $0xC60, v33;
	v54 =	vld.idx.msk [tilespmem:v62+s14+$0x0], $0xffff  }
0x20e: {  	v61 =	vadd.s32 $0xC60, v34;
	v55 =	vld.idx.msk [tilespmem:v63+s14+$0x0], $0xffff  }
0x20f: {  	v56 =	vld.idx.msk [tilespmem:v56+s14+$0x0], $0xffff;
	[tilespmem:v57+s17+$0x0] =	vst.idx.msk $0xffff, v51;
	v57 =	vadd.s32 $0xC60, v35  }
0x210: {  	v62 =	vadd.s32 $0xC60, v36;
	[tilespmem:v58+s17+$0x0] =	vst.idx.msk $0xffff, v52  }
0x211: {  	v63 =	vadd.s32 $0xC60, v37;
	[tilespmem:v59+s17+$0x0] =	vst.idx.msk $0xffff, v53  }
0x212: {  	v48 =	vadd.s32 v32, v48;
	[tilespmem:v60+s17+$0x0] =	vst.idx.msk $0xffff, v49  }
0x213: {  	v47 =	vadd.s32 v32, v47;
	[tilespmem:v61+s17+$0x0] =	vst.idx.msk $0xffff, v50  }
0x214: {  	v46 =	vadd.s32 v32, v46;
	[tilespmem:v57+s17+$0x0] =	vst.idx.msk $0xffff, v54  }
0x215: {  	v45 =	vadd.s32 v32, v45;
	[tilespmem:v62+s17+$0x0] =	vst.idx.msk $0xffff, v55  }
0x216: {  	v44 =	vadd.s32 v32, v44;
	[tilespmem:v63+s17+$0x0] =	vst.idx.msk $0xffff, v56  }
0x217: {  	v43 =	vadd.s32 v32, v43;
	v48 =	vld.idx.msk [tilespmem:v48+s14+$0x0], $0xffff  }
0x218: {  	v42 =	vadd.s32 v32, v42;
	v47 =	vld.idx.msk [tilespmem:v47+s14+$0x0], $0xffff  }
0x219: {  	v41 =	vadd.s32 v32, v41;
	v40 =	vadd.s32 $0xC70, v40;
	v46 =	vld.idx.msk [tilespmem:v46+s14+$0x0], $0xffff  }
0x21a: {  	v39 =	vadd.s32 $0xC70, v39;
	v45 =	vld.idx.msk [tilespmem:v45+s14+$0x0], $0xffff  }
0x21b: {  	v38 =	vadd.s32 $0xC70, v38;
	v44 =	vld.idx.msk [tilespmem:v44+s14+$0x0], $0xffff  }
0x21c: {  	v33 =	vadd.s32 $0xC70, v33;
	v43 =	vld.idx.msk [tilespmem:v43+s14+$0x0], $0xffff  }
0x21d: {  	v34 =	vadd.s32 $0xC70, v34;
	v42 =	vld.idx.msk [tilespmem:v42+s14+$0x0], $0xffff  }
0x21e: {  	v35 =	vadd.s32 $0xC70, v35;
	v41 =	vld.idx.msk [tilespmem:v41+s14+$0x0], $0xffff;
	[tilespmem:v40+s17+$0x0] =	vst.idx.msk $0xffff, v48  }
0x21f: {  	v36 =	vadd.s32 $0xC70, v36;
	[tilespmem:v39+s17+$0x0] =	vst.idx.msk $0xffff, v47  }
0x220: {  	p1 =	sne.s32 s0, $0xFFFFFFC0;
	v37 =	vadd.s32 $0xC70, v37;
	[tilespmem:v38+s17+$0x0] =	vst.idx.msk $0xffff, v46  }
.Ltmp1:
0x221: {  	[tilespmem:v33+s17+$0x0] =	vst.idx.msk $0xffff, v45;
	(pc) =	sbr.rel @p1 .LBB2_5-.Ltmp1, $4  }
0x222: {  	[tilespmem:v34+s17+$0x0] =	vst.idx.msk $0xffff, v44  }
0x223: {  	[tilespmem:v35+s17+$0x0] =	vst.idx.msk $0xffff, v43  }
0x224: {  	[tilespmem:v36+s17+$0x0] =	vst.idx.msk $0xffff, v42  }
0x225: {  	s0 =	sadd.s32 $0x40, s0;
	[tilespmem:v37+s17+$0x0] =	vst.idx.msk $0xffff, v41  }
0x226: {  	s0 =	sshll.u32 s30, $0x14  }
0x227: {  	s0 =	sor.u32 s6, s0  }
0x228: {  	s0 =	sshrl.u32 s0, $0x3  }
0x229: {  	s1 =	sadd.s32 s2, s0  }
0x22a: {  	[hbm4b:s1+s3] =	stream.linear.scatter [tilespmem:s17], [sflag:$0x3], $0x1000, $0x38;
	[tilespmem:$0x1CC00] =	vst v63  }
0x22b: {  	p1 =	sne.s32 s30, $0x31;
	s1 =	sadd.s32 s0, s7  }
0x22c: {  	[hbm4b:s1+s3] =	stream.linear.scatter [tilespmem:s18], [sflag:$0x3], $0x1000, $0x38;
	[tilespmem:$0x1CC00] =	vst v63  }
.Ltmp2:
0x22d: {  	_ = 	snop;
	(pc) =	sbr.rel @p1 .LBB2_8-.Ltmp2, $4  }
0x22e: {  	s1 =	sadd.s32 s0, s8  }
0x22f: {  	[hbm4b:s1+s3] =	stream.linear.scatter [tilespmem:s19], [sflag:$0x3], $0x1000, $0x38;
	[tilespmem:$0x1CC00] =	vst v63  }
0x230: {  	s0 =	sadd.s32 s0, s9  }
0x231: {  	[hbm4b:s0+s3] =	stream.linear.scatter [tilespmem:s20], [sflag:$0x3], $0x1000, $0x38;
	[tilespmem:$0x1CC00] =	vst v63  }
.Ltmp3:
0x232: {  	(pc) =	sbr.rel .LBB2_9-.Ltmp3, $4  }
0x233: {  	_ = 	snop  }
0x234: {  	_ =	swait.ge [sflag:s21], $0x4000  }
0x235: {  	[sflag:s21] =	ssyncset.done $0x0  }
0x236: {  	[sflag:s21] =	ssyncadd.s32 $0xFFFFC000  }
.LBB2_8:
0x237: {  	s0 =	sshll.u32 s30, $0xA  }
0x238: {  	s0 =	sand.u32 $0x3FFFFC00, s0  }
.Ltmp4:
0x239: {  	s0 =	sadd.s32 $0x400, s0;
	(pc) =	sbr.rel @p0 .LBB2_10-.Ltmp4, $4  }
0x23a: {  	[tilespmem:s14], [sflag:$0x1] =	stream.indirect.gather [hbm4b:s4+s11], $0x20, s0, s11, $0xb8;
	[tilespmem:$0x1CC00] =	vst v63  }
0x23b: {  	_ =	swait.ge [sflag:s21], $0x4000  }
0x23c: {  	[sflag:s21] =	ssyncset.done $0x0  }
0x23d: {  	[sflag:s21] =	ssyncadd.s32 $0xFFFFC000  }
.LBB2_9:
0x23e: {  	_ =	swait.ge [sflag:s22], $0x1000  }
0x23f: {  	[sflag:s22] =	ssyncset.done $0x0  }
0x240: {  	[sflag:s22] =	ssyncadd.s32 $0xFFFFF000  }
0x241: {  	_ =	swait.ge [sflag:s22], $0x1000  }
0x242: {  	[sflag:s22] =	ssyncset.done $0x0  }
0x243: {  	[sflag:s22] =	ssyncadd.s32 $0xFFFFF000  }
0x244: {  	_ =	swait.ge [sflag:s22], $0x1000  }
0x245: {  	[sflag:s22] =	ssyncset.done $0x0  }
0x246: {  	[sflag:s22] =	ssyncadd.s32 $0xFFFFF000  }
0x247: {  	_ =	swait.ge [sflag:s22], $0x1000  }
0x248: {  	[sflag:s22] =	ssyncset.done $0x0  }
0x249: {  	[sflag:s22] =	ssyncadd.s32 $0xFFFFF000  }
.LBB2_10:
0x24a: {  	s0 =	simm.s32 $0xFFFFFF00  }
.LBB2_11:
0x24b: {  	s1 =	sshra.s32 s0, $0x2  }
0x24c: {  	v48 =	vld [tilespmem:s1+$0x1C840]  }
0x24d: {  	v47 =	vld [tilespmem:s1+$0x1C880]  }
0x24e: {  	v46 =	vld [tilespmem:s1+$0x1C8C0]  }
0x24f: {  	v45 =	vld [tilespmem:s1+$0x1C900]  }
0x250: {  	v44 =	vld [tilespmem:s1+$0x1C940]  }
0x251: {  	v43 =	vld [tilespmem:s1+$0x1C980]  }
0x252: {  	v42 =	vld [tilespmem:s1+$0x1C9C0]  }
0x253: {  	v41 =	vld [tilespmem:s1+$0x1CA00]  }
0x254: {  	v40 =	vld [tilespmem:s1+$0x1CA40]  }
0x255: {  	v39 =	vld [tilespmem:s1+$0x1CA80]  }
0x256: {  	v38 =	vld [tilespmem:s1+$0x1CAC0]  }
0x257: {  	v33 =	vld [tilespmem:s1+$0x1CB00];
	v49 =	vadd.s32 v1, v48  }
0x258: {  	v34 =	vld [tilespmem:s1+$0x1CB40];
	v50 =	vadd.s32 v1, v47  }
0x259: {  	v35 =	vld [tilespmem:s1+$0x1CB80];
	v51 =	vadd.s32 v1, v46  }
0x25a: {  	v36 =	vld [tilespmem:s1+$0x1CBC0];
	v52 =	vadd.s32 v1, v45  }
0x25b: {  	v37 =	vld [tilespmem:s1+$0x1CC00];
	v53 =	vadd.s32 v1, v44  }
0x25c: {  	v54 =	vadd.s32 v1, v43;
	v49 =	vld.idx.msk [tilespmem:v49+s15+$0x0], $0xffff  }
0x25d: {  	v55 =	vadd.s32 v1, v42;
	v50 =	vld.idx.msk [tilespmem:v50+s15+$0x0], $0xffff  }
0x25e: {  	v56 =	vadd.s32 v1, v41;
	v51 =	vld.idx.msk [tilespmem:v51+s15+$0x0], $0xffff  }
0x25f: {  	v52 =	vld.idx.msk [tilespmem:v52+s15+$0x0], $0xffff  }
0x260: {  	v53 =	vld.idx.msk [tilespmem:v53+s15+$0x0], $0xffff  }
0x261: {  	v54 =	vld.idx.msk [tilespmem:v54+s15+$0x0], $0xffff  }
0x262: {  	v55 =	vld.idx.msk [tilespmem:v55+s15+$0x0], $0xffff  }
0x263: {  	v56 =	vld.idx.msk [tilespmem:v56+s15+$0x0], $0xffff;
	[tilespmem:v40+s23+$0x0] =	vst.idx.msk $0xffff, v49  }
0x264: {  	[tilespmem:v39+s23+$0x0] =	vst.idx.msk $0xffff, v50  }
0x265: {  	[tilespmem:v38+s23+$0x0] =	vst.idx.msk $0xffff, v51  }
0x266: {  	v57 =	vadd.s32 v2, v48;
	[tilespmem:v33+s23+$0x0] =	vst.idx.msk $0xffff, v52  }
0x267: {  	v58 =	vadd.s32 v2, v47;
	[tilespmem:v34+s23+$0x0] =	vst.idx.msk $0xffff, v53  }
0x268: {  	v59 =	vadd.s32 v2, v46;
	[tilespmem:v35+s23+$0x0] =	vst.idx.msk $0xffff, v54  }
0x269: {  	v62 =	vadd.s32 v2, v45;
	[tilespmem:v36+s23+$0x0] =	vst.idx.msk $0xffff, v55  }
0x26a: {  	v63 =	vadd.s32 v2, v44;
	[tilespmem:v37+s23+$0x0] =	vst.idx.msk $0xffff, v56  }
0x26b: {  	v60 =	vadd.s32 v2, v43;
	v49 =	vld.idx.msk [tilespmem:v57+s15+$0x0], $0xffff  }
0x26c: {  	v61 =	vadd.s32 v2, v42;
	v50 =	vld.idx.msk [tilespmem:v58+s15+$0x0], $0xffff  }
0x26d: {  	v56 =	vadd.s32 v2, v41;
	v51 =	vld.idx.msk [tilespmem:v59+s15+$0x0], $0xffff;
	v57 =	vadd.s32 $0x10, v40  }
0x26e: {  	v52 =	vld.idx.msk [tilespmem:v62+s15+$0x0], $0xffff;
	v58 =	vadd.s32 $0x10, v39  }
0x26f: {  	v53 =	vld.idx.msk [tilespmem:v63+s15+$0x0], $0xffff;
	v59 =	vadd.s32 $0x10, v38  }
0x270: {  	v54 =	vld.idx.msk [tilespmem:v60+s15+$0x0], $0xffff;
	v60 =	vadd.s32 $0x10, v33  }
0x271: {  	v55 =	vld.idx.msk [tilespmem:v61+s15+$0x0], $0xffff;
	v61 =	vadd.s32 $0x10, v34  }
0x272: {  	v56 =	vld.idx.msk [tilespmem:v56+s15+$0x0], $0xffff;
	[tilespmem:v57+s23+$0x0] =	vst.idx.msk $0xffff, v49;
	v49 =	vadd.s32 $0x10, v35  }
0x273: {  	v62 =	vadd.s32 $0x10, v36;
	[tilespmem:v58+s23+$0x0] =	vst.idx.msk $0xffff, v50  }
0x274: {  	v63 =	vadd.s32 $0x10, v37;
	[tilespmem:v59+s23+$0x0] =	vst.idx.msk $0xffff, v51  }
0x275: {  	v57 =	vadd.s32 v3, v48;
	[tilespmem:v60+s23+$0x0] =	vst.idx.msk $0xffff, v52  }
0x276: {  	v58 =	vadd.s32 v3, v47;
	[tilespmem:v61+s23+$0x0] =	vst.idx.msk $0xffff, v53  }
0x277: {  	v59 =	vadd.s32 v3, v46;
	[tilespmem:v49+s23+$0x0] =	vst.idx.msk $0xffff, v54  }
0x278: {  	v60 =	vadd.s32 v3, v43;
	[tilespmem:v62+s23+$0x0] =	vst.idx.msk $0xffff, v55  }
0x279: {  	v61 =	vadd.s32 v3, v42;
	[tilespmem:v63+s23+$0x0] =	vst.idx.msk $0xffff, v56  }
0x27a: {  	v62 =	vadd.s32 v3, v45;
	v52 =	vld.idx.msk [tilespmem:v57+s15+$0x0], $0xffff  }
0x27b: {  	v63 =	vadd.s32 v3, v44;
	v53 =	vld.idx.msk [tilespmem:v58+s15+$0x0], $0xffff  }
0x27c: {  	v56 =	vadd.s32 v3, v41;
	v49 =	vld.idx.msk [tilespmem:v59+s15+$0x0], $0xffff;
	v57 =	vadd.s32 $0x20, v40  }
0x27d: {  	v58 =	vadd.s32 $0x20, v39;
	v54 =	vld.idx.msk [tilespmem:v60+s15+$0x0], $0xffff  }
0x27e: {  	v59 =	vadd.s32 $0x20, v38;
	v55 =	vld.idx.msk [tilespmem:v61+s15+$0x0], $0xffff  }
0x27f: {  	v60 =	vadd.s32 $0x20, v33;
	v50 =	vld.idx.msk [tilespmem:v62+s15+$0x0], $0xffff  }
0x280: {  	v61 =	vadd.s32 $0x20, v34;
	v51 =	vld.idx.msk [tilespmem:v63+s15+$0x0], $0xffff  }
0x281: {  	v56 =	vld.idx.msk [tilespmem:v56+s15+$0x0], $0xffff;
	[tilespmem:v57+s23+$0x0] =	vst.idx.msk $0xffff, v52;
	v52 =	vadd.s32 $0x20, v35  }
0x282: {  	v62 =	vadd.s32 $0x20, v36;
	[tilespmem:v58+s23+$0x0] =	vst.idx.msk $0xffff, v53  }
0x283: {  	v63 =	vadd.s32 $0x20, v37;
	[tilespmem:v59+s23+$0x0] =	vst.idx.msk $0xffff, v49  }
0x284: {  	v57 =	vadd.s32 v4, v48;
	[tilespmem:v60+s23+$0x0] =	vst.idx.msk $0xffff, v50  }
0x285: {  	v58 =	vadd.s32 v4, v47;
	[tilespmem:v61+s23+$0x0] =	vst.idx.msk $0xffff, v51  }
0x286: {  	v59 =	vadd.s32 v4, v46;
	[tilespmem:v52+s23+$0x0] =	vst.idx.msk $0xffff, v54  }
0x287: {  	v60 =	vadd.s32 v4, v43;
	[tilespmem:v62+s23+$0x0] =	vst.idx.msk $0xffff, v55  }
0x288: {  	v61 =	vadd.s32 v4, v42;
	[tilespmem:v63+s23+$0x0] =	vst.idx.msk $0xffff, v56  }
0x289: {  	v62 =	vadd.s32 v4, v45;
	v50 =	vld.idx.msk [tilespmem:v57+s15+$0x0], $0xffff  }
0x28a: {  	v63 =	vadd.s32 v4, v44;
	v51 =	vld.idx.msk [tilespmem:v58+s15+$0x0], $0xffff  }
0x28b: {  	v56 =	vadd.s32 v4, v41;
	v52 =	vld.idx.msk [tilespmem:v59+s15+$0x0], $0xffff;
	v57 =	vadd.s32 $0x30, v40  }
0x28c: {  	v58 =	vadd.s32 $0x30, v39;
	v54 =	vld.idx.msk [tilespmem:v60+s15+$0x0], $0xffff  }
0x28d: {  	v59 =	vadd.s32 $0x30, v38;
	v55 =	vld.idx.msk [tilespmem:v61+s15+$0x0], $0xffff  }
0x28e: {  	v60 =	vadd.s32 $0x30, v33;
	v53 =	vld.idx.msk [tilespmem:v62+s15+$0x0], $0xffff  }
0x28f: {  	v61 =	vadd.s32 $0x30, v34;
	v49 =	vld.idx.msk [tilespmem:v63+s15+$0x0], $0xffff  }
0x290: {  	v56 =	vld.idx.msk [tilespmem:v56+s15+$0x0], $0xffff;
	[tilespmem:v57+s23+$0x0] =	vst.idx.msk $0xffff, v50;
	v50 =	vadd.s32 $0x30, v35  }
0x291: {  	v62 =	vadd.s32 $0x30, v36;
	[tilespmem:v58+s23+$0x0] =	vst.idx.msk $0xffff, v51  }
0x292: {  	v63 =	vadd.s32 $0x30, v37;
	[tilespmem:v59+s23+$0x0] =	vst.idx.msk $0xffff, v52  }
0x293: {  	v57 =	vadd.s32 v5, v48;
	[tilespmem:v60+s23+$0x0] =	vst.idx.msk $0xffff, v53  }
0x294: {  	v58 =	vadd.s32 v5, v47;
	[tilespmem:v61+s23+$0x0] =	vst.idx.msk $0xffff, v49  }
0x295: {  	v59 =	vadd.s32 v5, v46;
	[tilespmem:v50+s23+$0x0] =	vst.idx.msk $0xffff, v54  }
0x296: {  	v60 =	vadd.s32 v5, v43;
	[tilespmem:v62+s23+$0x0] =	vst.idx.msk $0xffff, v55  }
0x297: {  	v61 =	vadd.s32 v5, v42;
	[tilespmem:v63+s23+$0x0] =	vst.idx.msk $0xffff, v56  }
0x298: {  	v62 =	vadd.s32 v5, v45;
	v53 =	vld.idx.msk [tilespmem:v57+s15+$0x0], $0xffff  }
0x299: {  	v63 =	vadd.s32 v5, v44;
	v49 =	vld.idx.msk [tilespmem:v58+s15+$0x0], $0xffff  }
0x29a: {  	v56 =	vadd.s32 v5, v41;
	v50 =	vld.idx.msk [tilespmem:v59+s15+$0x0], $0xffff;
	v57 =	vadd.s32 $0x40, v40  }
0x29b: {  	v58 =	vadd.s32 $0x40, v39;
	v54 =	vld.idx.msk [tilespmem:v60+s15+$0x0], $0xffff  }
0x29c: {  	v59 =	vadd.s32 $0x40, v38;
	v55 =	vld.idx.msk [tilespmem:v61+s15+$0x0], $0xffff  }
0x29d: {  	v60 =	vadd.s32 $0x40, v33;
	v51 =	vld.idx.msk [tilespmem:v62+s15+$0x0], $0xffff  }
0x29e: {  	v61 =	vadd.s32 $0x40, v34;
	v52 =	vld.idx.msk [tilespmem:v63+s15+$0x0], $0xffff  }
0x29f: {  	v56 =	vld.idx.msk [tilespmem:v56+s15+$0x0], $0xffff;
	[tilespmem:v57+s23+$0x0] =	vst.idx.msk $0xffff, v53;
	v53 =	vadd.s32 $0x40, v35  }
0x2a0: {  	v62 =	vadd.s32 $0x40, v36;
	[tilespmem:v58+s23+$0x0] =	vst.idx.msk $0xffff, v49  }
0x2a1: {  	v63 =	vadd.s32 $0x40, v37;
	[tilespmem:v59+s23+$0x0] =	vst.idx.msk $0xffff, v50  }
0x2a2: {  	v57 =	vadd.s32 v6, v48;
	[tilespmem:v60+s23+$0x0] =	vst.idx.msk $0xffff, v51  }
0x2a3: {  	v58 =	vadd.s32 v6, v47;
	[tilespmem:v61+s23+$0x0] =	vst.idx.msk $0xffff, v52  }
0x2a4: {  	v59 =	vadd.s32 v6, v46;
	[tilespmem:v53+s23+$0x0] =	vst.idx.msk $0xffff, v54  }
0x2a5: {  	v60 =	vadd.s32 v6, v43;
	[tilespmem:v62+s23+$0x0] =	vst.idx.msk $0xffff, v55  }
0x2a6: {  	v61 =	vadd.s32 v6, v42;
	[tilespmem:v63+s23+$0x0] =	vst.idx.msk $0xffff, v56  }
0x2a7: {  	v62 =	vadd.s32 v6, v45;
	v51 =	vld.idx.msk [tilespmem:v57+s15+$0x0], $0xffff  }
0x2a8: {  	v63 =	vadd.s32 v6, v44;
	v52 =	vld.idx.msk [tilespmem:v58+s15+$0x0], $0xffff  }
0x2a9: {  	v56 =	vadd.s32 v6, v41;
	v53 =	vld.idx.msk [tilespmem:v59+s15+$0x0], $0xffff;
	v57 =	vadd.s32 $0x50, v40  }
0x2aa: {  	v58 =	vadd.s32 $0x50, v39;
	v54 =	vld.idx.msk [tilespmem:v60+s15+$0x0], $0xffff  }
0x2ab: {  	v59 =	vadd.s32 $0x50, v38;
	v55 =	vld.idx.msk [tilespmem:v61+s15+$0x0], $0xffff  }
0x2ac: {  	v60 =	vadd.s32 $0x50, v33;
	v49 =	vld.idx.msk [tilespmem:v62+s15+$0x0], $0xffff  }
0x2ad: {  	v61 =	vadd.s32 $0x50, v34;
	v50 =	vld.idx.msk [tilespmem:v63+s15+$0x0], $0xffff  }
0x2ae: {  	v56 =	vld.idx.msk [tilespmem:v56+s15+$0x0], $0xffff;
	[tilespmem:v57+s23+$0x0] =	vst.idx.msk $0xffff, v51;
	v51 =	vadd.s32 $0x50, v35  }
0x2af: {  	v62 =	vadd.s32 $0x50, v36;
	[tilespmem:v58+s23+$0x0] =	vst.idx.msk $0xffff, v52  }
0x2b0: {  	v63 =	vadd.s32 $0x50, v37;
	[tilespmem:v59+s23+$0x0] =	vst.idx.msk $0xffff, v53  }
0x2b1: {  	v57 =	vadd.s32 v7, v48;
	[tilespmem:v60+s23+$0x0] =	vst.idx.msk $0xffff, v49  }
0x2b2: {  	v58 =	vadd.s32 v7, v47;
	[tilespmem:v61+s23+$0x0] =	vst.idx.msk $0xffff, v50  }
0x2b3: {  	v59 =	vadd.s32 v7, v46;
	[tilespmem:v51+s23+$0x0] =	vst.idx.msk $0xffff, v54  }
0x2b4: {  	v60 =	vadd.s32 v7, v43;
	[tilespmem:v62+s23+$0x0] =	vst.idx.msk $0xffff, v55  }
0x2b5: {  	v61 =	vadd.s32 v7, v42;
	[tilespmem:v63+s23+$0x0] =	vst.idx.msk $0xffff, v56  }
0x2b6: {  	v62 =	vadd.s32 v7, v45;
	v49 =	vld.idx.msk [tilespmem:v57+s15+$0x0], $0xffff  }
0x2b7: {  	v63 =	vadd.s32 v7, v44;
	v50 =	vld.idx.msk [tilespmem:v58+s15+$0x0], $0xffff  }
0x2b8: {  	v56 =	vadd.s32 v7, v41;
	v51 =	vld.idx.msk [tilespmem:v59+s15+$0x0], $0xffff;
	v57 =	vadd.s32 $0x60, v40  }
0x2b9: {  	v58 =	vadd.s32 $0x60, v39;
	v54 =	vld.idx.msk [tilespmem:v60+s15+$0x0], $0xffff  }
0x2ba: {  	v59 =	vadd.s32 $0x60, v38;
	v55 =	vld.idx.msk [tilespmem:v61+s15+$0x0], $0xffff  }
0x2bb: {  	v60 =	vadd.s32 $0x60, v33;
	v52 =	vld.idx.msk [tilespmem:v62+s15+$0x0], $0xffff  }
0x2bc: {  	v61 =	vadd.s32 $0x60, v34;
	v53 =	vld.idx.msk [tilespmem:v63+s15+$0x0], $0xffff  }
0x2bd: {  	v56 =	vld.idx.msk [tilespmem:v56+s15+$0x0], $0xffff;
	[tilespmem:v57+s23+$0x0] =	vst.idx.msk $0xffff, v49;
	v49 =	vadd.s32 $0x60, v35  }
0x2be: {  	v62 =	vadd.s32 $0x60, v36;
	[tilespmem:v58+s23+$0x0] =	vst.idx.msk $0xffff, v50  }
0x2bf: {  	v63 =	vadd.s32 $0x60, v37;
	[tilespmem:v59+s23+$0x0] =	vst.idx.msk $0xffff, v51  }
0x2c0: {  	v57 =	vadd.s32 v8, v48;
	[tilespmem:v60+s23+$0x0] =	vst.idx.msk $0xffff, v52  }
0x2c1: {  	v58 =	vadd.s32 v8, v47;
	[tilespmem:v61+s23+$0x0] =	vst.idx.msk $0xffff, v53  }
0x2c2: {  	v59 =	vadd.s32 v8, v46;
	[tilespmem:v49+s23+$0x0] =	vst.idx.msk $0xffff, v54  }
0x2c3: {  	v60 =	vadd.s32 v8, v43;
	[tilespmem:v62+s23+$0x0] =	vst.idx.msk $0xffff, v55  }
0x2c4: {  	v61 =	vadd.s32 v8, v42;
	[tilespmem:v63+s23+$0x0] =	vst.idx.msk $0xffff, v56  }
0x2c5: {  	v62 =	vadd.s32 v8, v45;
	v52 =	vld.idx.msk [tilespmem:v57+s15+$0x0], $0xffff  }
0x2c6: {  	v63 =	vadd.s32 v8, v44;
	v53 =	vld.idx.msk [tilespmem:v58+s15+$0x0], $0xffff  }
0x2c7: {  	v56 =	vadd.s32 v8, v41;
	v49 =	vld.idx.msk [tilespmem:v59+s15+$0x0], $0xffff;
	v57 =	vadd.s32 $0x70, v40  }
0x2c8: {  	v58 =	vadd.s32 $0x70, v39;
	v54 =	vld.idx.msk [tilespmem:v60+s15+$0x0], $0xffff  }
0x2c9: {  	v59 =	vadd.s32 $0x70, v38;
	v55 =	vld.idx.msk [tilespmem:v61+s15+$0x0], $0xffff  }
0x2ca: {  	v60 =	vadd.s32 $0x70, v33;
	v50 =	vld.idx.msk [tilespmem:v62+s15+$0x0], $0xffff  }
0x2cb: {  	v61 =	vadd.s32 $0x70, v34;
	v51 =	vld.idx.msk [tilespmem:v63+s15+$0x0], $0xffff  }
0x2cc: {  	v56 =	vld.idx.msk [tilespmem:v56+s15+$0x0], $0xffff;
	[tilespmem:v57+s23+$0x0] =	vst.idx.msk $0xffff, v52;
	v52 =	vadd.s32 $0x70, v35  }
0x2cd: {  	v62 =	vadd.s32 $0x70, v36;
	[tilespmem:v58+s23+$0x0] =	vst.idx.msk $0xffff, v53  }
0x2ce: {  	v63 =	vadd.s32 $0x70, v37;
	[tilespmem:v59+s23+$0x0] =	vst.idx.msk $0xffff, v49  }
0x2cf: {  	v57 =	vadd.s32 v9, v48;
	[tilespmem:v60+s23+$0x0] =	vst.idx.msk $0xffff, v50  }
0x2d0: {  	v58 =	vadd.s32 v9, v47;
	[tilespmem:v61+s23+$0x0] =	vst.idx.msk $0xffff, v51  }
0x2d1: {  	v59 =	vadd.s32 v9, v46;
	[tilespmem:v52+s23+$0x0] =	vst.idx.msk $0xffff, v54  }
0x2d2: {  	v60 =	vadd.s32 v9, v43;
	[tilespmem:v62+s23+$0x0] =	vst.idx.msk $0xffff, v55  }
0x2d3: {  	v61 =	vadd.s32 v9, v42;
	[tilespmem:v63+s23+$0x0] =	vst.idx.msk $0xffff, v56  }
0x2d4: {  	v62 =	vadd.s32 v9, v45;
	v50 =	vld.idx.msk [tilespmem:v57+s15+$0x0], $0xffff  }
0x2d5: {  	v63 =	vadd.s32 v9, v44;
	v51 =	vld.idx.msk [tilespmem:v58+s15+$0x0], $0xffff  }
0x2d6: {  	v56 =	vadd.s32 v9, v41;
	v52 =	vld.idx.msk [tilespmem:v59+s15+$0x0], $0xffff;
	v57 =	vadd.s32 $0x400, v40  }
0x2d7: {  	v58 =	vadd.s32 $0x400, v39;
	v54 =	vld.idx.msk [tilespmem:v60+s15+$0x0], $0xffff  }
0x2d8: {  	v59 =	vadd.s32 $0x400, v38;
	v55 =	vld.idx.msk [tilespmem:v61+s15+$0x0], $0xffff  }
0x2d9: {  	v60 =	vadd.s32 $0x400, v33;
	v53 =	vld.idx.msk [tilespmem:v62+s15+$0x0], $0xffff  }
0x2da: {  	v61 =	vadd.s32 $0x400, v34;
	v49 =	vld.idx.msk [tilespmem:v63+s15+$0x0], $0xffff  }
0x2db: {  	v56 =	vld.idx.msk [tilespmem:v56+s15+$0x0], $0xffff;
	[tilespmem:v57+s23+$0x0] =	vst.idx.msk $0xffff, v50;
	v50 =	vadd.s32 $0x400, v35  }
0x2dc: {  	v62 =	vadd.s32 $0x400, v36;
	[tilespmem:v58+s23+$0x0] =	vst.idx.msk $0xffff, v51  }
0x2dd: {  	v63 =	vadd.s32 $0x400, v37;
	[tilespmem:v59+s23+$0x0] =	vst.idx.msk $0xffff, v52  }
0x2de: {  	v57 =	vadd.s32 v10, v48;
	[tilespmem:v60+s23+$0x0] =	vst.idx.msk $0xffff, v53  }
0x2df: {  	v58 =	vadd.s32 v10, v47;
	[tilespmem:v61+s23+$0x0] =	vst.idx.msk $0xffff, v49  }
0x2e0: {  	v59 =	vadd.s32 v10, v46;
	[tilespmem:v50+s23+$0x0] =	vst.idx.msk $0xffff, v54  }
0x2e1: {  	v60 =	vadd.s32 v10, v43;
	[tilespmem:v62+s23+$0x0] =	vst.idx.msk $0xffff, v55  }
0x2e2: {  	v61 =	vadd.s32 v10, v42;
	[tilespmem:v63+s23+$0x0] =	vst.idx.msk $0xffff, v56  }
0x2e3: {  	v62 =	vadd.s32 v10, v45;
	v53 =	vld.idx.msk [tilespmem:v57+s15+$0x0], $0xffff  }
0x2e4: {  	v63 =	vadd.s32 v10, v44;
	v49 =	vld.idx.msk [tilespmem:v58+s15+$0x0], $0xffff  }
0x2e5: {  	v56 =	vadd.s32 v10, v41;
	v50 =	vld.idx.msk [tilespmem:v59+s15+$0x0], $0xffff;
	v57 =	vadd.s32 $0x410, v40  }
0x2e6: {  	v58 =	vadd.s32 $0x410, v39;
	v54 =	vld.idx.msk [tilespmem:v60+s15+$0x0], $0xffff  }
0x2e7: {  	v59 =	vadd.s32 $0x410, v38;
	v55 =	vld.idx.msk [tilespmem:v61+s15+$0x0], $0xffff  }
0x2e8: {  	v60 =	vadd.s32 $0x410, v33;
	v51 =	vld.idx.msk [tilespmem:v62+s15+$0x0], $0xffff  }
0x2e9: {  	v61 =	vadd.s32 $0x410, v34;
	v52 =	vld.idx.msk [tilespmem:v63+s15+$0x0], $0xffff  }
0x2ea: {  	v56 =	vld.idx.msk [tilespmem:v56+s15+$0x0], $0xffff;
	[tilespmem:v57+s23+$0x0] =	vst.idx.msk $0xffff, v53;
	v53 =	vadd.s32 $0x410, v35  }
0x2eb: {  	v62 =	vadd.s32 $0x410, v36;
	[tilespmem:v58+s23+$0x0] =	vst.idx.msk $0xffff, v49  }
0x2ec: {  	v63 =	vadd.s32 $0x410, v37;
	[tilespmem:v59+s23+$0x0] =	vst.idx.msk $0xffff, v50  }
0x2ed: {  	v57 =	vadd.s32 v11, v48;
	[tilespmem:v60+s23+$0x0] =	vst.idx.msk $0xffff, v51  }
0x2ee: {  	v58 =	vadd.s32 v11, v47;
	[tilespmem:v61+s23+$0x0] =	vst.idx.msk $0xffff, v52  }
0x2ef: {  	v59 =	vadd.s32 v11, v46;
	[tilespmem:v53+s23+$0x0] =	vst.idx.msk $0xffff, v54  }
0x2f0: {  	v60 =	vadd.s32 v11, v43;
	[tilespmem:v62+s23+$0x0] =	vst.idx.msk $0xffff, v55  }
0x2f1: {  	v61 =	vadd.s32 v11, v42;
	[tilespmem:v63+s23+$0x0] =	vst.idx.msk $0xffff, v56  }
0x2f2: {  	v62 =	vadd.s32 v11, v45;
	v51 =	vld.idx.msk [tilespmem:v57+s15+$0x0], $0xffff  }
0x2f3: {  	v63 =	vadd.s32 v11, v44;
	v52 =	vld.idx.msk [tilespmem:v58+s15+$0x0], $0xffff  }
0x2f4: {  	v56 =	vadd.s32 v11, v41;
	v53 =	vld.idx.msk [tilespmem:v59+s15+$0x0], $0xffff;
	v57 =	vadd.s32 $0x420, v40  }
0x2f5: {  	v58 =	vadd.s32 $0x420, v39;
	v54 =	vld.idx.msk [tilespmem:v60+s15+$0x0], $0xffff  }
0x2f6: {  	v59 =	vadd.s32 $0x420, v38;
	v55 =	vld.idx.msk [tilespmem:v61+s15+$0x0], $0xffff  }
0x2f7: {  	v60 =	vadd.s32 $0x420, v33;
	v49 =	vld.idx.msk [tilespmem:v62+s15+$0x0], $0xffff  }
0x2f8: {  	v61 =	vadd.s32 $0x420, v34;
	v50 =	vld.idx.msk [tilespmem:v63+s15+$0x0], $0xffff  }
0x2f9: {  	v56 =	vld.idx.msk [tilespmem:v56+s15+$0x0], $0xffff;
	[tilespmem:v57+s23+$0x0] =	vst.idx.msk $0xffff, v51;
	v51 =	vadd.s32 $0x420, v35  }
0x2fa: {  	v62 =	vadd.s32 $0x420, v36;
	[tilespmem:v58+s23+$0x0] =	vst.idx.msk $0xffff, v52  }
0x2fb: {  	v63 =	vadd.s32 $0x420, v37;
	[tilespmem:v59+s23+$0x0] =	vst.idx.msk $0xffff, v53  }
0x2fc: {  	v57 =	vadd.s32 v12, v48;
	[tilespmem:v60+s23+$0x0] =	vst.idx.msk $0xffff, v49  }
0x2fd: {  	v58 =	vadd.s32 v12, v47;
	[tilespmem:v61+s23+$0x0] =	vst.idx.msk $0xffff, v50  }
0x2fe: {  	v59 =	vadd.s32 v12, v46;
	[tilespmem:v51+s23+$0x0] =	vst.idx.msk $0xffff, v54  }
0x2ff: {  	v60 =	vadd.s32 v12, v43;
	[tilespmem:v62+s23+$0x0] =	vst.idx.msk $0xffff, v55  }
0x300: {  	v61 =	vadd.s32 v12, v42;
	[tilespmem:v63+s23+$0x0] =	vst.idx.msk $0xffff, v56  }
0x301: {  	v62 =	vadd.s32 v12, v45;
	v49 =	vld.idx.msk [tilespmem:v57+s15+$0x0], $0xffff  }
0x302: {  	v63 =	vadd.s32 v12, v44;
	v50 =	vld.idx.msk [tilespmem:v58+s15+$0x0], $0xffff  }
0x303: {  	v56 =	vadd.s32 v12, v41;
	v51 =	vld.idx.msk [tilespmem:v59+s15+$0x0], $0xffff;
	v57 =	vadd.s32 $0x430, v40  }
0x304: {  	v58 =	vadd.s32 $0x430, v39;
	v54 =	vld.idx.msk [tilespmem:v60+s15+$0x0], $0xffff  }
0x305: {  	v59 =	vadd.s32 $0x430, v38;
	v55 =	vld.idx.msk [tilespmem:v61+s15+$0x0], $0xffff  }
0x306: {  	v60 =	vadd.s32 $0x430, v33;
	v52 =	vld.idx.msk [tilespmem:v62+s15+$0x0], $0xffff  }
0x307: {  	v61 =	vadd.s32 $0x430, v34;
	v53 =	vld.idx.msk [tilespmem:v63+s15+$0x0], $0xffff  }
0x308: {  	v56 =	vld.idx.msk [tilespmem:v56+s15+$0x0], $0xffff;
	[tilespmem:v57+s23+$0x0] =	vst.idx.msk $0xffff, v49;
	v49 =	vadd.s32 $0x430, v35  }
0x309: {  	v62 =	vadd.s32 $0x430, v36;
	[tilespmem:v58+s23+$0x0] =	vst.idx.msk $0xffff, v50  }
0x30a: {  	v63 =	vadd.s32 $0x430, v37;
	[tilespmem:v59+s23+$0x0] =	vst.idx.msk $0xffff, v51  }
0x30b: {  	v57 =	vadd.s32 v13, v48;
	[tilespmem:v60+s23+$0x0] =	vst.idx.msk $0xffff, v52  }
0x30c: {  	v58 =	vadd.s32 v13, v47;
	[tilespmem:v61+s23+$0x0] =	vst.idx.msk $0xffff, v53  }
0x30d: {  	v59 =	vadd.s32 v13, v46;
	[tilespmem:v49+s23+$0x0] =	vst.idx.msk $0xffff, v54  }
0x30e: {  	v60 =	vadd.s32 v13, v43;
	[tilespmem:v62+s23+$0x0] =	vst.idx.msk $0xffff, v55  }
0x30f: {  	v61 =	vadd.s32 v13, v42;
	[tilespmem:v63+s23+$0x0] =	vst.idx.msk $0xffff, v56  }
0x310: {  	v62 =	vadd.s32 v13, v45;
	v52 =	vld.idx.msk [tilespmem:v57+s15+$0x0], $0xffff  }
0x311: {  	v63 =	vadd.s32 v13, v44;
	v53 =	vld.idx.msk [tilespmem:v58+s15+$0x0], $0xffff  }
0x312: {  	v56 =	vadd.s32 v13, v41;
	v49 =	vld.idx.msk [tilespmem:v59+s15+$0x0], $0xffff;
	v57 =	vadd.s32 $0x440, v40  }
0x313: {  	v58 =	vadd.s32 $0x440, v39;
	v54 =	vld.idx.msk [tilespmem:v60+s15+$0x0], $0xffff  }
0x314: {  	v59 =	vadd.s32 $0x440, v38;
	v55 =	vld.idx.msk [tilespmem:v61+s15+$0x0], $0xffff  }
0x315: {  	v60 =	vadd.s32 $0x440, v33;
	v50 =	vld.idx.msk [tilespmem:v62+s15+$0x0], $0xffff  }
0x316: {  	v61 =	vadd.s32 $0x440, v34;
	v51 =	vld.idx.msk [tilespmem:v63+s15+$0x0], $0xffff  }
0x317: {  	v56 =	vld.idx.msk [tilespmem:v56+s15+$0x0], $0xffff;
	[tilespmem:v57+s23+$0x0] =	vst.idx.msk $0xffff, v52;
	v52 =	vadd.s32 $0x440, v35  }
0x318: {  	v62 =	vadd.s32 $0x440, v36;
	[tilespmem:v58+s23+$0x0] =	vst.idx.msk $0xffff, v53  }
0x319: {  	v63 =	vadd.s32 $0x440, v37;
	[tilespmem:v59+s23+$0x0] =	vst.idx.msk $0xffff, v49  }
0x31a: {  	v57 =	vadd.s32 v14, v48;
	[tilespmem:v60+s23+$0x0] =	vst.idx.msk $0xffff, v50  }
0x31b: {  	v58 =	vadd.s32 v14, v47;
	[tilespmem:v61+s23+$0x0] =	vst.idx.msk $0xffff, v51  }
0x31c: {  	v59 =	vadd.s32 v14, v46;
	[tilespmem:v52+s23+$0x0] =	vst.idx.msk $0xffff, v54  }
0x31d: {  	v60 =	vadd.s32 v14, v43;
	[tilespmem:v62+s23+$0x0] =	vst.idx.msk $0xffff, v55  }
0x31e: {  	v61 =	vadd.s32 v14, v42;
	[tilespmem:v63+s23+$0x0] =	vst.idx.msk $0xffff, v56  }
0x31f: {  	v62 =	vadd.s32 v14, v45;
	v50 =	vld.idx.msk [tilespmem:v57+s15+$0x0], $0xffff  }
0x320: {  	v63 =	vadd.s32 v14, v44;
	v51 =	vld.idx.msk [tilespmem:v58+s15+$0x0], $0xffff  }
0x321: {  	v56 =	vadd.s32 v14, v41;
	v52 =	vld.idx.msk [tilespmem:v59+s15+$0x0], $0xffff;
	v57 =	vadd.s32 $0x450, v40  }
0x322: {  	v58 =	vadd.s32 $0x450, v39;
	v54 =	vld.idx.msk [tilespmem:v60+s15+$0x0], $0xffff  }
0x323: {  	v59 =	vadd.s32 $0x450, v38;
	v55 =	vld.idx.msk [tilespmem:v61+s15+$0x0], $0xffff  }
0x324: {  	v60 =	vadd.s32 $0x450, v33;
	v53 =	vld.idx.msk [tilespmem:v62+s15+$0x0], $0xffff  }
0x325: {  	v61 =	vadd.s32 $0x450, v34;
	v49 =	vld.idx.msk [tilespmem:v63+s15+$0x0], $0xffff  }
0x326: {  	v56 =	vld.idx.msk [tilespmem:v56+s15+$0x0], $0xffff;
	[tilespmem:v57+s23+$0x0] =	vst.idx.msk $0xffff, v50;
	v50 =	vadd.s32 $0x450, v35  }
0x327: {  	v62 =	vadd.s32 $0x450, v36;
	[tilespmem:v58+s23+$0x0] =	vst.idx.msk $0xffff, v51  }
0x328: {  	v63 =	vadd.s32 $0x450, v37;
	[tilespmem:v59+s23+$0x0] =	vst.idx.msk $0xffff, v52  }
0x329: {  	v57 =	vadd.s32 v15, v48;
	[tilespmem:v60+s23+$0x0] =	vst.idx.msk $0xffff, v53  }
0x32a: {  	v58 =	vadd.s32 v15, v47;
	[tilespmem:v61+s23+$0x0] =	vst.idx.msk $0xffff, v49  }
0x32b: {  	v59 =	vadd.s32 v15, v46;
	[tilespmem:v50+s23+$0x0] =	vst.idx.msk $0xffff, v54  }
0x32c: {  	v60 =	vadd.s32 v15, v43;
	[tilespmem:v62+s23+$0x0] =	vst.idx.msk $0xffff, v55  }
0x32d: {  	v61 =	vadd.s32 v15, v42;
	[tilespmem:v63+s23+$0x0] =	vst.idx.msk $0xffff, v56  }
0x32e: {  	v62 =	vadd.s32 v15, v45;
	v53 =	vld.idx.msk [tilespmem:v57+s15+$0x0], $0xffff  }
0x32f: {  	v63 =	vadd.s32 v15, v44;
	v49 =	vld.idx.msk [tilespmem:v58+s15+$0x0], $0xffff  }
0x330: {  	v56 =	vadd.s32 v15, v41;
	v50 =	vld.idx.msk [tilespmem:v59+s15+$0x0], $0xffff;
	v57 =	vadd.s32 $0x460, v40  }
0x331: {  	v58 =	vadd.s32 $0x460, v39;
	v54 =	vld.idx.msk [tilespmem:v60+s15+$0x0], $0xffff  }
0x332: {  	v59 =	vadd.s32 $0x460, v38;
	v55 =	vld.idx.msk [tilespmem:v61+s15+$0x0], $0xffff  }
0x333: {  	v60 =	vadd.s32 $0x460, v33;
	v51 =	vld.idx.msk [tilespmem:v62+s15+$0x0], $0xffff  }
0x334: {  	v61 =	vadd.s32 $0x460, v34;
	v52 =	vld.idx.msk [tilespmem:v63+s15+$0x0], $0xffff  }
0x335: {  	v56 =	vld.idx.msk [tilespmem:v56+s15+$0x0], $0xffff;
	[tilespmem:v57+s23+$0x0] =	vst.idx.msk $0xffff, v53;
	v53 =	vadd.s32 $0x460, v35  }
0x336: {  	v62 =	vadd.s32 $0x460, v36;
	[tilespmem:v58+s23+$0x0] =	vst.idx.msk $0xffff, v49  }
0x337: {  	v63 =	vadd.s32 $0x460, v37;
	[tilespmem:v59+s23+$0x0] =	vst.idx.msk $0xffff, v50  }
0x338: {  	v57 =	vadd.s32 v16, v48;
	[tilespmem:v60+s23+$0x0] =	vst.idx.msk $0xffff, v51  }
0x339: {  	v58 =	vadd.s32 v16, v47;
	[tilespmem:v61+s23+$0x0] =	vst.idx.msk $0xffff, v52  }
0x33a: {  	v59 =	vadd.s32 v16, v46;
	[tilespmem:v53+s23+$0x0] =	vst.idx.msk $0xffff, v54  }
0x33b: {  	v60 =	vadd.s32 v16, v43;
	[tilespmem:v62+s23+$0x0] =	vst.idx.msk $0xffff, v55  }
0x33c: {  	v61 =	vadd.s32 v16, v42;
	[tilespmem:v63+s23+$0x0] =	vst.idx.msk $0xffff, v56  }
0x33d: {  	v62 =	vadd.s32 v16, v45;
	v51 =	vld.idx.msk [tilespmem:v57+s15+$0x0], $0xffff  }
0x33e: {  	v63 =	vadd.s32 v16, v44;
	v52 =	vld.idx.msk [tilespmem:v58+s15+$0x0], $0xffff  }
0x33f: {  	v56 =	vadd.s32 v16, v41;
	v53 =	vld.idx.msk [tilespmem:v59+s15+$0x0], $0xffff;
	v57 =	vadd.s32 $0x470, v40  }
0x340: {  	v58 =	vadd.s32 $0x470, v39;
	v54 =	vld.idx.msk [tilespmem:v60+s15+$0x0], $0xffff  }
0x341: {  	v59 =	vadd.s32 $0x470, v38;
	v55 =	vld.idx.msk [tilespmem:v61+s15+$0x0], $0xffff  }
0x342: {  	v60 =	vadd.s32 $0x470, v33;
	v49 =	vld.idx.msk [tilespmem:v62+s15+$0x0], $0xffff  }
0x343: {  	v61 =	vadd.s32 $0x470, v34;
	v50 =	vld.idx.msk [tilespmem:v63+s15+$0x0], $0xffff  }
0x344: {  	v56 =	vld.idx.msk [tilespmem:v56+s15+$0x0], $0xffff;
	[tilespmem:v57+s23+$0x0] =	vst.idx.msk $0xffff, v51;
	v51 =	vadd.s32 $0x470, v35  }
0x345: {  	v62 =	vadd.s32 $0x470, v36;
	[tilespmem:v58+s23+$0x0] =	vst.idx.msk $0xffff, v52  }
0x346: {  	v63 =	vadd.s32 $0x470, v37;
	[tilespmem:v59+s23+$0x0] =	vst.idx.msk $0xffff, v53  }
0x347: {  	v57 =	vadd.s32 v17, v48;
	[tilespmem:v60+s23+$0x0] =	vst.idx.msk $0xffff, v49  }
0x348: {  	v58 =	vadd.s32 v17, v47;
	[tilespmem:v61+s23+$0x0] =	vst.idx.msk $0xffff, v50  }
0x349: {  	v59 =	vadd.s32 v17, v46;
	[tilespmem:v51+s23+$0x0] =	vst.idx.msk $0xffff, v54  }
0x34a: {  	v60 =	vadd.s32 v17, v43;
	[tilespmem:v62+s23+$0x0] =	vst.idx.msk $0xffff, v55  }
0x34b: {  	v61 =	vadd.s32 v17, v42;
	[tilespmem:v63+s23+$0x0] =	vst.idx.msk $0xffff, v56  }
0x34c: {  	v62 =	vadd.s32 v17, v45;
	v49 =	vld.idx.msk [tilespmem:v57+s15+$0x0], $0xffff  }
0x34d: {  	v63 =	vadd.s32 v17, v44;
	v50 =	vld.idx.msk [tilespmem:v58+s15+$0x0], $0xffff  }
0x34e: {  	v56 =	vadd.s32 v17, v41;
	v51 =	vld.idx.msk [tilespmem:v59+s15+$0x0], $0xffff;
	v57 =	vadd.s32 $0x800, v40  }
0x34f: {  	v58 =	vadd.s32 $0x800, v39;
	v54 =	vld.idx.msk [tilespmem:v60+s15+$0x0], $0xffff  }
0x350: {  	v59 =	vadd.s32 $0x800, v38;
	v55 =	vld.idx.msk [tilespmem:v61+s15+$0x0], $0xffff  }
0x351: {  	v60 =	vadd.s32 $0x800, v33;
	v52 =	vld.idx.msk [tilespmem:v62+s15+$0x0], $0xffff  }
0x352: {  	v61 =	vadd.s32 $0x800, v34;
	v53 =	vld.idx.msk [tilespmem:v63+s15+$0x0], $0xffff  }
0x353: {  	v56 =	vld.idx.msk [tilespmem:v56+s15+$0x0], $0xffff;
	[tilespmem:v57+s23+$0x0] =	vst.idx.msk $0xffff, v49;
	v49 =	vadd.s32 $0x800, v35  }
0x354: {  	v62 =	vadd.s32 $0x800, v36;
	[tilespmem:v58+s23+$0x0] =	vst.idx.msk $0xffff, v50  }
0x355: {  	v63 =	vadd.s32 $0x800, v37;
	[tilespmem:v59+s23+$0x0] =	vst.idx.msk $0xffff, v51  }
0x356: {  	v57 =	vadd.s32 v18, v48;
	[tilespmem:v60+s23+$0x0] =	vst.idx.msk $0xffff, v52  }
0x357: {  	v58 =	vadd.s32 v18, v47;
	[tilespmem:v61+s23+$0x0] =	vst.idx.msk $0xffff, v53  }
0x358: {  	v59 =	vadd.s32 v18, v46;
	[tilespmem:v49+s23+$0x0] =	vst.idx.msk $0xffff, v54  }
0x359: {  	v60 =	vadd.s32 v18, v43;
	[tilespmem:v62+s23+$0x0] =	vst.idx.msk $0xffff, v55  }
0x35a: {  	v61 =	vadd.s32 v18, v42;
	[tilespmem:v63+s23+$0x0] =	vst.idx.msk $0xffff, v56  }
0x35b: {  	v62 =	vadd.s32 v18, v45;
	v52 =	vld.idx.msk [tilespmem:v57+s15+$0x0], $0xffff  }
0x35c: {  	v63 =	vadd.s32 v18, v44;
	v53 =	vld.idx.msk [tilespmem:v58+s15+$0x0], $0xffff  }
0x35d: {  	v56 =	vadd.s32 v18, v41;
	v49 =	vld.idx.msk [tilespmem:v59+s15+$0x0], $0xffff;
	v57 =	vadd.s32 $0x810, v40  }
0x35e: {  	v58 =	vadd.s32 $0x810, v39;
	v54 =	vld.idx.msk [tilespmem:v60+s15+$0x0], $0xffff  }
0x35f: {  	v59 =	vadd.s32 $0x810, v38;
	v55 =	vld.idx.msk [tilespmem:v61+s15+$0x0], $0xffff  }
0x360: {  	v60 =	vadd.s32 $0x810, v33;
	v50 =	vld.idx.msk [tilespmem:v62+s15+$0x0], $0xffff  }
0x361: {  	v61 =	vadd.s32 $0x810, v34;
	v51 =	vld.idx.msk [tilespmem:v63+s15+$0x0], $0xffff  }
0x362: {  	v56 =	vld.idx.msk [tilespmem:v56+s15+$0x0], $0xffff;
	[tilespmem:v57+s23+$0x0] =	vst.idx.msk $0xffff, v52;
	v52 =	vadd.s32 $0x810, v35  }
0x363: {  	v62 =	vadd.s32 $0x810, v36;
	[tilespmem:v58+s23+$0x0] =	vst.idx.msk $0xffff, v53  }
0x364: {  	v63 =	vadd.s32 $0x810, v37;
	[tilespmem:v59+s23+$0x0] =	vst.idx.msk $0xffff, v49  }
0x365: {  	v57 =	vadd.s32 v19, v48;
	[tilespmem:v60+s23+$0x0] =	vst.idx.msk $0xffff, v50  }
0x366: {  	v58 =	vadd.s32 v19, v47;
	[tilespmem:v61+s23+$0x0] =	vst.idx.msk $0xffff, v51  }
0x367: {  	v59 =	vadd.s32 v19, v46;
	[tilespmem:v52+s23+$0x0] =	vst.idx.msk $0xffff, v54  }
0x368: {  	v60 =	vadd.s32 v19, v43;
	[tilespmem:v62+s23+$0x0] =	vst.idx.msk $0xffff, v55  }
0x369: {  	v61 =	vadd.s32 v19, v42;
	[tilespmem:v63+s23+$0x0] =	vst.idx.msk $0xffff, v56  }
0x36a: {  	v62 =	vadd.s32 v19, v45;
	v50 =	vld.idx.msk [tilespmem:v57+s15+$0x0], $0xffff  }
0x36b: {  	v63 =	vadd.s32 v19, v44;
	v51 =	vld.idx.msk [tilespmem:v58+s15+$0x0], $0xffff  }
0x36c: {  	v56 =	vadd.s32 v19, v41;
	v52 =	vld.idx.msk [tilespmem:v59+s15+$0x0], $0xffff;
	v57 =	vadd.s32 $0x820, v40  }
0x36d: {  	v58 =	vadd.s32 $0x820, v39;
	v54 =	vld.idx.msk [tilespmem:v60+s15+$0x0], $0xffff  }
0x36e: {  	v59 =	vadd.s32 $0x820, v38;
	v55 =	vld.idx.msk [tilespmem:v61+s15+$0x0], $0xffff  }
0x36f: {  	v60 =	vadd.s32 $0x820, v33;
	v53 =	vld.idx.msk [tilespmem:v62+s15+$0x0], $0xffff  }
0x370: {  	v61 =	vadd.s32 $0x820, v34;
	v49 =	vld.idx.msk [tilespmem:v63+s15+$0x0], $0xffff  }
0x371: {  	v56 =	vld.idx.msk [tilespmem:v56+s15+$0x0], $0xffff;
	[tilespmem:v57+s23+$0x0] =	vst.idx.msk $0xffff, v50;
	v50 =	vadd.s32 $0x820, v35  }
0x372: {  	v62 =	vadd.s32 $0x820, v36;
	[tilespmem:v58+s23+$0x0] =	vst.idx.msk $0xffff, v51  }
0x373: {  	v63 =	vadd.s32 $0x820, v37;
	[tilespmem:v59+s23+$0x0] =	vst.idx.msk $0xffff, v52  }
0x374: {  	v57 =	vadd.s32 v20, v48;
	[tilespmem:v60+s23+$0x0] =	vst.idx.msk $0xffff, v53  }
0x375: {  	v58 =	vadd.s32 v20, v47;
	[tilespmem:v61+s23+$0x0] =	vst.idx.msk $0xffff, v49  }
0x376: {  	v59 =	vadd.s32 v20, v46;
	[tilespmem:v50+s23+$0x0] =	vst.idx.msk $0xffff, v54  }
0x377: {  	v60 =	vadd.s32 v20, v43;
	[tilespmem:v62+s23+$0x0] =	vst.idx.msk $0xffff, v55  }
0x378: {  	v61 =	vadd.s32 v20, v42;
	[tilespmem:v63+s23+$0x0] =	vst.idx.msk $0xffff, v56  }
0x379: {  	v62 =	vadd.s32 v20, v45;
	v53 =	vld.idx.msk [tilespmem:v57+s15+$0x0], $0xffff  }
0x37a: {  	v63 =	vadd.s32 v20, v44;
	v49 =	vld.idx.msk [tilespmem:v58+s15+$0x0], $0xffff  }
0x37b: {  	v56 =	vadd.s32 v20, v41;
	v50 =	vld.idx.msk [tilespmem:v59+s15+$0x0], $0xffff;
	v57 =	vadd.s32 $0x830, v40  }
0x37c: {  	v58 =	vadd.s32 $0x830, v39;
	v54 =	vld.idx.msk [tilespmem:v60+s15+$0x0], $0xffff  }
0x37d: {  	v59 =	vadd.s32 $0x830, v38;
	v55 =	vld.idx.msk [tilespmem:v61+s15+$0x0], $0xffff  }
0x37e: {  	v60 =	vadd.s32 $0x830, v33;
	v51 =	vld.idx.msk [tilespmem:v62+s15+$0x0], $0xffff  }
0x37f: {  	v61 =	vadd.s32 $0x830, v34;
	v52 =	vld.idx.msk [tilespmem:v63+s15+$0x0], $0xffff  }
0x380: {  	v56 =	vld.idx.msk [tilespmem:v56+s15+$0x0], $0xffff;
	[tilespmem:v57+s23+$0x0] =	vst.idx.msk $0xffff, v53;
	v53 =	vadd.s32 $0x830, v35  }
0x381: {  	v62 =	vadd.s32 $0x830, v36;
	[tilespmem:v58+s23+$0x0] =	vst.idx.msk $0xffff, v49  }
0x382: {  	v63 =	vadd.s32 $0x830, v37;
	[tilespmem:v59+s23+$0x0] =	vst.idx.msk $0xffff, v50  }
0x383: {  	v57 =	vadd.s32 v21, v48;
	[tilespmem:v60+s23+$0x0] =	vst.idx.msk $0xffff, v51  }
0x384: {  	v58 =	vadd.s32 v21, v47;
	[tilespmem:v61+s23+$0x0] =	vst.idx.msk $0xffff, v52  }
0x385: {  	v59 =	vadd.s32 v21, v46;
	[tilespmem:v53+s23+$0x0] =	vst.idx.msk $0xffff, v54  }
0x386: {  	v60 =	vadd.s32 v21, v43;
	[tilespmem:v62+s23+$0x0] =	vst.idx.msk $0xffff, v55  }
0x387: {  	v61 =	vadd.s32 v21, v42;
	[tilespmem:v63+s23+$0x0] =	vst.idx.msk $0xffff, v56  }
0x388: {  	v62 =	vadd.s32 v21, v45;
	v51 =	vld.idx.msk [tilespmem:v57+s15+$0x0], $0xffff  }
0x389: {  	v63 =	vadd.s32 v21, v44;
	v52 =	vld.idx.msk [tilespmem:v58+s15+$0x0], $0xffff  }
0x38a: {  	v56 =	vadd.s32 v21, v41;
	v53 =	vld.idx.msk [tilespmem:v59+s15+$0x0], $0xffff;
	v57 =	vadd.s32 $0x840, v40  }
0x38b: {  	v58 =	vadd.s32 $0x840, v39;
	v54 =	vld.idx.msk [tilespmem:v60+s15+$0x0], $0xffff  }
0x38c: {  	v59 =	vadd.s32 $0x840, v38;
	v55 =	vld.idx.msk [tilespmem:v61+s15+$0x0], $0xffff  }
0x38d: {  	v60 =	vadd.s32 $0x840, v33;
	v49 =	vld.idx.msk [tilespmem:v62+s15+$0x0], $0xffff  }
0x38e: {  	v61 =	vadd.s32 $0x840, v34;
	v50 =	vld.idx.msk [tilespmem:v63+s15+$0x0], $0xffff  }
0x38f: {  	v56 =	vld.idx.msk [tilespmem:v56+s15+$0x0], $0xffff;
	[tilespmem:v57+s23+$0x0] =	vst.idx.msk $0xffff, v51;
	v51 =	vadd.s32 $0x840, v35  }
0x390: {  	v62 =	vadd.s32 $0x840, v36;
	[tilespmem:v58+s23+$0x0] =	vst.idx.msk $0xffff, v52  }
0x391: {  	v63 =	vadd.s32 $0x840, v37;
	[tilespmem:v59+s23+$0x0] =	vst.idx.msk $0xffff, v53  }
0x392: {  	v57 =	vadd.s32 v22, v48;
	[tilespmem:v60+s23+$0x0] =	vst.idx.msk $0xffff, v49  }
0x393: {  	v58 =	vadd.s32 v22, v47;
	[tilespmem:v61+s23+$0x0] =	vst.idx.msk $0xffff, v50  }
0x394: {  	v59 =	vadd.s32 v22, v46;
	[tilespmem:v51+s23+$0x0] =	vst.idx.msk $0xffff, v54  }
0x395: {  	v60 =	vadd.s32 v22, v43;
	[tilespmem:v62+s23+$0x0] =	vst.idx.msk $0xffff, v55  }
0x396: {  	v61 =	vadd.s32 v22, v42;
	[tilespmem:v63+s23+$0x0] =	vst.idx.msk $0xffff, v56  }
0x397: {  	v62 =	vadd.s32 v22, v45;
	v49 =	vld.idx.msk [tilespmem:v57+s15+$0x0], $0xffff  }
0x398: {  	v63 =	vadd.s32 v22, v44;
	v50 =	vld.idx.msk [tilespmem:v58+s15+$0x0], $0xffff  }
0x399: {  	v56 =	vadd.s32 v22, v41;
	v51 =	vld.idx.msk [tilespmem:v59+s15+$0x0], $0xffff;
	v57 =	vadd.s32 $0x850, v40  }
0x39a: {  	v58 =	vadd.s32 $0x850, v39;
	v54 =	vld.idx.msk [tilespmem:v60+s15+$0x0], $0xffff  }
0x39b: {  	v59 =	vadd.s32 $0x850, v38;
	v55 =	vld.idx.msk [tilespmem:v61+s15+$0x0], $0xffff  }
0x39c: {  	v60 =	vadd.s32 $0x850, v33;
	v52 =	vld.idx.msk [tilespmem:v62+s15+$0x0], $0xffff  }
0x39d: {  	v61 =	vadd.s32 $0x850, v34;
	v53 =	vld.idx.msk [tilespmem:v63+s15+$0x0], $0xffff  }
0x39e: {  	v56 =	vld.idx.msk [tilespmem:v56+s15+$0x0], $0xffff;
	[tilespmem:v57+s23+$0x0] =	vst.idx.msk $0xffff, v49;
	v49 =	vadd.s32 $0x850, v35  }
0x39f: {  	v62 =	vadd.s32 $0x850, v36;
	[tilespmem:v58+s23+$0x0] =	vst.idx.msk $0xffff, v50  }
0x3a0: {  	v63 =	vadd.s32 $0x850, v37;
	[tilespmem:v59+s23+$0x0] =	vst.idx.msk $0xffff, v51  }
0x3a1: {  	v57 =	vadd.s32 v23, v48;
	[tilespmem:v60+s23+$0x0] =	vst.idx.msk $0xffff, v52  }
0x3a2: {  	v58 =	vadd.s32 v23, v47;
	[tilespmem:v61+s23+$0x0] =	vst.idx.msk $0xffff, v53  }
0x3a3: {  	v59 =	vadd.s32 v23, v46;
	[tilespmem:v49+s23+$0x0] =	vst.idx.msk $0xffff, v54  }
0x3a4: {  	v60 =	vadd.s32 v23, v43;
	[tilespmem:v62+s23+$0x0] =	vst.idx.msk $0xffff, v55  }
0x3a5: {  	v61 =	vadd.s32 v23, v42;
	[tilespmem:v63+s23+$0x0] =	vst.idx.msk $0xffff, v56  }
0x3a6: {  	v62 =	vadd.s32 v23, v45;
	v52 =	vld.idx.msk [tilespmem:v57+s15+$0x0], $0xffff  }
0x3a7: {  	v63 =	vadd.s32 v23, v44;
	v53 =	vld.idx.msk [tilespmem:v58+s15+$0x0], $0xffff  }
0x3a8: {  	v56 =	vadd.s32 v23, v41;
	v49 =	vld.idx.msk [tilespmem:v59+s15+$0x0], $0xffff;
	v57 =	vadd.s32 $0x860, v40  }
0x3a9: {  	v58 =	vadd.s32 $0x860, v39;
	v54 =	vld.idx.msk [tilespmem:v60+s15+$0x0], $0xffff  }
0x3aa: {  	v59 =	vadd.s32 $0x860, v38;
	v55 =	vld.idx.msk [tilespmem:v61+s15+$0x0], $0xffff  }
0x3ab: {  	v60 =	vadd.s32 $0x860, v33;
	v50 =	vld.idx.msk [tilespmem:v62+s15+$0x0], $0xffff  }
0x3ac: {  	v61 =	vadd.s32 $0x860, v34;
	v51 =	vld.idx.msk [tilespmem:v63+s15+$0x0], $0xffff  }
0x3ad: {  	v56 =	vld.idx.msk [tilespmem:v56+s15+$0x0], $0xffff;
	[tilespmem:v57+s23+$0x0] =	vst.idx.msk $0xffff, v52;
	v52 =	vadd.s32 $0x860, v35  }
0x3ae: {  	v62 =	vadd.s32 $0x860, v36;
	[tilespmem:v58+s23+$0x0] =	vst.idx.msk $0xffff, v53  }
0x3af: {  	v63 =	vadd.s32 $0x860, v37;
	[tilespmem:v59+s23+$0x0] =	vst.idx.msk $0xffff, v49  }
0x3b0: {  	v57 =	vadd.s32 v24, v48;
	[tilespmem:v60+s23+$0x0] =	vst.idx.msk $0xffff, v50  }
0x3b1: {  	v58 =	vadd.s32 v24, v47;
	[tilespmem:v61+s23+$0x0] =	vst.idx.msk $0xffff, v51  }
0x3b2: {  	v59 =	vadd.s32 v24, v46;
	[tilespmem:v52+s23+$0x0] =	vst.idx.msk $0xffff, v54  }
0x3b3: {  	v60 =	vadd.s32 v24, v43;
	[tilespmem:v62+s23+$0x0] =	vst.idx.msk $0xffff, v55  }
0x3b4: {  	v61 =	vadd.s32 v24, v42;
	[tilespmem:v63+s23+$0x0] =	vst.idx.msk $0xffff, v56  }
0x3b5: {  	v62 =	vadd.s32 v24, v45;
	v50 =	vld.idx.msk [tilespmem:v57+s15+$0x0], $0xffff  }
0x3b6: {  	v63 =	vadd.s32 v24, v44;
	v51 =	vld.idx.msk [tilespmem:v58+s15+$0x0], $0xffff  }
0x3b7: {  	v56 =	vadd.s32 v24, v41;
	v52 =	vld.idx.msk [tilespmem:v59+s15+$0x0], $0xffff;
	v57 =	vadd.s32 $0x870, v40  }
0x3b8: {  	v58 =	vadd.s32 $0x870, v39;
	v54 =	vld.idx.msk [tilespmem:v60+s15+$0x0], $0xffff  }
0x3b9: {  	v59 =	vadd.s32 $0x870, v38;
	v55 =	vld.idx.msk [tilespmem:v61+s15+$0x0], $0xffff  }
0x3ba: {  	v60 =	vadd.s32 $0x870, v33;
	v53 =	vld.idx.msk [tilespmem:v62+s15+$0x0], $0xffff  }
0x3bb: {  	v61 =	vadd.s32 $0x870, v34;
	v49 =	vld.idx.msk [tilespmem:v63+s15+$0x0], $0xffff  }
0x3bc: {  	v56 =	vld.idx.msk [tilespmem:v56+s15+$0x0], $0xffff;
	[tilespmem:v57+s23+$0x0] =	vst.idx.msk $0xffff, v50;
	v50 =	vadd.s32 $0x870, v35  }
0x3bd: {  	v62 =	vadd.s32 $0x870, v36;
	[tilespmem:v58+s23+$0x0] =	vst.idx.msk $0xffff, v51  }
0x3be: {  	v63 =	vadd.s32 $0x870, v37;
	[tilespmem:v59+s23+$0x0] =	vst.idx.msk $0xffff, v52  }
0x3bf: {  	v57 =	vadd.s32 v25, v48;
	[tilespmem:v60+s23+$0x0] =	vst.idx.msk $0xffff, v53  }
0x3c0: {  	v58 =	vadd.s32 v25, v47;
	[tilespmem:v61+s23+$0x0] =	vst.idx.msk $0xffff, v49  }
0x3c1: {  	v59 =	vadd.s32 v25, v46;
	[tilespmem:v50+s23+$0x0] =	vst.idx.msk $0xffff, v54  }
0x3c2: {  	v60 =	vadd.s32 v25, v43;
	[tilespmem:v62+s23+$0x0] =	vst.idx.msk $0xffff, v55  }
0x3c3: {  	v61 =	vadd.s32 v25, v42;
	[tilespmem:v63+s23+$0x0] =	vst.idx.msk $0xffff, v56  }
0x3c4: {  	v62 =	vadd.s32 v25, v45;
	v53 =	vld.idx.msk [tilespmem:v57+s15+$0x0], $0xffff  }
0x3c5: {  	v63 =	vadd.s32 v25, v44;
	v49 =	vld.idx.msk [tilespmem:v58+s15+$0x0], $0xffff  }
0x3c6: {  	v56 =	vadd.s32 v25, v41;
	v50 =	vld.idx.msk [tilespmem:v59+s15+$0x0], $0xffff;
	v57 =	vadd.s32 $0xC00, v40  }
0x3c7: {  	v58 =	vadd.s32 $0xC00, v39;
	v54 =	vld.idx.msk [tilespmem:v60+s15+$0x0], $0xffff  }
0x3c8: {  	v59 =	vadd.s32 $0xC00, v38;
	v55 =	vld.idx.msk [tilespmem:v61+s15+$0x0], $0xffff  }
0x3c9: {  	v60 =	vadd.s32 $0xC00, v33;
	v51 =	vld.idx.msk [tilespmem:v62+s15+$0x0], $0xffff  }
0x3ca: {  	v61 =	vadd.s32 $0xC00, v34;
	v52 =	vld.idx.msk [tilespmem:v63+s15+$0x0], $0xffff  }
0x3cb: {  	v56 =	vld.idx.msk [tilespmem:v56+s15+$0x0], $0xffff;
	[tilespmem:v57+s23+$0x0] =	vst.idx.msk $0xffff, v53;
	v53 =	vadd.s32 $0xC00, v35  }
0x3cc: {  	v62 =	vadd.s32 $0xC00, v36;
	[tilespmem:v58+s23+$0x0] =	vst.idx.msk $0xffff, v49  }
0x3cd: {  	v63 =	vadd.s32 $0xC00, v37;
	[tilespmem:v59+s23+$0x0] =	vst.idx.msk $0xffff, v50  }
0x3ce: {  	v57 =	vadd.s32 v26, v48;
	[tilespmem:v60+s23+$0x0] =	vst.idx.msk $0xffff, v51  }
0x3cf: {  	v58 =	vadd.s32 v26, v47;
	[tilespmem:v61+s23+$0x0] =	vst.idx.msk $0xffff, v52  }
0x3d0: {  	v59 =	vadd.s32 v26, v46;
	[tilespmem:v53+s23+$0x0] =	vst.idx.msk $0xffff, v54  }
0x3d1: {  	v60 =	vadd.s32 v26, v43;
	[tilespmem:v62+s23+$0x0] =	vst.idx.msk $0xffff, v55  }
0x3d2: {  	v61 =	vadd.s32 v26, v42;
	[tilespmem:v63+s23+$0x0] =	vst.idx.msk $0xffff, v56  }
0x3d3: {  	v62 =	vadd.s32 v26, v45;
	v51 =	vld.idx.msk [tilespmem:v57+s15+$0x0], $0xffff  }
0x3d4: {  	v63 =	vadd.s32 v26, v44;
	v52 =	vld.idx.msk [tilespmem:v58+s15+$0x0], $0xffff  }
0x3d5: {  	v56 =	vadd.s32 v26, v41;
	v53 =	vld.idx.msk [tilespmem:v59+s15+$0x0], $0xffff;
	v57 =	vadd.s32 $0xC10, v40  }
0x3d6: {  	v58 =	vadd.s32 $0xC10, v39;
	v54 =	vld.idx.msk [tilespmem:v60+s15+$0x0], $0xffff  }
0x3d7: {  	v59 =	vadd.s32 $0xC10, v38;
	v55 =	vld.idx.msk [tilespmem:v61+s15+$0x0], $0xffff  }
0x3d8: {  	v60 =	vadd.s32 $0xC10, v33;
	v49 =	vld.idx.msk [tilespmem:v62+s15+$0x0], $0xffff  }
0x3d9: {  	v61 =	vadd.s32 $0xC10, v34;
	v50 =	vld.idx.msk [tilespmem:v63+s15+$0x0], $0xffff  }
0x3da: {  	v56 =	vld.idx.msk [tilespmem:v56+s15+$0x0], $0xffff;
	[tilespmem:v57+s23+$0x0] =	vst.idx.msk $0xffff, v51;
	v51 =	vadd.s32 $0xC10, v35  }
0x3db: {  	v62 =	vadd.s32 $0xC10, v36;
	[tilespmem:v58+s23+$0x0] =	vst.idx.msk $0xffff, v52  }
0x3dc: {  	v63 =	vadd.s32 $0xC10, v37;
	[tilespmem:v59+s23+$0x0] =	vst.idx.msk $0xffff, v53  }
0x3dd: {  	v57 =	vadd.s32 v27, v48;
	[tilespmem:v60+s23+$0x0] =	vst.idx.msk $0xffff, v49  }
0x3de: {  	v58 =	vadd.s32 v27, v47;
	[tilespmem:v61+s23+$0x0] =	vst.idx.msk $0xffff, v50  }
0x3df: {  	v59 =	vadd.s32 v27, v46;
	[tilespmem:v51+s23+$0x0] =	vst.idx.msk $0xffff, v54  }
0x3e0: {  	v60 =	vadd.s32 v27, v43;
	[tilespmem:v62+s23+$0x0] =	vst.idx.msk $0xffff, v55  }
0x3e1: {  	v61 =	vadd.s32 v27, v42;
	[tilespmem:v63+s23+$0x0] =	vst.idx.msk $0xffff, v56  }
0x3e2: {  	v62 =	vadd.s32 v27, v45;
	v49 =	vld.idx.msk [tilespmem:v57+s15+$0x0], $0xffff  }
0x3e3: {  	v63 =	vadd.s32 v27, v44;
	v50 =	vld.idx.msk [tilespmem:v58+s15+$0x0], $0xffff  }
0x3e4: {  	v56 =	vadd.s32 v27, v41;
	v51 =	vld.idx.msk [tilespmem:v59+s15+$0x0], $0xffff;
	v57 =	vadd.s32 $0xC20, v40  }
0x3e5: {  	v58 =	vadd.s32 $0xC20, v39;
	v54 =	vld.idx.msk [tilespmem:v60+s15+$0x0], $0xffff  }
0x3e6: {  	v59 =	vadd.s32 $0xC20, v38;
	v55 =	vld.idx.msk [tilespmem:v61+s15+$0x0], $0xffff  }
0x3e7: {  	v60 =	vadd.s32 $0xC20, v33;
	v52 =	vld.idx.msk [tilespmem:v62+s15+$0x0], $0xffff  }
0x3e8: {  	v61 =	vadd.s32 $0xC20, v34;
	v53 =	vld.idx.msk [tilespmem:v63+s15+$0x0], $0xffff  }
0x3e9: {  	v56 =	vld.idx.msk [tilespmem:v56+s15+$0x0], $0xffff;
	[tilespmem:v57+s23+$0x0] =	vst.idx.msk $0xffff, v49;
	v49 =	vadd.s32 $0xC20, v35  }
0x3ea: {  	v62 =	vadd.s32 $0xC20, v36;
	[tilespmem:v58+s23+$0x0] =	vst.idx.msk $0xffff, v50  }
0x3eb: {  	v63 =	vadd.s32 $0xC20, v37;
	[tilespmem:v59+s23+$0x0] =	vst.idx.msk $0xffff, v51  }
0x3ec: {  	v57 =	vadd.s32 v28, v48;
	[tilespmem:v60+s23+$0x0] =	vst.idx.msk $0xffff, v52  }
0x3ed: {  	v58 =	vadd.s32 v28, v47;
	[tilespmem:v61+s23+$0x0] =	vst.idx.msk $0xffff, v53  }
0x3ee: {  	v59 =	vadd.s32 v28, v46;
	[tilespmem:v49+s23+$0x0] =	vst.idx.msk $0xffff, v54  }
0x3ef: {  	v60 =	vadd.s32 v28, v43;
	[tilespmem:v62+s23+$0x0] =	vst.idx.msk $0xffff, v55  }
0x3f0: {  	v61 =	vadd.s32 v28, v42;
	[tilespmem:v63+s23+$0x0] =	vst.idx.msk $0xffff, v56  }
0x3f1: {  	v62 =	vadd.s32 v28, v45;
	v52 =	vld.idx.msk [tilespmem:v57+s15+$0x0], $0xffff  }
0x3f2: {  	v63 =	vadd.s32 v28, v44;
	v53 =	vld.idx.msk [tilespmem:v58+s15+$0x0], $0xffff  }
0x3f3: {  	v56 =	vadd.s32 v28, v41;
	v49 =	vld.idx.msk [tilespmem:v59+s15+$0x0], $0xffff;
	v57 =	vadd.s32 $0xC30, v40  }
0x3f4: {  	v58 =	vadd.s32 $0xC30, v39;
	v54 =	vld.idx.msk [tilespmem:v60+s15+$0x0], $0xffff  }
0x3f5: {  	v59 =	vadd.s32 $0xC30, v38;
	v55 =	vld.idx.msk [tilespmem:v61+s15+$0x0], $0xffff  }
0x3f6: {  	v60 =	vadd.s32 $0xC30, v33;
	v50 =	vld.idx.msk [tilespmem:v62+s15+$0x0], $0xffff  }
0x3f7: {  	v61 =	vadd.s32 $0xC30, v34;
	v51 =	vld.idx.msk [tilespmem:v63+s15+$0x0], $0xffff  }
0x3f8: {  	v56 =	vld.idx.msk [tilespmem:v56+s15+$0x0], $0xffff;
	[tilespmem:v57+s23+$0x0] =	vst.idx.msk $0xffff, v52;
	v52 =	vadd.s32 $0xC30, v35  }
0x3f9: {  	v62 =	vadd.s32 $0xC30, v36;
	[tilespmem:v58+s23+$0x0] =	vst.idx.msk $0xffff, v53  }
0x3fa: {  	v63 =	vadd.s32 $0xC30, v37;
	[tilespmem:v59+s23+$0x0] =	vst.idx.msk $0xffff, v49  }
0x3fb: {  	v57 =	vadd.s32 v29, v48;
	[tilespmem:v60+s23+$0x0] =	vst.idx.msk $0xffff, v50  }
0x3fc: {  	v58 =	vadd.s32 v29, v47;
	[tilespmem:v61+s23+$0x0] =	vst.idx.msk $0xffff, v51  }
0x3fd: {  	v59 =	vadd.s32 v29, v46;
	[tilespmem:v52+s23+$0x0] =	vst.idx.msk $0xffff, v54  }
0x3fe: {  	v60 =	vadd.s32 v29, v43;
	[tilespmem:v62+s23+$0x0] =	vst.idx.msk $0xffff, v55  }
0x3ff: {  	v61 =	vadd.s32 v29, v42;
	[tilespmem:v63+s23+$0x0] =	vst.idx.msk $0xffff, v56  }
0x400: {  	v62 =	vadd.s32 v29, v45;
	v50 =	vld.idx.msk [tilespmem:v57+s15+$0x0], $0xffff  }
0x401: {  	v63 =	vadd.s32 v29, v44;
	v51 =	vld.idx.msk [tilespmem:v58+s15+$0x0], $0xffff  }
0x402: {  	v56 =	vadd.s32 v29, v41;
	v52 =	vld.idx.msk [tilespmem:v59+s15+$0x0], $0xffff;
	v57 =	vadd.s32 $0xC40, v40  }
0x403: {  	v58 =	vadd.s32 $0xC40, v39;
	v54 =	vld.idx.msk [tilespmem:v60+s15+$0x0], $0xffff  }
0x404: {  	v59 =	vadd.s32 $0xC40, v38;
	v55 =	vld.idx.msk [tilespmem:v61+s15+$0x0], $0xffff  }
0x405: {  	v60 =	vadd.s32 $0xC40, v33;
	v53 =	vld.idx.msk [tilespmem:v62+s15+$0x0], $0xffff  }
0x406: {  	v61 =	vadd.s32 $0xC40, v34;
	v49 =	vld.idx.msk [tilespmem:v63+s15+$0x0], $0xffff  }
0x407: {  	v56 =	vld.idx.msk [tilespmem:v56+s15+$0x0], $0xffff;
	[tilespmem:v57+s23+$0x0] =	vst.idx.msk $0xffff, v50;
	v50 =	vadd.s32 $0xC40, v35  }
0x408: {  	v62 =	vadd.s32 $0xC40, v36;
	[tilespmem:v58+s23+$0x0] =	vst.idx.msk $0xffff, v51  }
0x409: {  	v63 =	vadd.s32 $0xC40, v37;
	[tilespmem:v59+s23+$0x0] =	vst.idx.msk $0xffff, v52  }
0x40a: {  	v57 =	vadd.s32 v30, v48;
	[tilespmem:v60+s23+$0x0] =	vst.idx.msk $0xffff, v53  }
0x40b: {  	v58 =	vadd.s32 v30, v47;
	[tilespmem:v61+s23+$0x0] =	vst.idx.msk $0xffff, v49  }
0x40c: {  	v59 =	vadd.s32 v30, v46;
	[tilespmem:v50+s23+$0x0] =	vst.idx.msk $0xffff, v54  }
0x40d: {  	v60 =	vadd.s32 v30, v43;
	[tilespmem:v62+s23+$0x0] =	vst.idx.msk $0xffff, v55  }
0x40e: {  	v61 =	vadd.s32 v30, v42;
	[tilespmem:v63+s23+$0x0] =	vst.idx.msk $0xffff, v56  }
0x40f: {  	v62 =	vadd.s32 v30, v45;
	v53 =	vld.idx.msk [tilespmem:v57+s15+$0x0], $0xffff  }
0x410: {  	v63 =	vadd.s32 v30, v44;
	v49 =	vld.idx.msk [tilespmem:v58+s15+$0x0], $0xffff  }
0x411: {  	v56 =	vadd.s32 v30, v41;
	v50 =	vld.idx.msk [tilespmem:v59+s15+$0x0], $0xffff;
	v57 =	vadd.s32 $0xC50, v40  }
0x412: {  	v58 =	vadd.s32 $0xC50, v39;
	v54 =	vld.idx.msk [tilespmem:v60+s15+$0x0], $0xffff  }
0x413: {  	v59 =	vadd.s32 $0xC50, v38;
	v55 =	vld.idx.msk [tilespmem:v61+s15+$0x0], $0xffff  }
0x414: {  	v60 =	vadd.s32 $0xC50, v33;
	v51 =	vld.idx.msk [tilespmem:v62+s15+$0x0], $0xffff  }
0x415: {  	v61 =	vadd.s32 $0xC50, v34;
	v52 =	vld.idx.msk [tilespmem:v63+s15+$0x0], $0xffff  }
0x416: {  	v56 =	vld.idx.msk [tilespmem:v56+s15+$0x0], $0xffff;
	[tilespmem:v57+s23+$0x0] =	vst.idx.msk $0xffff, v53;
	v53 =	vadd.s32 $0xC50, v35  }
0x417: {  	v62 =	vadd.s32 $0xC50, v36;
	[tilespmem:v58+s23+$0x0] =	vst.idx.msk $0xffff, v49  }
0x418: {  	v63 =	vadd.s32 $0xC50, v37;
	[tilespmem:v59+s23+$0x0] =	vst.idx.msk $0xffff, v50  }
0x419: {  	v57 =	vadd.s32 v31, v48;
	[tilespmem:v60+s23+$0x0] =	vst.idx.msk $0xffff, v51  }
0x41a: {  	v58 =	vadd.s32 v31, v47;
	[tilespmem:v61+s23+$0x0] =	vst.idx.msk $0xffff, v52  }
0x41b: {  	v59 =	vadd.s32 v31, v46;
	[tilespmem:v53+s23+$0x0] =	vst.idx.msk $0xffff, v54  }
0x41c: {  	v60 =	vadd.s32 v31, v45;
	[tilespmem:v62+s23+$0x0] =	vst.idx.msk $0xffff, v55  }
0x41d: {  	v61 =	vadd.s32 v31, v44;
	[tilespmem:v63+s23+$0x0] =	vst.idx.msk $0xffff, v56  }
0x41e: {  	v62 =	vadd.s32 v31, v43;
	v51 =	vld.idx.msk [tilespmem:v57+s15+$0x0], $0xffff  }
0x41f: {  	v63 =	vadd.s32 v31, v42;
	v52 =	vld.idx.msk [tilespmem:v58+s15+$0x0], $0xffff  }
0x420: {  	v56 =	vadd.s32 v31, v41;
	v53 =	vld.idx.msk [tilespmem:v59+s15+$0x0], $0xffff;
	v57 =	vadd.s32 $0xC60, v40  }
0x421: {  	v49 =	vld.idx.msk [tilespmem:v60+s15+$0x0], $0xffff;
	v58 =	vadd.s32 $0xC60, v39  }
0x422: {  	v59 =	vadd.s32 $0xC60, v38;
	v50 =	vld.idx.msk [tilespmem:v61+s15+$0x0], $0xffff  }
0x423: {  	v60 =	vadd.s32 $0xC60, v33;
	v54 =	vld.idx.msk [tilespmem:v62+s15+$0x0], $0xffff  }
0x424: {  	v61 =	vadd.s32 $0xC60, v34;
	v55 =	vld.idx.msk [tilespmem:v63+s15+$0x0], $0xffff  }
0x425: {  	v56 =	vld.idx.msk [tilespmem:v56+s15+$0x0], $0xffff;
	[tilespmem:v57+s23+$0x0] =	vst.idx.msk $0xffff, v51;
	v57 =	vadd.s32 $0xC60, v35  }
0x426: {  	v62 =	vadd.s32 $0xC60, v36;
	[tilespmem:v58+s23+$0x0] =	vst.idx.msk $0xffff, v52  }
0x427: {  	v63 =	vadd.s32 $0xC60, v37;
	[tilespmem:v59+s23+$0x0] =	vst.idx.msk $0xffff, v53  }
0x428: {  	v48 =	vadd.s32 v32, v48;
	[tilespmem:v60+s23+$0x0] =	vst.idx.msk $0xffff, v49  }
0x429: {  	v47 =	vadd.s32 v32, v47;
	[tilespmem:v61+s23+$0x0] =	vst.idx.msk $0xffff, v50  }
0x42a: {  	v46 =	vadd.s32 v32, v46;
	[tilespmem:v57+s23+$0x0] =	vst.idx.msk $0xffff, v54  }
0x42b: {  	v45 =	vadd.s32 v32, v45;
	[tilespmem:v62+s23+$0x0] =	vst.idx.msk $0xffff, v55  }
0x42c: {  	v44 =	vadd.s32 v32, v44;
	[tilespmem:v63+s23+$0x0] =	vst.idx.msk $0xffff, v56  }
0x42d: {  	v43 =	vadd.s32 v32, v43;
	v48 =	vld.idx.msk [tilespmem:v48+s15+$0x0], $0xffff  }
0x42e: {  	v42 =	vadd.s32 v32, v42;
	v47 =	vld.idx.msk [tilespmem:v47+s15+$0x0], $0xffff  }
0x42f: {  	v41 =	vadd.s32 v32, v41;
	v40 =	vadd.s32 $0xC70, v40;
	v46 =	vld.idx.msk [tilespmem:v46+s15+$0x0], $0xffff  }
0x430: {  	v39 =	vadd.s32 $0xC70, v39;
	v45 =	vld.idx.msk [tilespmem:v45+s15+$0x0], $0xffff  }
0x431: {  	v38 =	vadd.s32 $0xC70, v38;
	v44 =	vld.idx.msk [tilespmem:v44+s15+$0x0], $0xffff  }
0x432: {  	v33 =	vadd.s32 $0xC70, v33;
	v43 =	vld.idx.msk [tilespmem:v43+s15+$0x0], $0xffff  }
0x433: {  	v34 =	vadd.s32 $0xC70, v34;
	v42 =	vld.idx.msk [tilespmem:v42+s15+$0x0], $0xffff  }
0x434: {  	v35 =	vadd.s32 $0xC70, v35;
	v41 =	vld.idx.msk [tilespmem:v41+s15+$0x0], $0xffff;
	[tilespmem:v40+s23+$0x0] =	vst.idx.msk $0xffff, v48  }
0x435: {  	v36 =	vadd.s32 $0xC70, v36;
	[tilespmem:v39+s23+$0x0] =	vst.idx.msk $0xffff, v47  }
0x436: {  	p0 =	sne.s32 s0, $0xFFFFFFC0;
	v37 =	vadd.s32 $0xC70, v37;
	[tilespmem:v38+s23+$0x0] =	vst.idx.msk $0xffff, v46  }
.Ltmp5:
0x437: {  	[tilespmem:v33+s23+$0x0] =	vst.idx.msk $0xffff, v45;
	(pc) =	sbr.rel @p0 .LBB2_11-.Ltmp5, $4  }
0x438: {  	[tilespmem:v34+s23+$0x0] =	vst.idx.msk $0xffff, v44  }
0x439: {  	[tilespmem:v35+s23+$0x0] =	vst.idx.msk $0xffff, v43  }
0x43a: {  	[tilespmem:v36+s23+$0x0] =	vst.idx.msk $0xffff, v42  }
0x43b: {  	s0 =	sadd.s32 $0x40, s0;
	[tilespmem:v37+s23+$0x0] =	vst.idx.msk $0xffff, v41  }
0x43c: {  	s0 =	sshll.u32 s31, $0x13  }
0x43d: {  	s0 =	sor.u32 s6, s0  }
0x43e: {  	s0 =	sshrl.u32 s0, $0x3  }
0x43f: {  	s30 =	sadd.s32 $0x1, s30;
	s1 =	sadd.s32 s2, s0  }
0x440: {  	[hbm4b:s1+s3] =	stream.linear.scatter [tilespmem:s23], [sflag:$0x4], $0x1000, $0x38;
	[tilespmem:$0x1CC00] =	vst v63  }
0x441: {  	p0 =	sne.s32 s30, $0x32;
	s31 =	sadd.s32 s0, s7  }
0x442: {  	[hbm4b:s31+s3] =	stream.linear.scatter [tilespmem:s24], [sflag:$0x4], $0x1000, $0x38;
	[tilespmem:$0x1CC00] =	vst v63  }
.Ltmp6:
0x443: {  	_ = 	snop;
	(pc) =	sbr.rel @p0 .LBB2_4-.Ltmp6, $4  }
0x444: {  	s31 =	sadd.s32 s0, s8  }
0x445: {  	[hbm4b:s31+s3] =	stream.linear.scatter [tilespmem:s25], [sflag:$0x4], $0x1000, $0x38;
	[tilespmem:$0x1CC00] =	vst v63  }
0x446: {  	s0 =	sadd.s32 s0, s9  }
0x447: {  	[hbm4b:s0+s3] =	stream.linear.scatter [tilespmem:s26], [sflag:$0x4], $0x1000, $0x38;
	[tilespmem:$0x1CC00] =	vst v63  }
0x448: {  	_ =	swait.ge [sflag:s28], $0x1000  }
0x449: {  	[sflag:s28] =	ssyncset.done $0x0  }
0x44a: {  	[sflag:s28] =	ssyncadd.s32 $0xFFFFF000  }
0x44b: {  	_ =	swait.ge [sflag:s28], $0x1000  }
0x44c: {  	[sflag:s28] =	ssyncset.done $0x0  }
0x44d: {  	[sflag:s28] =	ssyncadd.s32 $0xFFFFF000  }
0x44e: {  	_ =	swait.ge [sflag:s28], $0x1000  }
0x44f: {  	[sflag:s28] =	ssyncset.done $0x0  }
0x450: {  	[sflag:s28] =	ssyncadd.s32 $0xFFFFF000  }
0x451: {  	_ =	swait.ge [sflag:s28], $0x1000  }
0x452: {  	[sflag:s28] =	ssyncset.done $0x0  }
0x453: {  	[sflag:s28] =	ssyncadd.s32 $0xFFFFF000  }
0x454: {  	_ =	swait.ge [sflag:s22], $0x1000  }
0x455: {  	[sflag:s22] =	ssyncset.done $0x0  }
0x456: {  	[sflag:s22] =	ssyncadd.s32 $0xFFFFF000  }
0x457: {  	_ =	swait.ge [sflag:s22], $0x1000  }
0x458: {  	[sflag:s22] =	ssyncset.done $0x0  }
0x459: {  	s29 =	sadd.s32 $0x1, s29;
	[sflag:s22] =	ssyncadd.s32 $0xFFFFF000  }
0x45a: {  	p0 =	sne.s32 s29, s10;
	_ =	swait.ge [sflag:s22], $0x1000  }
.Ltmp7:
0x45b: {  	[sflag:s22] =	ssyncset.done $0x0;
	(pc) =	sbr.rel @p0 .LBB2_1-.Ltmp7, $4  }
0x45c: {  	[sflag:s22] =	ssyncadd.s32 $0xFFFFF000  }
0x45d: {  	_ =	swait.ge [sflag:s22], $0x1000  }
0x45e: {  	[sflag:s22] =	ssyncset.done $0x0  }
0x45f: {  	[sflag:s22] =	ssyncadd.s32 $0xFFFFF000  }
0x460: {  	_ =	sfence.sel $0x180000  }
0x461: {  	[bflag:$0x0] =	sbarrier.arrive $0xFFFF  }
0x462: {  	_ =	strace $0x90000047  }
0x463: {  	s0 =	stileid.u32;
	[bflag:$0x2] =	sbarrier.arrive $0xFFFF  }
0x464: {  	p0 =	sne.s32 s0, $0x0;
	s0 =	rddreg [dreg:$0x2]  }
0x465: {  	s0 =	sadd.s32 @!p0 $0x100000, s0  }
0x466: {  	[sflag:s0] =	ssyncadd.tile.s32 @!p0 $0x1;
	_ =	shalt  }
.Lfunc_end2:
_tile_overlayer_lowered:
.L_overlay_start_2:
0x467: {  	(tag) =	ssettag $0x2  }
0x468: {  	s0 =	rddreg [dreg:$0x0];
	s2 =	stileid.u32  }
0x469: {  	s1 =	rddreg [dreg:$0x1];
	p0 =	sne.s32 s2, $0x0  }
0x46a: {  	s3 =	rddreg [dreg:$0x2];
	[bflag:$0x3] =	sbarrier.arrive $0xFFFF;
	s2 =	simm.s32 @!p0 $0x1C05  }
0x46b: {  	[timem:s3], [sflag:s2] =	dma.local @!p0 [hbm:s0], s1  }
0x46c: {  	s0 =	simm.s32 @!p0 $0x5  }
0x46d: {  	_ =	swait.ge @!p0 [sflag:s0], s1  }
0x46e: {  	s1 =	ssub.s32 @!p0 $0x0, s1;
	[sflag:s0] =	ssyncset.done @!p0 $0x0  }
0x46f: {  	[sflag:s0] =	ssyncadd.s32 @!p0 s1  }
0x470: {  	[bflag:$0x3] =	sbarrier.arrive $0xFFFF  }
0x471: {  	_ =	shalt  }

</sc_bundles>
